<compile_context>
chip_gen: v7x
topology: tpu7x:2x2x1
jax: 0.10.2.dev20260603
libtpu: 0.0.44.dev20260713+nightly
codegen_flags: <defaults>
</compile_context>

<pallas_src>
import functools

import jax
import jax.numpy as jnp
from jax import lax
from jax.experimental import pallas as pl
from jax.experimental.pallas import tpu as pltpu
from jax.experimental.pallas import tpu_sc as plsc

_NC = 2
_NS = 16
_NW = _NC * _NS
_C = 80
_G = 5

_BN = 2000
_BE = 16000


def _dot(a, b, prec=lax.Precision.HIGHEST):
    return lax.dot_general(a, b, (((1,), (0,)), ((), ())),
                           precision=prec,
                           preferred_element_type=jnp.float32)



def _node_tables_tc(x, wa, wb, b0):
    nn, d = x.shape
    k = wa.shape[1]

    def body(x_ref, wa_ref, wb_ref, b0_ref, u_ref, v_ref):
        xb = x_ref[...]
        u_ref[...] = _dot(xb, wa_ref[...]) + b0_ref[...]
        v_ref[...] = _dot(xb, wb_ref[...])

    return pl.pallas_call(
        body,
        grid=(nn // _BN,),
        in_specs=[
            pl.BlockSpec((_BN, d), lambda i: (i, 0)),
            pl.BlockSpec((d, k), lambda i: (0, 0)),
            pl.BlockSpec((d, k), lambda i: (0, 0)),
            pl.BlockSpec((1, k), lambda i: (0, 0)),
        ],
        out_specs=[
            pl.BlockSpec((_BN, k), lambda i: (i, 0)),
            pl.BlockSpec((_BN, k), lambda i: (i, 0)),
        ],
        out_shape=[
            jax.ShapeDtypeStruct((nn, k), jnp.float32),
            jax.ShapeDtypeStruct((nn, k), jnp.float32),
        ],
    )(x, wa, wb, b0)


_PK = 8


def _blkdiag(w):
    fi, fo = w.shape
    out = jnp.zeros((_PK * fi, _PK * fo), jnp.float32)
    for t in range(_PK):
        out = lax.dynamic_update_slice(out, w, (t * fi, t * fo))
    return out


def _split_bf16(w):
    hi = w.astype(jnp.bfloat16)
    lo = (w - hi.astype(jnp.float32)).astype(jnp.bfloat16)
    return hi, lo


def _edge_mlp_x3_tc(gu, gv, ws, bs):
    nr, k = gu.shape
    br = _BE // _PK
    nl = len(ws)

    def body(*refs):
        gu_ref, gv_ref = refs[0], refs[1]
        out_ref = refs[-1]
        h = jnp.maximum(gu_ref[...] + gv_ref[...], 0.0)
        for i in range(nl):
            whi = refs[2 + 3 * i][...]
            wlo = refs[3 + 3 * i][...]
            b = refs[4 + 3 * i][...]
            hhi = h.astype(jnp.bfloat16)
            hlo = (h - hhi.astype(jnp.float32)).astype(jnp.bfloat16)
            acc = _dot(hhi, whi, lax.Precision.DEFAULT)
            acc = acc + _dot(hlo, whi, lax.Precision.DEFAULT)
            acc = acc + _dot(hhi, wlo, lax.Precision.DEFAULT)
            h = jnp.maximum(acc + b, 0.0)
        out_ref[...] = h

    in_specs = [
        pl.BlockSpec((br, k), lambda i: (i, 0)),
        pl.BlockSpec((br, k), lambda i: (i, 0)),
    ]
    args = [gu, gv]
    for (whi, wlo), b in zip(ws, bs):
        ki, ko = whi.shape
        in_specs += [pl.BlockSpec((ki, ko), lambda i: (0, 0)),
                     pl.BlockSpec((ki, ko), lambda i: (0, 0)),
                     pl.BlockSpec((1, ko), lambda i: (0, 0))]
        args += [whi, wlo, b]
    kout = ws[-1][0].shape[1]
    return pl.pallas_call(
        body,
        grid=(nr // br,),
        in_specs=in_specs,
        out_specs=pl.BlockSpec((br, kout), lambda i: (i, 0)),
        out_shape=jax.ShapeDtypeStruct((nr, kout), jnp.float32),
    )(*args)


def _edge_mlp_tc(gu, gv, w1, b1, w2, b2, w3=None, b3=None,
                 prec=lax.Precision.HIGHEST, first=None):
    nr, k = gu.shape
    k1 = w1.shape[1]
    k2 = w2.shape[1]
    kout = w3.shape[1] if w3 is not None else k2
    three = w3 is not None
    br = _BE // _PK
    nf = 3 if first is not None else 0

    def body(gu_ref, gv_ref, *rest):
        out_ref = rest[-1]
        if first is not None:
            h = jnp.maximum(_dot(gu_ref[...], rest[0][...], prec)
                            + _dot(gv_ref[...], rest[1][...], prec)
                            + rest[2][...], 0.0)
        else:
            h = jnp.maximum(gu_ref[...] + gv_ref[...], 0.0)
        h = jnp.maximum(_dot(h, rest[nf][...], prec) + rest[nf + 1][...], 0.0)
        h = jnp.maximum(_dot(h, rest[nf + 2][...], prec) + rest[nf + 3][...],
                        0.0)
        if three:
            h = jnp.maximum(_dot(h, rest[nf + 4][...], prec)
                            + rest[nf + 5][...], 0.0)
        out_ref[...] = h

    in_specs = [
        pl.BlockSpec((br, k), lambda i: (i, 0)),
        pl.BlockSpec((br, k), lambda i: (i, 0)),
    ]
    args = [gu, gv]
    if first is not None:
        wa, wb, b0f = first
        k0 = wa.shape[1]
        in_specs += [pl.BlockSpec((k, k0), lambda i: (0, 0)),
                     pl.BlockSpec((k, k0), lambda i: (0, 0)),
                     pl.BlockSpec((1, k0), lambda i: (0, 0))]
        args += [wa, wb, b0f]
    in_specs += [
        pl.BlockSpec((w1.shape[0], k1), lambda i: (0, 0)),
        pl.BlockSpec((1, k1), lambda i: (0, 0)),
        pl.BlockSpec((k1, k2), lambda i: (0, 0)),
        pl.BlockSpec((1, k2), lambda i: (0, 0)),
    ]
    args += [w1, b1, w2, b2]
    if three:
        in_specs += [pl.BlockSpec((k2, kout), lambda i: (0, 0)),
                     pl.BlockSpec((1, kout), lambda i: (0, 0))]
        args += [w3, b3]
    return pl.pallas_call(
        body,
        grid=(nr // br,),
        in_specs=in_specs,
        out_specs=pl.BlockSpec((br, kout), lambda i: (i, 0)),
        out_shape=jax.ShapeDtypeStruct((nr, kout), jnp.float32),
    )(*args)


def _dec_tables_tc(p, lat):
    nn = p.shape[1]
    d = p.shape[2]

    def body(p_ref, z_ref, cnt_ref):
        s = p_ref[0] + p_ref[1]
        cnt = s[:, lat:lat + 1]
        z = s[:, 0:lat] / jnp.maximum(cnt, 1.0)
        z_ref[...] = jnp.pad(z, ((0, 0), (0, 8 - lat)))
        cnt_ref[...] = cnt

    return pl.pallas_call(
        body,
        grid=(nn // _BN,),
        in_specs=[
            pl.BlockSpec((_NC, _BN, d), lambda i: (0, i, 0)),
        ],
        out_specs=[
            pl.BlockSpec((_BN, 8), lambda i: (i, 0)),
            pl.BlockSpec((_BN, 1), lambda i: (i, 0)),
        ],
        out_shape=[
            jax.ShapeDtypeStruct((nn, 8), jnp.float32),
            jax.ShapeDtypeStruct((nn, 1), jnp.float32),
        ],
    )(p)


def _final_tc(pd, cnt, w3, b3):
    nn = pd.shape[1]
    k = pd.shape[2]
    dout = w3.shape[1]

    def body(pd_ref, cnt_ref, w3_ref, b3_ref, out_ref):
        s = pd_ref[0] + pd_ref[1]
        c = cnt_ref[...]
        o = _dot(s / jnp.maximum(c, 1.0), w3_ref[...]) + b3_ref[...]
        out_ref[...] = jnp.where(c > 0.0, o, 0.0)

    return pl.pallas_call(
        body,
        grid=(nn // _BN,),
        in_specs=[
            pl.BlockSpec((_NC, _BN, k), lambda i: (0, i, 0)),
            pl.BlockSpec((_BN, 1), lambda i: (i, 0)),
            pl.BlockSpec((k, dout), lambda i: (0, 0)),
            pl.BlockSpec((1, dout), lambda i: (0, 0)),
        ],
        out_specs=pl.BlockSpec((_BN, dout), lambda i: (i, 0)),
        out_shape=jax.ShapeDtypeStruct((nn, dout), jnp.float32),
    )(pd, cnt, w3, b3)



def _sc_gather_pair(taba, tabb, dstg, srcg):
    nn, k = taba.shape
    ne = dstg.shape[0] * dstg.shape[1]
    ech = ne // _NW
    nch = ech // _C
    ng = nch // _G
    mesh = plsc.VectorSubcoreMesh(core_axis_name="c", subcore_axis_name="s")

    @functools.partial(
        pl.kernel,
        out_type=(jax.ShapeDtypeStruct((ne, k), jnp.float32),
                  jax.ShapeDtypeStruct((ne, k), jnp.float32)),
        mesh=mesh,
        compiler_params=pltpu.CompilerParams(use_tc_tiling_on_sc=False),
        scratch_types=[
            pltpu.VMEM((nch, _C), jnp.int32),
            pltpu.VMEM((nch, _C), jnp.int32),
            pltpu.VMEM((_G, _C, k), jnp.float32),
            pltpu.VMEM((_G, _C, k), jnp.float32),
            pltpu.SemaphoreType.DMA,
            pltpu.SemaphoreType.DMA,
            pltpu.SemaphoreType.DMA,
        ],
    )
    def run(taba_h, tabb_h, dst_h, src_h, outa_h, outb_h,
            idxd, idxs, bufa, bufb, sema, semb, semw):
        wid = lax.axis_index("s") * _NC + lax.axis_index("c")
        cbase = wid * nch
        ebase = wid * ech
        pltpu.sync_copy(dst_h.at[pl.ds(cbase, nch)], idxd)
        pltpu.sync_copy(src_h.at[pl.ds(cbase, nch)], idxs)

        def group(g, carry):
            ha = []
            hb = []
            for b in range(_G):
                j = g * _G + b
                ha.append(pltpu.async_copy(taba_h.at[idxd.at[j]], bufa.at[b],
                                           sema))
                hb.append(pltpu.async_copy(tabb_h.at[idxs.at[j]], bufb.at[b],
                                           semb))
            pend = []
            for b in range(_G):
                j = g * _G + b
                ha[b].wait()
                pend.append(pltpu.async_copy(
                    bufa.at[b],
                    outa_h.at[pl.ds(ebase + j * _C, _C)], semw))
                hb[b].wait()
                pend.append(pltpu.async_copy(
                    bufb.at[b],
                    outb_h.at[pl.ds(ebase + j * _C, _C)], semw))
            for w in pend:
                w.wait()
            return carry

        lax.fori_loop(0, ng, group, 0)

    return run(taba, tabb, dstg, srcg)


def _sc_scatter_add(h, dstg, nn):
    ne, d = h.shape
    ech = ne // _NW
    nch = ech // _C
    rpt = nn // _NS
    mesh = plsc.VectorSubcoreMesh(core_axis_name="c", subcore_axis_name="s")

    @functools.partial(
        pl.kernel,
        out_type=jax.ShapeDtypeStruct((_NC, nn, d), jnp.float32),
        mesh=mesh,
        compiler_params=pltpu.CompilerParams(use_tc_tiling_on_sc=False),
        scratch_types=[
            pltpu.VMEM((nch, _C), jnp.int32),
            pltpu.VMEM((4, _C, d), jnp.float32),
            pltpu.VMEM((rpt, d), jnp.float32),
            pltpu.VMEM_SHARED((nn, d), jnp.float32),
            pltpu.SemaphoreType.DMA,
            pltpu.SemaphoreType.DMA,
        ],
    )
    def run(h_h, dst_h, out_h, idxd, hbuf, zbuf, acc, seml, sema):
        cid = lax.axis_index("c")
        sid = lax.axis_index("s")
        wid = sid * _NC + cid
        cbase = wid * nch
        ebase = wid * ech

        zv = jnp.zeros((16,), jnp.float32)

        def zrow(i, carry):
            for t in range(d // 16):
                zbuf[i, pl.ds(t * 16, 16)] = zv
            return carry

        lax.fori_loop(0, rpt, zrow, 0)
        pltpu.sync_copy(zbuf, acc.at[pl.ds(sid * rpt, rpt)])
        pltpu.sync_copy(dst_h.at[pl.ds(cbase, nch)], idxd)
        plsc.subcore_barrier()

        def lstart(j, b):
            pltpu.async_copy(h_h.at[pl.ds(ebase + j * _C, _C)],
                             hbuf.at[b], seml)

        def lwait(j, b):
            pltpu.make_async_copy(h_h.at[pl.ds(ebase + j * _C, _C)],
                                  hbuf.at[b], seml).wait()

        def astart(j, b):
            pltpu.async_copy(hbuf.at[b], acc.at[idxd.at[j]], sema, add=True)

        def await_(j, b):
            pltpu.make_async_copy(h_h.at[pl.ds(ebase + j * _C, _C)],
                                  hbuf.at[b], sema).wait()

        ngr = (nch - 1) // 4
        for b in range(4):
            lstart(b, b)

        def group(g, carry):
            j0 = 4 * g
            for b in range(4):
                lwait(j0 + b, b)
                astart(j0 + b, b)
            for b in range(4):
                await_(j0 + b, b)
                nxt = j0 + 4 + b
                pred = nxt < nch

                @pl.when(pred)
                def _():
                    lstart(nxt, b)
            return carry

        lax.fori_loop(0, ngr, group, 0)
        lwait(nch - 1, 0)
        pltpu.sync_copy(hbuf.at[0], acc.at[idxd.at[nch - 1]], add=True)

        plsc.subcore_barrier()
        pltpu.sync_copy(acc.at[pl.ds(sid * rpt, rpt)],
                        out_h.at[cid, pl.ds(sid * rpt, rpt)])

    return run(h, dstg)



def kernel(x, edge_index,
           enc_W0, enc_b0, enc_W1, enc_b1, enc_W2, enc_b2, enc_W3, enc_b3,
           dec_W0, dec_b0, dec_W1, dec_b1, dec_W2, dec_b2, dec_W3, dec_b3):
    nn, din = x.shape
    ne = edge_index.shape[1]
    lat = enc_W3.shape[1]

    src = edge_index[0]
    dst = edge_index[1]
    dstg = dst.reshape(ne // _C, _C)
    srcg = src.reshape(ne // _C, _C)

    f32 = jnp.float32
    wa = enc_W0[:din] - enc_W0[din:]
    wb = enc_W0[din:]
    b0 = enc_b0.reshape(1, -1)
    b1 = enc_b1.reshape(1, -1)
    b2 = enc_b2.reshape(1, -1)
    w3p = jnp.concatenate([enc_W3, jnp.zeros((enc_W3.shape[0], 16 - lat), f32)],
                          axis=1)
    b3p = jnp.concatenate(
        [enc_b3, jnp.ones((1,), f32), jnp.zeros((16 - lat - 1,), f32)]
    ).reshape(1, 16)

    eap = jnp.pad(dec_W0[:lat] - dec_W0[lat:], ((0, 8 - lat), (0, 0)))
    ebp = jnp.pad(dec_W0[lat:], ((0, 8 - lat), (0, 0)))
    db0 = dec_b0.reshape(1, -1)
    db1 = dec_b1.reshape(1, -1)
    db2 = dec_b2.reshape(1, -1)
    db3 = dec_b3.reshape(1, -1)

    w1b, w2b, w3pb = _blkdiag(enc_W1), _blkdiag(enc_W2), _blkdiag(w3p)
    b1b, b2b, b3pb = (jnp.tile(b1, (1, _PK)), jnp.tile(b2, (1, _PK)),
                      jnp.tile(b3p, (1, _PK)))
    dw1b, dw2b = _blkdiag(dec_W1), _blkdiag(dec_W2)
    db1b, db2b = jnp.tile(db1, (1, _PK)), jnp.tile(db2, (1, _PK))
    eab, ebb = _blkdiag(eap), _blkdiag(ebp)
    db0b = jnp.tile(db0, (1, _PK))

    u, v = _node_tables_tc(x, wa, wb, b0)
    gu, gv = _sc_gather_pair(u, v, dstg, srcg)
    gu8 = gu.reshape(ne // _PK, _PK * 32)
    gv8 = gv.reshape(ne // _PK, _PK * 32)
    e4 = _edge_mlp_x3_tc(
        gu8, gv8,
        [_split_bf16(w1b), _split_bf16(w2b), _split_bf16(w3pb)],
        [b1b, b2b, b3pb])
    p = _sc_scatter_add(e4.reshape(ne, 16), dstg, nn)
    z8, cnt = _dec_tables_tc(p, lat)
    zd, zs = _sc_gather_pair(z8, z8, dstg, srcg)
    zd8 = zd.reshape(ne // _PK, _PK * 8)
    zs8 = zs.reshape(ne // _PK, _PK * 8)
    h3 = _edge_mlp_tc(zd8, zs8, dw1b, db1b, dw2b, db2b,
                      prec=lax.Precision.DEFAULT,
                      first=(eab, ebb, db0b))
    pd = _sc_scatter_add(h3.reshape(ne, 32), dstg, nn)
    return _final_tc(pd, cnt, dec_W3, db3)

# --- scband reference (transcript-rebuilt; emitter-appended) ---
"""Pipeline reference for scband-edge-net-29360396436029 (READ-ONLY COPY).

The authoritative reference and input builder live on the scoring server;
editing this copy changes nothing except your own understanding.
"""

import jax, jax.numpy as jnp
import numpy as np

N_NODES = 10000
N_EDGES = 320000
D_IN = 128
BIG = 32
LAT = 2


def _apply_mlp(h, layers, final_relu):
    n = len(layers)
    for i, (W, b) in enumerate(layers):
        h = h @ W + b
        if i < n - 1 or final_relu:
            h = jax.nn.relu(h)
    return h


def _edge_conv(x, src, dst, layers, final_relu, n_nodes):
    # PyG EdgeConv: message = nn(cat([x_i, x_j - x_i])) aggregated (mean) onto dst node i
    x_i = jnp.take(x, dst, axis=0)
    x_j = jnp.take(x, src, axis=0)
    m = jnp.concatenate([x_i, x_j - x_i], axis=-1)
    h = _apply_mlp(m, layers, final_relu)
    s = jax.ops.segment_sum(h, dst, num_segments=n_nodes)
    cnt = jax.ops.segment_sum(jnp.ones((h.shape[0],), h.dtype), dst, num_segments=n_nodes)
    return s / jnp.clip(cnt, 1.0)[:, None]


def _linear_params(key, fan_in, fan_out):
    kW, kb = jax.random.split(key)
    W = jax.random.normal(kW, (fan_in, fan_out), dtype=jnp.float32) / np.sqrt(fan_in)
    b = jax.random.normal(kb, (fan_out,), dtype=jnp.float32) * 0.01
    return W, b


def setup_inputs(seed: int = 0) -> dict:
    key = jax.random.key(seed)
    ks = jax.random.split(key, 12)
    x = jax.random.normal(ks[0], (N_NODES, D_IN), dtype=jnp.float32)
    edge_index = jax.random.randint(ks[1], (2, N_EDGES), 0, N_NODES, dtype=jnp.int32)
    inp = {"x": x, "edge_index": edge_index}
    enc_dims = [(2 * D_IN, BIG), (BIG, 2 * BIG), (2 * BIG, BIG), (BIG, LAT)]
    dec_dims = [(2 * LAT, BIG), (BIG, 2 * BIG), (2 * BIG, BIG), (BIG, D_IN)]
    for i, (fi, fo) in enumerate(enc_dims):
        W, b = _linear_params(ks[2 + i], fi, fo)
        inp["enc_W%d" % i] = W
        inp["enc_b%d" % i] = b
    for i, (fi, fo) in enumerate(dec_dims):
        W, b = _linear_params(ks[6 + i], fi, fo)
        inp["dec_W%d" % i] = W
        inp["dec_b%d" % i] = b
    return inp


def reference(x, edge_index,
              enc_W0, enc_b0, enc_W1, enc_b1, enc_W2, enc_b2, enc_W3, enc_b3,
              dec_W0, dec_b0, dec_W1, dec_b1, dec_W2, dec_b2, dec_W3, dec_b3):
    src = edge_index[0]
    dst = edge_index[1]
    enc_layers = [(enc_W0, enc_b0), (enc_W1, enc_b1), (enc_W2, enc_b2), (enc_W3, enc_b3)]
    dec_layers = [(dec_W0, dec_b0), (dec_W1, dec_b1), (dec_W2, dec_b2), (dec_W3, dec_b3)]
    # encoder EdgeConv: final layer has ReLU
    z = _edge_conv(x, src, dst, enc_layers, True, x.shape[0])
    # decoder EdgeConv: final layer is plain Linear
    out = _edge_conv(z, src, dst, dec_layers, False, x.shape[0])
    return out

if __name__ == "__main__":
    import jax
    _d = setup_inputs()
    print(jax.jit(kernel)(*tuple(_d.values())))

</pallas_src>

<mosaic_0001>
#map = affine_map<(d0, d1) -> (0, 0)>
module attributes {stable_mosaic.version = 14 : i64} {
  func.func @run(%arg0: i32, %arg1: i32, %arg2: memref<10000x8xf32, #tpu.memory_space<hbm>>, %arg3: memref<10000x8xf32, #tpu.memory_space<hbm>>, %arg4: memref<4000x80xi32, #tpu.memory_space<hbm>>, %arg5: memref<4000x80xi32, #tpu.memory_space<hbm>>, %arg6: memref<320000x8xf32, #tpu.memory_space<hbm>>, %arg7: memref<320000x8xf32, #tpu.memory_space<hbm>>, %arg8: memref<125x80xi32, #tpu.memory_space<vmem>>, %arg9: memref<125x80xi32, #tpu.memory_space<vmem>>, %arg10: memref<5x80x8xf32, #tpu.memory_space<vmem>>, %arg11: memref<5x80x8xf32, #tpu.memory_space<vmem>>, %arg12: memref<!tpu.dma_semaphore, #tpu.memory_space<semaphore_mem>>, %arg13: memref<!tpu.dma_semaphore, #tpu.memory_space<semaphore_mem>>, %arg14: memref<!tpu.dma_semaphore, #tpu.memory_space<semaphore_mem>>) attributes {dimension_semantics = [#tpu.dimension_semantics<core_parallel>, #tpu.dimension_semantics<subcore_parallel>], iteration_bounds = array<i64: 2, 16>, scalar_prefetch = 0 : i64, scratch_operands = 7 : i64, tpu.core_type = #tpu.core_type<sc_vector_subcore>, window_params = [{transform_indices = #map}, {transform_indices = #map}, {transform_indices = #map}, {transform_indices = #map}, {transform_indices = #map}, {transform_indices = #map}]} {
    %mul3A = arith.constant 2 : i32
    %mul3A_0 = arith.muli %arg1, %mul3A : i32
    %add3A = arith.addi %mul3A_0, %arg0 : i32
    %mul3A_1 = arith.constant 125 : i32
    %mul3A_2 = arith.muli %add3A, %mul3A_1 : i32
    %mul3A_3 = arith.constant 10000 : i32
    %mul3A_4 = arith.muli %add3A, %mul3A_3 : i32
    "tpu.region"() ({
      %run_scoped3A = tpu.sem_alloc : memref<!tpu.dma_semaphore, #tpu.memory_space<semaphore_mem>>
      %dma_start3A = arith.constant 0 : i32
      %dma_start3A_10 = tpu.memref_slice %arg4[%mul3A_2, %dma_start3A] : memref<4000x80xi32, #tpu.memory_space<hbm>> -> memref<125x80xi32, #tpu.memory_space<hbm>>
      %dma_start3A_11 = arith.constant 0 : i32
      %dma_start3A_12 = tpu.memref_slice %arg4[%mul3A_2, %dma_start3A_11] : memref<4000x80xi32, #tpu.memory_space<hbm>> -> memref<125x80xi32, #tpu.memory_space<hbm>>
      tpu.enqueue_dma source(%dma_start3A_12 : memref<125x80xi32, #tpu.memory_space<hbm>>) target(%arg8 : memref<125x80xi32, #tpu.memory_space<vmem>>) target_semaphore(%run_scoped3A : memref<!tpu.dma_semaphore, #tpu.memory_space<semaphore_mem>>)
      %dma_wait3A = arith.constant 0 : i32
      %dma_wait3A_13 = tpu.memref_slice %arg4[%mul3A_2, %dma_wait3A] : memref<4000x80xi32, #tpu.memory_space<hbm>> -> memref<125x80xi32, #tpu.memory_space<hbm>>
      %dma_wait3A_14 = arith.constant 0 : i32
      %dma_wait3A_15 = tpu.memref_slice %arg4[%mul3A_2, %dma_wait3A_14] : memref<4000x80xi32, #tpu.memory_space<hbm>> -> memref<125x80xi32, #tpu.memory_space<hbm>>
      tpu.wait_dma2 semaphore(%run_scoped3A : memref<!tpu.dma_semaphore, #tpu.memory_space<semaphore_mem>>) src(%dma_wait3A_15 : memref<125x80xi32, #tpu.memory_space<hbm>>) dst(%arg8 : memref<125x80xi32, #tpu.memory_space<vmem>>)
      tpu.yield
    }) : () -> ()
    "tpu.region"() ({
      %run_scoped3A = tpu.sem_alloc : memref<!tpu.dma_semaphore, #tpu.memory_space<semaphore_mem>>
      %dma_start3A = arith.constant 0 : i32
      %dma_start3A_10 = tpu.memref_slice %arg5[%mul3A_2, %dma_start3A] : memref<4000x80xi32, #tpu.memory_space<hbm>> -> memref<125x80xi32, #tpu.memory_space<hbm>>
      %dma_start3A_11 = arith.constant 0 : i32
      %dma_start3A_12 = tpu.memref_slice %arg5[%mul3A_2, %dma_start3A_11] : memref<4000x80xi32, #tpu.memory_space<hbm>> -> memref<125x80xi32, #tpu.memory_space<hbm>>
      tpu.enqueue_dma source(%dma_start3A_12 : memref<125x80xi32, #tpu.memory_space<hbm>>) target(%arg9 : memref<125x80xi32, #tpu.memory_space<vmem>>) target_semaphore(%run_scoped3A : memref<!tpu.dma_semaphore, #tpu.memory_space<semaphore_mem>>)
      %dma_wait3A = arith.constant 0 : i32
      %dma_wait3A_13 = tpu.memref_slice %arg5[%mul3A_2, %dma_wait3A] : memref<4000x80xi32, #tpu.memory_space<hbm>> -> memref<125x80xi32, #tpu.memory_space<hbm>>
      %dma_wait3A_14 = arith.constant 0 : i32
      %dma_wait3A_15 = tpu.memref_slice %arg5[%mul3A_2, %dma_wait3A_14] : memref<4000x80xi32, #tpu.memory_space<hbm>> -> memref<125x80xi32, #tpu.memory_space<hbm>>
      tpu.wait_dma2 semaphore(%run_scoped3A : memref<!tpu.dma_semaphore, #tpu.memory_space<semaphore_mem>>) src(%dma_wait3A_15 : memref<125x80xi32, #tpu.memory_space<hbm>>) dst(%arg9 : memref<125x80xi32, #tpu.memory_space<vmem>>)
      tpu.yield
    }) : () -> ()
    %scan3A = arith.constant 0 : i32
    %scan3A_5 = arith.constant 0 : i32
    %scan3A_6 = arith.constant 25 : i32
    %scan3A_7 = arith.addi %scan3A_5, %scan3A_6 : i32
    %scan3A_8 = arith.constant 1 : i32
    scf.for %scan3A_10 = %scan3A_5 to %scan3A_7 step %scan3A_8  : i32 {
      %mul3A_11 = arith.constant 5 : i32
      %mul3A_12 = arith.muli %scan3A_10, %mul3A_11 : i32
      %add3A_13 = arith.constant 0 : i32
      %add3A_14 = arith.addi %mul3A_12, %add3A_13 : i32
      %dma_start3A = arith.constant 0 : i32
      %dma_start3A_15 = arith.constant 0 : i32
      %dma_start3A_16 = arith.constant 0 : i32
      %dma_start3A_17 = tpu.memref_slice %arg10[%dma_start3A, %dma_start3A_15, %dma_start3A_16] : memref<5x80x8xf32, #tpu.memory_space<vmem>> -> memref<1x80x8xf32, #tpu.memory_space<vmem>>
      %dma_start3A_18 = tpu.memref_squeeze %dma_start3A_17 : memref<1x80x8xf32, #tpu.memory_space<vmem>> -> memref<80x8xf32, #tpu.memory_space<vmem>>
      %dma_start3A_19 = arith.constant 0 : i32
      %dma_start3A_20 = tpu.memref_slice %arg8[%add3A_14, %dma_start3A_19] : memref<125x80xi32, #tpu.memory_space<vmem>> -> memref<1x80xi32, #tpu.memory_space<vmem>>
      %dma_start3A_21 = tpu.memref_squeeze %dma_start3A_20 : memref<1x80xi32, #tpu.memory_space<vmem>> -> memref<80xi32, #tpu.memory_space<vmem>>
      %dma_start3A_22 = arith.constant 0 : i32
      %dma_start3A_23 = arith.constant 0 : i32
      %dma_start3A_24 = tpu.memref_slice %arg2[%dma_start3A_22, %dma_start3A_23] : memref<10000x8xf32, #tpu.memory_space<hbm>> -> memref<10000x8xf32, #tpu.memory_space<hbm>>
      tpu.enqueue_indirect_dma source(%dma_start3A_24 : memref<10000x8xf32, #tpu.memory_space<hbm>>) target(%dma_start3A_18 : memref<80x8xf32, #tpu.memory_space<vmem>>) offsets(%dma_start3A_21 : memref<80xi32, #tpu.memory_space<vmem>>) semaphore(%arg12 : memref<!tpu.dma_semaphore, #tpu.memory_space<semaphore_mem>>)
      %dma_start3A_25 = arith.constant 0 : i32
      %dma_start3A_26 = arith.constant 0 : i32
      %dma_start3A_27 = arith.constant 0 : i32
      %dma_start3A_28 = tpu.memref_slice %arg11[%dma_start3A_25, %dma_start3A_26, %dma_start3A_27] : memref<5x80x8xf32, #tpu.memory_space<vmem>> -> memref<1x80x8xf32, #tpu.memory_space<vmem>>
      %dma_start3A_29 = tpu.memref_squeeze %dma_start3A_28 : memref<1x80x8xf32, #tpu.memory_space<vmem>> -> memref<80x8xf32, #tpu.memory_space<vmem>>
      %dma_start3A_30 = arith.constant 0 : i32
      %dma_start3A_31 = tpu.memref_slice %arg9[%add3A_14, %dma_start3A_30] : memref<125x80xi32, #tpu.memory_space<vmem>> -> memref<1x80xi32, #tpu.memory_space<vmem>>
      %dma_start3A_32 = tpu.memref_squeeze %dma_start3A_31 : memref<1x80xi32, #tpu.memory_space<vmem>> -> memref<80xi32, #tpu.memory_space<vmem>>
      %dma_start3A_33 = arith.constant 0 : i32
      %dma_start3A_34 = arith.constant 0 : i32
      %dma_start3A_35 = tpu.memref_slice %arg3[%dma_start3A_33, %dma_start3A_34] : memref<10000x8xf32, #tpu.memory_space<hbm>> -> memref<10000x8xf32, #tpu.memory_space<hbm>>
      tpu.enqueue_indirect_dma source(%dma_start3A_35 : memref<10000x8xf32, #tpu.memory_space<hbm>>) target(%dma_start3A_29 : memref<80x8xf32, #tpu.memory_space<vmem>>) offsets(%dma_start3A_32 : memref<80xi32, #tpu.memory_space<vmem>>) semaphore(%arg13 : memref<!tpu.dma_semaphore, #tpu.memory_space<semaphore_mem>>)
      %mul3A_36 = arith.constant 5 : i32
      %mul3A_37 = arith.muli %scan3A_10, %mul3A_36 : i32
      %add3A_38 = arith.constant 1 : i32
      %add3A_39 = arith.addi %mul3A_37, %add3A_38 : i32
      %dma_start3A_40 = arith.constant 1 : i32
      %dma_start3A_41 = arith.constant 0 : i32
      %dma_start3A_42 = arith.constant 0 : i32
      %dma_start3A_43 = tpu.memref_slice %arg10[%dma_start3A_40, %dma_start3A_41, %dma_start3A_42] : memref<5x80x8xf32, #tpu.memory_space<vmem>> -> memref<1x80x8xf32, #tpu.memory_space<vmem>>
      %dma_start3A_44 = tpu.memref_squeeze %dma_start3A_43 : memref<1x80x8xf32, #tpu.memory_space<vmem>> -> memref<80x8xf32, #tpu.memory_space<vmem>>
      %dma_start3A_45 = arith.constant 0 : i32
      %dma_start3A_46 = tpu.memref_slice %arg8[%add3A_39, %dma_start3A_45] : memref<125x80xi32, #tpu.memory_space<vmem>> -> memref<1x80xi32, #tpu.memory_space<vmem>>
      %dma_start3A_47 = tpu.memref_squeeze %dma_start3A_46 : memref<1x80xi32, #tpu.memory_space<vmem>> -> memref<80xi32, #tpu.memory_space<vmem>>
      %dma_start3A_48 = arith.constant 0 : i32
      %dma_start3A_49 = arith.constant 0 : i32
      %dma_start3A_50 = tpu.memref_slice %arg2[%dma_start3A_48, %dma_start3A_49] : memref<10000x8xf32, #tpu.memory_space<hbm>> -> memref<10000x8xf32, #tpu.memory_space<hbm>>
      tpu.enqueue_indirect_dma source(%dma_start3A_50 : memref<10000x8xf32, #tpu.memory_space<hbm>>) target(%dma_start3A_44 : memref<80x8xf32, #tpu.memory_space<vmem>>) offsets(%dma_start3A_47 : memref<80xi32, #tpu.memory_space<vmem>>) semaphore(%arg12 : memref<!tpu.dma_semaphore, #tpu.memory_space<semaphore_mem>>)
      %dma_start3A_51 = arith.constant 1 : i32
      %dma_start3A_52 = arith.constant 0 : i32
      %dma_start3A_53 = arith.constant 0 : i32
      %dma_start3A_54 = tpu.memref_slice %arg11[%dma_start3A_51, %dma_start3A_52, %dma_start3A_53] : memref<5x80x8xf32, #tpu.memory_space<vmem>> -> memref<1x80x8xf32, #tpu.memory_space<vmem>>
      %dma_start3A_55 = tpu.memref_squeeze %dma_start3A_54 : memref<1x80x8xf32, #tpu.memory_space<vmem>> -> memref<80x8xf32, #tpu.memory_space<vmem>>
      %dma_start3A_56 = arith.constant 0 : i32
      %dma_start3A_57 = tpu.memref_slice %arg9[%add3A_39, %dma_start3A_56] : memref<125x80xi32, #tpu.memory_space<vmem>> -> memref<1x80xi32, #tpu.memory_space<vmem>>
      %dma_start3A_58 = tpu.memref_squeeze %dma_start3A_57 : memref<1x80xi32, #tpu.memory_space<vmem>> -> memref<80xi32, #tpu.memory_space<vmem>>
      %dma_start3A_59 = arith.constant 0 : i32
      %dma_start3A_60 = arith.constant 0 : i32
      %dma_start3A_61 = tpu.memref_slice %arg3[%dma_start3A_59, %dma_start3A_60] : memref<10000x8xf32, #tpu.memory_space<hbm>> -> memref<10000x8xf32, #tpu.memory_space<hbm>>
      tpu.enqueue_indirect_dma source(%dma_start3A_61 : memref<10000x8xf32, #tpu.memory_space<hbm>>) target(%dma_start3A_55 : memref<80x8xf32, #tpu.memory_space<vmem>>) offsets(%dma_start3A_58 : memref<80xi32, #tpu.memory_space<vmem>>) semaphore(%arg13 : memref<!tpu.dma_semaphore, #tpu.memory_space<semaphore_mem>>)
      %mul3A_62 = arith.constant 5 : i32
      %mul3A_63 = arith.muli %scan3A_10, %mul3A_62 : i32
      %add3A_64 = arith.constant 2 : i32
      %add3A_65 = arith.addi %mul3A_63, %add3A_64 : i32
      %dma_start3A_66 = arith.constant 2 : i32
      %dma_start3A_67 = arith.constant 0 : i32
      %dma_start3A_68 = arith.constant 0 : i32
      %dma_start3A_69 = tpu.memref_slice %arg10[%dma_start3A_66, %dma_start3A_67, %dma_start3A_68] : memref<5x80x8xf32, #tpu.memory_space<vmem>> -> memref<1x80x8xf32, #tpu.memory_space<vmem>>
      %dma_start3A_70 = tpu.memref_squeeze %dma_start3A_69 : memref<1x80x8xf32, #tpu.memory_space<vmem>> -> memref<80x8xf32, #tpu.memory_space<vmem>>
      %dma_start3A_71 = arith.constant 0 : i32
      %dma_start3A_72 = tpu.memref_slice %arg8[%add3A_65, %dma_start3A_71] : memref<125x80xi32, #tpu.memory_space<vmem>> -> memref<1x80xi32, #tpu.memory_space<vmem>>
      %dma_start3A_73 = tpu.memref_squeeze %dma_start3A_72 : memref<1x80xi32, #tpu.memory_space<vmem>> -> memref<80xi32, #tpu.memory_space<vmem>>
      %dma_start3A_74 = arith.constant 0 : i32
      %dma_start3A_75 = arith.constant 0 : i32
      %dma_start3A_76 = tpu.memref_slice %arg2[%dma_start3A_74, %dma_start3A_75] : memref<10000x8xf32, #tpu.memory_space<hbm>> -> memref<10000x8xf32, #tpu.memory_space<hbm>>
      tpu.enqueue_indirect_dma source(%dma_start3A_76 : memref<10000x8xf32, #tpu.memory_space<hbm>>) target(%dma_start3A_70 : memref<80x8xf32, #tpu.memory_space<vmem>>) offsets(%dma_start3A_73 : memref<80xi32, #tpu.memory_space<vmem>>) semaphore(%arg12 : memref<!tpu.dma_semaphore, #tpu.memory_space<semaphore_mem>>)
      %dma_start3A_77 = arith.constant 2 : i32
      %dma_start3A_78 = arith.constant 0 : i32
      %dma_start3A_79 = arith.constant 0 : i32
      %dma_start3A_80 = tpu.memref_slice %arg11[%dma_start3A_77, %dma_start3A_78, %dma_start3A_79] : memref<5x80x8xf32, #tpu.memory_space<vmem>> -> memref<1x80x8xf32, #tpu.memory_space<vmem>>
      %dma_start3A_81 = tpu.memref_squeeze %dma_start3A_80 : memref<1x80x8xf32, #tpu.memory_space<vmem>> -> memref<80x8xf32, #tpu.memory_space<vmem>>
      %dma_start3A_82 = arith.constant 0 : i32
      %dma_start3A_83 = tpu.memref_slice %arg9[%add3A_65, %dma_start3A_82] : memref<125x80xi32, #tpu.memory_space<vmem>> -> memref<1x80xi32, #tpu.memory_space<vmem>>
      %dma_start3A_84 = tpu.memref_squeeze %dma_start3A_83 : memref<1x80xi32, #tpu.memory_space<vmem>> -> memref<80xi32, #tpu.memory_space<vmem>>
      %dma_start3A_85 = arith.constant 0 : i32
      %dma_start3A_86 = arith.constant 0 : i32
      %dma_start3A_87 = tpu.memref_slice %arg3[%dma_start3A_85, %dma_start3A_86] : memref<10000x8xf32, #tpu.memory_space<hbm>> -> memref<10000x8xf32, #tpu.memory_space<hbm>>
      tpu.enqueue_indirect_dma source(%dma_start3A_87 : memref<10000x8xf32, #tpu.memory_space<hbm>>) target(%dma_start3A_81 : memref<80x8xf32, #tpu.memory_space<vmem>>) offsets(%dma_start3A_84 : memref<80xi32, #tpu.memory_space<vmem>>) semaphore(%arg13 : memref<!tpu.dma_semaphore, #tpu.memory_space<semaphore_mem>>)
      %mul3A_88 = arith.constant 5 : i32
      %mul3A_89 = arith.muli %scan3A_10, %mul3A_88 : i32
      %add3A_90 = arith.constant 3 : i32
      %add3A_91 = arith.addi %mul3A_89, %add3A_90 : i32
      %dma_start3A_92 = arith.constant 3 : i32
      %dma_start3A_93 = arith.constant 0 : i32
      %dma_start3A_94 = arith.constant 0 : i32
      %dma_start3A_95 = tpu.memref_slice %arg10[%dma_start3A_92, %dma_start3A_93, %dma_start3A_94] : memref<5x80x8xf32, #tpu.memory_space<vmem>> -> memref<1x80x8xf32, #tpu.memory_space<vmem>>
      %dma_start3A_96 = tpu.memref_squeeze %dma_start3A_95 : memref<1x80x8xf32, #tpu.memory_space<vmem>> -> memref<80x8xf32, #tpu.memory_space<vmem>>
      %dma_start3A_97 = arith.constant 0 : i32
      %dma_start3A_98 = tpu.memref_slice %arg8[%add3A_91, %dma_start3A_97] : memref<125x80xi32, #tpu.memory_space<vmem>> -> memref<1x80xi32, #tpu.memory_space<vmem>>
      %dma_start3A_99 = tpu.memref_squeeze %dma_start3A_98 : memref<1x80xi32, #tpu.memory_space<vmem>> -> memref<80xi32, #tpu.memory_space<vmem>>
      %dma_start3A_100 = arith.constant 0 : i32
      %dma_start3A_101 = arith.constant 0 : i32
      %dma_start3A_102 = tpu.memref_slice %arg2[%dma_start3A_100, %dma_start3A_101] : memref<10000x8xf32, #tpu.memory_space<hbm>> -> memref<10000x8xf32, #tpu.memory_space<hbm>>
      tpu.enqueue_indirect_dma source(%dma_start3A_102 : memref<10000x8xf32, #tpu.memory_space<hbm>>) target(%dma_start3A_96 : memref<80x8xf32, #tpu.memory_space<vmem>>) offsets(%dma_start3A_99 : memref<80xi32, #tpu.memory_space<vmem>>) semaphore(%arg12 : memref<!tpu.dma_semaphore, #tpu.memory_space<semaphore_mem>>)
      %dma_start3A_103 = arith.constant 3 : i32
      %dma_start3A_104 = arith.constant 0 : i32
      %dma_start3A_105 = arith.constant 0 : i32
      %dma_start3A_106 = tpu.memref_slice %arg11[%dma_start3A_103, %dma_start3A_104, %dma_start3A_105] : memref<5x80x8xf32, #tpu.memory_space<vmem>> -> memref<1x80x8xf32, #tpu.memory_space<vmem>>
      %dma_start3A_107 = tpu.memref_squeeze %dma_start3A_106 : memref<1x80x8xf32, #tpu.memory_space<vmem>> -> memref<80x8xf32, #tpu.memory_space<vmem>>
      %dma_start3A_108 = arith.constant 0 : i32
      %dma_start3A_109 = tpu.memref_slice %arg9[%add3A_91, %dma_start3A_108] : memref<125x80xi32, #tpu.memory_space<vmem>> -> memref<1x80xi32, #tpu.memory_space<vmem>>
      %dma_start3A_110 = tpu.memref_squeeze %dma_start3A_109 : memref<1x80xi32, #tpu.memory_space<vmem>> -> memref<80xi32, #tpu.memory_space<vmem>>
      %dma_start3A_111 = arith.constant 0 : i32
      %dma_start3A_112 = arith.constant 0 : i32
      %dma_start3A_113 = tpu.memref_slice %arg3[%dma_start3A_111, %dma_start3A_112] : memref<10000x8xf32, #tpu.memory_space<hbm>> -> memref<10000x8xf32, #tpu.memory_space<hbm>>
      tpu.enqueue_indirect_dma source(%dma_start3A_113 : memref<10000x8xf32, #tpu.memory_space<hbm>>) target(%dma_start3A_107 : memref<80x8xf32, #tpu.memory_space<vmem>>) offsets(%dma_start3A_110 : memref<80xi32, #tpu.memory_space<vmem>>) semaphore(%arg13 : memref<!tpu.dma_semaphore, #tpu.memory_space<semaphore_mem>>)
      %mul3A_114 = arith.constant 5 : i32
      %mul3A_115 = arith.muli %scan3A_10, %mul3A_114 : i32
      %add3A_116 = arith.constant 4 : i32
      %add3A_117 = arith.addi %mul3A_115, %add3A_116 : i32
      %dma_start3A_118 = arith.constant 4 : i32
      %dma_start3A_119 = arith.constant 0 : i32
      %dma_start3A_120 = arith.constant 0 : i32
      %dma_start3A_121 = tpu.memref_slice %arg10[%dma_start3A_118, %dma_start3A_119, %dma_start3A_120] : memref<5x80x8xf32, #tpu.memory_space<vmem>> -> memref<1x80x8xf32, #tpu.memory_space<vmem>>
      %dma_start3A_122 = tpu.memref_squeeze %dma_start3A_121 : memref<1x80x8xf32, #tpu.memory_space<vmem>> -> memref<80x8xf32, #tpu.memory_space<vmem>>
      %dma_start3A_123 = arith.constant 0 : i32
      %dma_start3A_124 = tpu.memref_slice %arg8[%add3A_117, %dma_start3A_123] : memref<125x80xi32, #tpu.memory_space<vmem>> -> memref<1x80xi32, #tpu.memory_space<vmem>>
      %dma_start3A_125 = tpu.memref_squeeze %dma_start3A_124 : memref<1x80xi32, #tpu.memory_space<vmem>> -> memref<80xi32, #tpu.memory_space<vmem>>
      %dma_start3A_126 = arith.constant 0 : i32
      %dma_start3A_127 = arith.constant 0 : i32
      %dma_start3A_128 = tpu.memref_slice %arg2[%dma_start3A_126, %dma_start3A_127] : memref<10000x8xf32, #tpu.memory_space<hbm>> -> memref<10000x8xf32, #tpu.memory_space<hbm>>
      tpu.enqueue_indirect_dma source(%dma_start3A_128 : memref<10000x8xf32, #tpu.memory_space<hbm>>) target(%dma_start3A_122 : memref<80x8xf32, #tpu.memory_space<vmem>>) offsets(%dma_start3A_125 : memref<80xi32, #tpu.memory_space<vmem>>) semaphore(%arg12 : memref<!tpu.dma_semaphore, #tpu.memory_space<semaphore_mem>>)
      %dma_start3A_129 = arith.constant 4 : i32
      %dma_start3A_130 = arith.constant 0 : i32
      %dma_start3A_131 = arith.constant 0 : i32
      %dma_start3A_132 = tpu.memref_slice %arg11[%dma_start3A_129, %dma_start3A_130, %dma_start3A_131] : memref<5x80x8xf32, #tpu.memory_space<vmem>> -> memref<1x80x8xf32, #tpu.memory_space<vmem>>
      %dma_start3A_133 = tpu.memref_squeeze %dma_start3A_132 : memref<1x80x8xf32, #tpu.memory_space<vmem>> -> memref<80x8xf32, #tpu.memory_space<vmem>>
      %dma_start3A_134 = arith.constant 0 : i32
      %dma_start3A_135 = tpu.memref_slice %arg9[%add3A_117, %dma_start3A_134] : memref<125x80xi32, #tpu.memory_space<vmem>> -> memref<1x80xi32, #tpu.memory_space<vmem>>
      %dma_start3A_136 = tpu.memref_squeeze %dma_start3A_135 : memref<1x80xi32, #tpu.memory_space<vmem>> -> memref<80xi32, #tpu.memory_space<vmem>>
      %dma_start3A_137 = arith.constant 0 : i32
      %dma_start3A_138 = arith.constant 0 : i32
      %dma_start3A_139 = tpu.memref_slice %arg3[%dma_start3A_137, %dma_start3A_138] : memref<10000x8xf32, #tpu.memory_space<hbm>> -> memref<10000x8xf32, #tpu.memory_space<hbm>>
      tpu.enqueue_indirect_dma source(%dma_start3A_139 : memref<10000x8xf32, #tpu.memory_space<hbm>>) target(%dma_start3A_133 : memref<80x8xf32, #tpu.memory_space<vmem>>) offsets(%dma_start3A_136 : memref<80xi32, #tpu.memory_space<vmem>>) semaphore(%arg13 : memref<!tpu.dma_semaphore, #tpu.memory_space<semaphore_mem>>)
      %mul3A_140 = arith.constant 5 : i32
      %mul3A_141 = arith.muli %scan3A_10, %mul3A_140 : i32
      %add3A_142 = arith.constant 0 : i32
      %add3A_143 = arith.addi %mul3A_141, %add3A_142 : i32
      %dma_wait3A = arith.constant 0 : i32
      %dma_wait3A_144 = arith.constant 0 : i32
      %dma_wait3A_145 = arith.constant 0 : i32
      %dma_wait3A_146 = tpu.memref_slice %arg10[%dma_wait3A, %dma_wait3A_144, %dma_wait3A_145] : memref<5x80x8xf32, #tpu.memory_space<vmem>> -> memref<1x80x8xf32, #tpu.memory_space<vmem>>
      %dma_wait3A_147 = tpu.memref_squeeze %dma_wait3A_146 : memref<1x80x8xf32, #tpu.memory_space<vmem>> -> memref<80x8xf32, #tpu.memory_space<vmem>>
      %dma_wait3A_148 = arith.constant 0 : i32
      %dma_wait3A_149 = tpu.memref_slice %arg8[%add3A_14, %dma_wait3A_148] : memref<125x80xi32, #tpu.memory_space<vmem>> -> memref<1x80xi32, #tpu.memory_space<vmem>>
      %dma_wait3A_150 = tpu.memref_squeeze %dma_wait3A_149 : memref<1x80xi32, #tpu.memory_space<vmem>> -> memref<80xi32, #tpu.memory_space<vmem>>
      %dma_wait3A_151 = arith.constant 0 : i32
      %dma_wait3A_152 = arith.constant 0 : i32
      %dma_wait3A_153 = tpu.memref_slice %arg2[%dma_wait3A_151, %dma_wait3A_152] : memref<10000x8xf32, #tpu.memory_space<hbm>> -> memref<10000x8xf32, #tpu.memory_space<hbm>>
      tpu.wait_indirect_dma semaphore(%arg12 : memref<!tpu.dma_semaphore, #tpu.memory_space<semaphore_mem>>) src(%dma_wait3A_153 : memref<10000x8xf32, #tpu.memory_space<hbm>>) dst(%dma_wait3A_147 : memref<80x8xf32, #tpu.memory_space<vmem>>)
      %mul3A_154 = arith.constant 80 : i32
      %mul3A_155 = arith.muli %add3A_143, %mul3A_154 : i32
      %add3A_156 = arith.addi %mul3A_4, %mul3A_155 : i32
      %dma_start3A_157 = arith.constant 0 : i32
      %dma_start3A_158 = arith.constant 0 : i32
      %dma_start3A_159 = arith.constant 0 : i32
      %dma_start3A_160 = tpu.memref_slice %arg10[%dma_start3A_157, %dma_start3A_158, %dma_start3A_159] : memref<5x80x8xf32, #tpu.memory_space<vmem>> -> memref<1x80x8xf32, #tpu.memory_space<vmem>>
      %dma_start3A_161 = tpu.memref_squeeze %dma_start3A_160 : memref<1x80x8xf32, #tpu.memory_space<vmem>> -> memref<80x8xf32, #tpu.memory_space<vmem>>
      %dma_start3A_162 = arith.constant 0 : i32
      %dma_start3A_163 = tpu.memref_slice %arg6[%add3A_156, %dma_start3A_162] : memref<320000x8xf32, #tpu.memory_space<hbm>> -> memref<80x8xf32, #tpu.memory_space<hbm>>
      %dma_start3A_164 = arith.constant 0 : i32
      %dma_start3A_165 = tpu.memref_slice %arg6[%add3A_156, %dma_start3A_164] : memref<320000x8xf32, #tpu.memory_space<hbm>> -> memref<80x8xf32, #tpu.memory_space<hbm>>
      %dma_start3A_166 = arith.constant 0 : i32
      %dma_start3A_167 = arith.constant 0 : i32
      %dma_start3A_168 = tpu.memref_slice %arg10[%dma_start3A_157, %dma_start3A_166, %dma_start3A_167] : memref<5x80x8xf32, #tpu.memory_space<vmem>> -> memref<1x80x8xf32, #tpu.memory_space<vmem>>
      %dma_start3A_169 = tpu.memref_squeeze %dma_start3A_168 : memref<1x80x8xf32, #tpu.memory_space<vmem>> -> memref<80x8xf32, #tpu.memory_space<vmem>>
      tpu.enqueue_dma source(%dma_start3A_169 : memref<80x8xf32, #tpu.memory_space<vmem>>) target(%dma_start3A_165 : memref<80x8xf32, #tpu.memory_space<hbm>>) target_semaphore(%arg14 : memref<!tpu.dma_semaphore, #tpu.memory_space<semaphore_mem>>)
      %dma_wait3A_170 = arith.constant 0 : i32
      %dma_wait3A_171 = arith.constant 0 : i32
      %dma_wait3A_172 = arith.constant 0 : i32
      %dma_wait3A_173 = tpu.memref_slice %arg11[%dma_wait3A_170, %dma_wait3A_171, %dma_wait3A_172] : memref<5x80x8xf32, #tpu.memory_space<vmem>> -> memref<1x80x8xf32, #tpu.memory_space<vmem>>
      %dma_wait3A_174 = tpu.memref_squeeze %dma_wait3A_173 : memref<1x80x8xf32, #tpu.memory_space<vmem>> -> memref<80x8xf32, #tpu.memory_space<vmem>>
      %dma_wait3A_175 = arith.constant 0 : i32
      %dma_wait3A_176 = tpu.memref_slice %arg9[%add3A_14, %dma_wait3A_175] : memref<125x80xi32, #tpu.memory_space<vmem>> -> memref<1x80xi32, #tpu.memory_space<vmem>>
      %dma_wait3A_177 = tpu.memref_squeeze %dma_wait3A_176 : memref<1x80xi32, #tpu.memory_space<vmem>> -> memref<80xi32, #tpu.memory_space<vmem>>
      %dma_wait3A_178 = arith.constant 0 : i32
      %dma_wait3A_179 = arith.constant 0 : i32
      %dma_wait3A_180 = tpu.memref_slice %arg3[%dma_wait3A_178, %dma_wait3A_179] : memref<10000x8xf32, #tpu.memory_space<hbm>> -> memref<10000x8xf32, #tpu.memory_space<hbm>>
      tpu.wait_indirect_dma semaphore(%arg13 : memref<!tpu.dma_semaphore, #tpu.memory_space<semaphore_mem>>) src(%dma_wait3A_180 : memref<10000x8xf32, #tpu.memory_space<hbm>>) dst(%dma_wait3A_174 : memref<80x8xf32, #tpu.memory_space<vmem>>)
      %mul3A_181 = arith.constant 80 : i32
      %mul3A_182 = arith.muli %add3A_143, %mul3A_181 : i32
      %add3A_183 = arith.addi %mul3A_4, %mul3A_182 : i32
      %dma_start3A_184 = arith.constant 0 : i32
      %dma_start3A_185 = arith.constant 0 : i32
      %dma_start3A_186 = arith.constant 0 : i32
      %dma_start3A_187 = tpu.memref_slice %arg11[%dma_start3A_184, %dma_start3A_185, %dma_start3A_186] : memref<5x80x8xf32, #tpu.memory_space<vmem>> -> memref<1x80x8xf32, #tpu.memory_space<vmem>>
      %dma_start3A_188 = tpu.memref_squeeze %dma_start3A_187 : memref<1x80x8xf32, #tpu.memory_space<vmem>> -> memref<80x8xf32, #tpu.memory_space<vmem>>
      %dma_start3A_189 = arith.constant 0 : i32
      %dma_start3A_190 = tpu.memref_slice %arg7[%add3A_183, %dma_start3A_189] : memref<320000x8xf32, #tpu.memory_space<hbm>> -> memref<80x8xf32, #tpu.memory_space<hbm>>
      %dma_start3A_191 = arith.constant 0 : i32
      %dma_start3A_192 = tpu.memref_slice %arg7[%add3A_183, %dma_start3A_191] : memref<320000x8xf32, #tpu.memory_space<hbm>> -> memref<80x8xf32, #tpu.memory_space<hbm>>
      %dma_start3A_193 = arith.constant 0 : i32
      %dma_start3A_194 = arith.constant 0 : i32
      %dma_start3A_195 = tpu.memref_slice %arg11[%dma_start3A_184, %dma_start3A_193, %dma_start3A_194] : memref<5x80x8xf32, #tpu.memory_space<vmem>> -> memref<1x80x8xf32, #tpu.memory_space<vmem>>
      %dma_start3A_196 = tpu.memref_squeeze %dma_start3A_195 : memref<1x80x8xf32, #tpu.memory_space<vmem>> -> memref<80x8xf32, #tpu.memory_space<vmem>>
      tpu.enqueue_dma source(%dma_start3A_196 : memref<80x8xf32, #tpu.memory_space<vmem>>) target(%dma_start3A_192 : memref<80x8xf32, #tpu.memory_space<hbm>>) target_semaphore(%arg14 : memref<!tpu.dma_semaphore, #tpu.memory_space<semaphore_mem>>)
      %mul3A_197 = arith.constant 5 : i32
      %mul3A_198 = arith.muli %scan3A_10, %mul3A_197 : i32
      %add3A_199 = arith.constant 1 : i32
      %add3A_200 = arith.addi %mul3A_198, %add3A_199 : i32
      %dma_wait3A_201 = arith.constant 1 : i32
      %dma_wait3A_202 = arith.constant 0 : i32
      %dma_wait3A_203 = arith.constant 0 : i32
      %dma_wait3A_204 = tpu.memref_slice %arg10[%dma_wait3A_201, %dma_wait3A_202, %dma_wait3A_203] : memref<5x80x8xf32, #tpu.memory_space<vmem>> -> memref<1x80x8xf32, #tpu.memory_space<vmem>>
      %dma_wait3A_205 = tpu.memref_squeeze %dma_wait3A_204 : memref<1x80x8xf32, #tpu.memory_space<vmem>> -> memref<80x8xf32, #tpu.memory_space<vmem>>
      %dma_wait3A_206 = arith.constant 0 : i32
      %dma_wait3A_207 = tpu.memref_slice %arg8[%add3A_39, %dma_wait3A_206] : memref<125x80xi32, #tpu.memory_space<vmem>> -> memref<1x80xi32, #tpu.memory_space<vmem>>
      %dma_wait3A_208 = tpu.memref_squeeze %dma_wait3A_207 : memref<1x80xi32, #tpu.memory_space<vmem>> -> memref<80xi32, #tpu.memory_space<vmem>>
      %dma_wait3A_209 = arith.constant 0 : i32
      %dma_wait3A_210 = arith.constant 0 : i32
      %dma_wait3A_211 = tpu.memref_slice %arg2[%dma_wait3A_209, %dma_wait3A_210] : memref<10000x8xf32, #tpu.memory_space<hbm>> -> memref<10000x8xf32, #tpu.memory_space<hbm>>
      tpu.wait_indirect_dma semaphore(%arg12 : memref<!tpu.dma_semaphore, #tpu.memory_space<semaphore_mem>>) src(%dma_wait3A_211 : memref<10000x8xf32, #tpu.memory_space<hbm>>) dst(%dma_wait3A_205 : memref<80x8xf32, #tpu.memory_space<vmem>>)
      %mul3A_212 = arith.constant 80 : i32
      %mul3A_213 = arith.muli %add3A_200, %mul3A_212 : i32
      %add3A_214 = arith.addi %mul3A_4, %mul3A_213 : i32
      %dma_start3A_215 = arith.constant 1 : i32
      %dma_start3A_216 = arith.constant 0 : i32
      %dma_start3A_217 = arith.constant 0 : i32
      %dma_start3A_218 = tpu.memref_slice %arg10[%dma_start3A_215, %dma_start3A_216, %dma_start3A_217] : memref<5x80x8xf32, #tpu.memory_space<vmem>> -> memref<1x80x8xf32, #tpu.memory_space<vmem>>
      %dma_start3A_219 = tpu.memref_squeeze %dma_start3A_218 : memref<1x80x8xf32, #tpu.memory_space<vmem>> -> memref<80x8xf32, #tpu.memory_space<vmem>>
      %dma_start3A_220 = arith.constant 0 : i32
      %dma_start3A_221 = tpu.memref_slice %arg6[%add3A_214, %dma_start3A_220] : memref<320000x8xf32, #tpu.memory_space<hbm>> -> memref<80x8xf32, #tpu.memory_space<hbm>>
      %dma_start3A_222 = arith.constant 0 : i32
      %dma_start3A_223 = tpu.memref_slice %arg6[%add3A_214, %dma_start3A_222] : memref<320000x8xf32, #tpu.memory_space<hbm>> -> memref<80x8xf32, #tpu.memory_space<hbm>>
      %dma_start3A_224 = arith.constant 0 : i32
      %dma_start3A_225 = arith.constant 0 : i32
      %dma_start3A_226 = tpu.memref_slice %arg10[%dma_start3A_215, %dma_start3A_224, %dma_start3A_225] : memref<5x80x8xf32, #tpu.memory_space<vmem>> -> memref<1x80x8xf32, #tpu.memory_space<vmem>>
      %dma_start3A_227 = tpu.memref_squeeze %dma_start3A_226 : memref<1x80x8xf32, #tpu.memory_space<vmem>> -> memref<80x8xf32, #tpu.memory_space<vmem>>
      tpu.enqueue_dma source(%dma_start3A_227 : memref<80x8xf32, #tpu.memory_space<vmem>>) target(%dma_start3A_223 : memref<80x8xf32, #tpu.memory_space<hbm>>) target_semaphore(%arg14 : memref<!tpu.dma_semaphore, #tpu.memory_space<semaphore_mem>>)
      %dma_wait3A_228 = arith.constant 1 : i32
      %dma_wait3A_229 = arith.constant 0 : i32
      %dma_wait3A_230 = arith.constant 0 : i32
      %dma_wait3A_231 = tpu.memref_slice %arg11[%dma_wait3A_228, %dma_wait3A_229, %dma_wait3A_230] : memref<5x80x8xf32, #tpu.memory_space<vmem>> -> memref<1x80x8xf32, #tpu.memory_space<vmem>>
      %dma_wait3A_232 = tpu.memref_squeeze %dma_wait3A_231 : memref<1x80x8xf32, #tpu.memory_space<vmem>> -> memref<80x8xf32, #tpu.memory_space<vmem>>
      %dma_wait3A_233 = arith.constant 0 : i32
      %dma_wait3A_234 = tpu.memref_slice %arg9[%add3A_39, %dma_wait3A_233] : memref<125x80xi32, #tpu.memory_space<vmem>> -> memref<1x80xi32, #tpu.memory_space<vmem>>
      %dma_wait3A_235 = tpu.memref_squeeze %dma_wait3A_234 : memref<1x80xi32, #tpu.memory_space<vmem>> -> memref<80xi32, #tpu.memory_space<vmem>>
      %dma_wait3A_236 = arith.constant 0 : i32
      %dma_wait3A_237 = arith.constant 0 : i32
      %dma_wait3A_238 = tpu.memref_slice %arg3[%dma_wait3A_236, %dma_wait3A_237] : memref<10000x8xf32, #tpu.memory_space<hbm>> -> memref<10000x8xf32, #tpu.memory_space<hbm>>
      tpu.wait_indirect_dma semaphore(%arg13 : memref<!tpu.dma_semaphore, #tpu.memory_space<semaphore_mem>>) src(%dma_wait3A_238 : memref<10000x8xf32, #tpu.memory_space<hbm>>) dst(%dma_wait3A_232 : memref<80x8xf32, #tpu.memory_space<vmem>>)
      %mul3A_239 = arith.constant 80 : i32
      %mul3A_240 = arith.muli %add3A_200, %mul3A_239 : i32
      %add3A_241 = arith.addi %mul3A_4, %mul3A_240 : i32
      %dma_start3A_242 = arith.constant 1 : i32
      %dma_start3A_243 = arith.constant 0 : i32
      %dma_start3A_244 = arith.constant 0 : i32
      %dma_start3A_245 = tpu.memref_slice %arg11[%dma_start3A_242, %dma_start3A_243, %dma_start3A_244] : memref<5x80x8xf32, #tpu.memory_space<vmem>> -> memref<1x80x8xf32, #tpu.memory_space<vmem>>
      %dma_start3A_246 = tpu.memref_squeeze %dma_start3A_245 : memref<1x80x8xf32, #tpu.memory_space<vmem>> -> memref<80x8xf32, #tpu.memory_space<vmem>>
      %dma_start3A_247 = arith.constant 0 : i32
      %dma_start3A_248 = tpu.memref_slice %arg7[%add3A_241, %dma_start3A_247] : memref<320000x8xf32, #tpu.memory_space<hbm>> -> memref<80x8xf32, #tpu.memory_space<hbm>>
      %dma_start3A_249 = arith.constant 0 : i32
      %dma_start3A_250 = tpu.memref_slice %arg7[%add3A_241, %dma_start3A_249] : memref<320000x8xf32, #tpu.memory_space<hbm>> -> memref<80x8xf32, #tpu.memory_space<hbm>>
      %dma_start3A_251 = arith.constant 0 : i32
      %dma_start3A_252 = arith.constant 0 : i32
      %dma_start3A_253 = tpu.memref_slice %arg11[%dma_start3A_242, %dma_start3A_251, %dma_start3A_252] : memref<5x80x8xf32, #tpu.memory_space<vmem>> -> memref<1x80x8xf32, #tpu.memory_space<vmem>>
      %dma_start3A_254 = tpu.memref_squeeze %dma_start3A_253 : memref<1x80x8xf32, #tpu.memory_space<vmem>> -> memref<80x8xf32, #tpu.memory_space<vmem>>
      tpu.enqueue_dma source(%dma_start3A_254 : memref<80x8xf32, #tpu.memory_space<vmem>>) target(%dma_start3A_250 : memref<80x8xf32, #tpu.memory_space<hbm>>) target_semaphore(%arg14 : memref<!tpu.dma_semaphore, #tpu.memory_space<semaphore_mem>>)
      %mul3A_255 = arith.constant 5 : i32
      %mul3A_256 = arith.muli %scan3A_10, %mul3A_255 : i32
      %add3A_257 = arith.constant 2 : i32
      %add3A_258 = arith.addi %mul3A_256, %add3A_257 : i32
      %dma_wait3A_259 = arith.constant 2 : i32
      %dma_wait3A_260 = arith.constant 0 : i32
      %dma_wait3A_261 = arith.constant 0 : i32
      %dma_wait3A_262 = tpu.memref_slice %arg10[%dma_wait3A_259, %dma_wait3A_260, %dma_wait3A_261] : memref<5x80x8xf32, #tpu.memory_space<vmem>> -> memref<1x80x8xf32, #tpu.memory_space<vmem>>
      %dma_wait3A_263 = tpu.memref_squeeze %dma_wait3A_262 : memref<1x80x8xf32, #tpu.memory_space<vmem>> -> memref<80x8xf32, #tpu.memory_space<vmem>>
      %dma_wait3A_264 = arith.constant 0 : i32
      %dma_wait3A_265 = tpu.memref_slice %arg8[%add3A_65, %dma_wait3A_264] : memref<125x80xi32, #tpu.memory_space<vmem>> -> memref<1x80xi32, #tpu.memory_space<vmem>>
      %dma_wait3A_266 = tpu.memref_squeeze %dma_wait3A_265 : memref<1x80xi32, #tpu.memory_space<vmem>> -> memref<80xi32, #tpu.memory_space<vmem>>
      %dma_wait3A_267 = arith.constant 0 : i32
      %dma_wait3A_268 = arith.constant 0 : i32
      %dma_wait3A_269 = tpu.memref_slice %arg2[%dma_wait3A_267, %dma_wait3A_268] : memref<10000x8xf32, #tpu.memory_space<hbm>> -> memref<10000x8xf32, #tpu.memory_space<hbm>>
      tpu.wait_indirect_dma semaphore(%arg12 : memref<!tpu.dma_semaphore, #tpu.memory_space<semaphore_mem>>) src(%dma_wait3A_269 : memref<10000x8xf32, #tpu.memory_space<hbm>>) dst(%dma_wait3A_263 : memref<80x8xf32, #tpu.memory_space<vmem>>)
      %mul3A_270 = arith.constant 80 : i32
      %mul3A_271 = arith.muli %add3A_258, %mul3A_270 : i32
      %add3A_272 = arith.addi %mul3A_4, %mul3A_271 : i32
      %dma_start3A_273 = arith.constant 2 : i32
      %dma_start3A_274 = arith.constant 0 : i32
      %dma_start3A_275 = arith.constant 0 : i32
      %dma_start3A_276 = tpu.memref_slice %arg10[%dma_start3A_273, %dma_start3A_274, %dma_start3A_275] : memref<5x80x8xf32, #tpu.memory_space<vmem>> -> memref<1x80x8xf32, #tpu.memory_space<vmem>>
      %dma_start3A_277 = tpu.memref_squeeze %dma_start3A_276 : memref<1x80x8xf32, #tpu.memory_space<vmem>> -> memref<80x8xf32, #tpu.memory_space<vmem>>
      %dma_start3A_278 = arith.constant 0 : i32
      %dma_start3A_279 = tpu.memref_slice %arg6[%add3A_272, %dma_start3A_278] : memref<320000x8xf32, #tpu.memory_space<hbm>> -> memref<80x8xf32, #tpu.memory_space<hbm>>
      %dma_start3A_280 = arith.constant 0 : i32
      %dma_start3A_281 = tpu.memref_slice %arg6[%add3A_272, %dma_start3A_280] : memref<320000x8xf32, #tpu.memory_space<hbm>> -> memref<80x8xf32, #tpu.memory_space<hbm>>
      %dma_start3A_282 = arith.constant 0 : i32
      %dma_start3A_283 = arith.constant 0 : i32
      %dma_start3A_284 = tpu.memref_slice %arg10[%dma_start3A_273, %dma_start3A_282, %dma_start3A_283] : memref<5x80x8xf32, #tpu.memory_space<vmem>> -> memref<1x80x8xf32, #tpu.memory_space<vmem>>
      %dma_start3A_285 = tpu.memref_squeeze %dma_start3A_284 : memref<1x80x8xf32, #tpu.memory_space<vmem>> -> memref<80x8xf32, #tpu.memory_space<vmem>>
      tpu.enqueue_dma source(%dma_start3A_285 : memref<80x8xf32, #tpu.memory_space<vmem>>) target(%dma_start3A_281 : memref<80x8xf32, #tpu.memory_space<hbm>>) target_semaphore(%arg14 : memref<!tpu.dma_semaphore, #tpu.memory_space<semaphore_mem>>)
      %dma_wait3A_286 = arith.constant 2 : i32
      %dma_wait3A_287 = arith.constant 0 : i32
      %dma_wait3A_288 = arith.constant 0 : i32
      %dma_wait3A_289 = tpu.memref_slice %arg11[%dma_wait3A_286, %dma_wait3A_287, %dma_wait3A_288] : memref<5x80x8xf32, #tpu.memory_space<vmem>> -> memref<1x80x8xf32, #tpu.memory_space<vmem>>
      %dma_wait3A_290 = tpu.memref_squeeze %dma_wait3A_289 : memref<1x80x8xf32, #tpu.memory_space<vmem>> -> memref<80x8xf32, #tpu.memory_space<vmem>>
      %dma_wait3A_291 = arith.constant 0 : i32
      %dma_wait3A_292 = tpu.memref_slice %arg9[%add3A_65, %dma_wait3A_291] : memref<125x80xi32, #tpu.memory_space<vmem>> -> memref<1x80xi32, #tpu.memory_space<vmem>>
      %dma_wait3A_293 = tpu.memref_squeeze %dma_wait3A_292 : memref<1x80xi32, #tpu.memory_space<vmem>> -> memref<80xi32, #tpu.memory_space<vmem>>
      %dma_wait3A_294 = arith.constant 0 : i32
      %dma_wait3A_295 = arith.constant 0 : i32
      %dma_wait3A_296 = tpu.memref_slice %arg3[%dma_wait3A_294, %dma_wait3A_295] : memref<10000x8xf32, #tpu.memory_space<hbm>> -> memref<10000x8xf32, #tpu.memory_space<hbm>>
      tpu.wait_indirect_dma semaphore(%arg13 : memref<!tpu.dma_semaphore, #tpu.memory_space<semaphore_mem>>) src(%dma_wait3A_296 : memref<10000x8xf32, #tpu.memory_space<hbm>>) dst(%dma_wait3A_290 : memref<80x8xf32, #tpu.memory_space<vmem>>)
      %mul3A_297 = arith.constant 80 : i32
      %mul3A_298 = arith.muli %add3A_258, %mul3A_297 : i32
      %add3A_299 = arith.addi %mul3A_4, %mul3A_298 : i32
      %dma_start3A_300 = arith.constant 2 : i32
      %dma_start3A_301 = arith.constant 0 : i32
      %dma_start3A_302 = arith.constant 0 : i32
      %dma_start3A_303 = tpu.memref_slice %arg11[%dma_start3A_300, %dma_start3A_301, %dma_start3A_302] : memref<5x80x8xf32, #tpu.memory_space<vmem>> -> memref<1x80x8xf32, #tpu.memory_space<vmem>>
      %dma_start3A_304 = tpu.memref_squeeze %dma_start3A_303 : memref<1x80x8xf32, #tpu.memory_space<vmem>> -> memref<80x8xf32, #tpu.memory_space<vmem>>
      %dma_start3A_305 = arith.constant 0 : i32
      %dma_start3A_306 = tpu.memref_slice %arg7[%add3A_299, %dma_start3A_305] : memref<320000x8xf32, #tpu.memory_space<hbm>> -> memref<80x8xf32, #tpu.memory_space<hbm>>
      %dma_start3A_307 = arith.constant 0 : i32
      %dma_start3A_308 = tpu.memref_slice %arg7[%add3A_299, %dma_start3A_307] : memref<320000x8xf32, #tpu.memory_space<hbm>> -> memref<80x8xf32, #tpu.memory_space<hbm>>
      %dma_start3A_309 = arith.constant 0 : i32
      %dma_start3A_310 = arith.constant 0 : i32
      %dma_start3A_311 = tpu.memref_slice %arg11[%dma_start3A_300, %dma_start3A_309, %dma_start3A_310] : memref<5x80x8xf32, #tpu.memory_space<vmem>> -> memref<1x80x8xf32, #tpu.memory_space<vmem>>
      %dma_start3A_312 = tpu.memref_squeeze %dma_start3A_311 : memref<1x80x8xf32, #tpu.memory_space<vmem>> -> memref<80x8xf32, #tpu.memory_space<vmem>>
      tpu.enqueue_dma source(%dma_start3A_312 : memref<80x8xf32, #tpu.memory_space<vmem>>) target(%dma_start3A_308 : memref<80x8xf32, #tpu.memory_space<hbm>>) target_semaphore(%arg14 : memref<!tpu.dma_semaphore, #tpu.memory_space<semaphore_mem>>)
      %mul3A_313 = arith.constant 5 : i32
      %mul3A_314 = arith.muli %scan3A_10, %mul3A_313 : i32
      %add3A_315 = arith.constant 3 : i32
      %add3A_316 = arith.addi %mul3A_314, %add3A_315 : i32
      %dma_wait3A_317 = arith.constant 3 : i32
      %dma_wait3A_318 = arith.constant 0 : i32
      %dma_wait3A_319 = arith.constant 0 : i32
      %dma_wait3A_320 = tpu.memref_slice %arg10[%dma_wait3A_317, %dma_wait3A_318, %dma_wait3A_319] : memref<5x80x8xf32, #tpu.memory_space<vmem>> -> memref<1x80x8xf32, #tpu.memory_space<vmem>>
      %dma_wait3A_321 = tpu.memref_squeeze %dma_wait3A_320 : memref<1x80x8xf32, #tpu.memory_space<vmem>> -> memref<80x8xf32, #tpu.memory_space<vmem>>
      %dma_wait3A_322 = arith.constant 0 : i32
      %dma_wait3A_323 = tpu.memref_slice %arg8[%add3A_91, %dma_wait3A_322] : memref<125x80xi32, #tpu.memory_space<vmem>> -> memref<1x80xi32, #tpu.memory_space<vmem>>
      %dma_wait3A_324 = tpu.memref_squeeze %dma_wait3A_323 : memref<1x80xi32, #tpu.memory_space<vmem>> -> memref<80xi32, #tpu.memory_space<vmem>>
      %dma_wait3A_325 = arith.constant 0 : i32
      %dma_wait3A_326 = arith.constant 0 : i32
      %dma_wait3A_327 = tpu.memref_slice %arg2[%dma_wait3A_325, %dma_wait3A_326] : memref<10000x8xf32, #tpu.memory_space<hbm>> -> memref<10000x8xf32, #tpu.memory_space<hbm>>
      tpu.wait_indirect_dma semaphore(%arg12 : memref<!tpu.dma_semaphore, #tpu.memory_space<semaphore_mem>>) src(%dma_wait3A_327 : memref<10000x8xf32, #tpu.memory_space<hbm>>) dst(%dma_wait3A_321 : memref<80x8xf32, #tpu.memory_space<vmem>>)
      %mul3A_328 = arith.constant 80 : i32
      %mul3A_329 = arith.muli %add3A_316, %mul3A_328 : i32
      %add3A_330 = arith.addi %mul3A_4, %mul3A_329 : i32
      %dma_start3A_331 = arith.constant 3 : i32
      %dma_start3A_332 = arith.constant 0 : i32
      %dma_start3A_333 = arith.constant 0 : i32
      %dma_start3A_334 = tpu.memref_slice %arg10[%dma_start3A_331, %dma_start3A_332, %dma_start3A_333] : memref<5x80x8xf32, #tpu.memory_space<vmem>> -> memref<1x80x8xf32, #tpu.memory_space<vmem>>
      %dma_start3A_335 = tpu.memref_squeeze %dma_start3A_334 : memref<1x80x8xf32, #tpu.memory_space<vmem>> -> memref<80x8xf32, #tpu.memory_space<vmem>>
      %dma_start3A_336 = arith.constant 0 : i32
      %dma_start3A_337 = tpu.memref_slice %arg6[%add3A_330, %dma_start3A_336] : memref<320000x8xf32, #tpu.memory_space<hbm>> -> memref<80x8xf32, #tpu.memory_space<hbm>>
      %dma_start3A_338 = arith.constant 0 : i32
      %dma_start3A_339 = tpu.memref_slice %arg6[%add3A_330, %dma_start3A_338] : memref<320000x8xf32, #tpu.memory_space<hbm>> -> memref<80x8xf32, #tpu.memory_space<hbm>>
      %dma_start3A_340 = arith.constant 0 : i32
      %dma_start3A_341 = arith.constant 0 : i32
      %dma_start3A_342 = tpu.memref_slice %arg10[%dma_start3A_331, %dma_start3A_340, %dma_start3A_341] : memref<5x80x8xf32, #tpu.memory_space<vmem>> -> memref<1x80x8xf32, #tpu.memory_space<vmem>>
      %dma_start3A_343 = tpu.memref_squeeze %dma_start3A_342 : memref<1x80x8xf32, #tpu.memory_space<vmem>> -> memref<80x8xf32, #tpu.memory_space<vmem>>
      tpu.enqueue_dma source(%dma_start3A_343 : memref<80x8xf32, #tpu.memory_space<vmem>>) target(%dma_start3A_339 : memref<80x8xf32, #tpu.memory_space<hbm>>) target_semaphore(%arg14 : memref<!tpu.dma_semaphore, #tpu.memory_space<semaphore_mem>>)
      %dma_wait3A_344 = arith.constant 3 : i32
      %dma_wait3A_345 = arith.constant 0 : i32
      %dma_wait3A_346 = arith.constant 0 : i32
      %dma_wait3A_347 = tpu.memref_slice %arg11[%dma_wait3A_344, %dma_wait3A_345, %dma_wait3A_346] : memref<5x80x8xf32, #tpu.memory_space<vmem>> -> memref<1x80x8xf32, #tpu.memory_space<vmem>>
      %dma_wait3A_348 = tpu.memref_squeeze %dma_wait3A_347 : memref<1x80x8xf32, #tpu.memory_space<vmem>> -> memref<80x8xf32, #tpu.memory_space<vmem>>
      %dma_wait3A_349 = arith.constant 0 : i32
      %dma_wait3A_350 = tpu.memref_slice %arg9[%add3A_91, %dma_wait3A_349] : memref<125x80xi32, #tpu.memory_space<vmem>> -> memref<1x80xi32, #tpu.memory_space<vmem>>
      %dma_wait3A_351 = tpu.memref_squeeze %dma_wait3A_350 : memref<1x80xi32, #tpu.memory_space<vmem>> -> memref<80xi32, #tpu.memory_space<vmem>>
      %dma_wait3A_352 = arith.constant 0 : i32
      %dma_wait3A_353 = arith.constant 0 : i32
      %dma_wait3A_354 = tpu.memref_slice %arg3[%dma_wait3A_352, %dma_wait3A_353] : memref<10000x8xf32, #tpu.memory_space<hbm>> -> memref<10000x8xf32, #tpu.memory_space<hbm>>
      tpu.wait_indirect_dma semaphore(%arg13 : memref<!tpu.dma_semaphore, #tpu.memory_space<semaphore_mem>>) src(%dma_wait3A_354 : memref<10000x8xf32, #tpu.memory_space<hbm>>) dst(%dma_wait3A_348 : memref<80x8xf32, #tpu.memory_space<vmem>>)
      %mul3A_355 = arith.constant 80 : i32
      %mul3A_356 = arith.muli %add3A_316, %mul3A_355 : i32
      %add3A_357 = arith.addi %mul3A_4, %mul3A_356 : i32
      %dma_start3A_358 = arith.constant 3 : i32
      %dma_start3A_359 = arith.constant 0 : i32
      %dma_start3A_360 = arith.constant 0 : i32
      %dma_start3A_361 = tpu.memref_slice %arg11[%dma_start3A_358, %dma_start3A_359, %dma_start3A_360] : memref<5x80x8xf32, #tpu.memory_space<vmem>> -> memref<1x80x8xf32, #tpu.memory_space<vmem>>
      %dma_start3A_362 = tpu.memref_squeeze %dma_start3A_361 : memref<1x80x8xf32, #tpu.memory_space<vmem>> -> memref<80x8xf32, #tpu.memory_space<vmem>>
      %dma_start3A_363 = arith.constant 0 : i32
      %dma_start3A_364 = tpu.memref_slice %arg7[%add3A_357, %dma_start3A_363] : memref<320000x8xf32, #tpu.memory_space<hbm>> -> memref<80x8xf32, #tpu.memory_space<hbm>>
      %dma_start3A_365 = arith.constant 0 : i32
      %dma_start3A_366 = tpu.memref_slice %arg7[%add3A_357, %dma_start3A_365] : memref<320000x8xf32, #tpu.memory_space<hbm>> -> memref<80x8xf32, #tpu.memory_space<hbm>>
      %dma_start3A_367 = arith.constant 0 : i32
      %dma_start3A_368 = arith.constant 0 : i32
      %dma_start3A_369 = tpu.memref_slice %arg11[%dma_start3A_358, %dma_start3A_367, %dma_start3A_368] : memref<5x80x8xf32, #tpu.memory_space<vmem>> -> memref<1x80x8xf32, #tpu.memory_space<vmem>>
      %dma_start3A_370 = tpu.memref_squeeze %dma_start3A_369 : memref<1x80x8xf32, #tpu.memory_space<vmem>> -> memref<80x8xf32, #tpu.memory_space<vmem>>
      tpu.enqueue_dma source(%dma_start3A_370 : memref<80x8xf32, #tpu.memory_space<vmem>>) target(%dma_start3A_366 : memref<80x8xf32, #tpu.memory_space<hbm>>) target_semaphore(%arg14 : memref<!tpu.dma_semaphore, #tpu.memory_space<semaphore_mem>>)
      %mul3A_371 = arith.constant 5 : i32
      %mul3A_372 = arith.muli %scan3A_10, %mul3A_371 : i32
      %add3A_373 = arith.constant 4 : i32
      %add3A_374 = arith.addi %mul3A_372, %add3A_373 : i32
      %dma_wait3A_375 = arith.constant 4 : i32
      %dma_wait3A_376 = arith.constant 0 : i32
      %dma_wait3A_377 = arith.constant 0 : i32
      %dma_wait3A_378 = tpu.memref_slice %arg10[%dma_wait3A_375, %dma_wait3A_376, %dma_wait3A_377] : memref<5x80x8xf32, #tpu.memory_space<vmem>> -> memref<1x80x8xf32, #tpu.memory_space<vmem>>
      %dma_wait3A_379 = tpu.memref_squeeze %dma_wait3A_378 : memref<1x80x8xf32, #tpu.memory_space<vmem>> -> memref<80x8xf32, #tpu.memory_space<vmem>>
      %dma_wait3A_380 = arith.constant 0 : i32
      %dma_wait3A_381 = tpu.memref_slice %arg8[%add3A_117, %dma_wait3A_380] : memref<125x80xi32, #tpu.memory_space<vmem>> -> memref<1x80xi32, #tpu.memory_space<vmem>>
      %dma_wait3A_382 = tpu.memref_squeeze %dma_wait3A_381 : memref<1x80xi32, #tpu.memory_space<vmem>> -> memref<80xi32, #tpu.memory_space<vmem>>
      %dma_wait3A_383 = arith.constant 0 : i32
      %dma_wait3A_384 = arith.constant 0 : i32
      %dma_wait3A_385 = tpu.memref_slice %arg2[%dma_wait3A_383, %dma_wait3A_384] : memref<10000x8xf32, #tpu.memory_space<hbm>> -> memref<10000x8xf32, #tpu.memory_space<hbm>>
      tpu.wait_indirect_dma semaphore(%arg12 : memref<!tpu.dma_semaphore, #tpu.memory_space<semaphore_mem>>) src(%dma_wait3A_385 : memref<10000x8xf32, #tpu.memory_space<hbm>>) dst(%dma_wait3A_379 : memref<80x8xf32, #tpu.memory_space<vmem>>)
      %mul3A_386 = arith.constant 80 : i32
      %mul3A_387 = arith.muli %add3A_374, %mul3A_386 : i32
      %add3A_388 = arith.addi %mul3A_4, %mul3A_387 : i32
      %dma_start3A_389 = arith.constant 4 : i32
      %dma_start3A_390 = arith.constant 0 : i32
      %dma_start3A_391 = arith.constant 0 : i32
      %dma_start3A_392 = tpu.memref_slice %arg10[%dma_start3A_389, %dma_start3A_390, %dma_start3A_391] : memref<5x80x8xf32, #tpu.memory_space<vmem>> -> memref<1x80x8xf32, #tpu.memory_space<vmem>>
      %dma_start3A_393 = tpu.memref_squeeze %dma_start3A_392 : memref<1x80x8xf32, #tpu.memory_space<vmem>> -> memref<80x8xf32, #tpu.memory_space<vmem>>
      %dma_start3A_394 = arith.constant 0 : i32
      %dma_start3A_395 = tpu.memref_slice %arg6[%add3A_388, %dma_start3A_394] : memref<320000x8xf32, #tpu.memory_space<hbm>> -> memref<80x8xf32, #tpu.memory_space<hbm>>
      %dma_start3A_396 = arith.constant 0 : i32
      %dma_start3A_397 = tpu.memref_slice %arg6[%add3A_388, %dma_start3A_396] : memref<320000x8xf32, #tpu.memory_space<hbm>> -> memref<80x8xf32, #tpu.memory_space<hbm>>
      %dma_start3A_398 = arith.constant 0 : i32
      %dma_start3A_399 = arith.constant 0 : i32
      %dma_start3A_400 = tpu.memref_slice %arg10[%dma_start3A_389, %dma_start3A_398, %dma_start3A_399] : memref<5x80x8xf32, #tpu.memory_space<vmem>> -> memref<1x80x8xf32, #tpu.memory_space<vmem>>
      %dma_start3A_401 = tpu.memref_squeeze %dma_start3A_400 : memref<1x80x8xf32, #tpu.memory_space<vmem>> -> memref<80x8xf32, #tpu.memory_space<vmem>>
      tpu.enqueue_dma source(%dma_start3A_401 : memref<80x8xf32, #tpu.memory_space<vmem>>) target(%dma_start3A_397 : memref<80x8xf32, #tpu.memory_space<hbm>>) target_semaphore(%arg14 : memref<!tpu.dma_semaphore, #tpu.memory_space<semaphore_mem>>)
      %dma_wait3A_402 = arith.constant 4 : i32
      %dma_wait3A_403 = arith.constant 0 : i32
      %dma_wait3A_404 = arith.constant 0 : i32
      %dma_wait3A_405 = tpu.memref_slice %arg11[%dma_wait3A_402, %dma_wait3A_403, %dma_wait3A_404] : memref<5x80x8xf32, #tpu.memory_space<vmem>> -> memref<1x80x8xf32, #tpu.memory_space<vmem>>
      %dma_wait3A_406 = tpu.memref_squeeze %dma_wait3A_405 : memref<1x80x8xf32, #tpu.memory_space<vmem>> -> memref<80x8xf32, #tpu.memory_space<vmem>>
      %dma_wait3A_407 = arith.constant 0 : i32
      %dma_wait3A_408 = tpu.memref_slice %arg9[%add3A_117, %dma_wait3A_407] : memref<125x80xi32, #tpu.memory_space<vmem>> -> memref<1x80xi32, #tpu.memory_space<vmem>>
      %dma_wait3A_409 = tpu.memref_squeeze %dma_wait3A_408 : memref<1x80xi32, #tpu.memory_space<vmem>> -> memref<80xi32, #tpu.memory_space<vmem>>
      %dma_wait3A_410 = arith.constant 0 : i32
      %dma_wait3A_411 = arith.constant 0 : i32
      %dma_wait3A_412 = tpu.memref_slice %arg3[%dma_wait3A_410, %dma_wait3A_411] : memref<10000x8xf32, #tpu.memory_space<hbm>> -> memref<10000x8xf32, #tpu.memory_space<hbm>>
      tpu.wait_indirect_dma semaphore(%arg13 : memref<!tpu.dma_semaphore, #tpu.memory_space<semaphore_mem>>) src(%dma_wait3A_412 : memref<10000x8xf32, #tpu.memory_space<hbm>>) dst(%dma_wait3A_406 : memref<80x8xf32, #tpu.memory_space<vmem>>)
      %mul3A_413 = arith.constant 80 : i32
      %mul3A_414 = arith.muli %add3A_374, %mul3A_413 : i32
      %add3A_415 = arith.addi %mul3A_4, %mul3A_414 : i32
      %dma_start3A_416 = arith.constant 4 : i32
      %dma_start3A_417 = arith.constant 0 : i32
      %dma_start3A_418 = arith.constant 0 : i32
      %dma_start3A_419 = tpu.memref_slice %arg11[%dma_start3A_416, %dma_start3A_417, %dma_start3A_418] : memref<5x80x8xf32, #tpu.memory_space<vmem>> -> memref<1x80x8xf32, #tpu.memory_space<vmem>>
      %dma_start3A_420 = tpu.memref_squeeze %dma_start3A_419 : memref<1x80x8xf32, #tpu.memory_space<vmem>> -> memref<80x8xf32, #tpu.memory_space<vmem>>
      %dma_start3A_421 = arith.constant 0 : i32
      %dma_start3A_422 = tpu.memref_slice %arg7[%add3A_415, %dma_start3A_421] : memref<320000x8xf32, #tpu.memory_space<hbm>> -> memref<80x8xf32, #tpu.memory_space<hbm>>
      %dma_start3A_423 = arith.constant 0 : i32
      %dma_start3A_424 = tpu.memref_slice %arg7[%add3A_415, %dma_start3A_423] : memref<320000x8xf32, #tpu.memory_space<hbm>> -> memref<80x8xf32, #tpu.memory_space<hbm>>
      %dma_start3A_425 = arith.constant 0 : i32
      %dma_start3A_426 = arith.constant 0 : i32
      %dma_start3A_427 = tpu.memref_slice %arg11[%dma_start3A_416, %dma_start3A_425, %dma_start3A_426] : memref<5x80x8xf32, #tpu.memory_space<vmem>> -> memref<1x80x8xf32, #tpu.memory_space<vmem>>
      %dma_start3A_428 = tpu.memref_squeeze %dma_start3A_427 : memref<1x80x8xf32, #tpu.memory_space<vmem>> -> memref<80x8xf32, #tpu.memory_space<vmem>>
      tpu.enqueue_dma source(%dma_start3A_428 : memref<80x8xf32, #tpu.memory_space<vmem>>) target(%dma_start3A_424 : memref<80x8xf32, #tpu.memory_space<hbm>>) target_semaphore(%arg14 : memref<!tpu.dma_semaphore, #tpu.memory_space<semaphore_mem>>)
      %dma_wait3A_429 = arith.constant 0 : i32
      %dma_wait3A_430 = arith.constant 0 : i32
      %dma_wait3A_431 = arith.constant 0 : i32
      %dma_wait3A_432 = tpu.memref_slice %arg10[%dma_wait3A_429, %dma_wait3A_430, %dma_wait3A_431] : memref<5x80x8xf32, #tpu.memory_space<vmem>> -> memref<1x80x8xf32, #tpu.memory_space<vmem>>
      %dma_wait3A_433 = tpu.memref_squeeze %dma_wait3A_432 : memref<1x80x8xf32, #tpu.memory_space<vmem>> -> memref<80x8xf32, #tpu.memory_space<vmem>>
      %dma_wait3A_434 = arith.constant 0 : i32
      %dma_wait3A_435 = tpu.memref_slice %arg6[%add3A_156, %dma_wait3A_434] : memref<320000x8xf32, #tpu.memory_space<hbm>> -> memref<80x8xf32, #tpu.memory_space<hbm>>
      %dma_wait3A_436 = arith.constant 0 : i32
      %dma_wait3A_437 = tpu.memref_slice %arg6[%add3A_156, %dma_wait3A_436] : memref<320000x8xf32, #tpu.memory_space<hbm>> -> memref<80x8xf32, #tpu.memory_space<hbm>>
      %dma_wait3A_438 = arith.constant 0 : i32
      %dma_wait3A_439 = arith.constant 0 : i32
      %dma_wait3A_440 = tpu.memref_slice %arg10[%dma_wait3A_429, %dma_wait3A_438, %dma_wait3A_439] : memref<5x80x8xf32, #tpu.memory_space<vmem>> -> memref<1x80x8xf32, #tpu.memory_space<vmem>>
      %dma_wait3A_441 = tpu.memref_squeeze %dma_wait3A_440 : memref<1x80x8xf32, #tpu.memory_space<vmem>> -> memref<80x8xf32, #tpu.memory_space<vmem>>
      tpu.wait_dma2 semaphore(%arg14 : memref<!tpu.dma_semaphore, #tpu.memory_space<semaphore_mem>>) src(%dma_wait3A_441 : memref<80x8xf32, #tpu.memory_space<vmem>>) dst(%dma_wait3A_437 : memref<80x8xf32, #tpu.memory_space<hbm>>)
      %dma_wait3A_442 = arith.constant 0 : i32
      %dma_wait3A_443 = arith.constant 0 : i32
      %dma_wait3A_444 = arith.constant 0 : i32
      %dma_wait3A_445 = tpu.memref_slice %arg11[%dma_wait3A_442, %dma_wait3A_443, %dma_wait3A_444] : memref<5x80x8xf32, #tpu.memory_space<vmem>> -> memref<1x80x8xf32, #tpu.memory_space<vmem>>
      %dma_wait3A_446 = tpu.memref_squeeze %dma_wait3A_445 : memref<1x80x8xf32, #tpu.memory_space<vmem>> -> memref<80x8xf32, #tpu.memory_space<vmem>>
      %dma_wait3A_447 = arith.constant 0 : i32
      %dma_wait3A_448 = tpu.memref_slice %arg7[%add3A_183, %dma_wait3A_447] : memref<320000x8xf32, #tpu.memory_space<hbm>> -> memref<80x8xf32, #tpu.memory_space<hbm>>
      %dma_wait3A_449 = arith.constant 0 : i32
      %dma_wait3A_450 = tpu.memref_slice %arg7[%add3A_183, %dma_wait3A_449] : memref<320000x8xf32, #tpu.memory_space<hbm>> -> memref<80x8xf32, #tpu.memory_space<hbm>>
      %dma_wait3A_451 = arith.constant 0 : i32
      %dma_wait3A_452 = arith.constant 0 : i32
      %dma_wait3A_453 = tpu.memref_slice %arg11[%dma_wait3A_442, %dma_wait3A_451, %dma_wait3A_452] : memref<5x80x8xf32, #tpu.memory_space<vmem>> -> memref<1x80x8xf32, #tpu.memory_space<vmem>>
      %dma_wait3A_454 = tpu.memref_squeeze %dma_wait3A_453 : memref<1x80x8xf32, #tpu.memory_space<vmem>> -> memref<80x8xf32, #tpu.memory_space<vmem>>
      tpu.wait_dma2 semaphore(%arg14 : memref<!tpu.dma_semaphore, #tpu.memory_space<semaphore_mem>>) src(%dma_wait3A_454 : memref<80x8xf32, #tpu.memory_space<vmem>>) dst(%dma_wait3A_450 : memref<80x8xf32, #tpu.memory_space<hbm>>)
      %dma_wait3A_455 = arith.constant 1 : i32
      %dma_wait3A_456 = arith.constant 0 : i32
      %dma_wait3A_457 = arith.constant 0 : i32
      %dma_wait3A_458 = tpu.memref_slice %arg10[%dma_wait3A_455, %dma_wait3A_456, %dma_wait3A_457] : memref<5x80x8xf32, #tpu.memory_space<vmem>> -> memref<1x80x8xf32, #tpu.memory_space<vmem>>
      %dma_wait3A_459 = tpu.memref_squeeze %dma_wait3A_458 : memref<1x80x8xf32, #tpu.memory_space<vmem>> -> memref<80x8xf32, #tpu.memory_space<vmem>>
      %dma_wait3A_460 = arith.constant 0 : i32
      %dma_wait3A_461 = tpu.memref_slice %arg6[%add3A_214, %dma_wait3A_460] : memref<320000x8xf32, #tpu.memory_space<hbm>> -> memref<80x8xf32, #tpu.memory_space<hbm>>
      %dma_wait3A_462 = arith.constant 0 : i32
      %dma_wait3A_463 = tpu.memref_slice %arg6[%add3A_214, %dma_wait3A_462] : memref<320000x8xf32, #tpu.memory_space<hbm>> -> memref<80x8xf32, #tpu.memory_space<hbm>>
      %dma_wait3A_464 = arith.constant 0 : i32
      %dma_wait3A_465 = arith.constant 0 : i32
      %dma_wait3A_466 = tpu.memref_slice %arg10[%dma_wait3A_455, %dma_wait3A_464, %dma_wait3A_465] : memref<5x80x8xf32, #tpu.memory_space<vmem>> -> memref<1x80x8xf32, #tpu.memory_space<vmem>>
      %dma_wait3A_467 = tpu.memref_squeeze %dma_wait3A_466 : memref<1x80x8xf32, #tpu.memory_space<vmem>> -> memref<80x8xf32, #tpu.memory_space<vmem>>
      tpu.wait_dma2 semaphore(%arg14 : memref<!tpu.dma_semaphore, #tpu.memory_space<semaphore_mem>>) src(%dma_wait3A_467 : memref<80x8xf32, #tpu.memory_space<vmem>>) dst(%dma_wait3A_463 : memref<80x8xf32, #tpu.memory_space<hbm>>)
      %dma_wait3A_468 = arith.constant 1 : i32
      %dma_wait3A_469 = arith.constant 0 : i32
      %dma_wait3A_470 = arith.constant 0 : i32
      %dma_wait3A_471 = tpu.memref_slice %arg11[%dma_wait3A_468, %dma_wait3A_469, %dma_wait3A_470] : memref<5x80x8xf32, #tpu.memory_space<vmem>> -> memref<1x80x8xf32, #tpu.memory_space<vmem>>
      %dma_wait3A_472 = tpu.memref_squeeze %dma_wait3A_471 : memref<1x80x8xf32, #tpu.memory_space<vmem>> -> memref<80x8xf32, #tpu.memory_space<vmem>>
      %dma_wait3A_473 = arith.constant 0 : i32
      %dma_wait3A_474 = tpu.memref_slice %arg7[%add3A_241, %dma_wait3A_473] : memref<320000x8xf32, #tpu.memory_space<hbm>> -> memref<80x8xf32, #tpu.memory_space<hbm>>
      %dma_wait3A_475 = arith.constant 0 : i32
      %dma_wait3A_476 = tpu.memref_slice %arg7[%add3A_241, %dma_wait3A_475] : memref<320000x8xf32, #tpu.memory_space<hbm>> -> memref<80x8xf32, #tpu.memory_space<hbm>>
      %dma_wait3A_477 = arith.constant 0 : i32
      %dma_wait3A_478 = arith.constant 0 : i32
      %dma_wait3A_479 = tpu.memref_slice %arg11[%dma_wait3A_468, %dma_wait3A_477, %dma_wait3A_478] : memref<5x80x8xf32, #tpu.memory_space<vmem>> -> memref<1x80x8xf32, #tpu.memory_space<vmem>>
      %dma_wait3A_480 = tpu.memref_squeeze %dma_wait3A_479 : memref<1x80x8xf32, #tpu.memory_space<vmem>> -> memref<80x8xf32, #tpu.memory_space<vmem>>
      tpu.wait_dma2 semaphore(%arg14 : memref<!tpu.dma_semaphore, #tpu.memory_space<semaphore_mem>>) src(%dma_wait3A_480 : memref<80x8xf32, #tpu.memory_space<vmem>>) dst(%dma_wait3A_476 : memref<80x8xf32, #tpu.memory_space<hbm>>)
      %dma_wait3A_481 = arith.constant 2 : i32
      %dma_wait3A_482 = arith.constant 0 : i32
      %dma_wait3A_483 = arith.constant 0 : i32
      %dma_wait3A_484 = tpu.memref_slice %arg10[%dma_wait3A_481, %dma_wait3A_482, %dma_wait3A_483] : memref<5x80x8xf32, #tpu.memory_space<vmem>> -> memref<1x80x8xf32, #tpu.memory_space<vmem>>
      %dma_wait3A_485 = tpu.memref_squeeze %dma_wait3A_484 : memref<1x80x8xf32, #tpu.memory_space<vmem>> -> memref<80x8xf32, #tpu.memory_space<vmem>>
      %dma_wait3A_486 = arith.constant 0 : i32
      %dma_wait3A_487 = tpu.memref_slice %arg6[%add3A_272, %dma_wait3A_486] : memref<320000x8xf32, #tpu.memory_space<hbm>> -> memref<80x8xf32, #tpu.memory_space<hbm>>
      %dma_wait3A_488 = arith.constant 0 : i32
      %dma_wait3A_489 = tpu.memref_slice %arg6[%add3A_272, %dma_wait3A_488] : memref<320000x8xf32, #tpu.memory_space<hbm>> -> memref<80x8xf32, #tpu.memory_space<hbm>>
      %dma_wait3A_490 = arith.constant 0 : i32
      %dma_wait3A_491 = arith.constant 0 : i32
      %dma_wait3A_492 = tpu.memref_slice %arg10[%dma_wait3A_481, %dma_wait3A_490, %dma_wait3A_491] : memref<5x80x8xf32, #tpu.memory_space<vmem>> -> memref<1x80x8xf32, #tpu.memory_space<vmem>>
      %dma_wait3A_493 = tpu.memref_squeeze %dma_wait3A_492 : memref<1x80x8xf32, #tpu.memory_space<vmem>> -> memref<80x8xf32, #tpu.memory_space<vmem>>
      tpu.wait_dma2 semaphore(%arg14 : memref<!tpu.dma_semaphore, #tpu.memory_space<semaphore_mem>>) src(%dma_wait3A_493 : memref<80x8xf32, #tpu.memory_space<vmem>>) dst(%dma_wait3A_489 : memref<80x8xf32, #tpu.memory_space<hbm>>)
      %dma_wait3A_494 = arith.constant 2 : i32
      %dma_wait3A_495 = arith.constant 0 : i32
      %dma_wait3A_496 = arith.constant 0 : i32
      %dma_wait3A_497 = tpu.memref_slice %arg11[%dma_wait3A_494, %dma_wait3A_495, %dma_wait3A_496] : memref<5x80x8xf32, #tpu.memory_space<vmem>> -> memref<1x80x8xf32, #tpu.memory_space<vmem>>
      %dma_wait3A_498 = tpu.memref_squeeze %dma_wait3A_497 : memref<1x80x8xf32, #tpu.memory_space<vmem>> -> memref<80x8xf32, #tpu.memory_space<vmem>>
      %dma_wait3A_499 = arith.constant 0 : i32
      %dma_wait3A_500 = tpu.memref_slice %arg7[%add3A_299, %dma_wait3A_499] : memref<320000x8xf32, #tpu.memory_space<hbm>> -> memref<80x8xf32, #tpu.memory_space<hbm>>
      %dma_wait3A_501 = arith.constant 0 : i32
      %dma_wait3A_502 = tpu.memref_slice %arg7[%add3A_299, %dma_wait3A_501] : memref<320000x8xf32, #tpu.memory_space<hbm>> -> memref<80x8xf32, #tpu.memory_space<hbm>>
      %dma_wait3A_503 = arith.constant 0 : i32
      %dma_wait3A_504 = arith.constant 0 : i32
      %dma_wait3A_505 = tpu.memref_slice %arg11[%dma_wait3A_494, %dma_wait3A_503, %dma_wait3A_504] : memref<5x80x8xf32, #tpu.memory_space<vmem>> -> memref<1x80x8xf32, #tpu.memory_space<vmem>>
      %dma_wait3A_506 = tpu.memref_squeeze %dma_wait3A_505 : memref<1x80x8xf32, #tpu.memory_space<vmem>> -> memref<80x8xf32, #tpu.memory_space<vmem>>
      tpu.wait_dma2 semaphore(%arg14 : memref<!tpu.dma_semaphore, #tpu.memory_space<semaphore_mem>>) src(%dma_wait3A_506 : memref<80x8xf32, #tpu.memory_space<vmem>>) dst(%dma_wait3A_502 : memref<80x8xf32, #tpu.memory_space<hbm>>)
      %dma_wait3A_507 = arith.constant 3 : i32
      %dma_wait3A_508 = arith.constant 0 : i32
      %dma_wait3A_509 = arith.constant 0 : i32
      %dma_wait3A_510 = tpu.memref_slice %arg10[%dma_wait3A_507, %dma_wait3A_508, %dma_wait3A_509] : memref<5x80x8xf32, #tpu.memory_space<vmem>> -> memref<1x80x8xf32, #tpu.memory_space<vmem>>
      %dma_wait3A_511 = tpu.memref_squeeze %dma_wait3A_510 : memref<1x80x8xf32, #tpu.memory_space<vmem>> -> memref<80x8xf32, #tpu.memory_space<vmem>>
      %dma_wait3A_512 = arith.constant 0 : i32
      %dma_wait3A_513 = tpu.memref_slice %arg6[%add3A_330, %dma_wait3A_512] : memref<320000x8xf32, #tpu.memory_space<hbm>> -> memref<80x8xf32, #tpu.memory_space<hbm>>
      %dma_wait3A_514 = arith.constant 0 : i32
      %dma_wait3A_515 = tpu.memref_slice %arg6[%add3A_330, %dma_wait3A_514] : memref<320000x8xf32, #tpu.memory_space<hbm>> -> memref<80x8xf32, #tpu.memory_space<hbm>>
      %dma_wait3A_516 = arith.constant 0 : i32
      %dma_wait3A_517 = arith.constant 0 : i32
      %dma_wait3A_518 = tpu.memref_slice %arg10[%dma_wait3A_507, %dma_wait3A_516, %dma_wait3A_517] : memref<5x80x8xf32, #tpu.memory_space<vmem>> -> memref<1x80x8xf32, #tpu.memory_space<vmem>>
      %dma_wait3A_519 = tpu.memref_squeeze %dma_wait3A_518 : memref<1x80x8xf32, #tpu.memory_space<vmem>> -> memref<80x8xf32, #tpu.memory_space<vmem>>
      tpu.wait_dma2 semaphore(%arg14 : memref<!tpu.dma_semaphore, #tpu.memory_space<semaphore_mem>>) src(%dma_wait3A_519 : memref<80x8xf32, #tpu.memory_space<vmem>>) dst(%dma_wait3A_515 : memref<80x8xf32, #tpu.memory_space<hbm>>)
      %dma_wait3A_520 = arith.constant 3 : i32
      %dma_wait3A_521 = arith.constant 0 : i32
      %dma_wait3A_522 = arith.constant 0 : i32
      %dma_wait3A_523 = tpu.memref_slice %arg11[%dma_wait3A_520, %dma_wait3A_521, %dma_wait3A_522] : memref<5x80x8xf32, #tpu.memory_space<vmem>> -> memref<1x80x8xf32, #tpu.memory_space<vmem>>
      %dma_wait3A_524 = tpu.memref_squeeze %dma_wait3A_523 : memref<1x80x8xf32, #tpu.memory_space<vmem>> -> memref<80x8xf32, #tpu.memory_space<vmem>>
      %dma_wait3A_525 = arith.constant 0 : i32
      %dma_wait3A_526 = tpu.memref_slice %arg7[%add3A_357, %dma_wait3A_525] : memref<320000x8xf32, #tpu.memory_space<hbm>> -> memref<80x8xf32, #tpu.memory_space<hbm>>
      %dma_wait3A_527 = arith.constant 0 : i32
      %dma_wait3A_528 = tpu.memref_slice %arg7[%add3A_357, %dma_wait3A_527] : memref<320000x8xf32, #tpu.memory_space<hbm>> -> memref<80x8xf32, #tpu.memory_space<hbm>>
      %dma_wait3A_529 = arith.constant 0 : i32
      %dma_wait3A_530 = arith.constant 0 : i32
      %dma_wait3A_531 = tpu.memref_slice %arg11[%dma_wait3A_520, %dma_wait3A_529, %dma_wait3A_530] : memref<5x80x8xf32, #tpu.memory_space<vmem>> -> memref<1x80x8xf32, #tpu.memory_space<vmem>>
      %dma_wait3A_532 = tpu.memref_squeeze %dma_wait3A_531 : memref<1x80x8xf32, #tpu.memory_space<vmem>> -> memref<80x8xf32, #tpu.memory_space<vmem>>
      tpu.wait_dma2 semaphore(%arg14 : memref<!tpu.dma_semaphore, #tpu.memory_space<semaphore_mem>>) src(%dma_wait3A_532 : memref<80x8xf32, #tpu.memory_space<vmem>>) dst(%dma_wait3A_528 : memref<80x8xf32, #tpu.memory_space<hbm>>)
      %dma_wait3A_533 = arith.constant 4 : i32
      %dma_wait3A_534 = arith.constant 0 : i32
      %dma_wait3A_535 = arith.constant 0 : i32
      %dma_wait3A_536 = tpu.memref_slice %arg10[%dma_wait3A_533, %dma_wait3A_534, %dma_wait3A_535] : memref<5x80x8xf32, #tpu.memory_space<vmem>> -> memref<1x80x8xf32, #tpu.memory_space<vmem>>
      %dma_wait3A_537 = tpu.memref_squeeze %dma_wait3A_536 : memref<1x80x8xf32, #tpu.memory_space<vmem>> -> memref<80x8xf32, #tpu.memory_space<vmem>>
      %dma_wait3A_538 = arith.constant 0 : i32
      %dma_wait3A_539 = tpu.memref_slice %arg6[%add3A_388, %dma_wait3A_538] : memref<320000x8xf32, #tpu.memory_space<hbm>> -> memref<80x8xf32, #tpu.memory_space<hbm>>
      %dma_wait3A_540 = arith.constant 0 : i32
      %dma_wait3A_541 = tpu.memref_slice %arg6[%add3A_388, %dma_wait3A_540] : memref<320000x8xf32, #tpu.memory_space<hbm>> -> memref<80x8xf32, #tpu.memory_space<hbm>>
      %dma_wait3A_542 = arith.constant 0 : i32
      %dma_wait3A_543 = arith.constant 0 : i32
      %dma_wait3A_544 = tpu.memref_slice %arg10[%dma_wait3A_533, %dma_wait3A_542, %dma_wait3A_543] : memref<5x80x8xf32, #tpu.memory_space<vmem>> -> memref<1x80x8xf32, #tpu.memory_space<vmem>>
      %dma_wait3A_545 = tpu.memref_squeeze %dma_wait3A_544 : memref<1x80x8xf32, #tpu.memory_space<vmem>> -> memref<80x8xf32, #tpu.memory_space<vmem>>
      tpu.wait_dma2 semaphore(%arg14 : memref<!tpu.dma_semaphore, #tpu.memory_space<semaphore_mem>>) src(%dma_wait3A_545 : memref<80x8xf32, #tpu.memory_space<vmem>>) dst(%dma_wait3A_541 : memref<80x8xf32, #tpu.memory_space<hbm>>)
      %dma_wait3A_546 = arith.constant 4 : i32
      %dma_wait3A_547 = arith.constant 0 : i32
      %dma_wait3A_548 = arith.constant 0 : i32
      %dma_wait3A_549 = tpu.memref_slice %arg11[%dma_wait3A_546, %dma_wait3A_547, %dma_wait3A_548] : memref<5x80x8xf32, #tpu.memory_space<vmem>> -> memref<1x80x8xf32, #tpu.memory_space<vmem>>
      %dma_wait3A_550 = tpu.memref_squeeze %dma_wait3A_549 : memref<1x80x8xf32, #tpu.memory_space<vmem>> -> memref<80x8xf32, #tpu.memory_space<vmem>>
      %dma_wait3A_551 = arith.constant 0 : i32
      %dma_wait3A_552 = tpu.memref_slice %arg7[%add3A_415, %dma_wait3A_551] : memref<320000x8xf32, #tpu.memory_space<hbm>> -> memref<80x8xf32, #tpu.memory_space<hbm>>
      %dma_wait3A_553 = arith.constant 0 : i32
      %dma_wait3A_554 = tpu.memref_slice %arg7[%add3A_415, %dma_wait3A_553] : memref<320000x8xf32, #tpu.memory_space<hbm>> -> memref<80x8xf32, #tpu.memory_space<hbm>>
      %dma_wait3A_555 = arith.constant 0 : i32
      %dma_wait3A_556 = arith.constant 0 : i32
      %dma_wait3A_557 = tpu.memref_slice %arg11[%dma_wait3A_546, %dma_wait3A_555, %dma_wait3A_556] : memref<5x80x8xf32, #tpu.memory_space<vmem>> -> memref<1x80x8xf32, #tpu.memory_space<vmem>>
      %dma_wait3A_558 = tpu.memref_squeeze %dma_wait3A_557 : memref<1x80x8xf32, #tpu.memory_space<vmem>> -> memref<80x8xf32, #tpu.memory_space<vmem>>
      tpu.wait_dma2 semaphore(%arg14 : memref<!tpu.dma_semaphore, #tpu.memory_space<semaphore_mem>>) src(%dma_wait3A_558 : memref<80x8xf32, #tpu.memory_space<vmem>>) dst(%dma_wait3A_554 : memref<80x8xf32, #tpu.memory_space<hbm>>)
    }
    %scan3A_9 = arith.constant 25 : i32
    return
  }
}

#map = affine_map<(d0, d1) -> (0, 0)>
module attributes {stable_mosaic.version = 14 : i64} {
  func.func @run(%arg0: i32, %arg1: i32, %arg2: memref<10000x32xf32, #tpu.memory_space<hbm>>, %arg3: memref<10000x32xf32, #tpu.memory_space<hbm>>, %arg4: memref<4000x80xi32, #tpu.memory_space<hbm>>, %arg5: memref<4000x80xi32, #tpu.memory_space<hbm>>, %arg6: memref<320000x32xf32, #tpu.memory_space<hbm>>, %arg7: memref<320000x32xf32, #tpu.memory_space<hbm>>, %arg8: memref<125x80xi32, #tpu.memory_space<vmem>>, %arg9: memref<125x80xi32, #tpu.memory_space<vmem>>, %arg10: memref<5x80x32xf32, #tpu.memory_space<vmem>>, %arg11: memref<5x80x32xf32, #tpu.memory_space<vmem>>, %arg12: memref<!tpu.dma_semaphore, #tpu.memory_space<semaphore_mem>>, %arg13: memref<!tpu.dma_semaphore, #tpu.memory_space<semaphore_mem>>, %arg14: memref<!tpu.dma_semaphore, #tpu.memory_space<semaphore_mem>>) attributes {dimension_semantics = [#tpu.dimension_semantics<core_parallel>, #tpu.dimension_semantics<subcore_parallel>], iteration_bounds = array<i64: 2, 16>, scalar_prefetch = 0 : i64, scratch_operands = 7 : i64, tpu.core_type = #tpu.core_type<sc_vector_subcore>, window_params = [{transform_indices = #map}, {transform_indices = #map}, {transform_indices = #map}, {transform_indices = #map}, {transform_indices = #map}, {transform_indices = #map}]} {
    %mul3A = arith.constant 2 : i32
    %mul3A_0 = arith.muli %arg1, %mul3A : i32
    %add3A = arith.addi %mul3A_0, %arg0 : i32
    %mul3A_1 = arith.constant 125 : i32
    %mul3A_2 = arith.muli %add3A, %mul3A_1 : i32
    %mul3A_3 = arith.constant 10000 : i32
    %mul3A_4 = arith.muli %add3A, %mul3A_3 : i32
    "tpu.region"() ({
      %run_scoped3A = tpu.sem_alloc : memref<!tpu.dma_semaphore, #tpu.memory_space<semaphore_mem>>
      %dma_start3A = arith.constant 0 : i32
      %dma_start3A_10 = tpu.memref_slice %arg4[%mul3A_2, %dma_start3A] : memref<4000x80xi32, #tpu.memory_space<hbm>> -> memref<125x80xi32, #tpu.memory_space<hbm>>
      %dma_start3A_11 = arith.constant 0 : i32
      %dma_start3A_12 = tpu.memref_slice %arg4[%mul3A_2, %dma_start3A_11] : memref<4000x80xi32, #tpu.memory_space<hbm>> -> memref<125x80xi32, #tpu.memory_space<hbm>>
      tpu.enqueue_dma source(%dma_start3A_12 : memref<125x80xi32, #tpu.memory_space<hbm>>) target(%arg8 : memref<125x80xi32, #tpu.memory_space<vmem>>) target_semaphore(%run_scoped3A : memref<!tpu.dma_semaphore, #tpu.memory_space<semaphore_mem>>)
      %dma_wait3A = arith.constant 0 : i32
      %dma_wait3A_13 = tpu.memref_slice %arg4[%mul3A_2, %dma_wait3A] : memref<4000x80xi32, #tpu.memory_space<hbm>> -> memref<125x80xi32, #tpu.memory_space<hbm>>
      %dma_wait3A_14 = arith.constant 0 : i32
      %dma_wait3A_15 = tpu.memref_slice %arg4[%mul3A_2, %dma_wait3A_14] : memref<4000x80xi32, #tpu.memory_space<hbm>> -> memref<125x80xi32, #tpu.memory_space<hbm>>
      tpu.wait_dma2 semaphore(%run_scoped3A : memref<!tpu.dma_semaphore, #tpu.memory_space<semaphore_mem>>) src(%dma_wait3A_15 : memref<125x80xi32, #tpu.memory_space<hbm>>) dst(%arg8 : memref<125x80xi32, #tpu.memory_space<vmem>>)
      tpu.yield
    }) : () -> ()
    "tpu.region"() ({
      %run_scoped3A = tpu.sem_alloc : memref<!tpu.dma_semaphore, #tpu.memory_space<semaphore_mem>>
      %dma_start3A = arith.constant 0 : i32
      %dma_start3A_10 = tpu.memref_slice %arg5[%mul3A_2, %dma_start3A] : memref<4000x80xi32, #tpu.memory_space<hbm>> -> memref<125x80xi32, #tpu.memory_space<hbm>>
      %dma_start3A_11 = arith.constant 0 : i32
      %dma_start3A_12 = tpu.memref_slice %arg5[%mul3A_2, %dma_start3A_11] : memref<4000x80xi32, #tpu.memory_space<hbm>> -> memref<125x80xi32, #tpu.memory_space<hbm>>
      tpu.enqueue_dma source(%dma_start3A_12 : memref<125x80xi32, #tpu.memory_space<hbm>>) target(%arg9 : memref<125x80xi32, #tpu.memory_space<vmem>>) target_semaphore(%run_scoped3A : memref<!tpu.dma_semaphore, #tpu.memory_space<semaphore_mem>>)
      %dma_wait3A = arith.constant 0 : i32
      %dma_wait3A_13 = tpu.memref_slice %arg5[%mul3A_2, %dma_wait3A] : memref<4000x80xi32, #tpu.memory_space<hbm>> -> memref<125x80xi32, #tpu.memory_space<hbm>>
      %dma_wait3A_14 = arith.constant 0 : i32
      %dma_wait3A_15 = tpu.memref_slice %arg5[%mul3A_2, %dma_wait3A_14] : memref<4000x80xi32, #tpu.memory_space<hbm>> -> memref<125x80xi32, #tpu.memory_space<hbm>>
      tpu.wait_dma2 semaphore(%run_scoped3A : memref<!tpu.dma_semaphore, #tpu.memory_space<semaphore_mem>>) src(%dma_wait3A_15 : memref<125x80xi32, #tpu.memory_space<hbm>>) dst(%arg9 : memref<125x80xi32, #tpu.memory_space<vmem>>)
      tpu.yield
    }) : () -> ()
    %scan3A = arith.constant 0 : i32
    %scan3A_5 = arith.constant 0 : i32
    %scan3A_6 = arith.constant 25 : i32
    %scan3A_7 = arith.addi %scan3A_5, %scan3A_6 : i32
    %scan3A_8 = arith.constant 1 : i32
    scf.for %scan3A_10 = %scan3A_5 to %scan3A_7 step %scan3A_8  : i32 {
      %mul3A_11 = arith.constant 5 : i32
      %mul3A_12 = arith.muli %scan3A_10, %mul3A_11 : i32
      %add3A_13 = arith.constant 0 : i32
      %add3A_14 = arith.addi %mul3A_12, %add3A_13 : i32
      %dma_start3A = arith.constant 0 : i32
      %dma_start3A_15 = arith.constant 0 : i32
      %dma_start3A_16 = arith.constant 0 : i32
      %dma_start3A_17 = tpu.memref_slice %arg10[%dma_start3A, %dma_start3A_15, %dma_start3A_16] : memref<5x80x32xf32, #tpu.memory_space<vmem>> -> memref<1x80x32xf32, #tpu.memory_space<vmem>>
      %dma_start3A_18 = tpu.memref_squeeze %dma_start3A_17 : memref<1x80x32xf32, #tpu.memory_space<vmem>> -> memref<80x32xf32, #tpu.memory_space<vmem>>
      %dma_start3A_19 = arith.constant 0 : i32
      %dma_start3A_20 = tpu.memref_slice %arg8[%add3A_14, %dma_start3A_19] : memref<125x80xi32, #tpu.memory_space<vmem>> -> memref<1x80xi32, #tpu.memory_space<vmem>>
      %dma_start3A_21 = tpu.memref_squeeze %dma_start3A_20 : memref<1x80xi32, #tpu.memory_space<vmem>> -> memref<80xi32, #tpu.memory_space<vmem>>
      %dma_start3A_22 = arith.constant 0 : i32
      %dma_start3A_23 = arith.constant 0 : i32
      %dma_start3A_24 = tpu.memref_slice %arg2[%dma_start3A_22, %dma_start3A_23] : memref<10000x32xf32, #tpu.memory_space<hbm>> -> memref<10000x32xf32, #tpu.memory_space<hbm>>
      tpu.enqueue_indirect_dma source(%dma_start3A_24 : memref<10000x32xf32, #tpu.memory_space<hbm>>) target(%dma_start3A_18 : memref<80x32xf32, #tpu.memory_space<vmem>>) offsets(%dma_start3A_21 : memref<80xi32, #tpu.memory_space<vmem>>) semaphore(%arg12 : memref<!tpu.dma_semaphore, #tpu.memory_space<semaphore_mem>>)
      %dma_start3A_25 = arith.constant 0 : i32
      %dma_start3A_26 = arith.constant 0 : i32
      %dma_start3A_27 = arith.constant 0 : i32
      %dma_start3A_28 = tpu.memref_slice %arg11[%dma_start3A_25, %dma_start3A_26, %dma_start3A_27] : memref<5x80x32xf32, #tpu.memory_space<vmem>> -> memref<1x80x32xf32, #tpu.memory_space<vmem>>
      %dma_start3A_29 = tpu.memref_squeeze %dma_start3A_28 : memref<1x80x32xf32, #tpu.memory_space<vmem>> -> memref<80x32xf32, #tpu.memory_space<vmem>>
      %dma_start3A_30 = arith.constant 0 : i32
      %dma_start3A_31 = tpu.memref_slice %arg9[%add3A_14, %dma_start3A_30] : memref<125x80xi32, #tpu.memory_space<vmem>> -> memref<1x80xi32, #tpu.memory_space<vmem>>
      %dma_start3A_32 = tpu.memref_squeeze %dma_start3A_31 : memref<1x80xi32, #tpu.memory_space<vmem>> -> memref<80xi32, #tpu.memory_space<vmem>>
      %dma_start3A_33 = arith.constant 0 : i32
      %dma_start3A_34 = arith.constant 0 : i32
      %dma_start3A_35 = tpu.memref_slice %arg3[%dma_start3A_33, %dma_start3A_34] : memref<10000x32xf32, #tpu.memory_space<hbm>> -> memref<10000x32xf32, #tpu.memory_space<hbm>>
      tpu.enqueue_indirect_dma source(%dma_start3A_35 : memref<10000x32xf32, #tpu.memory_space<hbm>>) target(%dma_start3A_29 : memref<80x32xf32, #tpu.memory_space<vmem>>) offsets(%dma_start3A_32 : memref<80xi32, #tpu.memory_space<vmem>>) semaphore(%arg13 : memref<!tpu.dma_semaphore, #tpu.memory_space<semaphore_mem>>)
      %mul3A_36 = arith.constant 5 : i32
      %mul3A_37 = arith.muli %scan3A_10, %mul3A_36 : i32
      %add3A_38 = arith.constant 1 : i32
      %add3A_39 = arith.addi %mul3A_37, %add3A_38 : i32
      %dma_start3A_40 = arith.constant 1 : i32
      %dma_start3A_41 = arith.constant 0 : i32
      %dma_start3A_42 = arith.constant 0 : i32
      %dma_start3A_43 = tpu.memref_slice %arg10[%dma_start3A_40, %dma_start3A_41, %dma_start3A_42] : memref<5x80x32xf32, #tpu.memory_space<vmem>> -> memref<1x80x32xf32, #tpu.memory_space<vmem>>
      %dma_start3A_44 = tpu.memref_squeeze %dma_start3A_43 : memref<1x80x32xf32, #tpu.memory_space<vmem>> -> memref<80x32xf32, #tpu.memory_space<vmem>>
      %dma_start3A_45 = arith.constant 0 : i32
      %dma_start3A_46 = tpu.memref_slice %arg8[%add3A_39, %dma_start3A_45] : memref<125x80xi32, #tpu.memory_space<vmem>> -> memref<1x80xi32, #tpu.memory_space<vmem>>
      %dma_start3A_47 = tpu.memref_squeeze %dma_start3A_46 : memref<1x80xi32, #tpu.memory_space<vmem>> -> memref<80xi32, #tpu.memory_space<vmem>>
      %dma_start3A_48 = arith.constant 0 : i32
      %dma_start3A_49 = arith.constant 0 : i32
      %dma_start3A_50 = tpu.memref_slice %arg2[%dma_start3A_48, %dma_start3A_49] : memref<10000x32xf32, #tpu.memory_space<hbm>> -> memref<10000x32xf32, #tpu.memory_space<hbm>>
      tpu.enqueue_indirect_dma source(%dma_start3A_50 : memref<10000x32xf32, #tpu.memory_space<hbm>>) target(%dma_start3A_44 : memref<80x32xf32, #tpu.memory_space<vmem>>) offsets(%dma_start3A_47 : memref<80xi32, #tpu.memory_space<vmem>>) semaphore(%arg12 : memref<!tpu.dma_semaphore, #tpu.memory_space<semaphore_mem>>)
      %dma_start3A_51 = arith.constant 1 : i32
      %dma_start3A_52 = arith.constant 0 : i32
      %dma_start3A_53 = arith.constant 0 : i32
      %dma_start3A_54 = tpu.memref_slice %arg11[%dma_start3A_51, %dma_start3A_52, %dma_start3A_53] : memref<5x80x32xf32, #tpu.memory_space<vmem>> -> memref<1x80x32xf32, #tpu.memory_space<vmem>>
      %dma_start3A_55 = tpu.memref_squeeze %dma_start3A_54 : memref<1x80x32xf32, #tpu.memory_space<vmem>> -> memref<80x32xf32, #tpu.memory_space<vmem>>
      %dma_start3A_56 = arith.constant 0 : i32
      %dma_start3A_57 = tpu.memref_slice %arg9[%add3A_39, %dma_start3A_56] : memref<125x80xi32, #tpu.memory_space<vmem>> -> memref<1x80xi32, #tpu.memory_space<vmem>>
      %dma_start3A_58 = tpu.memref_squeeze %dma_start3A_57 : memref<1x80xi32, #tpu.memory_space<vmem>> -> memref<80xi32, #tpu.memory_space<vmem>>
      %dma_start3A_59 = arith.constant 0 : i32
      %dma_start3A_60 = arith.constant 0 : i32
      %dma_start3A_61 = tpu.memref_slice %arg3[%dma_start3A_59, %dma_start3A_60] : memref<10000x32xf32, #tpu.memory_space<hbm>> -> memref<10000x32xf32, #tpu.memory_space<hbm>>
      tpu.enqueue_indirect_dma source(%dma_start3A_61 : memref<10000x32xf32, #tpu.memory_space<hbm>>) target(%dma_start3A_55 : memref<80x32xf32, #tpu.memory_space<vmem>>) offsets(%dma_start3A_58 : memref<80xi32, #tpu.memory_space<vmem>>) semaphore(%arg13 : memref<!tpu.dma_semaphore, #tpu.memory_space<semaphore_mem>>)
      %mul3A_62 = arith.constant 5 : i32
      %mul3A_63 = arith.muli %scan3A_10, %mul3A_62 : i32
      %add3A_64 = arith.constant 2 : i32
      %add3A_65 = arith.addi %mul3A_63, %add3A_64 : i32
      %dma_start3A_66 = arith.constant 2 : i32
      %dma_start3A_67 = arith.constant 0 : i32
      %dma_start3A_68 = arith.constant 0 : i32
      %dma_start3A_69 = tpu.memref_slice %arg10[%dma_start3A_66, %dma_start3A_67, %dma_start3A_68] : memref<5x80x32xf32, #tpu.memory_space<vmem>> -> memref<1x80x32xf32, #tpu.memory_space<vmem>>
      %dma_start3A_70 = tpu.memref_squeeze %dma_start3A_69 : memref<1x80x32xf32, #tpu.memory_space<vmem>> -> memref<80x32xf32, #tpu.memory_space<vmem>>
      %dma_start3A_71 = arith.constant 0 : i32
      %dma_start3A_72 = tpu.memref_slice %arg8[%add3A_65, %dma_start3A_71] : memref<125x80xi32, #tpu.memory_space<vmem>> -> memref<1x80xi32, #tpu.memory_space<vmem>>
      %dma_start3A_73 = tpu.memref_squeeze %dma_start3A_72 : memref<1x80xi32, #tpu.memory_space<vmem>> -> memref<80xi32, #tpu.memory_space<vmem>>
      %dma_start3A_74 = arith.constant 0 : i32
      %dma_start3A_75 = arith.constant 0 : i32
      %dma_start3A_76 = tpu.memref_slice %arg2[%dma_start3A_74, %dma_start3A_75] : memref<10000x32xf32, #tpu.memory_space<hbm>> -> memref<10000x32xf32, #tpu.memory_space<hbm>>
      tpu.enqueue_indirect_dma source(%dma_start3A_76 : memref<10000x32xf32, #tpu.memory_space<hbm>>) target(%dma_start3A_70 : memref<80x32xf32, #tpu.memory_space<vmem>>) offsets(%dma_start3A_73 : memref<80xi32, #tpu.memory_space<vmem>>) semaphore(%arg12 : memref<!tpu.dma_semaphore, #tpu.memory_space<semaphore_mem>>)
      %dma_start3A_77 = arith.constant 2 : i32
      %dma_start3A_78 = arith.constant 0 : i32
      %dma_start3A_79 = arith.constant 0 : i32
      %dma_start3A_80 = tpu.memref_slice %arg11[%dma_start3A_77, %dma_start3A_78, %dma_start3A_79] : memref<5x80x32xf32, #tpu.memory_space<vmem>> -> memref<1x80x32xf32, #tpu.memory_space<vmem>>
      %dma_start3A_81 = tpu.memref_squeeze %dma_start3A_80 : memref<1x80x32xf32, #tpu.memory_space<vmem>> -> memref<80x32xf32, #tpu.memory_space<vmem>>
      %dma_start3A_82 = arith.constant 0 : i32
      %dma_start3A_83 = tpu.memref_slice %arg9[%add3A_65, %dma_start3A_82] : memref<125x80xi32, #tpu.memory_space<vmem>> -> memref<1x80xi32, #tpu.memory_space<vmem>>
      %dma_start3A_84 = tpu.memref_squeeze %dma_start3A_83 : memref<1x80xi32, #tpu.memory_space<vmem>> -> memref<80xi32, #tpu.memory_space<vmem>>
      %dma_start3A_85 = arith.constant 0 : i32
      %dma_start3A_86 = arith.constant 0 : i32
      %dma_start3A_87 = tpu.memref_slice %arg3[%dma_start3A_85, %dma_start3A_86] : memref<10000x32xf32, #tpu.memory_space<hbm>> -> memref<10000x32xf32, #tpu.memory_space<hbm>>
      tpu.enqueue_indirect_dma source(%dma_start3A_87 : memref<10000x32xf32, #tpu.memory_space<hbm>>) target(%dma_start3A_81 : memref<80x32xf32, #tpu.memory_space<vmem>>) offsets(%dma_start3A_84 : memref<80xi32, #tpu.memory_space<vmem>>) semaphore(%arg13 : memref<!tpu.dma_semaphore, #tpu.memory_space<semaphore_mem>>)
      %mul3A_88 = arith.constant 5 : i32
      %mul3A_89 = arith.muli %scan3A_10, %mul3A_88 : i32
      %add3A_90 = arith.constant 3 : i32
      %add3A_91 = arith.addi %mul3A_89, %add3A_90 : i32
      %dma_start3A_92 = arith.constant 3 : i32
      %dma_start3A_93 = arith.constant 0 : i32
      %dma_start3A_94 = arith.constant 0 : i32
      %dma_start3A_95 = tpu.memref_slice %arg10[%dma_start3A_92, %dma_start3A_93, %dma_start3A_94] : memref<5x80x32xf32, #tpu.memory_space<vmem>> -> memref<1x80x32xf32, #tpu.memory_space<vmem>>
      %dma_start3A_96 = tpu.memref_squeeze %dma_start3A_95 : memref<1x80x32xf32, #tpu.memory_space<vmem>> -> memref<80x32xf32, #tpu.memory_space<vmem>>
      %dma_start3A_97 = arith.constant 0 : i32
      %dma_start3A_98 = tpu.memref_slice %arg8[%add3A_91, %dma_start3A_97] : memref<125x80xi32, #tpu.memory_space<vmem>> -> memref<1x80xi32, #tpu.memory_space<vmem>>
      %dma_start3A_99 = tpu.memref_squeeze %dma_start3A_98 : memref<1x80xi32, #tpu.memory_space<vmem>> -> memref<80xi32, #tpu.memory_space<vmem>>
      %dma_start3A_100 = arith.constant 0 : i32
      %dma_start3A_101 = arith.constant 0 : i32
      %dma_start3A_102 = tpu.memref_slice %arg2[%dma_start3A_100, %dma_start3A_101] : memref<10000x32xf32, #tpu.memory_space<hbm>> -> memref<10000x32xf32, #tpu.memory_space<hbm>>
      tpu.enqueue_indirect_dma source(%dma_start3A_102 : memref<10000x32xf32, #tpu.memory_space<hbm>>) target(%dma_start3A_96 : memref<80x32xf32, #tpu.memory_space<vmem>>) offsets(%dma_start3A_99 : memref<80xi32, #tpu.memory_space<vmem>>) semaphore(%arg12 : memref<!tpu.dma_semaphore, #tpu.memory_space<semaphore_mem>>)
      %dma_start3A_103 = arith.constant 3 : i32
      %dma_start3A_104 = arith.constant 0 : i32
      %dma_start3A_105 = arith.constant 0 : i32
      %dma_start3A_106 = tpu.memref_slice %arg11[%dma_start3A_103, %dma_start3A_104, %dma_start3A_105] : memref<5x80x32xf32, #tpu.memory_space<vmem>> -> memref<1x80x32xf32, #tpu.memory_space<vmem>>
      %dma_start3A_107 = tpu.memref_squeeze %dma_start3A_106 : memref<1x80x32xf32, #tpu.memory_space<vmem>> -> memref<80x32xf32, #tpu.memory_space<vmem>>
      %dma_start3A_108 = arith.constant 0 : i32
      %dma_start3A_109 = tpu.memref_slice %arg9[%add3A_91, %dma_start3A_108] : memref<125x80xi32, #tpu.memory_space<vmem>> -> memref<1x80xi32, #tpu.memory_space<vmem>>
      %dma_start3A_110 = tpu.memref_squeeze %dma_start3A_109 : memref<1x80xi32, #tpu.memory_space<vmem>> -> memref<80xi32, #tpu.memory_space<vmem>>
      %dma_start3A_111 = arith.constant 0 : i32
      %dma_start3A_112 = arith.constant 0 : i32
      %dma_start3A_113 = tpu.memref_slice %arg3[%dma_start3A_111, %dma_start3A_112] : memref<10000x32xf32, #tpu.memory_space<hbm>> -> memref<10000x32xf32, #tpu.memory_space<hbm>>
      tpu.enqueue_indirect_dma source(%dma_start3A_113 : memref<10000x32xf32, #tpu.memory_space<hbm>>) target(%dma_start3A_107 : memref<80x32xf32, #tpu.memory_space<vmem>>) offsets(%dma_start3A_110 : memref<80xi32, #tpu.memory_space<vmem>>) semaphore(%arg13 : memref<!tpu.dma_semaphore, #tpu.memory_space<semaphore_mem>>)
      %mul3A_114 = arith.constant 5 : i32
      %mul3A_115 = arith.muli %scan3A_10, %mul3A_114 : i32
      %add3A_116 = arith.constant 4 : i32
      %add3A_117 = arith.addi %mul3A_115, %add3A_116 : i32
      %dma_start3A_118 = arith.constant 4 : i32
      %dma_start3A_119 = arith.constant 0 : i32
      %dma_start3A_120 = arith.constant 0 : i32
      %dma_start3A_121 = tpu.memref_slice %arg10[%dma_start3A_118, %dma_start3A_119, %dma_start3A_120] : memref<5x80x32xf32, #tpu.memory_space<vmem>> -> memref<1x80x32xf32, #tpu.memory_space<vmem>>
      %dma_start3A_122 = tpu.memref_squeeze %dma_start3A_121 : memref<1x80x32xf32, #tpu.memory_space<vmem>> -> memref<80x32xf32, #tpu.memory_space<vmem>>
      %dma_start3A_123 = arith.constant 0 : i32
      %dma_start3A_124 = tpu.memref_slice %arg8[%add3A_117, %dma_start3A_123] : memref<125x80xi32, #tpu.memory_space<vmem>> -> memref<1x80xi32, #tpu.memory_space<vmem>>
      %dma_start3A_125 = tpu.memref_squeeze %dma_start3A_124 : memref<1x80xi32, #tpu.memory_space<vmem>> -> memref<80xi32, #tpu.memory_space<vmem>>
      %dma_start3A_126 = arith.constant 0 : i32
      %dma_start3A_127 = arith.constant 0 : i32
      %dma_start3A_128 = tpu.memref_slice %arg2[%dma_start3A_126, %dma_start3A_127] : memref<10000x32xf32, #tpu.memory_space<hbm>> -> memref<10000x32xf32, #tpu.memory_space<hbm>>
      tpu.enqueue_indirect_dma source(%dma_start3A_128 : memref<10000x32xf32, #tpu.memory_space<hbm>>) target(%dma_start3A_122 : memref<80x32xf32, #tpu.memory_space<vmem>>) offsets(%dma_start3A_125 : memref<80xi32, #tpu.memory_space<vmem>>) semaphore(%arg12 : memref<!tpu.dma_semaphore, #tpu.memory_space<semaphore_mem>>)
      %dma_start3A_129 = arith.constant 4 : i32
      %dma_start3A_130 = arith.constant 0 : i32
      %dma_start3A_131 = arith.constant 0 : i32
      %dma_start3A_132 = tpu.memref_slice %arg11[%dma_start3A_129, %dma_start3A_130, %dma_start3A_131] : memref<5x80x32xf32, #tpu.memory_space<vmem>> -> memref<1x80x32xf32, #tpu.memory_space<vmem>>
      %dma_start3A_133 = tpu.memref_squeeze %dma_start3A_132 : memref<1x80x32xf32, #tpu.memory_space<vmem>> -> memref<80x32xf32, #tpu.memory_space<vmem>>
      %dma_start3A_134 = arith.constant 0 : i32
      %dma_start3A_135 = tpu.memref_slice %arg9[%add3A_117, %dma_start3A_134] : memref<125x80xi32, #tpu.memory_space<vmem>> -> memref<1x80xi32, #tpu.memory_space<vmem>>
      %dma_start3A_136 = tpu.memref_squeeze %dma_start3A_135 : memref<1x80xi32, #tpu.memory_space<vmem>> -> memref<80xi32, #tpu.memory_space<vmem>>
      %dma_start3A_137 = arith.constant 0 : i32
      %dma_start3A_138 = arith.constant 0 : i32
      %dma_start3A_139 = tpu.memref_slice %arg3[%dma_start3A_137, %dma_start3A_138] : memref<10000x32xf32, #tpu.memory_space<hbm>> -> memref<10000x32xf32, #tpu.memory_space<hbm>>
      tpu.enqueue_indirect_dma source(%dma_start3A_139 : memref<10000x32xf32, #tpu.memory_space<hbm>>) target(%dma_start3A_133 : memref<80x32xf32, #tpu.memory_space<vmem>>) offsets(%dma_start3A_136 : memref<80xi32, #tpu.memory_space<vmem>>) semaphore(%arg13 : memref<!tpu.dma_semaphore, #tpu.memory_space<semaphore_mem>>)
      %mul3A_140 = arith.constant 5 : i32
      %mul3A_141 = arith.muli %scan3A_10, %mul3A_140 : i32
      %add3A_142 = arith.constant 0 : i32
      %add3A_143 = arith.addi %mul3A_141, %add3A_142 : i32
      %dma_wait3A = arith.constant 0 : i32
      %dma_wait3A_144 = arith.constant 0 : i32
      %dma_wait3A_145 = arith.constant 0 : i32
      %dma_wait3A_146 = tpu.memref_slice %arg10[%dma_wait3A, %dma_wait3A_144, %dma_wait3A_145] : memref<5x80x32xf32, #tpu.memory_space<vmem>> -> memref<1x80x32xf32, #tpu.memory_space<vmem>>
      %dma_wait3A_147 = tpu.memref_squeeze %dma_wait3A_146 : memref<1x80x32xf32, #tpu.memory_space<vmem>> -> memref<80x32xf32, #tpu.memory_space<vmem>>
      %dma_wait3A_148 = arith.constant 0 : i32
      %dma_wait3A_149 = tpu.memref_slice %arg8[%add3A_14, %dma_wait3A_148] : memref<125x80xi32, #tpu.memory_space<vmem>> -> memref<1x80xi32, #tpu.memory_space<vmem>>
      %dma_wait3A_150 = tpu.memref_squeeze %dma_wait3A_149 : memref<1x80xi32, #tpu.memory_space<vmem>> -> memref<80xi32, #tpu.memory_space<vmem>>
      %dma_wait3A_151 = arith.constant 0 : i32
      %dma_wait3A_152 = arith.constant 0 : i32
      %dma_wait3A_153 = tpu.memref_slice %arg2[%dma_wait3A_151, %dma_wait3A_152] : memref<10000x32xf32, #tpu.memory_space<hbm>> -> memref<10000x32xf32, #tpu.memory_space<hbm>>
      tpu.wait_indirect_dma semaphore(%arg12 : memref<!tpu.dma_semaphore, #tpu.memory_space<semaphore_mem>>) src(%dma_wait3A_153 : memref<10000x32xf32, #tpu.memory_space<hbm>>) dst(%dma_wait3A_147 : memref<80x32xf32, #tpu.memory_space<vmem>>)
      %mul3A_154 = arith.constant 80 : i32
      %mul3A_155 = arith.muli %add3A_143, %mul3A_154 : i32
      %add3A_156 = arith.addi %mul3A_4, %mul3A_155 : i32
      %dma_start3A_157 = arith.constant 0 : i32
      %dma_start3A_158 = arith.constant 0 : i32
      %dma_start3A_159 = arith.constant 0 : i32
      %dma_start3A_160 = tpu.memref_slice %arg10[%dma_start3A_157, %dma_start3A_158, %dma_start3A_159] : memref<5x80x32xf32, #tpu.memory_space<vmem>> -> memref<1x80x32xf32, #tpu.memory_space<vmem>>
      %dma_start3A_161 = tpu.memref_squeeze %dma_start3A_160 : memref<1x80x32xf32, #tpu.memory_space<vmem>> -> memref<80x32xf32, #tpu.memory_space<vmem>>
      %dma_start3A_162 = arith.constant 0 : i32
      %dma_start3A_163 = tpu.memref_slice %arg6[%add3A_156, %dma_start3A_162] : memref<320000x32xf32, #tpu.memory_space<hbm>> -> memref<80x32xf32, #tpu.memory_space<hbm>>
      %dma_start3A_164 = arith.constant 0 : i32
      %dma_start3A_165 = tpu.memref_slice %arg6[%add3A_156, %dma_start3A_164] : memref<320000x32xf32, #tpu.memory_space<hbm>> -> memref<80x32xf32, #tpu.memory_space<hbm>>
      %dma_start3A_166 = arith.constant 0 : i32
      %dma_start3A_167 = arith.constant 0 : i32
      %dma_start3A_168 = tpu.memref_slice %arg10[%dma_start3A_157, %dma_start3A_166, %dma_start3A_167] : memref<5x80x32xf32, #tpu.memory_space<vmem>> -> memref<1x80x32xf32, #tpu.memory_space<vmem>>
      %dma_start3A_169 = tpu.memref_squeeze %dma_start3A_168 : memref<1x80x32xf32, #tpu.memory_space<vmem>> -> memref<80x32xf32, #tpu.memory_space<vmem>>
      tpu.enqueue_dma source(%dma_start3A_169 : memref<80x32xf32, #tpu.memory_space<vmem>>) target(%dma_start3A_165 : memref<80x32xf32, #tpu.memory_space<hbm>>) target_semaphore(%arg14 : memref<!tpu.dma_semaphore, #tpu.memory_space<semaphore_mem>>)
      %dma_wait3A_170 = arith.constant 0 : i32
      %dma_wait3A_171 = arith.constant 0 : i32
      %dma_wait3A_172 = arith.constant 0 : i32
      %dma_wait3A_173 = tpu.memref_slice %arg11[%dma_wait3A_170, %dma_wait3A_171, %dma_wait3A_172] : memref<5x80x32xf32, #tpu.memory_space<vmem>> -> memref<1x80x32xf32, #tpu.memory_space<vmem>>
      %dma_wait3A_174 = tpu.memref_squeeze %dma_wait3A_173 : memref<1x80x32xf32, #tpu.memory_space<vmem>> -> memref<80x32xf32, #tpu.memory_space<vmem>>
      %dma_wait3A_175 = arith.constant 0 : i32
      %dma_wait3A_176 = tpu.memref_slice %arg9[%add3A_14, %dma_wait3A_175] : memref<125x80xi32, #tpu.memory_space<vmem>> -> memref<1x80xi32, #tpu.memory_space<vmem>>
      %dma_wait3A_177 = tpu.memref_squeeze %dma_wait3A_176 : memref<1x80xi32, #tpu.memory_space<vmem>> -> memref<80xi32, #tpu.memory_space<vmem>>
      %dma_wait3A_178 = arith.constant 0 : i32
      %dma_wait3A_179 = arith.constant 0 : i32
      %dma_wait3A_180 = tpu.memref_slice %arg3[%dma_wait3A_178, %dma_wait3A_179] : memref<10000x32xf32, #tpu.memory_space<hbm>> -> memref<10000x32xf32, #tpu.memory_space<hbm>>
      tpu.wait_indirect_dma semaphore(%arg13 : memref<!tpu.dma_semaphore, #tpu.memory_space<semaphore_mem>>) src(%dma_wait3A_180 : memref<10000x32xf32, #tpu.memory_space<hbm>>) dst(%dma_wait3A_174 : memref<80x32xf32, #tpu.memory_space<vmem>>)
      %mul3A_181 = arith.constant 80 : i32
      %mul3A_182 = arith.muli %add3A_143, %mul3A_181 : i32
      %add3A_183 = arith.addi %mul3A_4, %mul3A_182 : i32
      %dma_start3A_184 = arith.constant 0 : i32
      %dma_start3A_185 = arith.constant 0 : i32
      %dma_start3A_186 = arith.constant 0 : i32
      %dma_start3A_187 = tpu.memref_slice %arg11[%dma_start3A_184, %dma_start3A_185, %dma_start3A_186] : memref<5x80x32xf32, #tpu.memory_space<vmem>> -> memref<1x80x32xf32, #tpu.memory_space<vmem>>
      %dma_start3A_188 = tpu.memref_squeeze %dma_start3A_187 : memref<1x80x32xf32, #tpu.memory_space<vmem>> -> memref<80x32xf32, #tpu.memory_space<vmem>>
      %dma_start3A_189 = arith.constant 0 : i32
      %dma_start3A_190 = tpu.memref_slice %arg7[%add3A_183, %dma_start3A_189] : memref<320000x32xf32, #tpu.memory_space<hbm>> -> memref<80x32xf32, #tpu.memory_space<hbm>>
      %dma_start3A_191 = arith.constant 0 : i32
      %dma_start3A_192 = tpu.memref_slice %arg7[%add3A_183, %dma_start3A_191] : memref<320000x32xf32, #tpu.memory_space<hbm>> -> memref<80x32xf32, #tpu.memory_space<hbm>>
      %dma_start3A_193 = arith.constant 0 : i32
      %dma_start3A_194 = arith.constant 0 : i32
      %dma_start3A_195 = tpu.memref_slice %arg11[%dma_start3A_184, %dma_start3A_193, %dma_start3A_194] : memref<5x80x32xf32, #tpu.memory_space<vmem>> -> memref<1x80x32xf32, #tpu.memory_space<vmem>>
      %dma_start3A_196 = tpu.memref_squeeze %dma_start3A_195 : memref<1x80x32xf32, #tpu.memory_space<vmem>> -> memref<80x32xf32, #tpu.memory_space<vmem>>
      tpu.enqueue_dma source(%dma_start3A_196 : memref<80x32xf32, #tpu.memory_space<vmem>>) target(%dma_start3A_192 : memref<80x32xf32, #tpu.memory_space<hbm>>) target_semaphore(%arg14 : memref<!tpu.dma_semaphore, #tpu.memory_space<semaphore_mem>>)
      %mul3A_197 = arith.constant 5 : i32
      %mul3A_198 = arith.muli %scan3A_10, %mul3A_197 : i32
      %add3A_199 = arith.constant 1 : i32
      %add3A_200 = arith.addi %mul3A_198, %add3A_199 : i32
      %dma_wait3A_201 = arith.constant 1 : i32
      %dma_wait3A_202 = arith.constant 0 : i32
      %dma_wait3A_203 = arith.constant 0 : i32
      %dma_wait3A_204 = tpu.memref_slice %arg10[%dma_wait3A_201, %dma_wait3A_202, %dma_wait3A_203] : memref<5x80x32xf32, #tpu.memory_space<vmem>> -> memref<1x80x32xf32, #tpu.memory_space<vmem>>
      %dma_wait3A_205 = tpu.memref_squeeze %dma_wait3A_204 : memref<1x80x32xf32, #tpu.memory_space<vmem>> -> memref<80x32xf32, #tpu.memory_space<vmem>>
      %dma_wait3A_206 = arith.constant 0 : i32
      %dma_wait3A_207 = tpu.memref_slice %arg8[%add3A_39, %dma_wait3A_206] : memref<125x80xi32, #tpu.memory_space<vmem>> -> memref<1x80xi32, #tpu.memory_space<vmem>>
      %dma_wait3A_208 = tpu.memref_squeeze %dma_wait3A_207 : memref<1x80xi32, #tpu.memory_space<vmem>> -> memref<80xi32, #tpu.memory_space<vmem>>
      %dma_wait3A_209 = arith.constant 0 : i32
      %dma_wait3A_210 = arith.constant 0 : i32
      %dma_wait3A_211 = tpu.memref_slice %arg2[%dma_wait3A_209, %dma_wait3A_210] : memref<10000x32xf32, #tpu.memory_space<hbm>> -> memref<10000x32xf32, #tpu.memory_space<hbm>>
      tpu.wait_indirect_dma semaphore(%arg12 : memref<!tpu.dma_semaphore, #tpu.memory_space<semaphore_mem>>) src(%dma_wait3A_211 : memref<10000x32xf32, #tpu.memory_space<hbm>>) dst(%dma_wait3A_205 : memref<80x32xf32, #tpu.memory_space<vmem>>)
      %mul3A_212 = arith.constant 80 : i32
      %mul3A_213 = arith.muli %add3A_200, %mul3A_212 : i32
      %add3A_214 = arith.addi %mul3A_4, %mul3A_213 : i32
      %dma_start3A_215 = arith.constant 1 : i32
      %dma_start3A_216 = arith.constant 0 : i32
      %dma_start3A_217 = arith.constant 0 : i32
      %dma_start3A_218 = tpu.memref_slice %arg10[%dma_start3A_215, %dma_start3A_216, %dma_start3A_217] : memref<5x80x32xf32, #tpu.memory_space<vmem>> -> memref<1x80x32xf32, #tpu.memory_space<vmem>>
      %dma_start3A_219 = tpu.memref_squeeze %dma_start3A_218 : memref<1x80x32xf32, #tpu.memory_space<vmem>> -> memref<80x32xf32, #tpu.memory_space<vmem>>
      %dma_start3A_220 = arith.constant 0 : i32
      %dma_start3A_221 = tpu.memref_slice %arg6[%add3A_214, %dma_start3A_220] : memref<320000x32xf32, #tpu.memory_space<hbm>> -> memref<80x32xf32, #tpu.memory_space<hbm>>
      %dma_start3A_222 = arith.constant 0 : i32
      %dma_start3A_223 = tpu.memref_slice %arg6[%add3A_214, %dma_start3A_222] : memref<320000x32xf32, #tpu.memory_space<hbm>> -> memref<80x32xf32, #tpu.memory_space<hbm>>
      %dma_start3A_224 = arith.constant 0 : i32
      %dma_start3A_225 = arith.constant 0 : i32
      %dma_start3A_226 = tpu.memref_slice %arg10[%dma_start3A_215, %dma_start3A_224, %dma_start3A_225] : memref<5x80x32xf32, #tpu.memory_space<vmem>> -> memref<1x80x32xf32, #tpu.memory_space<vmem>>
      %dma_start3A_227 = tpu.memref_squeeze %dma_start3A_226 : memref<1x80x32xf32, #tpu.memory_space<vmem>> -> memref<80x32xf32, #tpu.memory_space<vmem>>
      tpu.enqueue_dma source(%dma_start3A_227 : memref<80x32xf32, #tpu.memory_space<vmem>>) target(%dma_start3A_223 : memref<80x32xf32, #tpu.memory_space<hbm>>) target_semaphore(%arg14 : memref<!tpu.dma_semaphore, #tpu.memory_space<semaphore_mem>>)
      %dma_wait3A_228 = arith.constant 1 : i32
      %dma_wait3A_229 = arith.constant 0 : i32
      %dma_wait3A_230 = arith.constant 0 : i32
      %dma_wait3A_231 = tpu.memref_slice %arg11[%dma_wait3A_228, %dma_wait3A_229, %dma_wait3A_230] : memref<5x80x32xf32, #tpu.memory_space<vmem>> -> memref<1x80x32xf32, #tpu.memory_space<vmem>>
      %dma_wait3A_232 = tpu.memref_squeeze %dma_wait3A_231 : memref<1x80x32xf32, #tpu.memory_space<vmem>> -> memref<80x32xf32, #tpu.memory_space<vmem>>
      %dma_wait3A_233 = arith.constant 0 : i32
      %dma_wait3A_234 = tpu.memref_slice %arg9[%add3A_39, %dma_wait3A_233] : memref<125x80xi32, #tpu.memory_space<vmem>> -> memref<1x80xi32, #tpu.memory_space<vmem>>
      %dma_wait3A_235 = tpu.memref_squeeze %dma_wait3A_234 : memref<1x80xi32, #tpu.memory_space<vmem>> -> memref<80xi32, #tpu.memory_space<vmem>>
      %dma_wait3A_236 = arith.constant 0 : i32
      %dma_wait3A_237 = arith.constant 0 : i32
      %dma_wait3A_238 = tpu.memref_slice %arg3[%dma_wait3A_236, %dma_wait3A_237] : memref<10000x32xf32, #tpu.memory_space<hbm>> -> memref<10000x32xf32, #tpu.memory_space<hbm>>
      tpu.wait_indirect_dma semaphore(%arg13 : memref<!tpu.dma_semaphore, #tpu.memory_space<semaphore_mem>>) src(%dma_wait3A_238 : memref<10000x32xf32, #tpu.memory_space<hbm>>) dst(%dma_wait3A_232 : memref<80x32xf32, #tpu.memory_space<vmem>>)
      %mul3A_239 = arith.constant 80 : i32
      %mul3A_240 = arith.muli %add3A_200, %mul3A_239 : i32
      %add3A_241 = arith.addi %mul3A_4, %mul3A_240 : i32
      %dma_start3A_242 = arith.constant 1 : i32
      %dma_start3A_243 = arith.constant 0 : i32
      %dma_start3A_244 = arith.constant 0 : i32
      %dma_start3A_245 = tpu.memref_slice %arg11[%dma_start3A_242, %dma_start3A_243, %dma_start3A_244] : memref<5x80x32xf32, #tpu.memory_space<vmem>> -> memref<1x80x32xf32, #tpu.memory_space<vmem>>
      %dma_start3A_246 = tpu.memref_squeeze %dma_start3A_245 : memref<1x80x32xf32, #tpu.memory_space<vmem>> -> memref<80x32xf32, #tpu.memory_space<vmem>>
      %dma_start3A_247 = arith.constant 0 : i32
      %dma_start3A_248 = tpu.memref_slice %arg7[%add3A_241, %dma_start3A_247] : memref<320000x32xf32, #tpu.memory_space<hbm>> -> memref<80x32xf32, #tpu.memory_space<hbm>>
      %dma_start3A_249 = arith.constant 0 : i32
      %dma_start3A_250 = tpu.memref_slice %arg7[%add3A_241, %dma_start3A_249] : memref<320000x32xf32, #tpu.memory_space<hbm>> -> memref<80x32xf32, #tpu.memory_space<hbm>>
      %dma_start3A_251 = arith.constant 0 : i32
      %dma_start3A_252 = arith.constant 0 : i32
      %dma_start3A_253 = tpu.memref_slice %arg11[%dma_start3A_242, %dma_start3A_251, %dma_start3A_252] : memref<5x80x32xf32, #tpu.memory_space<vmem>> -> memref<1x80x32xf32, #tpu.memory_space<vmem>>
      %dma_start3A_254 = tpu.memref_squeeze %dma_start3A_253 : memref<1x80x32xf32, #tpu.memory_space<vmem>> -> memref<80x32xf32, #tpu.memory_space<vmem>>
      tpu.enqueue_dma source(%dma_start3A_254 : memref<80x32xf32, #tpu.memory_space<vmem>>) target(%dma_start3A_250 : memref<80x32xf32, #tpu.memory_space<hbm>>) target_semaphore(%arg14 : memref<!tpu.dma_semaphore, #tpu.memory_space<semaphore_mem>>)
      %mul3A_255 = arith.constant 5 : i32
      %mul3A_256 = arith.muli %scan3A_10, %mul3A_255 : i32
      %add3A_257 = arith.constant 2 : i32
      %add3A_258 = arith.addi %mul3A_256, %add3A_257 : i32
      %dma_wait3A_259 = arith.constant 2 : i32
      %dma_wait3A_260 = arith.constant 0 : i32
      %dma_wait3A_261 = arith.constant 0 : i32
      %dma_wait3A_262 = tpu.memref_slice %arg10[%dma_wait3A_259, %dma_wait3A_260, %dma_wait3A_261] : memref<5x80x32xf32, #tpu.memory_space<vmem>> -> memref<1x80x32xf32, #tpu.memory_space<vmem>>
      %dma_wait3A_263 = tpu.memref_squeeze %dma_wait3A_262 : memref<1x80x32xf32, #tpu.memory_space<vmem>> -> memref<80x32xf32, #tpu.memory_space<vmem>>
      %dma_wait3A_264 = arith.constant 0 : i32
      %dma_wait3A_265 = tpu.memref_slice %arg8[%add3A_65, %dma_wait3A_264] : memref<125x80xi32, #tpu.memory_space<vmem>> -> memref<1x80xi32, #tpu.memory_space<vmem>>
      %dma_wait3A_266 = tpu.memref_squeeze %dma_wait3A_265 : memref<1x80xi32, #tpu.memory_space<vmem>> -> memref<80xi32, #tpu.memory_space<vmem>>
      %dma_wait3A_267 = arith.constant 0 : i32
      %dma_wait3A_268 = arith.constant 0 : i32
      %dma_wait3A_269 = tpu.memref_slice %arg2[%dma_wait3A_267, %dma_wait3A_268] : memref<10000x32xf32, #tpu.memory_space<hbm>> -> memref<10000x32xf32, #tpu.memory_space<hbm>>
      tpu.wait_indirect_dma semaphore(%arg12 : memref<!tpu.dma_semaphore, #tpu.memory_space<semaphore_mem>>) src(%dma_wait3A_269 : memref<10000x32xf32, #tpu.memory_space<hbm>>) dst(%dma_wait3A_263 : memref<80x32xf32, #tpu.memory_space<vmem>>)
      %mul3A_270 = arith.constant 80 : i32
      %mul3A_271 = arith.muli %add3A_258, %mul3A_270 : i32
      %add3A_272 = arith.addi %mul3A_4, %mul3A_271 : i32
      %dma_start3A_273 = arith.constant 2 : i32
      %dma_start3A_274 = arith.constant 0 : i32
      %dma_start3A_275 = arith.constant 0 : i32
      %dma_start3A_276 = tpu.memref_slice %arg10[%dma_start3A_273, %dma_start3A_274, %dma_start3A_275] : memref<5x80x32xf32, #tpu.memory_space<vmem>> -> memref<1x80x32xf32, #tpu.memory_space<vmem>>
      %dma_start3A_277 = tpu.memref_squeeze %dma_start3A_276 : memref<1x80x32xf32, #tpu.memory_space<vmem>> -> memref<80x32xf32, #tpu.memory_space<vmem>>
      %dma_start3A_278 = arith.constant 0 : i32
      %dma_start3A_279 = tpu.memref_slice %arg6[%add3A_272, %dma_start3A_278] : memref<320000x32xf32, #tpu.memory_space<hbm>> -> memref<80x32xf32, #tpu.memory_space<hbm>>
      %dma_start3A_280 = arith.constant 0 : i32
      %dma_start3A_281 = tpu.memref_slice %arg6[%add3A_272, %dma_start3A_280] : memref<320000x32xf32, #tpu.memory_space<hbm>> -> memref<80x32xf32, #tpu.memory_space<hbm>>
      %dma_start3A_282 = arith.constant 0 : i32
      %dma_start3A_283 = arith.constant 0 : i32
      %dma_start3A_284 = tpu.memref_slice %arg10[%dma_start3A_273, %dma_start3A_282, %dma_start3A_283] : memref<5x80x32xf32, #tpu.memory_space<vmem>> -> memref<1x80x32xf32, #tpu.memory_space<vmem>>
      %dma_start3A_285 = tpu.memref_squeeze %dma_start3A_284 : memref<1x80x32xf32, #tpu.memory_space<vmem>> -> memref<80x32xf32, #tpu.memory_space<vmem>>
      tpu.enqueue_dma source(%dma_start3A_285 : memref<80x32xf32, #tpu.memory_space<vmem>>) target(%dma_start3A_281 : memref<80x32xf32, #tpu.memory_space<hbm>>) target_semaphore(%arg14 : memref<!tpu.dma_semaphore, #tpu.memory_space<semaphore_mem>>)
      %dma_wait3A_286 = arith.constant 2 : i32
      %dma_wait3A_287 = arith.constant 0 : i32
      %dma_wait3A_288 = arith.constant 0 : i32
      %dma_wait3A_289 = tpu.memref_slice %arg11[%dma_wait3A_286, %dma_wait3A_287, %dma_wait3A_288] : memref<5x80x32xf32, #tpu.memory_space<vmem>> -> memref<1x80x32xf32, #tpu.memory_space<vmem>>
      %dma_wait3A_290 = tpu.memref_squeeze %dma_wait3A_289 : memref<1x80x32xf32, #tpu.memory_space<vmem>> -> memref<80x32xf32, #tpu.memory_space<vmem>>
      %dma_wait3A_291 = arith.constant 0 : i32
      %dma_wait3A_292 = tpu.memref_slice %arg9[%add3A_65, %dma_wait3A_291] : memref<125x80xi32, #tpu.memory_space<vmem>> -> memref<1x80xi32, #tpu.memory_space<vmem>>
      %dma_wait3A_293 = tpu.memref_squeeze %dma_wait3A_292 : memref<1x80xi32, #tpu.memory_space<vmem>> -> memref<80xi32, #tpu.memory_space<vmem>>
      %dma_wait3A_294 = arith.constant 0 : i32
      %dma_wait3A_295 = arith.constant 0 : i32
      %dma_wait3A_296 = tpu.memref_slice %arg3[%dma_wait3A_294, %dma_wait3A_295] : memref<10000x32xf32, #tpu.memory_space<hbm>> -> memref<10000x32xf32, #tpu.memory_space<hbm>>
      tpu.wait_indirect_dma semaphore(%arg13 : memref<!tpu.dma_semaphore, #tpu.memory_space<semaphore_mem>>) src(%dma_wait3A_296 : memref<10000x32xf32, #tpu.memory_space<hbm>>) dst(%dma_wait3A_290 : memref<80x32xf32, #tpu.memory_space<vmem>>)
      %mul3A_297 = arith.constant 80 : i32
      %mul3A_298 = arith.muli %add3A_258, %mul3A_297 : i32
      %add3A_299 = arith.addi %mul3A_4, %mul3A_298 : i32
      %dma_start3A_300 = arith.constant 2 : i32
      %dma_start3A_301 = arith.constant 0 : i32
      %dma_start3A_302 = arith.constant 0 : i32
      %dma_start3A_303 = tpu.memref_slice %arg11[%dma_start3A_300, %dma_start3A_301, %dma_start3A_302] : memref<5x80x32xf32, #tpu.memory_space<vmem>> -> memref<1x80x32xf32, #tpu.memory_space<vmem>>
      %dma_start3A_304 = tpu.memref_squeeze %dma_start3A_303 : memref<1x80x32xf32, #tpu.memory_space<vmem>> -> memref<80x32xf32, #tpu.memory_space<vmem>>
      %dma_start3A_305 = arith.constant 0 : i32
      %dma_start3A_306 = tpu.memref_slice %arg7[%add3A_299, %dma_start3A_305] : memref<320000x32xf32, #tpu.memory_space<hbm>> -> memref<80x32xf32, #tpu.memory_space<hbm>>
      %dma_start3A_307 = arith.constant 0 : i32
      %dma_start3A_308 = tpu.memref_slice %arg7[%add3A_299, %dma_start3A_307] : memref<320000x32xf32, #tpu.memory_space<hbm>> -> memref<80x32xf32, #tpu.memory_space<hbm>>
      %dma_start3A_309 = arith.constant 0 : i32
      %dma_start3A_310 = arith.constant 0 : i32
      %dma_start3A_311 = tpu.memref_slice %arg11[%dma_start3A_300, %dma_start3A_309, %dma_start3A_310] : memref<5x80x32xf32, #tpu.memory_space<vmem>> -> memref<1x80x32xf32, #tpu.memory_space<vmem>>
      %dma_start3A_312 = tpu.memref_squeeze %dma_start3A_311 : memref<1x80x32xf32, #tpu.memory_space<vmem>> -> memref<80x32xf32, #tpu.memory_space<vmem>>
      tpu.enqueue_dma source(%dma_start3A_312 : memref<80x32xf32, #tpu.memory_space<vmem>>) target(%dma_start3A_308 : memref<80x32xf32, #tpu.memory_space<hbm>>) target_semaphore(%arg14 : memref<!tpu.dma_semaphore, #tpu.memory_space<semaphore_mem>>)
      %mul3A_313 = arith.constant 5 : i32
      %mul3A_314 = arith.muli %scan3A_10, %mul3A_313 : i32
      %add3A_315 = arith.constant 3 : i32
      %add3A_316 = arith.addi %mul3A_314, %add3A_315 : i32
      %dma_wait3A_317 = arith.constant 3 : i32
      %dma_wait3A_318 = arith.constant 0 : i32
      %dma_wait3A_319 = arith.constant 0 : i32
      %dma_wait3A_320 = tpu.memref_slice %arg10[%dma_wait3A_317, %dma_wait3A_318, %dma_wait3A_319] : memref<5x80x32xf32, #tpu.memory_space<vmem>> -> memref<1x80x32xf32, #tpu.memory_space<vmem>>
      %dma_wait3A_321 = tpu.memref_squeeze %dma_wait3A_320 : memref<1x80x32xf32, #tpu.memory_space<vmem>> -> memref<80x32xf32, #tpu.memory_space<vmem>>
      %dma_wait3A_322 = arith.constant 0 : i32
      %dma_wait3A_323 = tpu.memref_slice %arg8[%add3A_91, %dma_wait3A_322] : memref<125x80xi32, #tpu.memory_space<vmem>> -> memref<1x80xi32, #tpu.memory_space<vmem>>
      %dma_wait3A_324 = tpu.memref_squeeze %dma_wait3A_323 : memref<1x80xi32, #tpu.memory_space<vmem>> -> memref<80xi32, #tpu.memory_space<vmem>>
      %dma_wait3A_325 = arith.constant 0 : i32
      %dma_wait3A_326 = arith.constant 0 : i32
      %dma_wait3A_327 = tpu.memref_slice %arg2[%dma_wait3A_325, %dma_wait3A_326] : memref<10000x32xf32, #tpu.memory_space<hbm>> -> memref<10000x32xf32, #tpu.memory_space<hbm>>
      tpu.wait_indirect_dma semaphore(%arg12 : memref<!tpu.dma_semaphore, #tpu.memory_space<semaphore_mem>>) src(%dma_wait3A_327 : memref<10000x32xf32, #tpu.memory_space<hbm>>) dst(%dma_wait3A_321 : memref<80x32xf32, #tpu.memory_space<vmem>>)
      %mul3A_328 = arith.constant 80 : i32
      %mul3A_329 = arith.muli %add3A_316, %mul3A_328 : i32
      %add3A_330 = arith.addi %mul3A_4, %mul3A_329 : i32
      %dma_start3A_331 = arith.constant 3 : i32
      %dma_start3A_332 = arith.constant 0 : i32
      %dma_start3A_333 = arith.constant 0 : i32
      %dma_start3A_334 = tpu.memref_slice %arg10[%dma_start3A_331, %dma_start3A_332, %dma_start3A_333] : memref<5x80x32xf32, #tpu.memory_space<vmem>> -> memref<1x80x32xf32, #tpu.memory_space<vmem>>
      %dma_start3A_335 = tpu.memref_squeeze %dma_start3A_334 : memref<1x80x32xf32, #tpu.memory_space<vmem>> -> memref<80x32xf32, #tpu.memory_space<vmem>>
      %dma_start3A_336 = arith.constant 0 : i32
      %dma_start3A_337 = tpu.memref_slice %arg6[%add3A_330, %dma_start3A_336] : memref<320000x32xf32, #tpu.memory_space<hbm>> -> memref<80x32xf32, #tpu.memory_space<hbm>>
      %dma_start3A_338 = arith.constant 0 : i32
      %dma_start3A_339 = tpu.memref_slice %arg6[%add3A_330, %dma_start3A_338] : memref<320000x32xf32, #tpu.memory_space<hbm>> -> memref<80x32xf32, #tpu.memory_space<hbm>>
      %dma_start3A_340 = arith.constant 0 : i32
      %dma_start3A_341 = arith.constant 0 : i32
      %dma_start3A_342 = tpu.memref_slice %arg10[%dma_start3A_331, %dma_start3A_340, %dma_start3A_341] : memref<5x80x32xf32, #tpu.memory_space<vmem>> -> memref<1x80x32xf32, #tpu.memory_space<vmem>>
      %dma_start3A_343 = tpu.memref_squeeze %dma_start3A_342 : memref<1x80x32xf32, #tpu.memory_space<vmem>> -> memref<80x32xf32, #tpu.memory_space<vmem>>
      tpu.enqueue_dma source(%dma_start3A_343 : memref<80x32xf32, #tpu.memory_space<vmem>>) target(%dma_start3A_339 : memref<80x32xf32, #tpu.memory_space<hbm>>) target_semaphore(%arg14 : memref<!tpu.dma_semaphore, #tpu.memory_space<semaphore_mem>>)
      %dma_wait3A_344 = arith.constant 3 : i32
      %dma_wait3A_345 = arith.constant 0 : i32
      %dma_wait3A_346 = arith.constant 0 : i32
      %dma_wait3A_347 = tpu.memref_slice %arg11[%dma_wait3A_344, %dma_wait3A_345, %dma_wait3A_346] : memref<5x80x32xf32, #tpu.memory_space<vmem>> -> memref<1x80x32xf32, #tpu.memory_space<vmem>>
      %dma_wait3A_348 = tpu.memref_squeeze %dma_wait3A_347 : memref<1x80x32xf32, #tpu.memory_space<vmem>> -> memref<80x32xf32, #tpu.memory_space<vmem>>
      %dma_wait3A_349 = arith.constant 0 : i32
      %dma_wait3A_350 = tpu.memref_slice %arg9[%add3A_91, %dma_wait3A_349] : memref<125x80xi32, #tpu.memory_space<vmem>> -> memref<1x80xi32, #tpu.memory_space<vmem>>
      %dma_wait3A_351 = tpu.memref_squeeze %dma_wait3A_350 : memref<1x80xi32, #tpu.memory_space<vmem>> -> memref<80xi32, #tpu.memory_space<vmem>>
      %dma_wait3A_352 = arith.constant 0 : i32
      %dma_wait3A_353 = arith.constant 0 : i32
      %dma_wait3A_354 = tpu.memref_slice %arg3[%dma_wait3A_352, %dma_wait3A_353] : memref<10000x32xf32, #tpu.memory_space<hbm>> -> memref<10000x32xf32, #tpu.memory_space<hbm>>
      tpu.wait_indirect_dma semaphore(%arg13 : memref<!tpu.dma_semaphore, #tpu.memory_space<semaphore_mem>>) src(%dma_wait3A_354 : memref<10000x32xf32, #tpu.memory_space<hbm>>) dst(%dma_wait3A_348 : memref<80x32xf32, #tpu.memory_space<vmem>>)
      %mul3A_355 = arith.constant 80 : i32
      %mul3A_356 = arith.muli %add3A_316, %mul3A_355 : i32
      %add3A_357 = arith.addi %mul3A_4, %mul3A_356 : i32
      %dma_start3A_358 = arith.constant 3 : i32
      %dma_start3A_359 = arith.constant 0 : i32
      %dma_start3A_360 = arith.constant 0 : i32
      %dma_start3A_361 = tpu.memref_slice %arg11[%dma_start3A_358, %dma_start3A_359, %dma_start3A_360] : memref<5x80x32xf32, #tpu.memory_space<vmem>> -> memref<1x80x32xf32, #tpu.memory_space<vmem>>
      %dma_start3A_362 = tpu.memref_squeeze %dma_start3A_361 : memref<1x80x32xf32, #tpu.memory_space<vmem>> -> memref<80x32xf32, #tpu.memory_space<vmem>>
      %dma_start3A_363 = arith.constant 0 : i32
      %dma_start3A_364 = tpu.memref_slice %arg7[%add3A_357, %dma_start3A_363] : memref<320000x32xf32, #tpu.memory_space<hbm>> -> memref<80x32xf32, #tpu.memory_space<hbm>>
      %dma_start3A_365 = arith.constant 0 : i32
      %dma_start3A_366 = tpu.memref_slice %arg7[%add3A_357, %dma_start3A_365] : memref<320000x32xf32, #tpu.memory_space<hbm>> -> memref<80x32xf32, #tpu.memory_space<hbm>>
      %dma_start3A_367 = arith.constant 0 : i32
      %dma_start3A_368 = arith.constant 0 : i32
      %dma_start3A_369 = tpu.memref_slice %arg11[%dma_start3A_358, %dma_start3A_367, %dma_start3A_368] : memref<5x80x32xf32, #tpu.memory_space<vmem>> -> memref<1x80x32xf32, #tpu.memory_space<vmem>>
      %dma_start3A_370 = tpu.memref_squeeze %dma_start3A_369 : memref<1x80x32xf32, #tpu.memory_space<vmem>> -> memref<80x32xf32, #tpu.memory_space<vmem>>
      tpu.enqueue_dma source(%dma_start3A_370 : memref<80x32xf32, #tpu.memory_space<vmem>>) target(%dma_start3A_366 : memref<80x32xf32, #tpu.memory_space<hbm>>) target_semaphore(%arg14 : memref<!tpu.dma_semaphore, #tpu.memory_space<semaphore_mem>>)
      %mul3A_371 = arith.constant 5 : i32
      %mul3A_372 = arith.muli %scan3A_10, %mul3A_371 : i32
      %add3A_373 = arith.constant 4 : i32
      %add3A_374 = arith.addi %mul3A_372, %add3A_373 : i32
      %dma_wait3A_375 = arith.constant 4 : i32
      %dma_wait3A_376 = arith.constant 0 : i32
      %dma_wait3A_377 = arith.constant 0 : i32
      %dma_wait3A_378 = tpu.memref_slice %arg10[%dma_wait3A_375, %dma_wait3A_376, %dma_wait3A_377] : memref<5x80x32xf32, #tpu.memory_space<vmem>> -> memref<1x80x32xf32, #tpu.memory_space<vmem>>
      %dma_wait3A_379 = tpu.memref_squeeze %dma_wait3A_378 : memref<1x80x32xf32, #tpu.memory_space<vmem>> -> memref<80x32xf32, #tpu.memory_space<vmem>>
      %dma_wait3A_380 = arith.constant 0 : i32
      %dma_wait3A_381 = tpu.memref_slice %arg8[%add3A_117, %dma_wait3A_380] : memref<125x80xi32, #tpu.memory_space<vmem>> -> memref<1x80xi32, #tpu.memory_space<vmem>>
      %dma_wait3A_382 = tpu.memref_squeeze %dma_wait3A_381 : memref<1x80xi32, #tpu.memory_space<vmem>> -> memref<80xi32, #tpu.memory_space<vmem>>
      %dma_wait3A_383 = arith.constant 0 : i32
      %dma_wait3A_384 = arith.constant 0 : i32
      %dma_wait3A_385 = tpu.memref_slice %arg2[%dma_wait3A_383, %dma_wait3A_384] : memref<10000x32xf32, #tpu.memory_space<hbm>> -> memref<10000x32xf32, #tpu.memory_space<hbm>>
      tpu.wait_indirect_dma semaphore(%arg12 : memref<!tpu.dma_semaphore, #tpu.memory_space<semaphore_mem>>) src(%dma_wait3A_385 : memref<10000x32xf32, #tpu.memory_space<hbm>>) dst(%dma_wait3A_379 : memref<80x32xf32, #tpu.memory_space<vmem>>)
      %mul3A_386 = arith.constant 80 : i32
      %mul3A_387 = arith.muli %add3A_374, %mul3A_386 : i32
      %add3A_388 = arith.addi %mul3A_4, %mul3A_387 : i32
      %dma_start3A_389 = arith.constant 4 : i32
      %dma_start3A_390 = arith.constant 0 : i32
      %dma_start3A_391 = arith.constant 0 : i32
      %dma_start3A_392 = tpu.memref_slice %arg10[%dma_start3A_389, %dma_start3A_390, %dma_start3A_391] : memref<5x80x32xf32, #tpu.memory_space<vmem>> -> memref<1x80x32xf32, #tpu.memory_space<vmem>>
      %dma_start3A_393 = tpu.memref_squeeze %dma_start3A_392 : memref<1x80x32xf32, #tpu.memory_space<vmem>> -> memref<80x32xf32, #tpu.memory_space<vmem>>
      %dma_start3A_394 = arith.constant 0 : i32
      %dma_start3A_395 = tpu.memref_slice %arg6[%add3A_388, %dma_start3A_394] : memref<320000x32xf32, #tpu.memory_space<hbm>> -> memref<80x32xf32, #tpu.memory_space<hbm>>
      %dma_start3A_396 = arith.constant 0 : i32
      %dma_start3A_397 = tpu.memref_slice %arg6[%add3A_388, %dma_start3A_396] : memref<320000x32xf32, #tpu.memory_space<hbm>> -> memref<80x32xf32, #tpu.memory_space<hbm>>
      %dma_start3A_398 = arith.constant 0 : i32
      %dma_start3A_399 = arith.constant 0 : i32
      %dma_start3A_400 = tpu.memref_slice %arg10[%dma_start3A_389, %dma_start3A_398, %dma_start3A_399] : memref<5x80x32xf32, #tpu.memory_space<vmem>> -> memref<1x80x32xf32, #tpu.memory_space<vmem>>
      %dma_start3A_401 = tpu.memref_squeeze %dma_start3A_400 : memref<1x80x32xf32, #tpu.memory_space<vmem>> -> memref<80x32xf32, #tpu.memory_space<vmem>>
      tpu.enqueue_dma source(%dma_start3A_401 : memref<80x32xf32, #tpu.memory_space<vmem>>) target(%dma_start3A_397 : memref<80x32xf32, #tpu.memory_space<hbm>>) target_semaphore(%arg14 : memref<!tpu.dma_semaphore, #tpu.memory_space<semaphore_mem>>)
      %dma_wait3A_402 = arith.constant 4 : i32
      %dma_wait3A_403 = arith.constant 0 : i32
      %dma_wait3A_404 = arith.constant 0 : i32
      %dma_wait3A_405 = tpu.memref_slice %arg11[%dma_wait3A_402, %dma_wait3A_403, %dma_wait3A_404] : memref<5x80x32xf32, #tpu.memory_space<vmem>> -> memref<1x80x32xf32, #tpu.memory_space<vmem>>
      %dma_wait3A_406 = tpu.memref_squeeze %dma_wait3A_405 : memref<1x80x32xf32, #tpu.memory_space<vmem>> -> memref<80x32xf32, #tpu.memory_space<vmem>>
      %dma_wait3A_407 = arith.constant 0 : i32
      %dma_wait3A_408 = tpu.memref_slice %arg9[%add3A_117, %dma_wait3A_407] : memref<125x80xi32, #tpu.memory_space<vmem>> -> memref<1x80xi32, #tpu.memory_space<vmem>>
      %dma_wait3A_409 = tpu.memref_squeeze %dma_wait3A_408 : memref<1x80xi32, #tpu.memory_space<vmem>> -> memref<80xi32, #tpu.memory_space<vmem>>
      %dma_wait3A_410 = arith.constant 0 : i32
      %dma_wait3A_411 = arith.constant 0 : i32
      %dma_wait3A_412 = tpu.memref_slice %arg3[%dma_wait3A_410, %dma_wait3A_411] : memref<10000x32xf32, #tpu.memory_space<hbm>> -> memref<10000x32xf32, #tpu.memory_space<hbm>>
      tpu.wait_indirect_dma semaphore(%arg13 : memref<!tpu.dma_semaphore, #tpu.memory_space<semaphore_mem>>) src(%dma_wait3A_412 : memref<10000x32xf32, #tpu.memory_space<hbm>>) dst(%dma_wait3A_406 : memref<80x32xf32, #tpu.memory_space<vmem>>)
      %mul3A_413 = arith.constant 80 : i32
      %mul3A_414 = arith.muli %add3A_374, %mul3A_413 : i32
      %add3A_415 = arith.addi %mul3A_4, %mul3A_414 : i32
      %dma_start3A_416 = arith.constant 4 : i32
      %dma_start3A_417 = arith.constant 0 : i32
      %dma_start3A_418 = arith.constant 0 : i32
      %dma_start3A_419 = tpu.memref_slice %arg11[%dma_start3A_416, %dma_start3A_417, %dma_start3A_418] : memref<5x80x32xf32, #tpu.memory_space<vmem>> -> memref<1x80x32xf32, #tpu.memory_space<vmem>>
      %dma_start3A_420 = tpu.memref_squeeze %dma_start3A_419 : memref<1x80x32xf32, #tpu.memory_space<vmem>> -> memref<80x32xf32, #tpu.memory_space<vmem>>
      %dma_start3A_421 = arith.constant 0 : i32
      %dma_start3A_422 = tpu.memref_slice %arg7[%add3A_415, %dma_start3A_421] : memref<320000x32xf32, #tpu.memory_space<hbm>> -> memref<80x32xf32, #tpu.memory_space<hbm>>
      %dma_start3A_423 = arith.constant 0 : i32
      %dma_start3A_424 = tpu.memref_slice %arg7[%add3A_415, %dma_start3A_423] : memref<320000x32xf32, #tpu.memory_space<hbm>> -> memref<80x32xf32, #tpu.memory_space<hbm>>
      %dma_start3A_425 = arith.constant 0 : i32
      %dma_start3A_426 = arith.constant 0 : i32
      %dma_start3A_427 = tpu.memref_slice %arg11[%dma_start3A_416, %dma_start3A_425, %dma_start3A_426] : memref<5x80x32xf32, #tpu.memory_space<vmem>> -> memref<1x80x32xf32, #tpu.memory_space<vmem>>
      %dma_start3A_428 = tpu.memref_squeeze %dma_start3A_427 : memref<1x80x32xf32, #tpu.memory_space<vmem>> -> memref<80x32xf32, #tpu.memory_space<vmem>>
      tpu.enqueue_dma source(%dma_start3A_428 : memref<80x32xf32, #tpu.memory_space<vmem>>) target(%dma_start3A_424 : memref<80x32xf32, #tpu.memory_space<hbm>>) target_semaphore(%arg14 : memref<!tpu.dma_semaphore, #tpu.memory_space<semaphore_mem>>)
      %dma_wait3A_429 = arith.constant 0 : i32
      %dma_wait3A_430 = arith.constant 0 : i32
      %dma_wait3A_431 = arith.constant 0 : i32
      %dma_wait3A_432 = tpu.memref_slice %arg10[%dma_wait3A_429, %dma_wait3A_430, %dma_wait3A_431] : memref<5x80x32xf32, #tpu.memory_space<vmem>> -> memref<1x80x32xf32, #tpu.memory_space<vmem>>
      %dma_wait3A_433 = tpu.memref_squeeze %dma_wait3A_432 : memref<1x80x32xf32, #tpu.memory_space<vmem>> -> memref<80x32xf32, #tpu.memory_space<vmem>>
      %dma_wait3A_434 = arith.constant 0 : i32
      %dma_wait3A_435 = tpu.memref_slice %arg6[%add3A_156, %dma_wait3A_434] : memref<320000x32xf32, #tpu.memory_space<hbm>> -> memref<80x32xf32, #tpu.memory_space<hbm>>
      %dma_wait3A_436 = arith.constant 0 : i32
      %dma_wait3A_437 = tpu.memref_slice %arg6[%add3A_156, %dma_wait3A_436] : memref<320000x32xf32, #tpu.memory_space<hbm>> -> memref<80x32xf32, #tpu.memory_space<hbm>>
      %dma_wait3A_438 = arith.constant 0 : i32
      %dma_wait3A_439 = arith.constant 0 : i32
      %dma_wait3A_440 = tpu.memref_slice %arg10[%dma_wait3A_429, %dma_wait3A_438, %dma_wait3A_439] : memref<5x80x32xf32, #tpu.memory_space<vmem>> -> memref<1x80x32xf32, #tpu.memory_space<vmem>>
      %dma_wait3A_441 = tpu.memref_squeeze %dma_wait3A_440 : memref<1x80x32xf32, #tpu.memory_space<vmem>> -> memref<80x32xf32, #tpu.memory_space<vmem>>
      tpu.wait_dma2 semaphore(%arg14 : memref<!tpu.dma_semaphore, #tpu.memory_space<semaphore_mem>>) src(%dma_wait3A_441 : memref<80x32xf32, #tpu.memory_space<vmem>>) dst(%dma_wait3A_437 : memref<80x32xf32, #tpu.memory_space<hbm>>)
      %dma_wait3A_442 = arith.constant 0 : i32
      %dma_wait3A_443 = arith.constant 0 : i32
      %dma_wait3A_444 = arith.constant 0 : i32
      %dma_wait3A_445 = tpu.memref_slice %arg11[%dma_wait3A_442, %dma_wait3A_443, %dma_wait3A_444] : memref<5x80x32xf32, #tpu.memory_space<vmem>> -> memref<1x80x32xf32, #tpu.memory_space<vmem>>
      %dma_wait3A_446 = tpu.memref_squeeze %dma_wait3A_445 : memref<1x80x32xf32, #tpu.memory_space<vmem>> -> memref<80x32xf32, #tpu.memory_space<vmem>>
      %dma_wait3A_447 = arith.constant 0 : i32
      %dma_wait3A_448 = tpu.memref_slice %arg7[%add3A_183, %dma_wait3A_447] : memref<320000x32xf32, #tpu.memory_space<hbm>> -> memref<80x32xf32, #tpu.memory_space<hbm>>
      %dma_wait3A_449 = arith.constant 0 : i32
      %dma_wait3A_450 = tpu.memref_slice %arg7[%add3A_183, %dma_wait3A_449] : memref<320000x32xf32, #tpu.memory_space<hbm>> -> memref<80x32xf32, #tpu.memory_space<hbm>>
      %dma_wait3A_451 = arith.constant 0 : i32
      %dma_wait3A_452 = arith.constant 0 : i32
      %dma_wait3A_453 = tpu.memref_slice %arg11[%dma_wait3A_442, %dma_wait3A_451, %dma_wait3A_452] : memref<5x80x32xf32, #tpu.memory_space<vmem>> -> memref<1x80x32xf32, #tpu.memory_space<vmem>>
      %dma_wait3A_454 = tpu.memref_squeeze %dma_wait3A_453 : memref<1x80x32xf32, #tpu.memory_space<vmem>> -> memref<80x32xf32, #tpu.memory_space<vmem>>
      tpu.wait_dma2 semaphore(%arg14 : memref<!tpu.dma_semaphore, #tpu.memory_space<semaphore_mem>>) src(%dma_wait3A_454 : memref<80x32xf32, #tpu.memory_space<vmem>>) dst(%dma_wait3A_450 : memref<80x32xf32, #tpu.memory_space<hbm>>)
      %dma_wait3A_455 = arith.constant 1 : i32
      %dma_wait3A_456 = arith.constant 0 : i32
      %dma_wait3A_457 = arith.constant 0 : i32
      %dma_wait3A_458 = tpu.memref_slice %arg10[%dma_wait3A_455, %dma_wait3A_456, %dma_wait3A_457] : memref<5x80x32xf32, #tpu.memory_space<vmem>> -> memref<1x80x32xf32, #tpu.memory_space<vmem>>
      %dma_wait3A_459 = tpu.memref_squeeze %dma_wait3A_458 : memref<1x80x32xf32, #tpu.memory_space<vmem>> -> memref<80x32xf32, #tpu.memory_space<vmem>>
      %dma_wait3A_460 = arith.constant 0 : i32
      %dma_wait3A_461 = tpu.memref_slice %arg6[%add3A_214, %dma_wait3A_460] : memref<320000x32xf32, #tpu.memory_space<hbm>> -> memref<80x32xf32, #tpu.memory_space<hbm>>
      %dma_wait3A_462 = arith.constant 0 : i32
      %dma_wait3A_463 = tpu.memref_slice %arg6[%add3A_214, %dma_wait3A_462] : memref<320000x32xf32, #tpu.memory_space<hbm>> -> memref<80x32xf32, #tpu.memory_space<hbm>>
      %dma_wait3A_464 = arith.constant 0 : i32
      %dma_wait3A_465 = arith.constant 0 : i32
      %dma_wait3A_466 = tpu.memref_slice %arg10[%dma_wait3A_455, %dma_wait3A_464, %dma_wait3A_465] : memref<5x80x32xf32, #tpu.memory_space<vmem>> -> memref<1x80x32xf32, #tpu.memory_space<vmem>>
      %dma_wait3A_467 = tpu.memref_squeeze %dma_wait3A_466 : memref<1x80x32xf32, #tpu.memory_space<vmem>> -> memref<80x32xf32, #tpu.memory_space<vmem>>
      tpu.wait_dma2 semaphore(%arg14 : memref<!tpu.dma_semaphore, #tpu.memory_space<semaphore_mem>>) src(%dma_wait3A_467 : memref<80x32xf32, #tpu.memory_space<vmem>>) dst(%dma_wait3A_463 : memref<80x32xf32, #tpu.memory_space<hbm>>)
      %dma_wait3A_468 = arith.constant 1 : i32
      %dma_wait3A_469 = arith.constant 0 : i32
      %dma_wait3A_470 = arith.constant 0 : i32
      %dma_wait3A_471 = tpu.memref_slice %arg11[%dma_wait3A_468, %dma_wait3A_469, %dma_wait3A_470] : memref<5x80x32xf32, #tpu.memory_space<vmem>> -> memref<1x80x32xf32, #tpu.memory_space<vmem>>
      %dma_wait3A_472 = tpu.memref_squeeze %dma_wait3A_471 : memref<1x80x32xf32, #tpu.memory_space<vmem>> -> memref<80x32xf32, #tpu.memory_space<vmem>>
      %dma_wait3A_473 = arith.constant 0 : i32
      %dma_wait3A_474 = tpu.memref_slice %arg7[%add3A_241, %dma_wait3A_473] : memref<320000x32xf32, #tpu.memory_space<hbm>> -> memref<80x32xf32, #tpu.memory_space<hbm>>
      %dma_wait3A_475 = arith.constant 0 : i32
      %dma_wait3A_476 = tpu.memref_slice %arg7[%add3A_241, %dma_wait3A_475] : memref<320000x32xf32, #tpu.memory_space<hbm>> -> memref<80x32xf32, #tpu.memory_space<hbm>>
      %dma_wait3A_477 = arith.constant 0 : i32
      %dma_wait3A_478 = arith.constant 0 : i32
      %dma_wait3A_479 = tpu.memref_slice %arg11[%dma_wait3A_468, %dma_wait3A_477, %dma_wait3A_478] : memref<5x80x32xf32, #tpu.memory_space<vmem>> -> memref<1x80x32xf32, #tpu.memory_space<vmem>>
      %dma_wait3A_480 = tpu.memref_squeeze %dma_wait3A_479 : memref<1x80x32xf32, #tpu.memory_space<vmem>> -> memref<80x32xf32, #tpu.memory_space<vmem>>
      tpu.wait_dma2 semaphore(%arg14 : memref<!tpu.dma_semaphore, #tpu.memory_space<semaphore_mem>>) src(%dma_wait3A_480 : memref<80x32xf32, #tpu.memory_space<vmem>>) dst(%dma_wait3A_476 : memref<80x32xf32, #tpu.memory_space<hbm>>)
      %dma_wait3A_481 = arith.constant 2 : i32
      %dma_wait3A_482 = arith.constant 0 : i32
      %dma_wait3A_483 = arith.constant 0 : i32
      %dma_wait3A_484 = tpu.memref_slice %arg10[%dma_wait3A_481, %dma_wait3A_482, %dma_wait3A_483] : memref<5x80x32xf32, #tpu.memory_space<vmem>> -> memref<1x80x32xf32, #tpu.memory_space<vmem>>
      %dma_wait3A_485 = tpu.memref_squeeze %dma_wait3A_484 : memref<1x80x32xf32, #tpu.memory_space<vmem>> -> memref<80x32xf32, #tpu.memory_space<vmem>>
      %dma_wait3A_486 = arith.constant 0 : i32
      %dma_wait3A_487 = tpu.memref_slice %arg6[%add3A_272, %dma_wait3A_486] : memref<320000x32xf32, #tpu.memory_space<hbm>> -> memref<80x32xf32, #tpu.memory_space<hbm>>
      %dma_wait3A_488 = arith.constant 0 : i32
      %dma_wait3A_489 = tpu.memref_slice %arg6[%add3A_272, %dma_wait3A_488] : memref<320000x32xf32, #tpu.memory_space<hbm>> -> memref<80x32xf32, #tpu.memory_space<hbm>>
      %dma_wait3A_490 = arith.constant 0 : i32
      %dma_wait3A_491 = arith.constant 0 : i32
      %dma_wait3A_492 = tpu.memref_slice %arg10[%dma_wait3A_481, %dma_wait3A_490, %dma_wait3A_491] : memref<5x80x32xf32, #tpu.memory_space<vmem>> -> memref<1x80x32xf32, #tpu.memory_space<vmem>>
      %dma_wait3A_493 = tpu.memref_squeeze %dma_wait3A_492 : memref<1x80x32xf32, #tpu.memory_space<vmem>> -> memref<80x32xf32, #tpu.memory_space<vmem>>
      tpu.wait_dma2 semaphore(%arg14 : memref<!tpu.dma_semaphore, #tpu.memory_space<semaphore_mem>>) src(%dma_wait3A_493 : memref<80x32xf32, #tpu.memory_space<vmem>>) dst(%dma_wait3A_489 : memref<80x32xf32, #tpu.memory_space<hbm>>)
      %dma_wait3A_494 = arith.constant 2 : i32
      %dma_wait3A_495 = arith.constant 0 : i32
      %dma_wait3A_496 = arith.constant 0 : i32
      %dma_wait3A_497 = tpu.memref_slice %arg11[%dma_wait3A_494, %dma_wait3A_495, %dma_wait3A_496] : memref<5x80x32xf32, #tpu.memory_space<vmem>> -> memref<1x80x32xf32, #tpu.memory_space<vmem>>
      %dma_wait3A_498 = tpu.memref_squeeze %dma_wait3A_497 : memref<1x80x32xf32, #tpu.memory_space<vmem>> -> memref<80x32xf32, #tpu.memory_space<vmem>>
      %dma_wait3A_499 = arith.constant 0 : i32
      %dma_wait3A_500 = tpu.memref_slice %arg7[%add3A_299, %dma_wait3A_499] : memref<320000x32xf32, #tpu.memory_space<hbm>> -> memref<80x32xf32, #tpu.memory_space<hbm>>
      %dma_wait3A_501 = arith.constant 0 : i32
      %dma_wait3A_502 = tpu.memref_slice %arg7[%add3A_299, %dma_wait3A_501] : memref<320000x32xf32, #tpu.memory_space<hbm>> -> memref<80x32xf32, #tpu.memory_space<hbm>>
      %dma_wait3A_503 = arith.constant 0 : i32
      %dma_wait3A_504 = arith.constant 0 : i32
      %dma_wait3A_505 = tpu.memref_slice %arg11[%dma_wait3A_494, %dma_wait3A_503, %dma_wait3A_504] : memref<5x80x32xf32, #tpu.memory_space<vmem>> -> memref<1x80x32xf32, #tpu.memory_space<vmem>>
      %dma_wait3A_506 = tpu.memref_squeeze %dma_wait3A_505 : memref<1x80x32xf32, #tpu.memory_space<vmem>> -> memref<80x32xf32, #tpu.memory_space<vmem>>
      tpu.wait_dma2 semaphore(%arg14 : memref<!tpu.dma_semaphore, #tpu.memory_space<semaphore_mem>>) src(%dma_wait3A_506 : memref<80x32xf32, #tpu.memory_space<vmem>>) dst(%dma_wait3A_502 : memref<80x32xf32, #tpu.memory_space<hbm>>)
      %dma_wait3A_507 = arith.constant 3 : i32
      %dma_wait3A_508 = arith.constant 0 : i32
      %dma_wait3A_509 = arith.constant 0 : i32
      %dma_wait3A_510 = tpu.memref_slice %arg10[%dma_wait3A_507, %dma_wait3A_508, %dma_wait3A_509] : memref<5x80x32xf32, #tpu.memory_space<vmem>> -> memref<1x80x32xf32, #tpu.memory_space<vmem>>
      %dma_wait3A_511 = tpu.memref_squeeze %dma_wait3A_510 : memref<1x80x32xf32, #tpu.memory_space<vmem>> -> memref<80x32xf32, #tpu.memory_space<vmem>>
      %dma_wait3A_512 = arith.constant 0 : i32
      %dma_wait3A_513 = tpu.memref_slice %arg6[%add3A_330, %dma_wait3A_512] : memref<320000x32xf32, #tpu.memory_space<hbm>> -> memref<80x32xf32, #tpu.memory_space<hbm>>
      %dma_wait3A_514 = arith.constant 0 : i32
      %dma_wait3A_515 = tpu.memref_slice %arg6[%add3A_330, %dma_wait3A_514] : memref<320000x32xf32, #tpu.memory_space<hbm>> -> memref<80x32xf32, #tpu.memory_space<hbm>>
      %dma_wait3A_516 = arith.constant 0 : i32
      %dma_wait3A_517 = arith.constant 0 : i32
      %dma_wait3A_518 = tpu.memref_slice %arg10[%dma_wait3A_507, %dma_wait3A_516, %dma_wait3A_517] : memref<5x80x32xf32, #tpu.memory_space<vmem>> -> memref<1x80x32xf32, #tpu.memory_space<vmem>>
      %dma_wait3A_519 = tpu.memref_squeeze %dma_wait3A_518 : memref<1x80x32xf32, #tpu.memory_space<vmem>> -> memref<80x32xf32, #tpu.memory_space<vmem>>
      tpu.wait_dma2 semaphore(%arg14 : memref<!tpu.dma_semaphore, #tpu.memory_space<semaphore_mem>>) src(%dma_wait3A_519 : memref<80x32xf32, #tpu.memory_space<vmem>>) dst(%dma_wait3A_515 : memref<80x32xf32, #tpu.memory_space<hbm>>)
      %dma_wait3A_520 = arith.constant 3 : i32
      %dma_wait3A_521 = arith.constant 0 : i32
      %dma_wait3A_522 = arith.constant 0 : i32
      %dma_wait3A_523 = tpu.memref_slice %arg11[%dma_wait3A_520, %dma_wait3A_521, %dma_wait3A_522] : memref<5x80x32xf32, #tpu.memory_space<vmem>> -> memref<1x80x32xf32, #tpu.memory_space<vmem>>
      %dma_wait3A_524 = tpu.memref_squeeze %dma_wait3A_523 : memref<1x80x32xf32, #tpu.memory_space<vmem>> -> memref<80x32xf32, #tpu.memory_space<vmem>>
      %dma_wait3A_525 = arith.constant 0 : i32
      %dma_wait3A_526 = tpu.memref_slice %arg7[%add3A_357, %dma_wait3A_525] : memref<320000x32xf32, #tpu.memory_space<hbm>> -> memref<80x32xf32, #tpu.memory_space<hbm>>
      %dma_wait3A_527 = arith.constant 0 : i32
      %dma_wait3A_528 = tpu.memref_slice %arg7[%add3A_357, %dma_wait3A_527] : memref<320000x32xf32, #tpu.memory_space<hbm>> -> memref<80x32xf32, #tpu.memory_space<hbm>>
      %dma_wait3A_529 = arith.constant 0 : i32
      %dma_wait3A_530 = arith.constant 0 : i32
      %dma_wait3A_531 = tpu.memref_slice %arg11[%dma_wait3A_520, %dma_wait3A_529, %dma_wait3A_530] : memref<5x80x32xf32, #tpu.memory_space<vmem>> -> memref<1x80x32xf32, #tpu.memory_space<vmem>>
      %dma_wait3A_532 = tpu.memref_squeeze %dma_wait3A_531 : memref<1x80x32xf32, #tpu.memory_space<vmem>> -> memref<80x32xf32, #tpu.memory_space<vmem>>
      tpu.wait_dma2 semaphore(%arg14 : memref<!tpu.dma_semaphore, #tpu.memory_space<semaphore_mem>>) src(%dma_wait3A_532 : memref<80x32xf32, #tpu.memory_space<vmem>>) dst(%dma_wait3A_528 : memref<80x32xf32, #tpu.memory_space<hbm>>)
      %dma_wait3A_533 = arith.constant 4 : i32
      %dma_wait3A_534 = arith.constant 0 : i32
      %dma_wait3A_535 = arith.constant 0 : i32
      %dma_wait3A_536 = tpu.memref_slice %arg10[%dma_wait3A_533, %dma_wait3A_534, %dma_wait3A_535] : memref<5x80x32xf32, #tpu.memory_space<vmem>> -> memref<1x80x32xf32, #tpu.memory_space<vmem>>
      %dma_wait3A_537 = tpu.memref_squeeze %dma_wait3A_536 : memref<1x80x32xf32, #tpu.memory_space<vmem>> -> memref<80x32xf32, #tpu.memory_space<vmem>>
      %dma_wait3A_538 = arith.constant 0 : i32
      %dma_wait3A_539 = tpu.memref_slice %arg6[%add3A_388, %dma_wait3A_538] : memref<320000x32xf32, #tpu.memory_space<hbm>> -> memref<80x32xf32, #tpu.memory_space<hbm>>
      %dma_wait3A_540 = arith.constant 0 : i32
      %dma_wait3A_541 = tpu.memref_slice %arg6[%add3A_388, %dma_wait3A_540] : memref<320000x32xf32, #tpu.memory_space<hbm>> -> memref<80x32xf32, #tpu.memory_space<hbm>>
      %dma_wait3A_542 = arith.constant 0 : i32
      %dma_wait3A_543 = arith.constant 0 : i32
      %dma_wait3A_544 = tpu.memref_slice %arg10[%dma_wait3A_533, %dma_wait3A_542, %dma_wait3A_543] : memref<5x80x32xf32, #tpu.memory_space<vmem>> -> memref<1x80x32xf32, #tpu.memory_space<vmem>>
      %dma_wait3A_545 = tpu.memref_squeeze %dma_wait3A_544 : memref<1x80x32xf32, #tpu.memory_space<vmem>> -> memref<80x32xf32, #tpu.memory_space<vmem>>
      tpu.wait_dma2 semaphore(%arg14 : memref<!tpu.dma_semaphore, #tpu.memory_space<semaphore_mem>>) src(%dma_wait3A_545 : memref<80x32xf32, #tpu.memory_space<vmem>>) dst(%dma_wait3A_541 : memref<80x32xf32, #tpu.memory_space<hbm>>)
      %dma_wait3A_546 = arith.constant 4 : i32
      %dma_wait3A_547 = arith.constant 0 : i32
      %dma_wait3A_548 = arith.constant 0 : i32
      %dma_wait3A_549 = tpu.memref_slice %arg11[%dma_wait3A_546, %dma_wait3A_547, %dma_wait3A_548] : memref<5x80x32xf32, #tpu.memory_space<vmem>> -> memref<1x80x32xf32, #tpu.memory_space<vmem>>
      %dma_wait3A_550 = tpu.memref_squeeze %dma_wait3A_549 : memref<1x80x32xf32, #tpu.memory_space<vmem>> -> memref<80x32xf32, #tpu.memory_space<vmem>>
      %dma_wait3A_551 = arith.constant 0 : i32
      %dma_wait3A_552 = tpu.memref_slice %arg7[%add3A_415, %dma_wait3A_551] : memref<320000x32xf32, #tpu.memory_space<hbm>> -> memref<80x32xf32, #tpu.memory_space<hbm>>
      %dma_wait3A_553 = arith.constant 0 : i32
      %dma_wait3A_554 = tpu.memref_slice %arg7[%add3A_415, %dma_wait3A_553] : memref<320000x32xf32, #tpu.memory_space<hbm>> -> memref<80x32xf32, #tpu.memory_space<hbm>>
      %dma_wait3A_555 = arith.constant 0 : i32
      %dma_wait3A_556 = arith.constant 0 : i32
      %dma_wait3A_557 = tpu.memref_slice %arg11[%dma_wait3A_546, %dma_wait3A_555, %dma_wait3A_556] : memref<5x80x32xf32, #tpu.memory_space<vmem>> -> memref<1x80x32xf32, #tpu.memory_space<vmem>>
      %dma_wait3A_558 = tpu.memref_squeeze %dma_wait3A_557 : memref<1x80x32xf32, #tpu.memory_space<vmem>> -> memref<80x32xf32, #tpu.memory_space<vmem>>
      tpu.wait_dma2 semaphore(%arg14 : memref<!tpu.dma_semaphore, #tpu.memory_space<semaphore_mem>>) src(%dma_wait3A_558 : memref<80x32xf32, #tpu.memory_space<vmem>>) dst(%dma_wait3A_554 : memref<80x32xf32, #tpu.memory_space<hbm>>)
    }
    %scan3A_9 = arith.constant 25 : i32
    return
  }
}

#map = affine_map<(d0, d1) -> (0, 0)>
#map1 = affine_map<(d0, d1) -> (0, 0, 0)>
module attributes {stable_mosaic.version = 14 : i64} {
  func.func @run(%arg0: i32, %arg1: i32, %arg2: memref<320000x16xf32, #tpu.memory_space<hbm>>, %arg3: memref<4000x80xi32, #tpu.memory_space<hbm>>, %arg4: memref<2x10000x16xf32, #tpu.memory_space<hbm>>, %arg5: memref<125x80xi32, #tpu.memory_space<vmem>>, %arg6: memref<4x80x16xf32, #tpu.memory_space<vmem>>, %arg7: memref<625x16xf32, #tpu.memory_space<vmem>>, %arg8: memref<10000x16xf32, #tpu.memory_space<vmem_shared>>, %arg9: memref<!tpu.dma_semaphore, #tpu.memory_space<semaphore_mem>>, %arg10: memref<!tpu.dma_semaphore, #tpu.memory_space<semaphore_mem>>) attributes {dimension_semantics = [#tpu.dimension_semantics<core_parallel>, #tpu.dimension_semantics<subcore_parallel>], iteration_bounds = array<i64: 2, 16>, scalar_prefetch = 0 : i64, scratch_operands = 6 : i64, tpu.core_type = #tpu.core_type<sc_vector_subcore>, window_params = [{transform_indices = #map}, {transform_indices = #map}, {transform_indices = #map1}]} {
    %mul3A = arith.constant 2 : i32
    %mul3A_0 = arith.muli %arg1, %mul3A : i32
    %add3A = arith.addi %mul3A_0, %arg0 : i32
    %mul3A_1 = arith.constant 125 : i32
    %mul3A_2 = arith.muli %add3A, %mul3A_1 : i32
    %mul3A_3 = arith.constant 10000 : i32
    %mul3A_4 = arith.muli %add3A, %mul3A_3 : i32
    %broadcast_in_dim3A = arith.constant 0.000000e+00 : f32
    %broadcast_in_dim3A_5 = vector.broadcast %broadcast_in_dim3A : f32 to vector<16xf32>
    %scan3A = arith.constant 0 : i32
    %scan3A_6 = arith.constant 0 : i32
    %scan3A_7 = arith.constant 625 : i32
    %scan3A_8 = arith.addi %scan3A_6, %scan3A_7 : i32
    %scan3A_9 = arith.constant 1 : i32
    scf.for %scan3A_98 = %scan3A_6 to %scan3A_8 step %scan3A_9  : i32 {
      %swap3A = arith.index_cast %scan3A_98 : i32 to index
      %swap3A_99 = arith.constant 0 : index
      %swap3A_100 = tpu.vector_load %arg7[%swap3A, %swap3A_99] {strides = array<i32>} : memref<625x16xf32, #tpu.memory_space<vmem>>, vector<1x16xf32>,
      %swap3A_101 = vector.shape_cast %swap3A_100 : vector<1x16xf32> to vector<16xf32>
      %swap3A_102 = vector.shape_cast %broadcast_in_dim3A_5 : vector<16xf32> to vector<1x16xf32>
      tpu.vector_store %arg7[%swap3A, %swap3A_99], %swap3A_102 {strides = array<i32>} : memref<625x16xf32, #tpu.memory_space<vmem>>, vector<1x16xf32>,
    }
    %scan3A_10 = arith.constant 625 : i32
    %mul3A_11 = arith.constant 625 : i32
    %mul3A_12 = arith.muli %arg1, %mul3A_11 : i32
    "tpu.region"() ({
      %run_scoped3A_98 = tpu.sem_alloc : memref<!tpu.dma_semaphore, #tpu.memory_space<semaphore_mem>>
      %dma_start3A_99 = arith.constant 0 : i32
      %dma_start3A_100 = tpu.memref_slice %arg8[%mul3A_12, %dma_start3A_99] : memref<10000x16xf32, #tpu.memory_space<vmem_shared>> -> memref<625x16xf32, #tpu.memory_space<vmem_shared>>
      %dma_start3A_101 = arith.constant 0 : i32
      %dma_start3A_102 = tpu.memref_slice %arg8[%mul3A_12, %dma_start3A_101] : memref<10000x16xf32, #tpu.memory_space<vmem_shared>> -> memref<625x16xf32, #tpu.memory_space<vmem_shared>>
      tpu.enqueue_dma source(%arg7 : memref<625x16xf32, #tpu.memory_space<vmem>>) target(%dma_start3A_102 : memref<625x16xf32, #tpu.memory_space<vmem_shared>>) target_semaphore(%run_scoped3A_98 : memref<!tpu.dma_semaphore, #tpu.memory_space<semaphore_mem>>)
      %dma_wait3A_103 = arith.constant 0 : i32
      %dma_wait3A_104 = tpu.memref_slice %arg8[%mul3A_12, %dma_wait3A_103] : memref<10000x16xf32, #tpu.memory_space<vmem_shared>> -> memref<625x16xf32, #tpu.memory_space<vmem_shared>>
      %dma_wait3A_105 = arith.constant 0 : i32
      %dma_wait3A_106 = tpu.memref_slice %arg8[%mul3A_12, %dma_wait3A_105] : memref<10000x16xf32, #tpu.memory_space<vmem_shared>> -> memref<625x16xf32, #tpu.memory_space<vmem_shared>>
      tpu.wait_dma2 semaphore(%run_scoped3A_98 : memref<!tpu.dma_semaphore, #tpu.memory_space<semaphore_mem>>) src(%arg7 : memref<625x16xf32, #tpu.memory_space<vmem>>) dst(%dma_wait3A_106 : memref<625x16xf32, #tpu.memory_space<vmem_shared>>)
      tpu.yield
    }) : () -> ()
    "tpu.region"() ({
      %run_scoped3A_98 = tpu.sem_alloc : memref<!tpu.dma_semaphore, #tpu.memory_space<semaphore_mem>>
      %dma_start3A_99 = arith.constant 0 : i32
      %dma_start3A_100 = tpu.memref_slice %arg3[%mul3A_2, %dma_start3A_99] : memref<4000x80xi32, #tpu.memory_space<hbm>> -> memref<125x80xi32, #tpu.memory_space<hbm>>
      %dma_start3A_101 = arith.constant 0 : i32
      %dma_start3A_102 = tpu.memref_slice %arg3[%mul3A_2, %dma_start3A_101] : memref<4000x80xi32, #tpu.memory_space<hbm>> -> memref<125x80xi32, #tpu.memory_space<hbm>>
      tpu.enqueue_dma source(%dma_start3A_102 : memref<125x80xi32, #tpu.memory_space<hbm>>) target(%arg5 : memref<125x80xi32, #tpu.memory_space<vmem>>) target_semaphore(%run_scoped3A_98 : memref<!tpu.dma_semaphore, #tpu.memory_space<semaphore_mem>>)
      %dma_wait3A_103 = arith.constant 0 : i32
      %dma_wait3A_104 = tpu.memref_slice %arg3[%mul3A_2, %dma_wait3A_103] : memref<4000x80xi32, #tpu.memory_space<hbm>> -> memref<125x80xi32, #tpu.memory_space<hbm>>
      %dma_wait3A_105 = arith.constant 0 : i32
      %dma_wait3A_106 = tpu.memref_slice %arg3[%mul3A_2, %dma_wait3A_105] : memref<4000x80xi32, #tpu.memory_space<hbm>> -> memref<125x80xi32, #tpu.memory_space<hbm>>
      tpu.wait_dma2 semaphore(%run_scoped3A_98 : memref<!tpu.dma_semaphore, #tpu.memory_space<semaphore_mem>>) src(%dma_wait3A_106 : memref<125x80xi32, #tpu.memory_space<hbm>>) dst(%arg5 : memref<125x80xi32, #tpu.memory_space<vmem>>)
      tpu.yield
    }) : () -> ()
    %barrier3A = arith.constant 0 : index
    tpu.barrier barrier_id(%barrier3A)
    %add3A_13 = arith.constant 0 : i32
    %add3A_14 = arith.addi %mul3A_4, %add3A_13 : i32
    %dma_start3A = arith.constant 0 : i32
    %dma_start3A_15 = arith.constant 0 : i32
    %dma_start3A_16 = arith.constant 0 : i32
    %dma_start3A_17 = tpu.memref_slice %arg6[%dma_start3A, %dma_start3A_15, %dma_start3A_16] : memref<4x80x16xf32, #tpu.memory_space<vmem>> -> memref<1x80x16xf32, #tpu.memory_space<vmem>>
    %dma_start3A_18 = tpu.memref_squeeze %dma_start3A_17 : memref<1x80x16xf32, #tpu.memory_space<vmem>> -> memref<80x16xf32, #tpu.memory_space<vmem>>
    %dma_start3A_19 = arith.constant 0 : i32
    %dma_start3A_20 = tpu.memref_slice %arg2[%add3A_14, %dma_start3A_19] : memref<320000x16xf32, #tpu.memory_space<hbm>> -> memref<80x16xf32, #tpu.memory_space<hbm>>
    %dma_start3A_21 = arith.constant 0 : i32
    %dma_start3A_22 = arith.constant 0 : i32
    %dma_start3A_23 = tpu.memref_slice %arg6[%dma_start3A, %dma_start3A_21, %dma_start3A_22] : memref<4x80x16xf32, #tpu.memory_space<vmem>> -> memref<1x80x16xf32, #tpu.memory_space<vmem>>
    %dma_start3A_24 = tpu.memref_squeeze %dma_start3A_23 : memref<1x80x16xf32, #tpu.memory_space<vmem>> -> memref<80x16xf32, #tpu.memory_space<vmem>>
    %dma_start3A_25 = arith.constant 0 : i32
    %dma_start3A_26 = tpu.memref_slice %arg2[%add3A_14, %dma_start3A_25] : memref<320000x16xf32, #tpu.memory_space<hbm>> -> memref<80x16xf32, #tpu.memory_space<hbm>>
    tpu.enqueue_dma source(%dma_start3A_26 : memref<80x16xf32, #tpu.memory_space<hbm>>) target(%dma_start3A_24 : memref<80x16xf32, #tpu.memory_space<vmem>>) target_semaphore(%arg9 : memref<!tpu.dma_semaphore, #tpu.memory_space<semaphore_mem>>)
    %add3A_27 = arith.constant 80 : i32
    %add3A_28 = arith.addi %mul3A_4, %add3A_27 : i32
    %dma_start3A_29 = arith.constant 1 : i32
    %dma_start3A_30 = arith.constant 0 : i32
    %dma_start3A_31 = arith.constant 0 : i32
    %dma_start3A_32 = tpu.memref_slice %arg6[%dma_start3A_29, %dma_start3A_30, %dma_start3A_31] : memref<4x80x16xf32, #tpu.memory_space<vmem>> -> memref<1x80x16xf32, #tpu.memory_space<vmem>>
    %dma_start3A_33 = tpu.memref_squeeze %dma_start3A_32 : memref<1x80x16xf32, #tpu.memory_space<vmem>> -> memref<80x16xf32, #tpu.memory_space<vmem>>
    %dma_start3A_34 = arith.constant 0 : i32
    %dma_start3A_35 = tpu.memref_slice %arg2[%add3A_28, %dma_start3A_34] : memref<320000x16xf32, #tpu.memory_space<hbm>> -> memref<80x16xf32, #tpu.memory_space<hbm>>
    %dma_start3A_36 = arith.constant 0 : i32
    %dma_start3A_37 = arith.constant 0 : i32
    %dma_start3A_38 = tpu.memref_slice %arg6[%dma_start3A_29, %dma_start3A_36, %dma_start3A_37] : memref<4x80x16xf32, #tpu.memory_space<vmem>> -> memref<1x80x16xf32, #tpu.memory_space<vmem>>
    %dma_start3A_39 = tpu.memref_squeeze %dma_start3A_38 : memref<1x80x16xf32, #tpu.memory_space<vmem>> -> memref<80x16xf32, #tpu.memory_space<vmem>>
    %dma_start3A_40 = arith.constant 0 : i32
    %dma_start3A_41 = tpu.memref_slice %arg2[%add3A_28, %dma_start3A_40] : memref<320000x16xf32, #tpu.memory_space<hbm>> -> memref<80x16xf32, #tpu.memory_space<hbm>>
    tpu.enqueue_dma source(%dma_start3A_41 : memref<80x16xf32, #tpu.memory_space<hbm>>) target(%dma_start3A_39 : memref<80x16xf32, #tpu.memory_space<vmem>>) target_semaphore(%arg9 : memref<!tpu.dma_semaphore, #tpu.memory_space<semaphore_mem>>)
    %add3A_42 = arith.constant 160 : i32
    %add3A_43 = arith.addi %mul3A_4, %add3A_42 : i32
    %dma_start3A_44 = arith.constant 2 : i32
    %dma_start3A_45 = arith.constant 0 : i32
    %dma_start3A_46 = arith.constant 0 : i32
    %dma_start3A_47 = tpu.memref_slice %arg6[%dma_start3A_44, %dma_start3A_45, %dma_start3A_46] : memref<4x80x16xf32, #tpu.memory_space<vmem>> -> memref<1x80x16xf32, #tpu.memory_space<vmem>>
    %dma_start3A_48 = tpu.memref_squeeze %dma_start3A_47 : memref<1x80x16xf32, #tpu.memory_space<vmem>> -> memref<80x16xf32, #tpu.memory_space<vmem>>
    %dma_start3A_49 = arith.constant 0 : i32
    %dma_start3A_50 = tpu.memref_slice %arg2[%add3A_43, %dma_start3A_49] : memref<320000x16xf32, #tpu.memory_space<hbm>> -> memref<80x16xf32, #tpu.memory_space<hbm>>
    %dma_start3A_51 = arith.constant 0 : i32
    %dma_start3A_52 = arith.constant 0 : i32
    %dma_start3A_53 = tpu.memref_slice %arg6[%dma_start3A_44, %dma_start3A_51, %dma_start3A_52] : memref<4x80x16xf32, #tpu.memory_space<vmem>> -> memref<1x80x16xf32, #tpu.memory_space<vmem>>
    %dma_start3A_54 = tpu.memref_squeeze %dma_start3A_53 : memref<1x80x16xf32, #tpu.memory_space<vmem>> -> memref<80x16xf32, #tpu.memory_space<vmem>>
    %dma_start3A_55 = arith.constant 0 : i32
    %dma_start3A_56 = tpu.memref_slice %arg2[%add3A_43, %dma_start3A_55] : memref<320000x16xf32, #tpu.memory_space<hbm>> -> memref<80x16xf32, #tpu.memory_space<hbm>>
    tpu.enqueue_dma source(%dma_start3A_56 : memref<80x16xf32, #tpu.memory_space<hbm>>) target(%dma_start3A_54 : memref<80x16xf32, #tpu.memory_space<vmem>>) target_semaphore(%arg9 : memref<!tpu.dma_semaphore, #tpu.memory_space<semaphore_mem>>)
    %add3A_57 = arith.constant 240 : i32
    %add3A_58 = arith.addi %mul3A_4, %add3A_57 : i32
    %dma_start3A_59 = arith.constant 3 : i32
    %dma_start3A_60 = arith.constant 0 : i32
    %dma_start3A_61 = arith.constant 0 : i32
    %dma_start3A_62 = tpu.memref_slice %arg6[%dma_start3A_59, %dma_start3A_60, %dma_start3A_61] : memref<4x80x16xf32, #tpu.memory_space<vmem>> -> memref<1x80x16xf32, #tpu.memory_space<vmem>>
    %dma_start3A_63 = tpu.memref_squeeze %dma_start3A_62 : memref<1x80x16xf32, #tpu.memory_space<vmem>> -> memref<80x16xf32, #tpu.memory_space<vmem>>
    %dma_start3A_64 = arith.constant 0 : i32
    %dma_start3A_65 = tpu.memref_slice %arg2[%add3A_58, %dma_start3A_64] : memref<320000x16xf32, #tpu.memory_space<hbm>> -> memref<80x16xf32, #tpu.memory_space<hbm>>
    %dma_start3A_66 = arith.constant 0 : i32
    %dma_start3A_67 = arith.constant 0 : i32
    %dma_start3A_68 = tpu.memref_slice %arg6[%dma_start3A_59, %dma_start3A_66, %dma_start3A_67] : memref<4x80x16xf32, #tpu.memory_space<vmem>> -> memref<1x80x16xf32, #tpu.memory_space<vmem>>
    %dma_start3A_69 = tpu.memref_squeeze %dma_start3A_68 : memref<1x80x16xf32, #tpu.memory_space<vmem>> -> memref<80x16xf32, #tpu.memory_space<vmem>>
    %dma_start3A_70 = arith.constant 0 : i32
    %dma_start3A_71 = tpu.memref_slice %arg2[%add3A_58, %dma_start3A_70] : memref<320000x16xf32, #tpu.memory_space<hbm>> -> memref<80x16xf32, #tpu.memory_space<hbm>>
    tpu.enqueue_dma source(%dma_start3A_71 : memref<80x16xf32, #tpu.memory_space<hbm>>) target(%dma_start3A_69 : memref<80x16xf32, #tpu.memory_space<vmem>>) target_semaphore(%arg9 : memref<!tpu.dma_semaphore, #tpu.memory_space<semaphore_mem>>)
    %scan3A_72 = arith.constant 0 : i32
    %scan3A_73 = arith.constant 0 : i32
    %scan3A_74 = arith.constant 31 : i32
    %scan3A_75 = arith.addi %scan3A_73, %scan3A_74 : i32
    %scan3A_76 = arith.constant 1 : i32
    scf.for %scan3A_98 = %scan3A_73 to %scan3A_75 step %scan3A_76  : i32 {
      %mul3A_99 = arith.constant 4 : i32
      %mul3A_100 = arith.muli %mul3A_99, %scan3A_98 : i32
      %add3A_101 = arith.constant 0 : i32
      %add3A_102 = arith.addi %mul3A_100, %add3A_101 : i32
      %mul3A_103 = arith.constant 80 : i32
      %mul3A_104 = arith.muli %add3A_102, %mul3A_103 : i32
      %add3A_105 = arith.addi %mul3A_4, %mul3A_104 : i32
      %dma_wait3A_106 = arith.constant 0 : i32
      %dma_wait3A_107 = arith.constant 0 : i32
      %dma_wait3A_108 = arith.constant 0 : i32
      %dma_wait3A_109 = tpu.memref_slice %arg6[%dma_wait3A_106, %dma_wait3A_107, %dma_wait3A_108] : memref<4x80x16xf32, #tpu.memory_space<vmem>> -> memref<1x80x16xf32, #tpu.memory_space<vmem>>
      %dma_wait3A_110 = tpu.memref_squeeze %dma_wait3A_109 : memref<1x80x16xf32, #tpu.memory_space<vmem>> -> memref<80x16xf32, #tpu.memory_space<vmem>>
      %dma_wait3A_111 = arith.constant 0 : i32
      %dma_wait3A_112 = tpu.memref_slice %arg2[%add3A_105, %dma_wait3A_111] : memref<320000x16xf32, #tpu.memory_space<hbm>> -> memref<80x16xf32, #tpu.memory_space<hbm>>
      %dma_wait3A_113 = arith.constant 0 : i32
      %dma_wait3A_114 = arith.constant 0 : i32
      %dma_wait3A_115 = tpu.memref_slice %arg6[%dma_wait3A_106, %dma_wait3A_113, %dma_wait3A_114] : memref<4x80x16xf32, #tpu.memory_space<vmem>> -> memref<1x80x16xf32, #tpu.memory_space<vmem>>
      %dma_wait3A_116 = tpu.memref_squeeze %dma_wait3A_115 : memref<1x80x16xf32, #tpu.memory_space<vmem>> -> memref<80x16xf32, #tpu.memory_space<vmem>>
      %dma_wait3A_117 = arith.constant 0 : i32
      %dma_wait3A_118 = tpu.memref_slice %arg2[%add3A_105, %dma_wait3A_117] : memref<320000x16xf32, #tpu.memory_space<hbm>> -> memref<80x16xf32, #tpu.memory_space<hbm>>
      tpu.wait_dma2 semaphore(%arg9 : memref<!tpu.dma_semaphore, #tpu.memory_space<semaphore_mem>>) src(%dma_wait3A_118 : memref<80x16xf32, #tpu.memory_space<hbm>>) dst(%dma_wait3A_116 : memref<80x16xf32, #tpu.memory_space<vmem>>)
      %add3A_119 = arith.constant 0 : i32
      %add3A_120 = arith.addi %mul3A_100, %add3A_119 : i32
      %dma_start3A_121 = arith.constant 0 : i32
      %dma_start3A_122 = arith.constant 0 : i32
      %dma_start3A_123 = arith.constant 0 : i32
      %dma_start3A_124 = tpu.memref_slice %arg6[%dma_start3A_121, %dma_start3A_122, %dma_start3A_123] : memref<4x80x16xf32, #tpu.memory_space<vmem>> -> memref<1x80x16xf32, #tpu.memory_space<vmem>>
      %dma_start3A_125 = tpu.memref_squeeze %dma_start3A_124 : memref<1x80x16xf32, #tpu.memory_space<vmem>> -> memref<80x16xf32, #tpu.memory_space<vmem>>
      %dma_start3A_126 = arith.constant 0 : i32
      %dma_start3A_127 = tpu.memref_slice %arg5[%add3A_120, %dma_start3A_126] : memref<125x80xi32, #tpu.memory_space<vmem>> -> memref<1x80xi32, #tpu.memory_space<vmem>>
      %dma_start3A_128 = tpu.memref_squeeze %dma_start3A_127 : memref<1x80xi32, #tpu.memory_space<vmem>> -> memref<80xi32, #tpu.memory_space<vmem>>
      %dma_start3A_129 = arith.constant 0 : i32
      %dma_start3A_130 = arith.constant 0 : i32
      %dma_start3A_131 = tpu.memref_slice %arg8[%dma_start3A_129, %dma_start3A_130] : memref<10000x16xf32, #tpu.memory_space<vmem_shared>> -> memref<10000x16xf32, #tpu.memory_space<vmem_shared>>
      tpu.enqueue_indirect_dma source(%dma_start3A_125 : memref<80x16xf32, #tpu.memory_space<vmem>>) target(%dma_start3A_131 : memref<10000x16xf32, #tpu.memory_space<vmem_shared>>) offsets(%dma_start3A_128 : memref<80xi32, #tpu.memory_space<vmem>>) semaphore(%arg10 : memref<!tpu.dma_semaphore, #tpu.memory_space<semaphore_mem>>) {add = true}
      %add3A_132 = arith.constant 1 : i32
      %add3A_133 = arith.addi %mul3A_100, %add3A_132 : i32
      %mul3A_134 = arith.constant 80 : i32
      %mul3A_135 = arith.muli %add3A_133, %mul3A_134 : i32
      %add3A_136 = arith.addi %mul3A_4, %mul3A_135 : i32
      %dma_wait3A_137 = arith.constant 1 : i32
      %dma_wait3A_138 = arith.constant 0 : i32
      %dma_wait3A_139 = arith.constant 0 : i32
      %dma_wait3A_140 = tpu.memref_slice %arg6[%dma_wait3A_137, %dma_wait3A_138, %dma_wait3A_139] : memref<4x80x16xf32, #tpu.memory_space<vmem>> -> memref<1x80x16xf32, #tpu.memory_space<vmem>>
      %dma_wait3A_141 = tpu.memref_squeeze %dma_wait3A_140 : memref<1x80x16xf32, #tpu.memory_space<vmem>> -> memref<80x16xf32, #tpu.memory_space<vmem>>
      %dma_wait3A_142 = arith.constant 0 : i32
      %dma_wait3A_143 = tpu.memref_slice %arg2[%add3A_136, %dma_wait3A_142] : memref<320000x16xf32, #tpu.memory_space<hbm>> -> memref<80x16xf32, #tpu.memory_space<hbm>>
      %dma_wait3A_144 = arith.constant 0 : i32
      %dma_wait3A_145 = arith.constant 0 : i32
      %dma_wait3A_146 = tpu.memref_slice %arg6[%dma_wait3A_137, %dma_wait3A_144, %dma_wait3A_145] : memref<4x80x16xf32, #tpu.memory_space<vmem>> -> memref<1x80x16xf32, #tpu.memory_space<vmem>>
      %dma_wait3A_147 = tpu.memref_squeeze %dma_wait3A_146 : memref<1x80x16xf32, #tpu.memory_space<vmem>> -> memref<80x16xf32, #tpu.memory_space<vmem>>
      %dma_wait3A_148 = arith.constant 0 : i32
      %dma_wait3A_149 = tpu.memref_slice %arg2[%add3A_136, %dma_wait3A_148] : memref<320000x16xf32, #tpu.memory_space<hbm>> -> memref<80x16xf32, #tpu.memory_space<hbm>>
      tpu.wait_dma2 semaphore(%arg9 : memref<!tpu.dma_semaphore, #tpu.memory_space<semaphore_mem>>) src(%dma_wait3A_149 : memref<80x16xf32, #tpu.memory_space<hbm>>) dst(%dma_wait3A_147 : memref<80x16xf32, #tpu.memory_space<vmem>>)
      %add3A_150 = arith.constant 1 : i32
      %add3A_151 = arith.addi %mul3A_100, %add3A_150 : i32
      %dma_start3A_152 = arith.constant 1 : i32
      %dma_start3A_153 = arith.constant 0 : i32
      %dma_start3A_154 = arith.constant 0 : i32
      %dma_start3A_155 = tpu.memref_slice %arg6[%dma_start3A_152, %dma_start3A_153, %dma_start3A_154] : memref<4x80x16xf32, #tpu.memory_space<vmem>> -> memref<1x80x16xf32, #tpu.memory_space<vmem>>
      %dma_start3A_156 = tpu.memref_squeeze %dma_start3A_155 : memref<1x80x16xf32, #tpu.memory_space<vmem>> -> memref<80x16xf32, #tpu.memory_space<vmem>>
      %dma_start3A_157 = arith.constant 0 : i32
      %dma_start3A_158 = tpu.memref_slice %arg5[%add3A_151, %dma_start3A_157] : memref<125x80xi32, #tpu.memory_space<vmem>> -> memref<1x80xi32, #tpu.memory_space<vmem>>
      %dma_start3A_159 = tpu.memref_squeeze %dma_start3A_158 : memref<1x80xi32, #tpu.memory_space<vmem>> -> memref<80xi32, #tpu.memory_space<vmem>>
      %dma_start3A_160 = arith.constant 0 : i32
      %dma_start3A_161 = arith.constant 0 : i32
      %dma_start3A_162 = tpu.memref_slice %arg8[%dma_start3A_160, %dma_start3A_161] : memref<10000x16xf32, #tpu.memory_space<vmem_shared>> -> memref<10000x16xf32, #tpu.memory_space<vmem_shared>>
      tpu.enqueue_indirect_dma source(%dma_start3A_156 : memref<80x16xf32, #tpu.memory_space<vmem>>) target(%dma_start3A_162 : memref<10000x16xf32, #tpu.memory_space<vmem_shared>>) offsets(%dma_start3A_159 : memref<80xi32, #tpu.memory_space<vmem>>) semaphore(%arg10 : memref<!tpu.dma_semaphore, #tpu.memory_space<semaphore_mem>>) {add = true}
      %add3A_163 = arith.constant 2 : i32
      %add3A_164 = arith.addi %mul3A_100, %add3A_163 : i32
      %mul3A_165 = arith.constant 80 : i32
      %mul3A_166 = arith.muli %add3A_164, %mul3A_165 : i32
      %add3A_167 = arith.addi %mul3A_4, %mul3A_166 : i32
      %dma_wait3A_168 = arith.constant 2 : i32
      %dma_wait3A_169 = arith.constant 0 : i32
      %dma_wait3A_170 = arith.constant 0 : i32
      %dma_wait3A_171 = tpu.memref_slice %arg6[%dma_wait3A_168, %dma_wait3A_169, %dma_wait3A_170] : memref<4x80x16xf32, #tpu.memory_space<vmem>> -> memref<1x80x16xf32, #tpu.memory_space<vmem>>
      %dma_wait3A_172 = tpu.memref_squeeze %dma_wait3A_171 : memref<1x80x16xf32, #tpu.memory_space<vmem>> -> memref<80x16xf32, #tpu.memory_space<vmem>>
      %dma_wait3A_173 = arith.constant 0 : i32
      %dma_wait3A_174 = tpu.memref_slice %arg2[%add3A_167, %dma_wait3A_173] : memref<320000x16xf32, #tpu.memory_space<hbm>> -> memref<80x16xf32, #tpu.memory_space<hbm>>
      %dma_wait3A_175 = arith.constant 0 : i32
      %dma_wait3A_176 = arith.constant 0 : i32
      %dma_wait3A_177 = tpu.memref_slice %arg6[%dma_wait3A_168, %dma_wait3A_175, %dma_wait3A_176] : memref<4x80x16xf32, #tpu.memory_space<vmem>> -> memref<1x80x16xf32, #tpu.memory_space<vmem>>
      %dma_wait3A_178 = tpu.memref_squeeze %dma_wait3A_177 : memref<1x80x16xf32, #tpu.memory_space<vmem>> -> memref<80x16xf32, #tpu.memory_space<vmem>>
      %dma_wait3A_179 = arith.constant 0 : i32
      %dma_wait3A_180 = tpu.memref_slice %arg2[%add3A_167, %dma_wait3A_179] : memref<320000x16xf32, #tpu.memory_space<hbm>> -> memref<80x16xf32, #tpu.memory_space<hbm>>
      tpu.wait_dma2 semaphore(%arg9 : memref<!tpu.dma_semaphore, #tpu.memory_space<semaphore_mem>>) src(%dma_wait3A_180 : memref<80x16xf32, #tpu.memory_space<hbm>>) dst(%dma_wait3A_178 : memref<80x16xf32, #tpu.memory_space<vmem>>)
      %add3A_181 = arith.constant 2 : i32
      %add3A_182 = arith.addi %mul3A_100, %add3A_181 : i32
      %dma_start3A_183 = arith.constant 2 : i32
      %dma_start3A_184 = arith.constant 0 : i32
      %dma_start3A_185 = arith.constant 0 : i32
      %dma_start3A_186 = tpu.memref_slice %arg6[%dma_start3A_183, %dma_start3A_184, %dma_start3A_185] : memref<4x80x16xf32, #tpu.memory_space<vmem>> -> memref<1x80x16xf32, #tpu.memory_space<vmem>>
      %dma_start3A_187 = tpu.memref_squeeze %dma_start3A_186 : memref<1x80x16xf32, #tpu.memory_space<vmem>> -> memref<80x16xf32, #tpu.memory_space<vmem>>
      %dma_start3A_188 = arith.constant 0 : i32
      %dma_start3A_189 = tpu.memref_slice %arg5[%add3A_182, %dma_start3A_188] : memref<125x80xi32, #tpu.memory_space<vmem>> -> memref<1x80xi32, #tpu.memory_space<vmem>>
      %dma_start3A_190 = tpu.memref_squeeze %dma_start3A_189 : memref<1x80xi32, #tpu.memory_space<vmem>> -> memref<80xi32, #tpu.memory_space<vmem>>
      %dma_start3A_191 = arith.constant 0 : i32
      %dma_start3A_192 = arith.constant 0 : i32
      %dma_start3A_193 = tpu.memref_slice %arg8[%dma_start3A_191, %dma_start3A_192] : memref<10000x16xf32, #tpu.memory_space<vmem_shared>> -> memref<10000x16xf32, #tpu.memory_space<vmem_shared>>
      tpu.enqueue_indirect_dma source(%dma_start3A_187 : memref<80x16xf32, #tpu.memory_space<vmem>>) target(%dma_start3A_193 : memref<10000x16xf32, #tpu.memory_space<vmem_shared>>) offsets(%dma_start3A_190 : memref<80xi32, #tpu.memory_space<vmem>>) semaphore(%arg10 : memref<!tpu.dma_semaphore, #tpu.memory_space<semaphore_mem>>) {add = true}
      %add3A_194 = arith.constant 3 : i32
      %add3A_195 = arith.addi %mul3A_100, %add3A_194 : i32
      %mul3A_196 = arith.constant 80 : i32
      %mul3A_197 = arith.muli %add3A_195, %mul3A_196 : i32
      %add3A_198 = arith.addi %mul3A_4, %mul3A_197 : i32
      %dma_wait3A_199 = arith.constant 3 : i32
      %dma_wait3A_200 = arith.constant 0 : i32
      %dma_wait3A_201 = arith.constant 0 : i32
      %dma_wait3A_202 = tpu.memref_slice %arg6[%dma_wait3A_199, %dma_wait3A_200, %dma_wait3A_201] : memref<4x80x16xf32, #tpu.memory_space<vmem>> -> memref<1x80x16xf32, #tpu.memory_space<vmem>>
      %dma_wait3A_203 = tpu.memref_squeeze %dma_wait3A_202 : memref<1x80x16xf32, #tpu.memory_space<vmem>> -> memref<80x16xf32, #tpu.memory_space<vmem>>
      %dma_wait3A_204 = arith.constant 0 : i32
      %dma_wait3A_205 = tpu.memref_slice %arg2[%add3A_198, %dma_wait3A_204] : memref<320000x16xf32, #tpu.memory_space<hbm>> -> memref<80x16xf32, #tpu.memory_space<hbm>>
      %dma_wait3A_206 = arith.constant 0 : i32
      %dma_wait3A_207 = arith.constant 0 : i32
      %dma_wait3A_208 = tpu.memref_slice %arg6[%dma_wait3A_199, %dma_wait3A_206, %dma_wait3A_207] : memref<4x80x16xf32, #tpu.memory_space<vmem>> -> memref<1x80x16xf32, #tpu.memory_space<vmem>>
      %dma_wait3A_209 = tpu.memref_squeeze %dma_wait3A_208 : memref<1x80x16xf32, #tpu.memory_space<vmem>> -> memref<80x16xf32, #tpu.memory_space<vmem>>
      %dma_wait3A_210 = arith.constant 0 : i32
      %dma_wait3A_211 = tpu.memref_slice %arg2[%add3A_198, %dma_wait3A_210] : memref<320000x16xf32, #tpu.memory_space<hbm>> -> memref<80x16xf32, #tpu.memory_space<hbm>>
      tpu.wait_dma2 semaphore(%arg9 : memref<!tpu.dma_semaphore, #tpu.memory_space<semaphore_mem>>) src(%dma_wait3A_211 : memref<80x16xf32, #tpu.memory_space<hbm>>) dst(%dma_wait3A_209 : memref<80x16xf32, #tpu.memory_space<vmem>>)
      %add3A_212 = arith.constant 3 : i32
      %add3A_213 = arith.addi %mul3A_100, %add3A_212 : i32
      %dma_start3A_214 = arith.constant 3 : i32
      %dma_start3A_215 = arith.constant 0 : i32
      %dma_start3A_216 = arith.constant 0 : i32
      %dma_start3A_217 = tpu.memref_slice %arg6[%dma_start3A_214, %dma_start3A_215, %dma_start3A_216] : memref<4x80x16xf32, #tpu.memory_space<vmem>> -> memref<1x80x16xf32, #tpu.memory_space<vmem>>
      %dma_start3A_218 = tpu.memref_squeeze %dma_start3A_217 : memref<1x80x16xf32, #tpu.memory_space<vmem>> -> memref<80x16xf32, #tpu.memory_space<vmem>>
      %dma_start3A_219 = arith.constant 0 : i32
      %dma_start3A_220 = tpu.memref_slice %arg5[%add3A_213, %dma_start3A_219] : memref<125x80xi32, #tpu.memory_space<vmem>> -> memref<1x80xi32, #tpu.memory_space<vmem>>
      %dma_start3A_221 = tpu.memref_squeeze %dma_start3A_220 : memref<1x80xi32, #tpu.memory_space<vmem>> -> memref<80xi32, #tpu.memory_space<vmem>>
      %dma_start3A_222 = arith.constant 0 : i32
      %dma_start3A_223 = arith.constant 0 : i32
      %dma_start3A_224 = tpu.memref_slice %arg8[%dma_start3A_222, %dma_start3A_223] : memref<10000x16xf32, #tpu.memory_space<vmem_shared>> -> memref<10000x16xf32, #tpu.memory_space<vmem_shared>>
      tpu.enqueue_indirect_dma source(%dma_start3A_218 : memref<80x16xf32, #tpu.memory_space<vmem>>) target(%dma_start3A_224 : memref<10000x16xf32, #tpu.memory_space<vmem_shared>>) offsets(%dma_start3A_221 : memref<80xi32, #tpu.memory_space<vmem>>) semaphore(%arg10 : memref<!tpu.dma_semaphore, #tpu.memory_space<semaphore_mem>>) {add = true}
      %add3A_225 = arith.constant 0 : i32
      %add3A_226 = arith.addi %mul3A_100, %add3A_225 : i32
      %mul3A_227 = arith.constant 80 : i32
      %mul3A_228 = arith.muli %add3A_226, %mul3A_227 : i32
      %add3A_229 = arith.addi %mul3A_4, %mul3A_228 : i32
      %dma_wait3A_230 = arith.constant 0 : i32
      %dma_wait3A_231 = arith.constant 0 : i32
      %dma_wait3A_232 = arith.constant 0 : i32
      %dma_wait3A_233 = tpu.memref_slice %arg6[%dma_wait3A_230, %dma_wait3A_231, %dma_wait3A_232] : memref<4x80x16xf32, #tpu.memory_space<vmem>> -> memref<1x80x16xf32, #tpu.memory_space<vmem>>
      %dma_wait3A_234 = tpu.memref_squeeze %dma_wait3A_233 : memref<1x80x16xf32, #tpu.memory_space<vmem>> -> memref<80x16xf32, #tpu.memory_space<vmem>>
      %dma_wait3A_235 = arith.constant 0 : i32
      %dma_wait3A_236 = tpu.memref_slice %arg2[%add3A_229, %dma_wait3A_235] : memref<320000x16xf32, #tpu.memory_space<hbm>> -> memref<80x16xf32, #tpu.memory_space<hbm>>
      %dma_wait3A_237 = arith.constant 0 : i32
      %dma_wait3A_238 = arith.constant 0 : i32
      %dma_wait3A_239 = tpu.memref_slice %arg6[%dma_wait3A_230, %dma_wait3A_237, %dma_wait3A_238] : memref<4x80x16xf32, #tpu.memory_space<vmem>> -> memref<1x80x16xf32, #tpu.memory_space<vmem>>
      %dma_wait3A_240 = tpu.memref_squeeze %dma_wait3A_239 : memref<1x80x16xf32, #tpu.memory_space<vmem>> -> memref<80x16xf32, #tpu.memory_space<vmem>>
      %dma_wait3A_241 = arith.constant 0 : i32
      %dma_wait3A_242 = tpu.memref_slice %arg2[%add3A_229, %dma_wait3A_241] : memref<320000x16xf32, #tpu.memory_space<hbm>> -> memref<80x16xf32, #tpu.memory_space<hbm>>
      tpu.wait_dma2 semaphore(%arg10 : memref<!tpu.dma_semaphore, #tpu.memory_space<semaphore_mem>>) src(%dma_wait3A_242 : memref<80x16xf32, #tpu.memory_space<hbm>>) dst(%dma_wait3A_240 : memref<80x16xf32, #tpu.memory_space<vmem>>)
      %add3A_243 = arith.constant 4 : i32
      %add3A_244 = arith.addi %mul3A_100, %add3A_243 : i32
      %add3A_245 = arith.constant 0 : i32
      %add3A_246 = arith.addi %add3A_244, %add3A_245 : i32
      %lt3A = arith.constant 125 : i32
      %lt3A_247 = arith.cmpi slt, %add3A_246, %lt3A : i32
      %convert_element_type3A = arith.extui %lt3A_247 : i1 to i32
      %cond3A = arith.constant 0 : i32
      %cond3A_248 = arith.cmpi ne, %convert_element_type3A, %cond3A : i32
      scf.if %cond3A_248 {
        %mul3A_330 = arith.constant 80 : i32
        %mul3A_331 = arith.muli %add3A_246, %mul3A_330 : i32
        %add3A_332 = arith.addi %mul3A_4, %mul3A_331 : i32
        %dma_start3A_333 = arith.constant 0 : i32
        %dma_start3A_334 = arith.constant 0 : i32
        %dma_start3A_335 = arith.constant 0 : i32
        %dma_start3A_336 = tpu.memref_slice %arg6[%dma_start3A_333, %dma_start3A_334, %dma_start3A_335] : memref<4x80x16xf32, #tpu.memory_space<vmem>> -> memref<1x80x16xf32, #tpu.memory_space<vmem>>
        %dma_start3A_337 = tpu.memref_squeeze %dma_start3A_336 : memref<1x80x16xf32, #tpu.memory_space<vmem>> -> memref<80x16xf32, #tpu.memory_space<vmem>>
        %dma_start3A_338 = arith.constant 0 : i32
        %dma_start3A_339 = tpu.memref_slice %arg2[%add3A_332, %dma_start3A_338] : memref<320000x16xf32, #tpu.memory_space<hbm>> -> memref<80x16xf32, #tpu.memory_space<hbm>>
        %dma_start3A_340 = arith.constant 0 : i32
        %dma_start3A_341 = arith.constant 0 : i32
        %dma_start3A_342 = tpu.memref_slice %arg6[%dma_start3A_333, %dma_start3A_340, %dma_start3A_341] : memref<4x80x16xf32, #tpu.memory_space<vmem>> -> memref<1x80x16xf32, #tpu.memory_space<vmem>>
        %dma_start3A_343 = tpu.memref_squeeze %dma_start3A_342 : memref<1x80x16xf32, #tpu.memory_space<vmem>> -> memref<80x16xf32, #tpu.memory_space<vmem>>
        %dma_start3A_344 = arith.constant 0 : i32
        %dma_start3A_345 = tpu.memref_slice %arg2[%add3A_332, %dma_start3A_344] : memref<320000x16xf32, #tpu.memory_space<hbm>> -> memref<80x16xf32, #tpu.memory_space<hbm>>
        tpu.enqueue_dma source(%dma_start3A_345 : memref<80x16xf32, #tpu.memory_space<hbm>>) target(%dma_start3A_343 : memref<80x16xf32, #tpu.memory_space<vmem>>) target_semaphore(%arg9 : memref<!tpu.dma_semaphore, #tpu.memory_space<semaphore_mem>>)
      } else {
      }
      %add3A_249 = arith.constant 1 : i32
      %add3A_250 = arith.addi %mul3A_100, %add3A_249 : i32
      %mul3A_251 = arith.constant 80 : i32
      %mul3A_252 = arith.muli %add3A_250, %mul3A_251 : i32
      %add3A_253 = arith.addi %mul3A_4, %mul3A_252 : i32
      %dma_wait3A_254 = arith.constant 1 : i32
      %dma_wait3A_255 = arith.constant 0 : i32
      %dma_wait3A_256 = arith.constant 0 : i32
      %dma_wait3A_257 = tpu.memref_slice %arg6[%dma_wait3A_254, %dma_wait3A_255, %dma_wait3A_256] : memref<4x80x16xf32, #tpu.memory_space<vmem>> -> memref<1x80x16xf32, #tpu.memory_space<vmem>>
      %dma_wait3A_258 = tpu.memref_squeeze %dma_wait3A_257 : memref<1x80x16xf32, #tpu.memory_space<vmem>> -> memref<80x16xf32, #tpu.memory_space<vmem>>
      %dma_wait3A_259 = arith.constant 0 : i32
      %dma_wait3A_260 = tpu.memref_slice %arg2[%add3A_253, %dma_wait3A_259] : memref<320000x16xf32, #tpu.memory_space<hbm>> -> memref<80x16xf32, #tpu.memory_space<hbm>>
      %dma_wait3A_261 = arith.constant 0 : i32
      %dma_wait3A_262 = arith.constant 0 : i32
      %dma_wait3A_263 = tpu.memref_slice %arg6[%dma_wait3A_254, %dma_wait3A_261, %dma_wait3A_262] : memref<4x80x16xf32, #tpu.memory_space<vmem>> -> memref<1x80x16xf32, #tpu.memory_space<vmem>>
      %dma_wait3A_264 = tpu.memref_squeeze %dma_wait3A_263 : memref<1x80x16xf32, #tpu.memory_space<vmem>> -> memref<80x16xf32, #tpu.memory_space<vmem>>
      %dma_wait3A_265 = arith.constant 0 : i32
      %dma_wait3A_266 = tpu.memref_slice %arg2[%add3A_253, %dma_wait3A_265] : memref<320000x16xf32, #tpu.memory_space<hbm>> -> memref<80x16xf32, #tpu.memory_space<hbm>>
      tpu.wait_dma2 semaphore(%arg10 : memref<!tpu.dma_semaphore, #tpu.memory_space<semaphore_mem>>) src(%dma_wait3A_266 : memref<80x16xf32, #tpu.memory_space<hbm>>) dst(%dma_wait3A_264 : memref<80x16xf32, #tpu.memory_space<vmem>>)
      %add3A_267 = arith.constant 4 : i32
      %add3A_268 = arith.addi %mul3A_100, %add3A_267 : i32
      %add3A_269 = arith.constant 1 : i32
      %add3A_270 = arith.addi %add3A_268, %add3A_269 : i32
      %lt3A_271 = arith.constant 125 : i32
      %lt3A_272 = arith.cmpi slt, %add3A_270, %lt3A_271 : i32
      %convert_element_type3A_273 = arith.extui %lt3A_272 : i1 to i32
      %cond3A_274 = arith.constant 0 : i32
      %cond3A_275 = arith.cmpi ne, %convert_element_type3A_273, %cond3A_274 : i32
      scf.if %cond3A_275 {
        %mul3A_330 = arith.constant 80 : i32
        %mul3A_331 = arith.muli %add3A_270, %mul3A_330 : i32
        %add3A_332 = arith.addi %mul3A_4, %mul3A_331 : i32
        %dma_start3A_333 = arith.constant 1 : i32
        %dma_start3A_334 = arith.constant 0 : i32
        %dma_start3A_335 = arith.constant 0 : i32
        %dma_start3A_336 = tpu.memref_slice %arg6[%dma_start3A_333, %dma_start3A_334, %dma_start3A_335] : memref<4x80x16xf32, #tpu.memory_space<vmem>> -> memref<1x80x16xf32, #tpu.memory_space<vmem>>
        %dma_start3A_337 = tpu.memref_squeeze %dma_start3A_336 : memref<1x80x16xf32, #tpu.memory_space<vmem>> -> memref<80x16xf32, #tpu.memory_space<vmem>>
        %dma_start3A_338 = arith.constant 0 : i32
        %dma_start3A_339 = tpu.memref_slice %arg2[%add3A_332, %dma_start3A_338] : memref<320000x16xf32, #tpu.memory_space<hbm>> -> memref<80x16xf32, #tpu.memory_space<hbm>>
        %dma_start3A_340 = arith.constant 0 : i32
        %dma_start3A_341 = arith.constant 0 : i32
        %dma_start3A_342 = tpu.memref_slice %arg6[%dma_start3A_333, %dma_start3A_340, %dma_start3A_341] : memref<4x80x16xf32, #tpu.memory_space<vmem>> -> memref<1x80x16xf32, #tpu.memory_space<vmem>>
        %dma_start3A_343 = tpu.memref_squeeze %dma_start3A_342 : memref<1x80x16xf32, #tpu.memory_space<vmem>> -> memref<80x16xf32, #tpu.memory_space<vmem>>
        %dma_start3A_344 = arith.constant 0 : i32
        %dma_start3A_345 = tpu.memref_slice %arg2[%add3A_332, %dma_start3A_344] : memref<320000x16xf32, #tpu.memory_space<hbm>> -> memref<80x16xf32, #tpu.memory_space<hbm>>
        tpu.enqueue_dma source(%dma_start3A_345 : memref<80x16xf32, #tpu.memory_space<hbm>>) target(%dma_start3A_343 : memref<80x16xf32, #tpu.memory_space<vmem>>) target_semaphore(%arg9 : memref<!tpu.dma_semaphore, #tpu.memory_space<semaphore_mem>>)
      } else {
      }
      %add3A_276 = arith.constant 2 : i32
      %add3A_277 = arith.addi %mul3A_100, %add3A_276 : i32
      %mul3A_278 = arith.constant 80 : i32
      %mul3A_279 = arith.muli %add3A_277, %mul3A_278 : i32
      %add3A_280 = arith.addi %mul3A_4, %mul3A_279 : i32
      %dma_wait3A_281 = arith.constant 2 : i32
      %dma_wait3A_282 = arith.constant 0 : i32
      %dma_wait3A_283 = arith.constant 0 : i32
      %dma_wait3A_284 = tpu.memref_slice %arg6[%dma_wait3A_281, %dma_wait3A_282, %dma_wait3A_283] : memref<4x80x16xf32, #tpu.memory_space<vmem>> -> memref<1x80x16xf32, #tpu.memory_space<vmem>>
      %dma_wait3A_285 = tpu.memref_squeeze %dma_wait3A_284 : memref<1x80x16xf32, #tpu.memory_space<vmem>> -> memref<80x16xf32, #tpu.memory_space<vmem>>
      %dma_wait3A_286 = arith.constant 0 : i32
      %dma_wait3A_287 = tpu.memref_slice %arg2[%add3A_280, %dma_wait3A_286] : memref<320000x16xf32, #tpu.memory_space<hbm>> -> memref<80x16xf32, #tpu.memory_space<hbm>>
      %dma_wait3A_288 = arith.constant 0 : i32
      %dma_wait3A_289 = arith.constant 0 : i32
      %dma_wait3A_290 = tpu.memref_slice %arg6[%dma_wait3A_281, %dma_wait3A_288, %dma_wait3A_289] : memref<4x80x16xf32, #tpu.memory_space<vmem>> -> memref<1x80x16xf32, #tpu.memory_space<vmem>>
      %dma_wait3A_291 = tpu.memref_squeeze %dma_wait3A_290 : memref<1x80x16xf32, #tpu.memory_space<vmem>> -> memref<80x16xf32, #tpu.memory_space<vmem>>
      %dma_wait3A_292 = arith.constant 0 : i32
      %dma_wait3A_293 = tpu.memref_slice %arg2[%add3A_280, %dma_wait3A_292] : memref<320000x16xf32, #tpu.memory_space<hbm>> -> memref<80x16xf32, #tpu.memory_space<hbm>>
      tpu.wait_dma2 semaphore(%arg10 : memref<!tpu.dma_semaphore, #tpu.memory_space<semaphore_mem>>) src(%dma_wait3A_293 : memref<80x16xf32, #tpu.memory_space<hbm>>) dst(%dma_wait3A_291 : memref<80x16xf32, #tpu.memory_space<vmem>>)
      %add3A_294 = arith.constant 4 : i32
      %add3A_295 = arith.addi %mul3A_100, %add3A_294 : i32
      %add3A_296 = arith.constant 2 : i32
      %add3A_297 = arith.addi %add3A_295, %add3A_296 : i32
      %lt3A_298 = arith.constant 125 : i32
      %lt3A_299 = arith.cmpi slt, %add3A_297, %lt3A_298 : i32
      %convert_element_type3A_300 = arith.extui %lt3A_299 : i1 to i32
      %cond3A_301 = arith.constant 0 : i32
      %cond3A_302 = arith.cmpi ne, %convert_element_type3A_300, %cond3A_301 : i32
      scf.if %cond3A_302 {
        %mul3A_330 = arith.constant 80 : i32
        %mul3A_331 = arith.muli %add3A_297, %mul3A_330 : i32
        %add3A_332 = arith.addi %mul3A_4, %mul3A_331 : i32
        %dma_start3A_333 = arith.constant 2 : i32
        %dma_start3A_334 = arith.constant 0 : i32
        %dma_start3A_335 = arith.constant 0 : i32
        %dma_start3A_336 = tpu.memref_slice %arg6[%dma_start3A_333, %dma_start3A_334, %dma_start3A_335] : memref<4x80x16xf32, #tpu.memory_space<vmem>> -> memref<1x80x16xf32, #tpu.memory_space<vmem>>
        %dma_start3A_337 = tpu.memref_squeeze %dma_start3A_336 : memref<1x80x16xf32, #tpu.memory_space<vmem>> -> memref<80x16xf32, #tpu.memory_space<vmem>>
        %dma_start3A_338 = arith.constant 0 : i32
        %dma_start3A_339 = tpu.memref_slice %arg2[%add3A_332, %dma_start3A_338] : memref<320000x16xf32, #tpu.memory_space<hbm>> -> memref<80x16xf32, #tpu.memory_space<hbm>>
        %dma_start3A_340 = arith.constant 0 : i32
        %dma_start3A_341 = arith.constant 0 : i32
        %dma_start3A_342 = tpu.memref_slice %arg6[%dma_start3A_333, %dma_start3A_340, %dma_start3A_341] : memref<4x80x16xf32, #tpu.memory_space<vmem>> -> memref<1x80x16xf32, #tpu.memory_space<vmem>>
        %dma_start3A_343 = tpu.memref_squeeze %dma_start3A_342 : memref<1x80x16xf32, #tpu.memory_space<vmem>> -> memref<80x16xf32, #tpu.memory_space<vmem>>
        %dma_start3A_344 = arith.constant 0 : i32
        %dma_start3A_345 = tpu.memref_slice %arg2[%add3A_332, %dma_start3A_344] : memref<320000x16xf32, #tpu.memory_space<hbm>> -> memref<80x16xf32, #tpu.memory_space<hbm>>
        tpu.enqueue_dma source(%dma_start3A_345 : memref<80x16xf32, #tpu.memory_space<hbm>>) target(%dma_start3A_343 : memref<80x16xf32, #tpu.memory_space<vmem>>) target_semaphore(%arg9 : memref<!tpu.dma_semaphore, #tpu.memory_space<semaphore_mem>>)
      } else {
      }
      %add3A_303 = arith.constant 3 : i32
      %add3A_304 = arith.addi %mul3A_100, %add3A_303 : i32
      %mul3A_305 = arith.constant 80 : i32
      %mul3A_306 = arith.muli %add3A_304, %mul3A_305 : i32
      %add3A_307 = arith.addi %mul3A_4, %mul3A_306 : i32
      %dma_wait3A_308 = arith.constant 3 : i32
      %dma_wait3A_309 = arith.constant 0 : i32
      %dma_wait3A_310 = arith.constant 0 : i32
      %dma_wait3A_311 = tpu.memref_slice %arg6[%dma_wait3A_308, %dma_wait3A_309, %dma_wait3A_310] : memref<4x80x16xf32, #tpu.memory_space<vmem>> -> memref<1x80x16xf32, #tpu.memory_space<vmem>>
      %dma_wait3A_312 = tpu.memref_squeeze %dma_wait3A_311 : memref<1x80x16xf32, #tpu.memory_space<vmem>> -> memref<80x16xf32, #tpu.memory_space<vmem>>
      %dma_wait3A_313 = arith.constant 0 : i32
      %dma_wait3A_314 = tpu.memref_slice %arg2[%add3A_307, %dma_wait3A_313] : memref<320000x16xf32, #tpu.memory_space<hbm>> -> memref<80x16xf32, #tpu.memory_space<hbm>>
      %dma_wait3A_315 = arith.constant 0 : i32
      %dma_wait3A_316 = arith.constant 0 : i32
      %dma_wait3A_317 = tpu.memref_slice %arg6[%dma_wait3A_308, %dma_wait3A_315, %dma_wait3A_316] : memref<4x80x16xf32, #tpu.memory_space<vmem>> -> memref<1x80x16xf32, #tpu.memory_space<vmem>>
      %dma_wait3A_318 = tpu.memref_squeeze %dma_wait3A_317 : memref<1x80x16xf32, #tpu.memory_space<vmem>> -> memref<80x16xf32, #tpu.memory_space<vmem>>
      %dma_wait3A_319 = arith.constant 0 : i32
      %dma_wait3A_320 = tpu.memref_slice %arg2[%add3A_307, %dma_wait3A_319] : memref<320000x16xf32, #tpu.memory_space<hbm>> -> memref<80x16xf32, #tpu.memory_space<hbm>>
      tpu.wait_dma2 semaphore(%arg10 : memref<!tpu.dma_semaphore, #tpu.memory_space<semaphore_mem>>) src(%dma_wait3A_320 : memref<80x16xf32, #tpu.memory_space<hbm>>) dst(%dma_wait3A_318 : memref<80x16xf32, #tpu.memory_space<vmem>>)
      %add3A_321 = arith.constant 4 : i32
      %add3A_322 = arith.addi %mul3A_100, %add3A_321 : i32
      %add3A_323 = arith.constant 3 : i32
      %add3A_324 = arith.addi %add3A_322, %add3A_323 : i32
      %lt3A_325 = arith.constant 125 : i32
      %lt3A_326 = arith.cmpi slt, %add3A_324, %lt3A_325 : i32
      %convert_element_type3A_327 = arith.extui %lt3A_326 : i1 to i32
      %cond3A_328 = arith.constant 0 : i32
      %cond3A_329 = arith.cmpi ne, %convert_element_type3A_327, %cond3A_328 : i32
      scf.if %cond3A_329 {
        %mul3A_330 = arith.constant 80 : i32
        %mul3A_331 = arith.muli %add3A_324, %mul3A_330 : i32
        %add3A_332 = arith.addi %mul3A_4, %mul3A_331 : i32
        %dma_start3A_333 = arith.constant 3 : i32
        %dma_start3A_334 = arith.constant 0 : i32
        %dma_start3A_335 = arith.constant 0 : i32
        %dma_start3A_336 = tpu.memref_slice %arg6[%dma_start3A_333, %dma_start3A_334, %dma_start3A_335] : memref<4x80x16xf32, #tpu.memory_space<vmem>> -> memref<1x80x16xf32, #tpu.memory_space<vmem>>
        %dma_start3A_337 = tpu.memref_squeeze %dma_start3A_336 : memref<1x80x16xf32, #tpu.memory_space<vmem>> -> memref<80x16xf32, #tpu.memory_space<vmem>>
        %dma_start3A_338 = arith.constant 0 : i32
        %dma_start3A_339 = tpu.memref_slice %arg2[%add3A_332, %dma_start3A_338] : memref<320000x16xf32, #tpu.memory_space<hbm>> -> memref<80x16xf32, #tpu.memory_space<hbm>>
        %dma_start3A_340 = arith.constant 0 : i32
        %dma_start3A_341 = arith.constant 0 : i32
        %dma_start3A_342 = tpu.memref_slice %arg6[%dma_start3A_333, %dma_start3A_340, %dma_start3A_341] : memref<4x80x16xf32, #tpu.memory_space<vmem>> -> memref<1x80x16xf32, #tpu.memory_space<vmem>>
        %dma_start3A_343 = tpu.memref_squeeze %dma_start3A_342 : memref<1x80x16xf32, #tpu.memory_space<vmem>> -> memref<80x16xf32, #tpu.memory_space<vmem>>
        %dma_start3A_344 = arith.constant 0 : i32
        %dma_start3A_345 = tpu.memref_slice %arg2[%add3A_332, %dma_start3A_344] : memref<320000x16xf32, #tpu.memory_space<hbm>> -> memref<80x16xf32, #tpu.memory_space<hbm>>
        tpu.enqueue_dma source(%dma_start3A_345 : memref<80x16xf32, #tpu.memory_space<hbm>>) target(%dma_start3A_343 : memref<80x16xf32, #tpu.memory_space<vmem>>) target_semaphore(%arg9 : memref<!tpu.dma_semaphore, #tpu.memory_space<semaphore_mem>>)
      } else {
      }
    }
    %scan3A_77 = arith.constant 31 : i32
    %add3A_78 = arith.constant 9920 : i32
    %add3A_79 = arith.addi %mul3A_4, %add3A_78 : i32
    %dma_wait3A = arith.constant 0 : i32
    %dma_wait3A_80 = arith.constant 0 : i32
    %dma_wait3A_81 = arith.constant 0 : i32
    %dma_wait3A_82 = tpu.memref_slice %arg6[%dma_wait3A, %dma_wait3A_80, %dma_wait3A_81] : memref<4x80x16xf32, #tpu.memory_space<vmem>> -> memref<1x80x16xf32, #tpu.memory_space<vmem>>
    %dma_wait3A_83 = tpu.memref_squeeze %dma_wait3A_82 : memref<1x80x16xf32, #tpu.memory_space<vmem>> -> memref<80x16xf32, #tpu.memory_space<vmem>>
    %dma_wait3A_84 = arith.constant 0 : i32
    %dma_wait3A_85 = tpu.memref_slice %arg2[%add3A_79, %dma_wait3A_84] : memref<320000x16xf32, #tpu.memory_space<hbm>> -> memref<80x16xf32, #tpu.memory_space<hbm>>
    %dma_wait3A_86 = arith.constant 0 : i32
    %dma_wait3A_87 = arith.constant 0 : i32
    %dma_wait3A_88 = tpu.memref_slice %arg6[%dma_wait3A, %dma_wait3A_86, %dma_wait3A_87] : memref<4x80x16xf32, #tpu.memory_space<vmem>> -> memref<1x80x16xf32, #tpu.memory_space<vmem>>
    %dma_wait3A_89 = tpu.memref_squeeze %dma_wait3A_88 : memref<1x80x16xf32, #tpu.memory_space<vmem>> -> memref<80x16xf32, #tpu.memory_space<vmem>>
    %dma_wait3A_90 = arith.constant 0 : i32
    %dma_wait3A_91 = tpu.memref_slice %arg2[%add3A_79, %dma_wait3A_90] : memref<320000x16xf32, #tpu.memory_space<hbm>> -> memref<80x16xf32, #tpu.memory_space<hbm>>
    tpu.wait_dma2 semaphore(%arg9 : memref<!tpu.dma_semaphore, #tpu.memory_space<semaphore_mem>>) src(%dma_wait3A_91 : memref<80x16xf32, #tpu.memory_space<hbm>>) dst(%dma_wait3A_89 : memref<80x16xf32, #tpu.memory_space<vmem>>)
    %run_scoped3A = arith.constant 0 : i32
    %run_scoped3A_92 = arith.constant 124 : i32
    "tpu.region"() ({
      %run_scoped3A_98 = tpu.sem_alloc : memref<!tpu.dma_semaphore, #tpu.memory_space<semaphore_mem>>
      %dma_start3A_99 = arith.constant 0 : i32
      %dma_start3A_100 = arith.constant 0 : i32
      %dma_start3A_101 = tpu.memref_slice %arg6[%run_scoped3A, %dma_start3A_99, %dma_start3A_100] : memref<4x80x16xf32, #tpu.memory_space<vmem>> -> memref<1x80x16xf32, #tpu.memory_space<vmem>>
      %dma_start3A_102 = tpu.memref_squeeze %dma_start3A_101 : memref<1x80x16xf32, #tpu.memory_space<vmem>> -> memref<80x16xf32, #tpu.memory_space<vmem>>
      %dma_start3A_103 = arith.constant 0 : i32
      %dma_start3A_104 = tpu.memref_slice %arg5[%run_scoped3A_92, %dma_start3A_103] : memref<125x80xi32, #tpu.memory_space<vmem>> -> memref<1x80xi32, #tpu.memory_space<vmem>>
      %dma_start3A_105 = tpu.memref_squeeze %dma_start3A_104 : memref<1x80xi32, #tpu.memory_space<vmem>> -> memref<80xi32, #tpu.memory_space<vmem>>
      %dma_start3A_106 = arith.constant 0 : i32
      %dma_start3A_107 = arith.constant 0 : i32
      %dma_start3A_108 = tpu.memref_slice %arg8[%dma_start3A_106, %dma_start3A_107] : memref<10000x16xf32, #tpu.memory_space<vmem_shared>> -> memref<10000x16xf32, #tpu.memory_space<vmem_shared>>
      tpu.enqueue_indirect_dma source(%dma_start3A_102 : memref<80x16xf32, #tpu.memory_space<vmem>>) target(%dma_start3A_108 : memref<10000x16xf32, #tpu.memory_space<vmem_shared>>) offsets(%dma_start3A_105 : memref<80xi32, #tpu.memory_space<vmem>>) semaphore(%run_scoped3A_98 : memref<!tpu.dma_semaphore, #tpu.memory_space<semaphore_mem>>) {add = true}
      %dma_wait3A_109 = arith.constant 0 : i32
      %dma_wait3A_110 = arith.constant 0 : i32
      %dma_wait3A_111 = tpu.memref_slice %arg6[%run_scoped3A, %dma_wait3A_109, %dma_wait3A_110] : memref<4x80x16xf32, #tpu.memory_space<vmem>> -> memref<1x80x16xf32, #tpu.memory_space<vmem>>
      %dma_wait3A_112 = tpu.memref_squeeze %dma_wait3A_111 : memref<1x80x16xf32, #tpu.memory_space<vmem>> -> memref<80x16xf32, #tpu.memory_space<vmem>>
      %dma_wait3A_113 = arith.constant 0 : i32
      %dma_wait3A_114 = tpu.memref_slice %arg5[%run_scoped3A_92, %dma_wait3A_113] : memref<125x80xi32, #tpu.memory_space<vmem>> -> memref<1x80xi32, #tpu.memory_space<vmem>>
      %dma_wait3A_115 = tpu.memref_squeeze %dma_wait3A_114 : memref<1x80xi32, #tpu.memory_space<vmem>> -> memref<80xi32, #tpu.memory_space<vmem>>
      %dma_wait3A_116 = arith.constant 0 : i32
      %dma_wait3A_117 = arith.constant 0 : i32
      %dma_wait3A_118 = tpu.memref_slice %arg8[%dma_wait3A_116, %dma_wait3A_117] : memref<10000x16xf32, #tpu.memory_space<vmem_shared>> -> memref<10000x16xf32, #tpu.memory_space<vmem_shared>>
      tpu.wait_indirect_dma semaphore(%run_scoped3A_98 : memref<!tpu.dma_semaphore, #tpu.memory_space<semaphore_mem>>) src(%dma_wait3A_112 : memref<80x16xf32, #tpu.memory_space<vmem>>) dst(%dma_wait3A_118 : memref<10000x16xf32, #tpu.memory_space<vmem_shared>>)
      tpu.yield
    }) : () -> ()
    %barrier3A_93 = arith.constant 0 : index
    tpu.barrier barrier_id(%barrier3A_93)
    %mul3A_94 = arith.constant 625 : i32
    %mul3A_95 = arith.muli %arg1, %mul3A_94 : i32
    %mul3A_96 = arith.constant 625 : i32
    %mul3A_97 = arith.muli %arg1, %mul3A_96 : i32
    "tpu.region"() ({
      %run_scoped3A_98 = tpu.sem_alloc : memref<!tpu.dma_semaphore, #tpu.memory_space<semaphore_mem>>
      %dma_start3A_99 = arith.constant 0 : i32
      %dma_start3A_100 = tpu.memref_slice %arg4[%arg0, %mul3A_97, %dma_start3A_99] : memref<2x10000x16xf32, #tpu.memory_space<hbm>> -> memref<1x625x16xf32, #tpu.memory_space<hbm>>
      %dma_start3A_101 = tpu.memref_squeeze %dma_start3A_100 : memref<1x625x16xf32, #tpu.memory_space<hbm>> -> memref<625x16xf32, #tpu.memory_space<hbm>>
      %dma_start3A_102 = arith.constant 0 : i32
      %dma_start3A_103 = tpu.memref_slice %arg8[%mul3A_95, %dma_start3A_102] : memref<10000x16xf32, #tpu.memory_space<vmem_shared>> -> memref<625x16xf32, #tpu.memory_space<vmem_shared>>
      tpu.enqueue_dma source(%dma_start3A_103 : memref<625x16xf32, #tpu.memory_space<vmem_shared>>) target(%dma_start3A_101 : memref<625x16xf32, #tpu.memory_space<hbm>>) target_semaphore(%run_scoped3A_98 : memref<!tpu.dma_semaphore, #tpu.memory_space<semaphore_mem>>)
      %dma_wait3A_104 = arith.constant 0 : i32
      %dma_wait3A_105 = tpu.memref_slice %arg4[%arg0, %mul3A_97, %dma_wait3A_104] : memref<2x10000x16xf32, #tpu.memory_space<hbm>> -> memref<1x625x16xf32, #tpu.memory_space<hbm>>
      %dma_wait3A_106 = tpu.memref_squeeze %dma_wait3A_105 : memref<1x625x16xf32, #tpu.memory_space<hbm>> -> memref<625x16xf32, #tpu.memory_space<hbm>>
      %dma_wait3A_107 = arith.constant 0 : i32
      %dma_wait3A_108 = tpu.memref_slice %arg8[%mul3A_95, %dma_wait3A_107] : memref<10000x16xf32, #tpu.memory_space<vmem_shared>> -> memref<625x16xf32, #tpu.memory_space<vmem_shared>>
      tpu.wait_dma2 semaphore(%run_scoped3A_98 : memref<!tpu.dma_semaphore, #tpu.memory_space<semaphore_mem>>) src(%dma_wait3A_108 : memref<625x16xf32, #tpu.memory_space<vmem_shared>>) dst(%dma_wait3A_106 : memref<625x16xf32, #tpu.memory_space<hbm>>)
      tpu.yield
    }) : () -> ()
    return
  }
}

#map = affine_map<(d0, d1) -> (0, 0)>
#map1 = affine_map<(d0, d1) -> (0, 0, 0)>
module attributes {stable_mosaic.version = 14 : i64} {
  func.func @run(%arg0: i32, %arg1: i32, %arg2: memref<320000x32xf32, #tpu.memory_space<hbm>>, %arg3: memref<4000x80xi32, #tpu.memory_space<hbm>>, %arg4: memref<2x10000x32xf32, #tpu.memory_space<hbm>>, %arg5: memref<125x80xi32, #tpu.memory_space<vmem>>, %arg6: memref<4x80x32xf32, #tpu.memory_space<vmem>>, %arg7: memref<625x32xf32, #tpu.memory_space<vmem>>, %arg8: memref<10000x32xf32, #tpu.memory_space<vmem_shared>>, %arg9: memref<!tpu.dma_semaphore, #tpu.memory_space<semaphore_mem>>, %arg10: memref<!tpu.dma_semaphore, #tpu.memory_space<semaphore_mem>>) attributes {dimension_semantics = [#tpu.dimension_semantics<core_parallel>, #tpu.dimension_semantics<subcore_parallel>], iteration_bounds = array<i64: 2, 16>, scalar_prefetch = 0 : i64, scratch_operands = 6 : i64, tpu.core_type = #tpu.core_type<sc_vector_subcore>, window_params = [{transform_indices = #map}, {transform_indices = #map}, {transform_indices = #map1}]} {
    %mul3A = arith.constant 2 : i32
    %mul3A_0 = arith.muli %arg1, %mul3A : i32
    %add3A = arith.addi %mul3A_0, %arg0 : i32
    %mul3A_1 = arith.constant 125 : i32
    %mul3A_2 = arith.muli %add3A, %mul3A_1 : i32
    %mul3A_3 = arith.constant 10000 : i32
    %mul3A_4 = arith.muli %add3A, %mul3A_3 : i32
    %broadcast_in_dim3A = arith.constant 0.000000e+00 : f32
    %broadcast_in_dim3A_5 = vector.broadcast %broadcast_in_dim3A : f32 to vector<16xf32>
    %scan3A = arith.constant 0 : i32
    %scan3A_6 = arith.constant 0 : i32
    %scan3A_7 = arith.constant 625 : i32
    %scan3A_8 = arith.addi %scan3A_6, %scan3A_7 : i32
    %scan3A_9 = arith.constant 1 : i32
    scf.for %scan3A_98 = %scan3A_6 to %scan3A_8 step %scan3A_9  : i32 {
      %swap3A = arith.index_cast %scan3A_98 : i32 to index
      %swap3A_99 = arith.constant 0 : index
      %swap3A_100 = tpu.vector_load %arg7[%swap3A, %swap3A_99] {strides = array<i32>} : memref<625x32xf32, #tpu.memory_space<vmem>>, vector<1x16xf32>,
      %swap3A_101 = vector.shape_cast %swap3A_100 : vector<1x16xf32> to vector<16xf32>
      %swap3A_102 = vector.shape_cast %broadcast_in_dim3A_5 : vector<16xf32> to vector<1x16xf32>
      tpu.vector_store %arg7[%swap3A, %swap3A_99], %swap3A_102 {strides = array<i32>} : memref<625x32xf32, #tpu.memory_space<vmem>>, vector<1x16xf32>,
      %swap3A_103 = arith.index_cast %scan3A_98 : i32 to index
      %swap3A_104 = arith.constant 16 : index
      %swap3A_105 = tpu.vector_load %arg7[%swap3A_103, %swap3A_104] {strides = array<i32>} : memref<625x32xf32, #tpu.memory_space<vmem>>, vector<1x16xf32>,
      %swap3A_106 = vector.shape_cast %swap3A_105 : vector<1x16xf32> to vector<16xf32>
      %swap3A_107 = vector.shape_cast %broadcast_in_dim3A_5 : vector<16xf32> to vector<1x16xf32>
      tpu.vector_store %arg7[%swap3A_103, %swap3A_104], %swap3A_107 {strides = array<i32>} : memref<625x32xf32, #tpu.memory_space<vmem>>, vector<1x16xf32>,
    }
    %scan3A_10 = arith.constant 625 : i32
    %mul3A_11 = arith.constant 625 : i32
    %mul3A_12 = arith.muli %arg1, %mul3A_11 : i32
    "tpu.region"() ({
      %run_scoped3A_98 = tpu.sem_alloc : memref<!tpu.dma_semaphore, #tpu.memory_space<semaphore_mem>>
      %dma_start3A_99 = arith.constant 0 : i32
      %dma_start3A_100 = tpu.memref_slice %arg8[%mul3A_12, %dma_start3A_99] : memref<10000x32xf32, #tpu.memory_space<vmem_shared>> -> memref<625x32xf32, #tpu.memory_space<vmem_shared>>
      %dma_start3A_101 = arith.constant 0 : i32
      %dma_start3A_102 = tpu.memref_slice %arg8[%mul3A_12, %dma_start3A_101] : memref<10000x32xf32, #tpu.memory_space<vmem_shared>> -> memref<625x32xf32, #tpu.memory_space<vmem_shared>>
      tpu.enqueue_dma source(%arg7 : memref<625x32xf32, #tpu.memory_space<vmem>>) target(%dma_start3A_102 : memref<625x32xf32, #tpu.memory_space<vmem_shared>>) target_semaphore(%run_scoped3A_98 : memref<!tpu.dma_semaphore, #tpu.memory_space<semaphore_mem>>)
      %dma_wait3A_103 = arith.constant 0 : i32
      %dma_wait3A_104 = tpu.memref_slice %arg8[%mul3A_12, %dma_wait3A_103] : memref<10000x32xf32, #tpu.memory_space<vmem_shared>> -> memref<625x32xf32, #tpu.memory_space<vmem_shared>>
      %dma_wait3A_105 = arith.constant 0 : i32
      %dma_wait3A_106 = tpu.memref_slice %arg8[%mul3A_12, %dma_wait3A_105] : memref<10000x32xf32, #tpu.memory_space<vmem_shared>> -> memref<625x32xf32, #tpu.memory_space<vmem_shared>>
      tpu.wait_dma2 semaphore(%run_scoped3A_98 : memref<!tpu.dma_semaphore, #tpu.memory_space<semaphore_mem>>) src(%arg7 : memref<625x32xf32, #tpu.memory_space<vmem>>) dst(%dma_wait3A_106 : memref<625x32xf32, #tpu.memory_space<vmem_shared>>)
      tpu.yield
    }) : () -> ()
    "tpu.region"() ({
      %run_scoped3A_98 = tpu.sem_alloc : memref<!tpu.dma_semaphore, #tpu.memory_space<semaphore_mem>>
      %dma_start3A_99 = arith.constant 0 : i32
      %dma_start3A_100 = tpu.memref_slice %arg3[%mul3A_2, %dma_start3A_99] : memref<4000x80xi32, #tpu.memory_space<hbm>> -> memref<125x80xi32, #tpu.memory_space<hbm>>
      %dma_start3A_101 = arith.constant 0 : i32
      %dma_start3A_102 = tpu.memref_slice %arg3[%mul3A_2, %dma_start3A_101] : memref<4000x80xi32, #tpu.memory_space<hbm>> -> memref<125x80xi32, #tpu.memory_space<hbm>>
      tpu.enqueue_dma source(%dma_start3A_102 : memref<125x80xi32, #tpu.memory_space<hbm>>) target(%arg5 : memref<125x80xi32, #tpu.memory_space<vmem>>) target_semaphore(%run_scoped3A_98 : memref<!tpu.dma_semaphore, #tpu.memory_space<semaphore_mem>>)
      %dma_wait3A_103 = arith.constant 0 : i32
      %dma_wait3A_104 = tpu.memref_slice %arg3[%mul3A_2, %dma_wait3A_103] : memref<4000x80xi32, #tpu.memory_space<hbm>> -> memref<125x80xi32, #tpu.memory_space<hbm>>
      %dma_wait3A_105 = arith.constant 0 : i32
      %dma_wait3A_106 = tpu.memref_slice %arg3[%mul3A_2, %dma_wait3A_105] : memref<4000x80xi32, #tpu.memory_space<hbm>> -> memref<125x80xi32, #tpu.memory_space<hbm>>
      tpu.wait_dma2 semaphore(%run_scoped3A_98 : memref<!tpu.dma_semaphore, #tpu.memory_space<semaphore_mem>>) src(%dma_wait3A_106 : memref<125x80xi32, #tpu.memory_space<hbm>>) dst(%arg5 : memref<125x80xi32, #tpu.memory_space<vmem>>)
      tpu.yield
    }) : () -> ()
    %barrier3A = arith.constant 0 : index
    tpu.barrier barrier_id(%barrier3A)
    %add3A_13 = arith.constant 0 : i32
    %add3A_14 = arith.addi %mul3A_4, %add3A_13 : i32
    %dma_start3A = arith.constant 0 : i32
    %dma_start3A_15 = arith.constant 0 : i32
    %dma_start3A_16 = arith.constant 0 : i32
    %dma_start3A_17 = tpu.memref_slice %arg6[%dma_start3A, %dma_start3A_15, %dma_start3A_16] : memref<4x80x32xf32, #tpu.memory_space<vmem>> -> memref<1x80x32xf32, #tpu.memory_space<vmem>>
    %dma_start3A_18 = tpu.memref_squeeze %dma_start3A_17 : memref<1x80x32xf32, #tpu.memory_space<vmem>> -> memref<80x32xf32, #tpu.memory_space<vmem>>
    %dma_start3A_19 = arith.constant 0 : i32
    %dma_start3A_20 = tpu.memref_slice %arg2[%add3A_14, %dma_start3A_19] : memref<320000x32xf32, #tpu.memory_space<hbm>> -> memref<80x32xf32, #tpu.memory_space<hbm>>
    %dma_start3A_21 = arith.constant 0 : i32
    %dma_start3A_22 = arith.constant 0 : i32
    %dma_start3A_23 = tpu.memref_slice %arg6[%dma_start3A, %dma_start3A_21, %dma_start3A_22] : memref<4x80x32xf32, #tpu.memory_space<vmem>> -> memref<1x80x32xf32, #tpu.memory_space<vmem>>
    %dma_start3A_24 = tpu.memref_squeeze %dma_start3A_23 : memref<1x80x32xf32, #tpu.memory_space<vmem>> -> memref<80x32xf32, #tpu.memory_space<vmem>>
    %dma_start3A_25 = arith.constant 0 : i32
    %dma_start3A_26 = tpu.memref_slice %arg2[%add3A_14, %dma_start3A_25] : memref<320000x32xf32, #tpu.memory_space<hbm>> -> memref<80x32xf32, #tpu.memory_space<hbm>>
    tpu.enqueue_dma source(%dma_start3A_26 : memref<80x32xf32, #tpu.memory_space<hbm>>) target(%dma_start3A_24 : memref<80x32xf32, #tpu.memory_space<vmem>>) target_semaphore(%arg9 : memref<!tpu.dma_semaphore, #tpu.memory_space<semaphore_mem>>)
    %add3A_27 = arith.constant 80 : i32
    %add3A_28 = arith.addi %mul3A_4, %add3A_27 : i32
    %dma_start3A_29 = arith.constant 1 : i32
    %dma_start3A_30 = arith.constant 0 : i32
    %dma_start3A_31 = arith.constant 0 : i32
    %dma_start3A_32 = tpu.memref_slice %arg6[%dma_start3A_29, %dma_start3A_30, %dma_start3A_31] : memref<4x80x32xf32, #tpu.memory_space<vmem>> -> memref<1x80x32xf32, #tpu.memory_space<vmem>>
    %dma_start3A_33 = tpu.memref_squeeze %dma_start3A_32 : memref<1x80x32xf32, #tpu.memory_space<vmem>> -> memref<80x32xf32, #tpu.memory_space<vmem>>
    %dma_start3A_34 = arith.constant 0 : i32
    %dma_start3A_35 = tpu.memref_slice %arg2[%add3A_28, %dma_start3A_34] : memref<320000x32xf32, #tpu.memory_space<hbm>> -> memref<80x32xf32, #tpu.memory_space<hbm>>
    %dma_start3A_36 = arith.constant 0 : i32
    %dma_start3A_37 = arith.constant 0 : i32
    %dma_start3A_38 = tpu.memref_slice %arg6[%dma_start3A_29, %dma_start3A_36, %dma_start3A_37] : memref<4x80x32xf32, #tpu.memory_space<vmem>> -> memref<1x80x32xf32, #tpu.memory_space<vmem>>
    %dma_start3A_39 = tpu.memref_squeeze %dma_start3A_38 : memref<1x80x32xf32, #tpu.memory_space<vmem>> -> memref<80x32xf32, #tpu.memory_space<vmem>>
    %dma_start3A_40 = arith.constant 0 : i32
    %dma_start3A_41 = tpu.memref_slice %arg2[%add3A_28, %dma_start3A_40] : memref<320000x32xf32, #tpu.memory_space<hbm>> -> memref<80x32xf32, #tpu.memory_space<hbm>>
    tpu.enqueue_dma source(%dma_start3A_41 : memref<80x32xf32, #tpu.memory_space<hbm>>) target(%dma_start3A_39 : memref<80x32xf32, #tpu.memory_space<vmem>>) target_semaphore(%arg9 : memref<!tpu.dma_semaphore, #tpu.memory_space<semaphore_mem>>)
    %add3A_42 = arith.constant 160 : i32
    %add3A_43 = arith.addi %mul3A_4, %add3A_42 : i32
    %dma_start3A_44 = arith.constant 2 : i32
    %dma_start3A_45 = arith.constant 0 : i32
    %dma_start3A_46 = arith.constant 0 : i32
    %dma_start3A_47 = tpu.memref_slice %arg6[%dma_start3A_44, %dma_start3A_45, %dma_start3A_46] : memref<4x80x32xf32, #tpu.memory_space<vmem>> -> memref<1x80x32xf32, #tpu.memory_space<vmem>>
    %dma_start3A_48 = tpu.memref_squeeze %dma_start3A_47 : memref<1x80x32xf32, #tpu.memory_space<vmem>> -> memref<80x32xf32, #tpu.memory_space<vmem>>
    %dma_start3A_49 = arith.constant 0 : i32
    %dma_start3A_50 = tpu.memref_slice %arg2[%add3A_43, %dma_start3A_49] : memref<320000x32xf32, #tpu.memory_space<hbm>> -> memref<80x32xf32, #tpu.memory_space<hbm>>
    %dma_start3A_51 = arith.constant 0 : i32
    %dma_start3A_52 = arith.constant 0 : i32
    %dma_start3A_53 = tpu.memref_slice %arg6[%dma_start3A_44, %dma_start3A_51, %dma_start3A_52] : memref<4x80x32xf32, #tpu.memory_space<vmem>> -> memref<1x80x32xf32, #tpu.memory_space<vmem>>
    %dma_start3A_54 = tpu.memref_squeeze %dma_start3A_53 : memref<1x80x32xf32, #tpu.memory_space<vmem>> -> memref<80x32xf32, #tpu.memory_space<vmem>>
    %dma_start3A_55 = arith.constant 0 : i32
    %dma_start3A_56 = tpu.memref_slice %arg2[%add3A_43, %dma_start3A_55] : memref<320000x32xf32, #tpu.memory_space<hbm>> -> memref<80x32xf32, #tpu.memory_space<hbm>>
    tpu.enqueue_dma source(%dma_start3A_56 : memref<80x32xf32, #tpu.memory_space<hbm>>) target(%dma_start3A_54 : memref<80x32xf32, #tpu.memory_space<vmem>>) target_semaphore(%arg9 : memref<!tpu.dma_semaphore, #tpu.memory_space<semaphore_mem>>)
    %add3A_57 = arith.constant 240 : i32
    %add3A_58 = arith.addi %mul3A_4, %add3A_57 : i32
    %dma_start3A_59 = arith.constant 3 : i32
    %dma_start3A_60 = arith.constant 0 : i32
    %dma_start3A_61 = arith.constant 0 : i32
    %dma_start3A_62 = tpu.memref_slice %arg6[%dma_start3A_59, %dma_start3A_60, %dma_start3A_61] : memref<4x80x32xf32, #tpu.memory_space<vmem>> -> memref<1x80x32xf32, #tpu.memory_space<vmem>>
    %dma_start3A_63 = tpu.memref_squeeze %dma_start3A_62 : memref<1x80x32xf32, #tpu.memory_space<vmem>> -> memref<80x32xf32, #tpu.memory_space<vmem>>
    %dma_start3A_64 = arith.constant 0 : i32
    %dma_start3A_65 = tpu.memref_slice %arg2[%add3A_58, %dma_start3A_64] : memref<320000x32xf32, #tpu.memory_space<hbm>> -> memref<80x32xf32, #tpu.memory_space<hbm>>
    %dma_start3A_66 = arith.constant 0 : i32
    %dma_start3A_67 = arith.constant 0 : i32
    %dma_start3A_68 = tpu.memref_slice %arg6[%dma_start3A_59, %dma_start3A_66, %dma_start3A_67] : memref<4x80x32xf32, #tpu.memory_space<vmem>> -> memref<1x80x32xf32, #tpu.memory_space<vmem>>
    %dma_start3A_69 = tpu.memref_squeeze %dma_start3A_68 : memref<1x80x32xf32, #tpu.memory_space<vmem>> -> memref<80x32xf32, #tpu.memory_space<vmem>>
    %dma_start3A_70 = arith.constant 0 : i32
    %dma_start3A_71 = tpu.memref_slice %arg2[%add3A_58, %dma_start3A_70] : memref<320000x32xf32, #tpu.memory_space<hbm>> -> memref<80x32xf32, #tpu.memory_space<hbm>>
    tpu.enqueue_dma source(%dma_start3A_71 : memref<80x32xf32, #tpu.memory_space<hbm>>) target(%dma_start3A_69 : memref<80x32xf32, #tpu.memory_space<vmem>>) target_semaphore(%arg9 : memref<!tpu.dma_semaphore, #tpu.memory_space<semaphore_mem>>)
    %scan3A_72 = arith.constant 0 : i32
    %scan3A_73 = arith.constant 0 : i32
    %scan3A_74 = arith.constant 31 : i32
    %scan3A_75 = arith.addi %scan3A_73, %scan3A_74 : i32
    %scan3A_76 = arith.constant 1 : i32
    scf.for %scan3A_98 = %scan3A_73 to %scan3A_75 step %scan3A_76  : i32 {
      %mul3A_99 = arith.constant 4 : i32
      %mul3A_100 = arith.muli %mul3A_99, %scan3A_98 : i32
      %add3A_101 = arith.constant 0 : i32
      %add3A_102 = arith.addi %mul3A_100, %add3A_101 : i32
      %mul3A_103 = arith.constant 80 : i32
      %mul3A_104 = arith.muli %add3A_102, %mul3A_103 : i32
      %add3A_105 = arith.addi %mul3A_4, %mul3A_104 : i32
      %dma_wait3A_106 = arith.constant 0 : i32
      %dma_wait3A_107 = arith.constant 0 : i32
      %dma_wait3A_108 = arith.constant 0 : i32
      %dma_wait3A_109 = tpu.memref_slice %arg6[%dma_wait3A_106, %dma_wait3A_107, %dma_wait3A_108] : memref<4x80x32xf32, #tpu.memory_space<vmem>> -> memref<1x80x32xf32, #tpu.memory_space<vmem>>
      %dma_wait3A_110 = tpu.memref_squeeze %dma_wait3A_109 : memref<1x80x32xf32, #tpu.memory_space<vmem>> -> memref<80x32xf32, #tpu.memory_space<vmem>>
      %dma_wait3A_111 = arith.constant 0 : i32
      %dma_wait3A_112 = tpu.memref_slice %arg2[%add3A_105, %dma_wait3A_111] : memref<320000x32xf32, #tpu.memory_space<hbm>> -> memref<80x32xf32, #tpu.memory_space<hbm>>
      %dma_wait3A_113 = arith.constant 0 : i32
      %dma_wait3A_114 = arith.constant 0 : i32
      %dma_wait3A_115 = tpu.memref_slice %arg6[%dma_wait3A_106, %dma_wait3A_113, %dma_wait3A_114] : memref<4x80x32xf32, #tpu.memory_space<vmem>> -> memref<1x80x32xf32, #tpu.memory_space<vmem>>
      %dma_wait3A_116 = tpu.memref_squeeze %dma_wait3A_115 : memref<1x80x32xf32, #tpu.memory_space<vmem>> -> memref<80x32xf32, #tpu.memory_space<vmem>>
      %dma_wait3A_117 = arith.constant 0 : i32
      %dma_wait3A_118 = tpu.memref_slice %arg2[%add3A_105, %dma_wait3A_117] : memref<320000x32xf32, #tpu.memory_space<hbm>> -> memref<80x32xf32, #tpu.memory_space<hbm>>
      tpu.wait_dma2 semaphore(%arg9 : memref<!tpu.dma_semaphore, #tpu.memory_space<semaphore_mem>>) src(%dma_wait3A_118 : memref<80x32xf32, #tpu.memory_space<hbm>>) dst(%dma_wait3A_116 : memref<80x32xf32, #tpu.memory_space<vmem>>)
      %add3A_119 = arith.constant 0 : i32
      %add3A_120 = arith.addi %mul3A_100, %add3A_119 : i32
      %dma_start3A_121 = arith.constant 0 : i32
      %dma_start3A_122 = arith.constant 0 : i32
      %dma_start3A_123 = arith.constant 0 : i32
      %dma_start3A_124 = tpu.memref_slice %arg6[%dma_start3A_121, %dma_start3A_122, %dma_start3A_123] : memref<4x80x32xf32, #tpu.memory_space<vmem>> -> memref<1x80x32xf32, #tpu.memory_space<vmem>>
      %dma_start3A_125 = tpu.memref_squeeze %dma_start3A_124 : memref<1x80x32xf32, #tpu.memory_space<vmem>> -> memref<80x32xf32, #tpu.memory_space<vmem>>
      %dma_start3A_126 = arith.constant 0 : i32
      %dma_start3A_127 = tpu.memref_slice %arg5[%add3A_120, %dma_start3A_126] : memref<125x80xi32, #tpu.memory_space<vmem>> -> memref<1x80xi32, #tpu.memory_space<vmem>>
      %dma_start3A_128 = tpu.memref_squeeze %dma_start3A_127 : memref<1x80xi32, #tpu.memory_space<vmem>> -> memref<80xi32, #tpu.memory_space<vmem>>
      %dma_start3A_129 = arith.constant 0 : i32
      %dma_start3A_130 = arith.constant 0 : i32
      %dma_start3A_131 = tpu.memref_slice %arg8[%dma_start3A_129, %dma_start3A_130] : memref<10000x32xf32, #tpu.memory_space<vmem_shared>> -> memref<10000x32xf32, #tpu.memory_space<vmem_shared>>
      tpu.enqueue_indirect_dma source(%dma_start3A_125 : memref<80x32xf32, #tpu.memory_space<vmem>>) target(%dma_start3A_131 : memref<10000x32xf32, #tpu.memory_space<vmem_shared>>) offsets(%dma_start3A_128 : memref<80xi32, #tpu.memory_space<vmem>>) semaphore(%arg10 : memref<!tpu.dma_semaphore, #tpu.memory_space<semaphore_mem>>) {add = true}
      %add3A_132 = arith.constant 1 : i32
      %add3A_133 = arith.addi %mul3A_100, %add3A_132 : i32
      %mul3A_134 = arith.constant 80 : i32
      %mul3A_135 = arith.muli %add3A_133, %mul3A_134 : i32
      %add3A_136 = arith.addi %mul3A_4, %mul3A_135 : i32
      %dma_wait3A_137 = arith.constant 1 : i32
      %dma_wait3A_138 = arith.constant 0 : i32
      %dma_wait3A_139 = arith.constant 0 : i32
      %dma_wait3A_140 = tpu.memref_slice %arg6[%dma_wait3A_137, %dma_wait3A_138, %dma_wait3A_139] : memref<4x80x32xf32, #tpu.memory_space<vmem>> -> memref<1x80x32xf32, #tpu.memory_space<vmem>>
      %dma_wait3A_141 = tpu.memref_squeeze %dma_wait3A_140 : memref<1x80x32xf32, #tpu.memory_space<vmem>> -> memref<80x32xf32, #tpu.memory_space<vmem>>
      %dma_wait3A_142 = arith.constant 0 : i32
      %dma_wait3A_143 = tpu.memref_slice %arg2[%add3A_136, %dma_wait3A_142] : memref<320000x32xf32, #tpu.memory_space<hbm>> -> memref<80x32xf32, #tpu.memory_space<hbm>>
      %dma_wait3A_144 = arith.constant 0 : i32
      %dma_wait3A_145 = arith.constant 0 : i32
      %dma_wait3A_146 = tpu.memref_slice %arg6[%dma_wait3A_137, %dma_wait3A_144, %dma_wait3A_145] : memref<4x80x32xf32, #tpu.memory_space<vmem>> -> memref<1x80x32xf32, #tpu.memory_space<vmem>>
      %dma_wait3A_147 = tpu.memref_squeeze %dma_wait3A_146 : memref<1x80x32xf32, #tpu.memory_space<vmem>> -> memref<80x32xf32, #tpu.memory_space<vmem>>
      %dma_wait3A_148 = arith.constant 0 : i32
      %dma_wait3A_149 = tpu.memref_slice %arg2[%add3A_136, %dma_wait3A_148] : memref<320000x32xf32, #tpu.memory_space<hbm>> -> memref<80x32xf32, #tpu.memory_space<hbm>>
      tpu.wait_dma2 semaphore(%arg9 : memref<!tpu.dma_semaphore, #tpu.memory_space<semaphore_mem>>) src(%dma_wait3A_149 : memref<80x32xf32, #tpu.memory_space<hbm>>) dst(%dma_wait3A_147 : memref<80x32xf32, #tpu.memory_space<vmem>>)
      %add3A_150 = arith.constant 1 : i32
      %add3A_151 = arith.addi %mul3A_100, %add3A_150 : i32
      %dma_start3A_152 = arith.constant 1 : i32
      %dma_start3A_153 = arith.constant 0 : i32
      %dma_start3A_154 = arith.constant 0 : i32
      %dma_start3A_155 = tpu.memref_slice %arg6[%dma_start3A_152, %dma_start3A_153, %dma_start3A_154] : memref<4x80x32xf32, #tpu.memory_space<vmem>> -> memref<1x80x32xf32, #tpu.memory_space<vmem>>
      %dma_start3A_156 = tpu.memref_squeeze %dma_start3A_155 : memref<1x80x32xf32, #tpu.memory_space<vmem>> -> memref<80x32xf32, #tpu.memory_space<vmem>>
      %dma_start3A_157 = arith.constant 0 : i32
      %dma_start3A_158 = tpu.memref_slice %arg5[%add3A_151, %dma_start3A_157] : memref<125x80xi32, #tpu.memory_space<vmem>> -> memref<1x80xi32, #tpu.memory_space<vmem>>
      %dma_start3A_159 = tpu.memref_squeeze %dma_start3A_158 : memref<1x80xi32, #tpu.memory_space<vmem>> -> memref<80xi32, #tpu.memory_space<vmem>>
      %dma_start3A_160 = arith.constant 0 : i32
      %dma_start3A_161 = arith.constant 0 : i32
      %dma_start3A_162 = tpu.memref_slice %arg8[%dma_start3A_160, %dma_start3A_161] : memref<10000x32xf32, #tpu.memory_space<vmem_shared>> -> memref<10000x32xf32, #tpu.memory_space<vmem_shared>>
      tpu.enqueue_indirect_dma source(%dma_start3A_156 : memref<80x32xf32, #tpu.memory_space<vmem>>) target(%dma_start3A_162 : memref<10000x32xf32, #tpu.memory_space<vmem_shared>>) offsets(%dma_start3A_159 : memref<80xi32, #tpu.memory_space<vmem>>) semaphore(%arg10 : memref<!tpu.dma_semaphore, #tpu.memory_space<semaphore_mem>>) {add = true}
      %add3A_163 = arith.constant 2 : i32
      %add3A_164 = arith.addi %mul3A_100, %add3A_163 : i32
      %mul3A_165 = arith.constant 80 : i32
      %mul3A_166 = arith.muli %add3A_164, %mul3A_165 : i32
      %add3A_167 = arith.addi %mul3A_4, %mul3A_166 : i32
      %dma_wait3A_168 = arith.constant 2 : i32
      %dma_wait3A_169 = arith.constant 0 : i32
      %dma_wait3A_170 = arith.constant 0 : i32
      %dma_wait3A_171 = tpu.memref_slice %arg6[%dma_wait3A_168, %dma_wait3A_169, %dma_wait3A_170] : memref<4x80x32xf32, #tpu.memory_space<vmem>> -> memref<1x80x32xf32, #tpu.memory_space<vmem>>
      %dma_wait3A_172 = tpu.memref_squeeze %dma_wait3A_171 : memref<1x80x32xf32, #tpu.memory_space<vmem>> -> memref<80x32xf32, #tpu.memory_space<vmem>>
      %dma_wait3A_173 = arith.constant 0 : i32
      %dma_wait3A_174 = tpu.memref_slice %arg2[%add3A_167, %dma_wait3A_173] : memref<320000x32xf32, #tpu.memory_space<hbm>> -> memref<80x32xf32, #tpu.memory_space<hbm>>
      %dma_wait3A_175 = arith.constant 0 : i32
      %dma_wait3A_176 = arith.constant 0 : i32
      %dma_wait3A_177 = tpu.memref_slice %arg6[%dma_wait3A_168, %dma_wait3A_175, %dma_wait3A_176] : memref<4x80x32xf32, #tpu.memory_space<vmem>> -> memref<1x80x32xf32, #tpu.memory_space<vmem>>
      %dma_wait3A_178 = tpu.memref_squeeze %dma_wait3A_177 : memref<1x80x32xf32, #tpu.memory_space<vmem>> -> memref<80x32xf32, #tpu.memory_space<vmem>>
      %dma_wait3A_179 = arith.constant 0 : i32
      %dma_wait3A_180 = tpu.memref_slice %arg2[%add3A_167, %dma_wait3A_179] : memref<320000x32xf32, #tpu.memory_space<hbm>> -> memref<80x32xf32, #tpu.memory_space<hbm>>
      tpu.wait_dma2 semaphore(%arg9 : memref<!tpu.dma_semaphore, #tpu.memory_space<semaphore_mem>>) src(%dma_wait3A_180 : memref<80x32xf32, #tpu.memory_space<hbm>>) dst(%dma_wait3A_178 : memref<80x32xf32, #tpu.memory_space<vmem>>)
      %add3A_181 = arith.constant 2 : i32
      %add3A_182 = arith.addi %mul3A_100, %add3A_181 : i32
      %dma_start3A_183 = arith.constant 2 : i32
      %dma_start3A_184 = arith.constant 0 : i32
      %dma_start3A_185 = arith.constant 0 : i32
      %dma_start3A_186 = tpu.memref_slice %arg6[%dma_start3A_183, %dma_start3A_184, %dma_start3A_185] : memref<4x80x32xf32, #tpu.memory_space<vmem>> -> memref<1x80x32xf32, #tpu.memory_space<vmem>>
      %dma_start3A_187 = tpu.memref_squeeze %dma_start3A_186 : memref<1x80x32xf32, #tpu.memory_space<vmem>> -> memref<80x32xf32, #tpu.memory_space<vmem>>
      %dma_start3A_188 = arith.constant 0 : i32
      %dma_start3A_189 = tpu.memref_slice %arg5[%add3A_182, %dma_start3A_188] : memref<125x80xi32, #tpu.memory_space<vmem>> -> memref<1x80xi32, #tpu.memory_space<vmem>>
      %dma_start3A_190 = tpu.memref_squeeze %dma_start3A_189 : memref<1x80xi32, #tpu.memory_space<vmem>> -> memref<80xi32, #tpu.memory_space<vmem>>
      %dma_start3A_191 = arith.constant 0 : i32
      %dma_start3A_192 = arith.constant 0 : i32
      %dma_start3A_193 = tpu.memref_slice %arg8[%dma_start3A_191, %dma_start3A_192] : memref<10000x32xf32, #tpu.memory_space<vmem_shared>> -> memref<10000x32xf32, #tpu.memory_space<vmem_shared>>
      tpu.enqueue_indirect_dma source(%dma_start3A_187 : memref<80x32xf32, #tpu.memory_space<vmem>>) target(%dma_start3A_193 : memref<10000x32xf32, #tpu.memory_space<vmem_shared>>) offsets(%dma_start3A_190 : memref<80xi32, #tpu.memory_space<vmem>>) semaphore(%arg10 : memref<!tpu.dma_semaphore, #tpu.memory_space<semaphore_mem>>) {add = true}
      %add3A_194 = arith.constant 3 : i32
      %add3A_195 = arith.addi %mul3A_100, %add3A_194 : i32
      %mul3A_196 = arith.constant 80 : i32
      %mul3A_197 = arith.muli %add3A_195, %mul3A_196 : i32
      %add3A_198 = arith.addi %mul3A_4, %mul3A_197 : i32
      %dma_wait3A_199 = arith.constant 3 : i32
      %dma_wait3A_200 = arith.constant 0 : i32
      %dma_wait3A_201 = arith.constant 0 : i32
      %dma_wait3A_202 = tpu.memref_slice %arg6[%dma_wait3A_199, %dma_wait3A_200, %dma_wait3A_201] : memref<4x80x32xf32, #tpu.memory_space<vmem>> -> memref<1x80x32xf32, #tpu.memory_space<vmem>>
      %dma_wait3A_203 = tpu.memref_squeeze %dma_wait3A_202 : memref<1x80x32xf32, #tpu.memory_space<vmem>> -> memref<80x32xf32, #tpu.memory_space<vmem>>
      %dma_wait3A_204 = arith.constant 0 : i32
      %dma_wait3A_205 = tpu.memref_slice %arg2[%add3A_198, %dma_wait3A_204] : memref<320000x32xf32, #tpu.memory_space<hbm>> -> memref<80x32xf32, #tpu.memory_space<hbm>>
      %dma_wait3A_206 = arith.constant 0 : i32
      %dma_wait3A_207 = arith.constant 0 : i32
      %dma_wait3A_208 = tpu.memref_slice %arg6[%dma_wait3A_199, %dma_wait3A_206, %dma_wait3A_207] : memref<4x80x32xf32, #tpu.memory_space<vmem>> -> memref<1x80x32xf32, #tpu.memory_space<vmem>>
      %dma_wait3A_209 = tpu.memref_squeeze %dma_wait3A_208 : memref<1x80x32xf32, #tpu.memory_space<vmem>> -> memref<80x32xf32, #tpu.memory_space<vmem>>
      %dma_wait3A_210 = arith.constant 0 : i32
      %dma_wait3A_211 = tpu.memref_slice %arg2[%add3A_198, %dma_wait3A_210] : memref<320000x32xf32, #tpu.memory_space<hbm>> -> memref<80x32xf32, #tpu.memory_space<hbm>>
      tpu.wait_dma2 semaphore(%arg9 : memref<!tpu.dma_semaphore, #tpu.memory_space<semaphore_mem>>) src(%dma_wait3A_211 : memref<80x32xf32, #tpu.memory_space<hbm>>) dst(%dma_wait3A_209 : memref<80x32xf32, #tpu.memory_space<vmem>>)
      %add3A_212 = arith.constant 3 : i32
      %add3A_213 = arith.addi %mul3A_100, %add3A_212 : i32
      %dma_start3A_214 = arith.constant 3 : i32
      %dma_start3A_215 = arith.constant 0 : i32
      %dma_start3A_216 = arith.constant 0 : i32
      %dma_start3A_217 = tpu.memref_slice %arg6[%dma_start3A_214, %dma_start3A_215, %dma_start3A_216] : memref<4x80x32xf32, #tpu.memory_space<vmem>> -> memref<1x80x32xf32, #tpu.memory_space<vmem>>
      %dma_start3A_218 = tpu.memref_squeeze %dma_start3A_217 : memref<1x80x32xf32, #tpu.memory_space<vmem>> -> memref<80x32xf32, #tpu.memory_space<vmem>>
      %dma_start3A_219 = arith.constant 0 : i32
      %dma_start3A_220 = tpu.memref_slice %arg5[%add3A_213, %dma_start3A_219] : memref<125x80xi32, #tpu.memory_space<vmem>> -> memref<1x80xi32, #tpu.memory_space<vmem>>
      %dma_start3A_221 = tpu.memref_squeeze %dma_start3A_220 : memref<1x80xi32, #tpu.memory_space<vmem>> -> memref<80xi32, #tpu.memory_space<vmem>>
      %dma_start3A_222 = arith.constant 0 : i32
      %dma_start3A_223 = arith.constant 0 : i32
      %dma_start3A_224 = tpu.memref_slice %arg8[%dma_start3A_222, %dma_start3A_223] : memref<10000x32xf32, #tpu.memory_space<vmem_shared>> -> memref<10000x32xf32, #tpu.memory_space<vmem_shared>>
      tpu.enqueue_indirect_dma source(%dma_start3A_218 : memref<80x32xf32, #tpu.memory_space<vmem>>) target(%dma_start3A_224 : memref<10000x32xf32, #tpu.memory_space<vmem_shared>>) offsets(%dma_start3A_221 : memref<80xi32, #tpu.memory_space<vmem>>) semaphore(%arg10 : memref<!tpu.dma_semaphore, #tpu.memory_space<semaphore_mem>>) {add = true}
      %add3A_225 = arith.constant 0 : i32
      %add3A_226 = arith.addi %mul3A_100, %add3A_225 : i32
      %mul3A_227 = arith.constant 80 : i32
      %mul3A_228 = arith.muli %add3A_226, %mul3A_227 : i32
      %add3A_229 = arith.addi %mul3A_4, %mul3A_228 : i32
      %dma_wait3A_230 = arith.constant 0 : i32
      %dma_wait3A_231 = arith.constant 0 : i32
      %dma_wait3A_232 = arith.constant 0 : i32
      %dma_wait3A_233 = tpu.memref_slice %arg6[%dma_wait3A_230, %dma_wait3A_231, %dma_wait3A_232] : memref<4x80x32xf32, #tpu.memory_space<vmem>> -> memref<1x80x32xf32, #tpu.memory_space<vmem>>
      %dma_wait3A_234 = tpu.memref_squeeze %dma_wait3A_233 : memref<1x80x32xf32, #tpu.memory_space<vmem>> -> memref<80x32xf32, #tpu.memory_space<vmem>>
      %dma_wait3A_235 = arith.constant 0 : i32
      %dma_wait3A_236 = tpu.memref_slice %arg2[%add3A_229, %dma_wait3A_235] : memref<320000x32xf32, #tpu.memory_space<hbm>> -> memref<80x32xf32, #tpu.memory_space<hbm>>
      %dma_wait3A_237 = arith.constant 0 : i32
      %dma_wait3A_238 = arith.constant 0 : i32
      %dma_wait3A_239 = tpu.memref_slice %arg6[%dma_wait3A_230, %dma_wait3A_237, %dma_wait3A_238] : memref<4x80x32xf32, #tpu.memory_space<vmem>> -> memref<1x80x32xf32, #tpu.memory_space<vmem>>
      %dma_wait3A_240 = tpu.memref_squeeze %dma_wait3A_239 : memref<1x80x32xf32, #tpu.memory_space<vmem>> -> memref<80x32xf32, #tpu.memory_space<vmem>>
      %dma_wait3A_241 = arith.constant 0 : i32
      %dma_wait3A_242 = tpu.memref_slice %arg2[%add3A_229, %dma_wait3A_241] : memref<320000x32xf32, #tpu.memory_space<hbm>> -> memref<80x32xf32, #tpu.memory_space<hbm>>
      tpu.wait_dma2 semaphore(%arg10 : memref<!tpu.dma_semaphore, #tpu.memory_space<semaphore_mem>>) src(%dma_wait3A_242 : memref<80x32xf32, #tpu.memory_space<hbm>>) dst(%dma_wait3A_240 : memref<80x32xf32, #tpu.memory_space<vmem>>)
      %add3A_243 = arith.constant 4 : i32
      %add3A_244 = arith.addi %mul3A_100, %add3A_243 : i32
      %add3A_245 = arith.constant 0 : i32
      %add3A_246 = arith.addi %add3A_244, %add3A_245 : i32
      %lt3A = arith.constant 125 : i32
      %lt3A_247 = arith.cmpi slt, %add3A_246, %lt3A : i32
      %convert_element_type3A = arith.extui %lt3A_247 : i1 to i32
      %cond3A = arith.constant 0 : i32
      %cond3A_248 = arith.cmpi ne, %convert_element_type3A, %cond3A : i32
      scf.if %cond3A_248 {
        %mul3A_330 = arith.constant 80 : i32
        %mul3A_331 = arith.muli %add3A_246, %mul3A_330 : i32
        %add3A_332 = arith.addi %mul3A_4, %mul3A_331 : i32
        %dma_start3A_333 = arith.constant 0 : i32
        %dma_start3A_334 = arith.constant 0 : i32
        %dma_start3A_335 = arith.constant 0 : i32
        %dma_start3A_336 = tpu.memref_slice %arg6[%dma_start3A_333, %dma_start3A_334, %dma_start3A_335] : memref<4x80x32xf32, #tpu.memory_space<vmem>> -> memref<1x80x32xf32, #tpu.memory_space<vmem>>
        %dma_start3A_337 = tpu.memref_squeeze %dma_start3A_336 : memref<1x80x32xf32, #tpu.memory_space<vmem>> -> memref<80x32xf32, #tpu.memory_space<vmem>>
        %dma_start3A_338 = arith.constant 0 : i32
        %dma_start3A_339 = tpu.memref_slice %arg2[%add3A_332, %dma_start3A_338] : memref<320000x32xf32, #tpu.memory_space<hbm>> -> memref<80x32xf32, #tpu.memory_space<hbm>>
        %dma_start3A_340 = arith.constant 0 : i32
        %dma_start3A_341 = arith.constant 0 : i32
        %dma_start3A_342 = tpu.memref_slice %arg6[%dma_start3A_333, %dma_start3A_340, %dma_start3A_341] : memref<4x80x32xf32, #tpu.memory_space<vmem>> -> memref<1x80x32xf32, #tpu.memory_space<vmem>>
        %dma_start3A_343 = tpu.memref_squeeze %dma_start3A_342 : memref<1x80x32xf32, #tpu.memory_space<vmem>> -> memref<80x32xf32, #tpu.memory_space<vmem>>
        %dma_start3A_344 = arith.constant 0 : i32
        %dma_start3A_345 = tpu.memref_slice %arg2[%add3A_332, %dma_start3A_344] : memref<320000x32xf32, #tpu.memory_space<hbm>> -> memref<80x32xf32, #tpu.memory_space<hbm>>
        tpu.enqueue_dma source(%dma_start3A_345 : memref<80x32xf32, #tpu.memory_space<hbm>>) target(%dma_start3A_343 : memref<80x32xf32, #tpu.memory_space<vmem>>) target_semaphore(%arg9 : memref<!tpu.dma_semaphore, #tpu.memory_space<semaphore_mem>>)
      } else {
      }
      %add3A_249 = arith.constant 1 : i32
      %add3A_250 = arith.addi %mul3A_100, %add3A_249 : i32
      %mul3A_251 = arith.constant 80 : i32
      %mul3A_252 = arith.muli %add3A_250, %mul3A_251 : i32
      %add3A_253 = arith.addi %mul3A_4, %mul3A_252 : i32
      %dma_wait3A_254 = arith.constant 1 : i32
      %dma_wait3A_255 = arith.constant 0 : i32
      %dma_wait3A_256 = arith.constant 0 : i32
      %dma_wait3A_257 = tpu.memref_slice %arg6[%dma_wait3A_254, %dma_wait3A_255, %dma_wait3A_256] : memref<4x80x32xf32, #tpu.memory_space<vmem>> -> memref<1x80x32xf32, #tpu.memory_space<vmem>>
      %dma_wait3A_258 = tpu.memref_squeeze %dma_wait3A_257 : memref<1x80x32xf32, #tpu.memory_space<vmem>> -> memref<80x32xf32, #tpu.memory_space<vmem>>
      %dma_wait3A_259 = arith.constant 0 : i32
      %dma_wait3A_260 = tpu.memref_slice %arg2[%add3A_253, %dma_wait3A_259] : memref<320000x32xf32, #tpu.memory_space<hbm>> -> memref<80x32xf32, #tpu.memory_space<hbm>>
      %dma_wait3A_261 = arith.constant 0 : i32
      %dma_wait3A_262 = arith.constant 0 : i32
      %dma_wait3A_263 = tpu.memref_slice %arg6[%dma_wait3A_254, %dma_wait3A_261, %dma_wait3A_262] : memref<4x80x32xf32, #tpu.memory_space<vmem>> -> memref<1x80x32xf32, #tpu.memory_space<vmem>>
      %dma_wait3A_264 = tpu.memref_squeeze %dma_wait3A_263 : memref<1x80x32xf32, #tpu.memory_space<vmem>> -> memref<80x32xf32, #tpu.memory_space<vmem>>
      %dma_wait3A_265 = arith.constant 0 : i32
      %dma_wait3A_266 = tpu.memref_slice %arg2[%add3A_253, %dma_wait3A_265] : memref<320000x32xf32, #tpu.memory_space<hbm>> -> memref<80x32xf32, #tpu.memory_space<hbm>>
      tpu.wait_dma2 semaphore(%arg10 : memref<!tpu.dma_semaphore, #tpu.memory_space<semaphore_mem>>) src(%dma_wait3A_266 : memref<80x32xf32, #tpu.memory_space<hbm>>) dst(%dma_wait3A_264 : memref<80x32xf32, #tpu.memory_space<vmem>>)
      %add3A_267 = arith.constant 4 : i32
      %add3A_268 = arith.addi %mul3A_100, %add3A_267 : i32
      %add3A_269 = arith.constant 1 : i32
      %add3A_270 = arith.addi %add3A_268, %add3A_269 : i32
      %lt3A_271 = arith.constant 125 : i32
      %lt3A_272 = arith.cmpi slt, %add3A_270, %lt3A_271 : i32
      %convert_element_type3A_273 = arith.extui %lt3A_272 : i1 to i32
      %cond3A_274 = arith.constant 0 : i32
      %cond3A_275 = arith.cmpi ne, %convert_element_type3A_273, %cond3A_274 : i32
      scf.if %cond3A_275 {
        %mul3A_330 = arith.constant 80 : i32
        %mul3A_331 = arith.muli %add3A_270, %mul3A_330 : i32
        %add3A_332 = arith.addi %mul3A_4, %mul3A_331 : i32
        %dma_start3A_333 = arith.constant 1 : i32
        %dma_start3A_334 = arith.constant 0 : i32
        %dma_start3A_335 = arith.constant 0 : i32
        %dma_start3A_336 = tpu.memref_slice %arg6[%dma_start3A_333, %dma_start3A_334, %dma_start3A_335] : memref<4x80x32xf32, #tpu.memory_space<vmem>> -> memref<1x80x32xf32, #tpu.memory_space<vmem>>
        %dma_start3A_337 = tpu.memref_squeeze %dma_start3A_336 : memref<1x80x32xf32, #tpu.memory_space<vmem>> -> memref<80x32xf32, #tpu.memory_space<vmem>>
        %dma_start3A_338 = arith.constant 0 : i32
        %dma_start3A_339 = tpu.memref_slice %arg2[%add3A_332, %dma_start3A_338] : memref<320000x32xf32, #tpu.memory_space<hbm>> -> memref<80x32xf32, #tpu.memory_space<hbm>>
        %dma_start3A_340 = arith.constant 0 : i32
        %dma_start3A_341 = arith.constant 0 : i32
        %dma_start3A_342 = tpu.memref_slice %arg6[%dma_start3A_333, %dma_start3A_340, %dma_start3A_341] : memref<4x80x32xf32, #tpu.memory_space<vmem>> -> memref<1x80x32xf32, #tpu.memory_space<vmem>>
        %dma_start3A_343 = tpu.memref_squeeze %dma_start3A_342 : memref<1x80x32xf32, #tpu.memory_space<vmem>> -> memref<80x32xf32, #tpu.memory_space<vmem>>
        %dma_start3A_344 = arith.constant 0 : i32
        %dma_start3A_345 = tpu.memref_slice %arg2[%add3A_332, %dma_start3A_344] : memref<320000x32xf32, #tpu.memory_space<hbm>> -> memref<80x32xf32, #tpu.memory_space<hbm>>
        tpu.enqueue_dma source(%dma_start3A_345 : memref<80x32xf32, #tpu.memory_space<hbm>>) target(%dma_start3A_343 : memref<80x32xf32, #tpu.memory_space<vmem>>) target_semaphore(%arg9 : memref<!tpu.dma_semaphore, #tpu.memory_space<semaphore_mem>>)
      } else {
      }
      %add3A_276 = arith.constant 2 : i32
      %add3A_277 = arith.addi %mul3A_100, %add3A_276 : i32
      %mul3A_278 = arith.constant 80 : i32
      %mul3A_279 = arith.muli %add3A_277, %mul3A_278 : i32
      %add3A_280 = arith.addi %mul3A_4, %mul3A_279 : i32
      %dma_wait3A_281 = arith.constant 2 : i32
      %dma_wait3A_282 = arith.constant 0 : i32
      %dma_wait3A_283 = arith.constant 0 : i32
      %dma_wait3A_284 = tpu.memref_slice %arg6[%dma_wait3A_281, %dma_wait3A_282, %dma_wait3A_283] : memref<4x80x32xf32, #tpu.memory_space<vmem>> -> memref<1x80x32xf32, #tpu.memory_space<vmem>>
      %dma_wait3A_285 = tpu.memref_squeeze %dma_wait3A_284 : memref<1x80x32xf32, #tpu.memory_space<vmem>> -> memref<80x32xf32, #tpu.memory_space<vmem>>
      %dma_wait3A_286 = arith.constant 0 : i32
      %dma_wait3A_287 = tpu.memref_slice %arg2[%add3A_280, %dma_wait3A_286] : memref<320000x32xf32, #tpu.memory_space<hbm>> -> memref<80x32xf32, #tpu.memory_space<hbm>>
      %dma_wait3A_288 = arith.constant 0 : i32
      %dma_wait3A_289 = arith.constant 0 : i32
      %dma_wait3A_290 = tpu.memref_slice %arg6[%dma_wait3A_281, %dma_wait3A_288, %dma_wait3A_289] : memref<4x80x32xf32, #tpu.memory_space<vmem>> -> memref<1x80x32xf32, #tpu.memory_space<vmem>>
      %dma_wait3A_291 = tpu.memref_squeeze %dma_wait3A_290 : memref<1x80x32xf32, #tpu.memory_space<vmem>> -> memref<80x32xf32, #tpu.memory_space<vmem>>
      %dma_wait3A_292 = arith.constant 0 : i32
      %dma_wait3A_293 = tpu.memref_slice %arg2[%add3A_280, %dma_wait3A_292] : memref<320000x32xf32, #tpu.memory_space<hbm>> -> memref<80x32xf32, #tpu.memory_space<hbm>>
      tpu.wait_dma2 semaphore(%arg10 : memref<!tpu.dma_semaphore, #tpu.memory_space<semaphore_mem>>) src(%dma_wait3A_293 : memref<80x32xf32, #tpu.memory_space<hbm>>) dst(%dma_wait3A_291 : memref<80x32xf32, #tpu.memory_space<vmem>>)
      %add3A_294 = arith.constant 4 : i32
      %add3A_295 = arith.addi %mul3A_100, %add3A_294 : i32
      %add3A_296 = arith.constant 2 : i32
      %add3A_297 = arith.addi %add3A_295, %add3A_296 : i32
      %lt3A_298 = arith.constant 125 : i32
      %lt3A_299 = arith.cmpi slt, %add3A_297, %lt3A_298 : i32
      %convert_element_type3A_300 = arith.extui %lt3A_299 : i1 to i32
      %cond3A_301 = arith.constant 0 : i32
      %cond3A_302 = arith.cmpi ne, %convert_element_type3A_300, %cond3A_301 : i32
      scf.if %cond3A_302 {
        %mul3A_330 = arith.constant 80 : i32
        %mul3A_331 = arith.muli %add3A_297, %mul3A_330 : i32
        %add3A_332 = arith.addi %mul3A_4, %mul3A_331 : i32
        %dma_start3A_333 = arith.constant 2 : i32
        %dma_start3A_334 = arith.constant 0 : i32
        %dma_start3A_335 = arith.constant 0 : i32
        %dma_start3A_336 = tpu.memref_slice %arg6[%dma_start3A_333, %dma_start3A_334, %dma_start3A_335] : memref<4x80x32xf32, #tpu.memory_space<vmem>> -> memref<1x80x32xf32, #tpu.memory_space<vmem>>
        %dma_start3A_337 = tpu.memref_squeeze %dma_start3A_336 : memref<1x80x32xf32, #tpu.memory_space<vmem>> -> memref<80x32xf32, #tpu.memory_space<vmem>>
        %dma_start3A_338 = arith.constant 0 : i32
        %dma_start3A_339 = tpu.memref_slice %arg2[%add3A_332, %dma_start3A_338] : memref<320000x32xf32, #tpu.memory_space<hbm>> -> memref<80x32xf32, #tpu.memory_space<hbm>>
        %dma_start3A_340 = arith.constant 0 : i32
        %dma_start3A_341 = arith.constant 0 : i32
        %dma_start3A_342 = tpu.memref_slice %arg6[%dma_start3A_333, %dma_start3A_340, %dma_start3A_341] : memref<4x80x32xf32, #tpu.memory_space<vmem>> -> memref<1x80x32xf32, #tpu.memory_space<vmem>>
        %dma_start3A_343 = tpu.memref_squeeze %dma_start3A_342 : memref<1x80x32xf32, #tpu.memory_space<vmem>> -> memref<80x32xf32, #tpu.memory_space<vmem>>
        %dma_start3A_344 = arith.constant 0 : i32
        %dma_start3A_345 = tpu.memref_slice %arg2[%add3A_332, %dma_start3A_344] : memref<320000x32xf32, #tpu.memory_space<hbm>> -> memref<80x32xf32, #tpu.memory_space<hbm>>
        tpu.enqueue_dma source(%dma_start3A_345 : memref<80x32xf32, #tpu.memory_space<hbm>>) target(%dma_start3A_343 : memref<80x32xf32, #tpu.memory_space<vmem>>) target_semaphore(%arg9 : memref<!tpu.dma_semaphore, #tpu.memory_space<semaphore_mem>>)
      } else {
      }
      %add3A_303 = arith.constant 3 : i32
      %add3A_304 = arith.addi %mul3A_100, %add3A_303 : i32
      %mul3A_305 = arith.constant 80 : i32
      %mul3A_306 = arith.muli %add3A_304, %mul3A_305 : i32
      %add3A_307 = arith.addi %mul3A_4, %mul3A_306 : i32
      %dma_wait3A_308 = arith.constant 3 : i32
      %dma_wait3A_309 = arith.constant 0 : i32
      %dma_wait3A_310 = arith.constant 0 : i32
      %dma_wait3A_311 = tpu.memref_slice %arg6[%dma_wait3A_308, %dma_wait3A_309, %dma_wait3A_310] : memref<4x80x32xf32, #tpu.memory_space<vmem>> -> memref<1x80x32xf32, #tpu.memory_space<vmem>>
      %dma_wait3A_312 = tpu.memref_squeeze %dma_wait3A_311 : memref<1x80x32xf32, #tpu.memory_space<vmem>> -> memref<80x32xf32, #tpu.memory_space<vmem>>
      %dma_wait3A_313 = arith.constant 0 : i32
      %dma_wait3A_314 = tpu.memref_slice %arg2[%add3A_307, %dma_wait3A_313] : memref<320000x32xf32, #tpu.memory_space<hbm>> -> memref<80x32xf32, #tpu.memory_space<hbm>>
      %dma_wait3A_315 = arith.constant 0 : i32
      %dma_wait3A_316 = arith.constant 0 : i32
      %dma_wait3A_317 = tpu.memref_slice %arg6[%dma_wait3A_308, %dma_wait3A_315, %dma_wait3A_316] : memref<4x80x32xf32, #tpu.memory_space<vmem>> -> memref<1x80x32xf32, #tpu.memory_space<vmem>>
      %dma_wait3A_318 = tpu.memref_squeeze %dma_wait3A_317 : memref<1x80x32xf32, #tpu.memory_space<vmem>> -> memref<80x32xf32, #tpu.memory_space<vmem>>
      %dma_wait3A_319 = arith.constant 0 : i32
      %dma_wait3A_320 = tpu.memref_slice %arg2[%add3A_307, %dma_wait3A_319] : memref<320000x32xf32, #tpu.memory_space<hbm>> -> memref<80x32xf32, #tpu.memory_space<hbm>>
      tpu.wait_dma2 semaphore(%arg10 : memref<!tpu.dma_semaphore, #tpu.memory_space<semaphore_mem>>) src(%dma_wait3A_320 : memref<80x32xf32, #tpu.memory_space<hbm>>) dst(%dma_wait3A_318 : memref<80x32xf32, #tpu.memory_space<vmem>>)
      %add3A_321 = arith.constant 4 : i32
      %add3A_322 = arith.addi %mul3A_100, %add3A_321 : i32
      %add3A_323 = arith.constant 3 : i32
      %add3A_324 = arith.addi %add3A_322, %add3A_323 : i32
      %lt3A_325 = arith.constant 125 : i32
      %lt3A_326 = arith.cmpi slt, %add3A_324, %lt3A_325 : i32
      %convert_element_type3A_327 = arith.extui %lt3A_326 : i1 to i32
      %cond3A_328 = arith.constant 0 : i32
      %cond3A_329 = arith.cmpi ne, %convert_element_type3A_327, %cond3A_328 : i32
      scf.if %cond3A_329 {
        %mul3A_330 = arith.constant 80 : i32
        %mul3A_331 = arith.muli %add3A_324, %mul3A_330 : i32
        %add3A_332 = arith.addi %mul3A_4, %mul3A_331 : i32
        %dma_start3A_333 = arith.constant 3 : i32
        %dma_start3A_334 = arith.constant 0 : i32
        %dma_start3A_335 = arith.constant 0 : i32
        %dma_start3A_336 = tpu.memref_slice %arg6[%dma_start3A_333, %dma_start3A_334, %dma_start3A_335] : memref<4x80x32xf32, #tpu.memory_space<vmem>> -> memref<1x80x32xf32, #tpu.memory_space<vmem>>
        %dma_start3A_337 = tpu.memref_squeeze %dma_start3A_336 : memref<1x80x32xf32, #tpu.memory_space<vmem>> -> memref<80x32xf32, #tpu.memory_space<vmem>>
        %dma_start3A_338 = arith.constant 0 : i32
        %dma_start3A_339 = tpu.memref_slice %arg2[%add3A_332, %dma_start3A_338] : memref<320000x32xf32, #tpu.memory_space<hbm>> -> memref<80x32xf32, #tpu.memory_space<hbm>>
        %dma_start3A_340 = arith.constant 0 : i32
        %dma_start3A_341 = arith.constant 0 : i32
        %dma_start3A_342 = tpu.memref_slice %arg6[%dma_start3A_333, %dma_start3A_340, %dma_start3A_341] : memref<4x80x32xf32, #tpu.memory_space<vmem>> -> memref<1x80x32xf32, #tpu.memory_space<vmem>>
        %dma_start3A_343 = tpu.memref_squeeze %dma_start3A_342 : memref<1x80x32xf32, #tpu.memory_space<vmem>> -> memref<80x32xf32, #tpu.memory_space<vmem>>
        %dma_start3A_344 = arith.constant 0 : i32
        %dma_start3A_345 = tpu.memref_slice %arg2[%add3A_332, %dma_start3A_344] : memref<320000x32xf32, #tpu.memory_space<hbm>> -> memref<80x32xf32, #tpu.memory_space<hbm>>
        tpu.enqueue_dma source(%dma_start3A_345 : memref<80x32xf32, #tpu.memory_space<hbm>>) target(%dma_start3A_343 : memref<80x32xf32, #tpu.memory_space<vmem>>) target_semaphore(%arg9 : memref<!tpu.dma_semaphore, #tpu.memory_space<semaphore_mem>>)
      } else {
      }
    }
    %scan3A_77 = arith.constant 31 : i32
    %add3A_78 = arith.constant 9920 : i32
    %add3A_79 = arith.addi %mul3A_4, %add3A_78 : i32
    %dma_wait3A = arith.constant 0 : i32
    %dma_wait3A_80 = arith.constant 0 : i32
    %dma_wait3A_81 = arith.constant 0 : i32
    %dma_wait3A_82 = tpu.memref_slice %arg6[%dma_wait3A, %dma_wait3A_80, %dma_wait3A_81] : memref<4x80x32xf32, #tpu.memory_space<vmem>> -> memref<1x80x32xf32, #tpu.memory_space<vmem>>
    %dma_wait3A_83 = tpu.memref_squeeze %dma_wait3A_82 : memref<1x80x32xf32, #tpu.memory_space<vmem>> -> memref<80x32xf32, #tpu.memory_space<vmem>>
    %dma_wait3A_84 = arith.constant 0 : i32
    %dma_wait3A_85 = tpu.memref_slice %arg2[%add3A_79, %dma_wait3A_84] : memref<320000x32xf32, #tpu.memory_space<hbm>> -> memref<80x32xf32, #tpu.memory_space<hbm>>
    %dma_wait3A_86 = arith.constant 0 : i32
    %dma_wait3A_87 = arith.constant 0 : i32
    %dma_wait3A_88 = tpu.memref_slice %arg6[%dma_wait3A, %dma_wait3A_86, %dma_wait3A_87] : memref<4x80x32xf32, #tpu.memory_space<vmem>> -> memref<1x80x32xf32, #tpu.memory_space<vmem>>
    %dma_wait3A_89 = tpu.memref_squeeze %dma_wait3A_88 : memref<1x80x32xf32, #tpu.memory_space<vmem>> -> memref<80x32xf32, #tpu.memory_space<vmem>>
    %dma_wait3A_90 = arith.constant 0 : i32
    %dma_wait3A_91 = tpu.memref_slice %arg2[%add3A_79, %dma_wait3A_90] : memref<320000x32xf32, #tpu.memory_space<hbm>> -> memref<80x32xf32, #tpu.memory_space<hbm>>
    tpu.wait_dma2 semaphore(%arg9 : memref<!tpu.dma_semaphore, #tpu.memory_space<semaphore_mem>>) src(%dma_wait3A_91 : memref<80x32xf32, #tpu.memory_space<hbm>>) dst(%dma_wait3A_89 : memref<80x32xf32, #tpu.memory_space<vmem>>)
    %run_scoped3A = arith.constant 0 : i32
    %run_scoped3A_92 = arith.constant 124 : i32
    "tpu.region"() ({
      %run_scoped3A_98 = tpu.sem_alloc : memref<!tpu.dma_semaphore, #tpu.memory_space<semaphore_mem>>
      %dma_start3A_99 = arith.constant 0 : i32
      %dma_start3A_100 = arith.constant 0 : i32
      %dma_start3A_101 = tpu.memref_slice %arg6[%run_scoped3A, %dma_start3A_99, %dma_start3A_100] : memref<4x80x32xf32, #tpu.memory_space<vmem>> -> memref<1x80x32xf32, #tpu.memory_space<vmem>>
      %dma_start3A_102 = tpu.memref_squeeze %dma_start3A_101 : memref<1x80x32xf32, #tpu.memory_space<vmem>> -> memref<80x32xf32, #tpu.memory_space<vmem>>
      %dma_start3A_103 = arith.constant 0 : i32
      %dma_start3A_104 = tpu.memref_slice %arg5[%run_scoped3A_92, %dma_start3A_103] : memref<125x80xi32, #tpu.memory_space<vmem>> -> memref<1x80xi32, #tpu.memory_space<vmem>>
      %dma_start3A_105 = tpu.memref_squeeze %dma_start3A_104 : memref<1x80xi32, #tpu.memory_space<vmem>> -> memref<80xi32, #tpu.memory_space<vmem>>
      %dma_start3A_106 = arith.constant 0 : i32
      %dma_start3A_107 = arith.constant 0 : i32
      %dma_start3A_108 = tpu.memref_slice %arg8[%dma_start3A_106, %dma_start3A_107] : memref<10000x32xf32, #tpu.memory_space<vmem_shared>> -> memref<10000x32xf32, #tpu.memory_space<vmem_shared>>
      tpu.enqueue_indirect_dma source(%dma_start3A_102 : memref<80x32xf32, #tpu.memory_space<vmem>>) target(%dma_start3A_108 : memref<10000x32xf32, #tpu.memory_space<vmem_shared>>) offsets(%dma_start3A_105 : memref<80xi32, #tpu.memory_space<vmem>>) semaphore(%run_scoped3A_98 : memref<!tpu.dma_semaphore, #tpu.memory_space<semaphore_mem>>) {add = true}
      %dma_wait3A_109 = arith.constant 0 : i32
      %dma_wait3A_110 = arith.constant 0 : i32
      %dma_wait3A_111 = tpu.memref_slice %arg6[%run_scoped3A, %dma_wait3A_109, %dma_wait3A_110] : memref<4x80x32xf32, #tpu.memory_space<vmem>> -> memref<1x80x32xf32, #tpu.memory_space<vmem>>
      %dma_wait3A_112 = tpu.memref_squeeze %dma_wait3A_111 : memref<1x80x32xf32, #tpu.memory_space<vmem>> -> memref<80x32xf32, #tpu.memory_space<vmem>>
      %dma_wait3A_113 = arith.constant 0 : i32
      %dma_wait3A_114 = tpu.memref_slice %arg5[%run_scoped3A_92, %dma_wait3A_113] : memref<125x80xi32, #tpu.memory_space<vmem>> -> memref<1x80xi32, #tpu.memory_space<vmem>>
      %dma_wait3A_115 = tpu.memref_squeeze %dma_wait3A_114 : memref<1x80xi32, #tpu.memory_space<vmem>> -> memref<80xi32, #tpu.memory_space<vmem>>
      %dma_wait3A_116 = arith.constant 0 : i32
      %dma_wait3A_117 = arith.constant 0 : i32
      %dma_wait3A_118 = tpu.memref_slice %arg8[%dma_wait3A_116, %dma_wait3A_117] : memref<10000x32xf32, #tpu.memory_space<vmem_shared>> -> memref<10000x32xf32, #tpu.memory_space<vmem_shared>>
      tpu.wait_indirect_dma semaphore(%run_scoped3A_98 : memref<!tpu.dma_semaphore, #tpu.memory_space<semaphore_mem>>) src(%dma_wait3A_112 : memref<80x32xf32, #tpu.memory_space<vmem>>) dst(%dma_wait3A_118 : memref<10000x32xf32, #tpu.memory_space<vmem_shared>>)
      tpu.yield
    }) : () -> ()
    %barrier3A_93 = arith.constant 0 : index
    tpu.barrier barrier_id(%barrier3A_93)
    %mul3A_94 = arith.constant 625 : i32
    %mul3A_95 = arith.muli %arg1, %mul3A_94 : i32
    %mul3A_96 = arith.constant 625 : i32
    %mul3A_97 = arith.muli %arg1, %mul3A_96 : i32
    "tpu.region"() ({
      %run_scoped3A_98 = tpu.sem_alloc : memref<!tpu.dma_semaphore, #tpu.memory_space<semaphore_mem>>
      %dma_start3A_99 = arith.constant 0 : i32
      %dma_start3A_100 = tpu.memref_slice %arg4[%arg0, %mul3A_97, %dma_start3A_99] : memref<2x10000x32xf32, #tpu.memory_space<hbm>> -> memref<1x625x32xf32, #tpu.memory_space<hbm>>
      %dma_start3A_101 = tpu.memref_squeeze %dma_start3A_100 : memref<1x625x32xf32, #tpu.memory_space<hbm>> -> memref<625x32xf32, #tpu.memory_space<hbm>>
      %dma_start3A_102 = arith.constant 0 : i32
      %dma_start3A_103 = tpu.memref_slice %arg8[%mul3A_95, %dma_start3A_102] : memref<10000x32xf32, #tpu.memory_space<vmem_shared>> -> memref<625x32xf32, #tpu.memory_space<vmem_shared>>
      tpu.enqueue_dma source(%dma_start3A_103 : memref<625x32xf32, #tpu.memory_space<vmem_shared>>) target(%dma_start3A_101 : memref<625x32xf32, #tpu.memory_space<hbm>>) target_semaphore(%run_scoped3A_98 : memref<!tpu.dma_semaphore, #tpu.memory_space<semaphore_mem>>)
      %dma_wait3A_104 = arith.constant 0 : i32
      %dma_wait3A_105 = tpu.memref_slice %arg4[%arg0, %mul3A_97, %dma_wait3A_104] : memref<2x10000x32xf32, #tpu.memory_space<hbm>> -> memref<1x625x32xf32, #tpu.memory_space<hbm>>
      %dma_wait3A_106 = tpu.memref_squeeze %dma_wait3A_105 : memref<1x625x32xf32, #tpu.memory_space<hbm>> -> memref<625x32xf32, #tpu.memory_space<hbm>>
      %dma_wait3A_107 = arith.constant 0 : i32
      %dma_wait3A_108 = tpu.memref_slice %arg8[%mul3A_95, %dma_wait3A_107] : memref<10000x32xf32, #tpu.memory_space<vmem_shared>> -> memref<625x32xf32, #tpu.memory_space<vmem_shared>>
      tpu.wait_dma2 semaphore(%run_scoped3A_98 : memref<!tpu.dma_semaphore, #tpu.memory_space<semaphore_mem>>) src(%dma_wait3A_108 : memref<625x32xf32, #tpu.memory_space<vmem_shared>>) dst(%dma_wait3A_106 : memref<625x32xf32, #tpu.memory_space<hbm>>)
      tpu.yield
    }) : () -> ()
    return
  }
}

module attributes {stable_mosaic.version = 14 : i64} {
  func.func @body(%arg0: i32, %arg1: memref<2000x128xf32, #tpu.memory_space<vmem>>, %arg2: memref<128x32xf32, #tpu.memory_space<vmem>>, %arg3: memref<128x32xf32, #tpu.memory_space<vmem>>, %arg4: memref<1x32xf32, #tpu.memory_space<vmem>>, %arg5: memref<2000x32xf32, #tpu.memory_space<vmem>>, %arg6: memref<2000x32xf32, #tpu.memory_space<vmem>>) attributes {dimension_semantics = [#tpu.dimension_semantics<arbitrary>], iteration_bounds = array<i64: 5>, scalar_prefetch = 0 : i64, scratch_operands = 0 : i64, tpu.core_type = #tpu.core_type<tc>, window_params = [{transform_indices = @transform_0, window_bounds = array<i64: 2000, 128>}, {pipeline_mode = #tpu.pipeline_mode<synchronous>, transform_indices = @transform_1, window_bounds = array<i64: 128, 32>}, {pipeline_mode = #tpu.pipeline_mode<synchronous>, transform_indices = @transform_2, window_bounds = array<i64: 128, 32>}, {pipeline_mode = #tpu.pipeline_mode<synchronous>, transform_indices = @transform_3, window_bounds = array<i64: 1, 32>}, {transform_indices = @transform_4, window_bounds = array<i64: 2000, 32>}, {transform_indices = @transform_5, window_bounds = array<i64: 2000, 32>}]} {
    %get3A = arith.constant 0 : index
    %get3A_0 = arith.constant 0 : index
    %get3A_1 = vector.load %arg1[%get3A, %get3A_0] : memref<2000x128xf32, #tpu.memory_space<vmem>>, vector<2000x128xf32>
    %get3A_2 = arith.constant 0 : index
    %get3A_3 = arith.constant 0 : index
    %get3A_4 = vector.load %arg2[%get3A_2, %get3A_3] : memref<128x32xf32, #tpu.memory_space<vmem>>, vector<128x32xf32>
    %dot_general3A = arith.constant dense<0.000000e+00> : vector<2000x32xf32>
    %dot_general3A_5 = tpu.matmul %get3A_1, %get3A_4, %dot_general3A {dimension_numbers = #tpu.dot_dimension_numbers<[1], [0], [0], [1], [0, 0, 1, 1], [], []>, precision = #tpu.contract_precision<fp32>, transpose_lhs_hint = false} : vector<2000x128xf32>, vector<128x32xf32>, vector<2000x32xf32> -> vector<2000x32xf32>
    %get3A_6 = arith.constant 0 : index
    %get3A_7 = arith.constant 0 : index
    %get3A_8 = vector.load %arg4[%get3A_6, %get3A_7] : memref<1x32xf32, #tpu.memory_space<vmem>>, vector<1x32xf32>
    %add3A = vector.broadcast %get3A_8 : vector<1x32xf32> to vector<2000x32xf32>
    %add3A_9 = arith.addf %dot_general3A_5, %add3A : vector<2000x32xf32>
    %swap3A = arith.constant 0 : index
    %swap3A_10 = arith.constant 0 : index
    %swap3A_11 = vector.load %arg5[%swap3A, %swap3A_10] : memref<2000x32xf32, #tpu.memory_space<vmem>>, vector<2000x32xf32>
    tpu.vector_store %arg5[%swap3A, %swap3A_10], %add3A_9 {strides = array<i32>} : memref<2000x32xf32, #tpu.memory_space<vmem>>, vector<2000x32xf32>,
    %get3A_12 = arith.constant 0 : index
    %get3A_13 = arith.constant 0 : index
    %get3A_14 = vector.load %arg3[%get3A_12, %get3A_13] : memref<128x32xf32, #tpu.memory_space<vmem>>, vector<128x32xf32>
    %dot_general3A_15 = arith.constant dense<0.000000e+00> : vector<2000x32xf32>
    %dot_general3A_16 = tpu.matmul %get3A_1, %get3A_14, %dot_general3A_15 {dimension_numbers = #tpu.dot_dimension_numbers<[1], [0], [0], [1], [0, 0, 1, 1], [], []>, precision = #tpu.contract_precision<fp32>, transpose_lhs_hint = false} : vector<2000x128xf32>, vector<128x32xf32>, vector<2000x32xf32> -> vector<2000x32xf32>
    %swap3A_17 = arith.constant 0 : index
    %swap3A_18 = arith.constant 0 : index
    %swap3A_19 = vector.load %arg6[%swap3A_17, %swap3A_18] : memref<2000x32xf32, #tpu.memory_space<vmem>>, vector<2000x32xf32>
    tpu.vector_store %arg6[%swap3A_17, %swap3A_18], %dot_general3A_16 {strides = array<i32>} : memref<2000x32xf32, #tpu.memory_space<vmem>>, vector<2000x32xf32>,
    return
  }
  func.func @transform_0(%arg0: i32) -> (i32, i32) {
    %c0_i32 = arith.constant 0 : i32
    %c0_i32_0 = arith.constant 0 : i32
    return %arg0, %c0_i32 : i32, i32
  }
  func.func @transform_1(%arg0: i32) -> (i32, i32) {
    %c0_i32 = arith.constant 0 : i32
    %c0_i32_0 = arith.constant 0 : i32
    %c0_i32_1 = arith.constant 0 : i32
    return %c0_i32, %c0_i32_0 : i32, i32
  }
  func.func @transform_2(%arg0: i32) -> (i32, i32) {
    %c0_i32 = arith.constant 0 : i32
    %c0_i32_0 = arith.constant 0 : i32
    %c0_i32_1 = arith.constant 0 : i32
    return %c0_i32, %c0_i32_0 : i32, i32
  }
  func.func @transform_3(%arg0: i32) -> (i32, i32) {
    %c0_i32 = arith.constant 0 : i32
    %c0_i32_0 = arith.constant 0 : i32
    %c0_i32_1 = arith.constant 0 : i32
    return %c0_i32, %c0_i32_0 : i32, i32
  }
  func.func @transform_4(%arg0: i32) -> (i32, i32) {
    %c0_i32 = arith.constant 0 : i32
    %c0_i32_0 = arith.constant 0 : i32
    return %arg0, %c0_i32 : i32, i32
  }
  func.func @transform_5(%arg0: i32) -> (i32, i32) {
    %c0_i32 = arith.constant 0 : i32
    %c0_i32_0 = arith.constant 0 : i32
    return %arg0, %c0_i32 : i32, i32
  }
}

module attributes {stable_mosaic.version = 14 : i64} {
  func.func @body(%arg0: i32, %arg1: memref<2000x256xf32, #tpu.memory_space<vmem>>, %arg2: memref<2000x256xf32, #tpu.memory_space<vmem>>, %arg3: memref<256x512xbf16, #tpu.memory_space<vmem>>, %arg4: memref<256x512xbf16, #tpu.memory_space<vmem>>, %arg5: memref<1x512xf32, #tpu.memory_space<vmem>>, %arg6: memref<512x256xbf16, #tpu.memory_space<vmem>>, %arg7: memref<512x256xbf16, #tpu.memory_space<vmem>>, %arg8: memref<1x256xf32, #tpu.memory_space<vmem>>, %arg9: memref<256x128xbf16, #tpu.memory_space<vmem>>, %arg10: memref<256x128xbf16, #tpu.memory_space<vmem>>, %arg11: memref<1x128xf32, #tpu.memory_space<vmem>>, %arg12: memref<2000x128xf32, #tpu.memory_space<vmem>>) attributes {dimension_semantics = [#tpu.dimension_semantics<arbitrary>], iteration_bounds = array<i64: 20>, scalar_prefetch = 0 : i64, scratch_operands = 0 : i64, tpu.core_type = #tpu.core_type<tc>, window_params = [{transform_indices = @transform_0, window_bounds = array<i64: 2000, 256>}, {transform_indices = @transform_1, window_bounds = array<i64: 2000, 256>}, {pipeline_mode = #tpu.pipeline_mode<synchronous>, transform_indices = @transform_2, window_bounds = array<i64: 256, 512>}, {pipeline_mode = #tpu.pipeline_mode<synchronous>, transform_indices = @transform_3, window_bounds = array<i64: 256, 512>}, {pipeline_mode = #tpu.pipeline_mode<synchronous>, transform_indices = @transform_4, window_bounds = array<i64: 1, 512>}, {pipeline_mode = #tpu.pipeline_mode<synchronous>, transform_indices = @transform_5, window_bounds = array<i64: 512, 256>}, {pipeline_mode = #tpu.pipeline_mode<synchronous>, transform_indices = @transform_6, window_bounds = array<i64: 512, 256>}, {pipeline_mode = #tpu.pipeline_mode<synchronous>, transform_indices = @transform_7, window_bounds = array<i64: 1, 256>}, {pipeline_mode = #tpu.pipeline_mode<synchronous>, transform_indices = @transform_8, window_bounds = array<i64: 256, 128>}, {pipeline_mode = #tpu.pipeline_mode<synchronous>, transform_indices = @transform_9, window_bounds = array<i64: 256, 128>}, {pipeline_mode = #tpu.pipeline_mode<synchronous>, transform_indices = @transform_10, window_bounds = array<i64: 1, 128>}, {transform_indices = @transform_11, window_bounds = array<i64: 2000, 128>}]} {
    %get3A = arith.constant 0 : index
    %get3A_0 = arith.constant 0 : index
    %get3A_1 = vector.load %arg1[%get3A, %get3A_0] : memref<2000x256xf32, #tpu.memory_space<vmem>>, vector<2000x256xf32>
    %get3A_2 = arith.constant 0 : index
    %get3A_3 = arith.constant 0 : index
    %get3A_4 = vector.load %arg2[%get3A_2, %get3A_3] : memref<2000x256xf32, #tpu.memory_space<vmem>>, vector<2000x256xf32>
    %add3A = arith.addf %get3A_1, %get3A_4 : vector<2000x256xf32>
    %max3A = arith.constant 0.000000e+00 : f32
    %max3A_5 = vector.broadcast %max3A : f32 to vector<2000x256xf32>
    %max3A_6 = arith.maximumf %add3A, %max3A_5 : vector<2000x256xf32>
    %get3A_7 = arith.constant 0 : index
    %get3A_8 = arith.constant 0 : index
    %get3A_9 = vector.load %arg3[%get3A_7, %get3A_8] : memref<256x512xbf16, #tpu.memory_space<vmem>>, vector<256x512xbf16>
    %get3A_10 = arith.constant 0 : index
    %get3A_11 = arith.constant 0 : index
    %get3A_12 = vector.load %arg4[%get3A_10, %get3A_11] : memref<256x512xbf16, #tpu.memory_space<vmem>>, vector<256x512xbf16>
    %get3A_13 = arith.constant 0 : index
    %get3A_14 = arith.constant 0 : index
    %get3A_15 = vector.load %arg5[%get3A_13, %get3A_14] : memref<1x512xf32, #tpu.memory_space<vmem>>, vector<1x512xf32>
    %convert_element_type3A = arith.truncf %max3A_6 : vector<2000x256xf32> to vector<2000x256xbf16>
    %convert_element_type3A_16 = arith.extf %convert_element_type3A : vector<2000x256xbf16> to vector<2000x256xf32>
    %sub3A = arith.subf %max3A_6, %convert_element_type3A_16 : vector<2000x256xf32>
    %convert_element_type3A_17 = arith.truncf %sub3A : vector<2000x256xf32> to vector<2000x256xbf16>
    %dot_general3A = arith.constant dense<0.000000e+00> : vector<2000x512xf32>
    %dot_general3A_18 = tpu.matmul %convert_element_type3A, %get3A_9, %dot_general3A {dimension_numbers = #tpu.dot_dimension_numbers<[1], [0], [0], [1], [0, 0, 1, 1], [], []>, transpose_lhs_hint = false} : vector<2000x256xbf16>, vector<256x512xbf16>, vector<2000x512xf32> -> vector<2000x512xf32>
    %dot_general3A_19 = arith.constant dense<0.000000e+00> : vector<2000x512xf32>
    %dot_general3A_20 = tpu.matmul %convert_element_type3A_17, %get3A_9, %dot_general3A_19 {dimension_numbers = #tpu.dot_dimension_numbers<[1], [0], [0], [1], [0, 0, 1, 1], [], []>, transpose_lhs_hint = false} : vector<2000x256xbf16>, vector<256x512xbf16>, vector<2000x512xf32> -> vector<2000x512xf32>
    %add3A_21 = arith.addf %dot_general3A_18, %dot_general3A_20 : vector<2000x512xf32>
    %dot_general3A_22 = arith.constant dense<0.000000e+00> : vector<2000x512xf32>
    %dot_general3A_23 = tpu.matmul %convert_element_type3A, %get3A_12, %dot_general3A_22 {dimension_numbers = #tpu.dot_dimension_numbers<[1], [0], [0], [1], [0, 0, 1, 1], [], []>, transpose_lhs_hint = false} : vector<2000x256xbf16>, vector<256x512xbf16>, vector<2000x512xf32> -> vector<2000x512xf32>
    %add3A_24 = arith.addf %add3A_21, %dot_general3A_23 : vector<2000x512xf32>
    %add3A_25 = vector.broadcast %get3A_15 : vector<1x512xf32> to vector<2000x512xf32>
    %add3A_26 = arith.addf %add3A_24, %add3A_25 : vector<2000x512xf32>
    %max3A_27 = arith.constant 0.000000e+00 : f32
    %max3A_28 = vector.broadcast %max3A_27 : f32 to vector<2000x512xf32>
    %max3A_29 = arith.maximumf %add3A_26, %max3A_28 : vector<2000x512xf32>
    %get3A_30 = arith.constant 0 : index
    %get3A_31 = arith.constant 0 : index
    %get3A_32 = vector.load %arg6[%get3A_30, %get3A_31] : memref<512x256xbf16, #tpu.memory_space<vmem>>, vector<512x256xbf16>
    %get3A_33 = arith.constant 0 : index
    %get3A_34 = arith.constant 0 : index
    %get3A_35 = vector.load %arg7[%get3A_33, %get3A_34] : memref<512x256xbf16, #tpu.memory_space<vmem>>, vector<512x256xbf16>
    %get3A_36 = arith.constant 0 : index
    %get3A_37 = arith.constant 0 : index
    %get3A_38 = vector.load %arg8[%get3A_36, %get3A_37] : memref<1x256xf32, #tpu.memory_space<vmem>>, vector<1x256xf32>
    %convert_element_type3A_39 = arith.truncf %max3A_29 : vector<2000x512xf32> to vector<2000x512xbf16>
    %convert_element_type3A_40 = arith.extf %convert_element_type3A_39 : vector<2000x512xbf16> to vector<2000x512xf32>
    %sub3A_41 = arith.subf %max3A_29, %convert_element_type3A_40 : vector<2000x512xf32>
    %convert_element_type3A_42 = arith.truncf %sub3A_41 : vector<2000x512xf32> to vector<2000x512xbf16>
    %dot_general3A_43 = arith.constant dense<0.000000e+00> : vector<2000x256xf32>
    %dot_general3A_44 = tpu.matmul %convert_element_type3A_39, %get3A_32, %dot_general3A_43 {dimension_numbers = #tpu.dot_dimension_numbers<[1], [0], [0], [1], [0, 0, 1, 1], [], []>, transpose_lhs_hint = false} : vector<2000x512xbf16>, vector<512x256xbf16>, vector<2000x256xf32> -> vector<2000x256xf32>
    %dot_general3A_45 = arith.constant dense<0.000000e+00> : vector<2000x256xf32>
    %dot_general3A_46 = tpu.matmul %convert_element_type3A_42, %get3A_32, %dot_general3A_45 {dimension_numbers = #tpu.dot_dimension_numbers<[1], [0], [0], [1], [0, 0, 1, 1], [], []>, transpose_lhs_hint = false} : vector<2000x512xbf16>, vector<512x256xbf16>, vector<2000x256xf32> -> vector<2000x256xf32>
    %add3A_47 = arith.addf %dot_general3A_44, %dot_general3A_46 : vector<2000x256xf32>
    %dot_general3A_48 = arith.constant dense<0.000000e+00> : vector<2000x256xf32>
    %dot_general3A_49 = tpu.matmul %convert_element_type3A_39, %get3A_35, %dot_general3A_48 {dimension_numbers = #tpu.dot_dimension_numbers<[1], [0], [0], [1], [0, 0, 1, 1], [], []>, transpose_lhs_hint = false} : vector<2000x512xbf16>, vector<512x256xbf16>, vector<2000x256xf32> -> vector<2000x256xf32>
    %add3A_50 = arith.addf %add3A_47, %dot_general3A_49 : vector<2000x256xf32>
    %add3A_51 = vector.broadcast %get3A_38 : vector<1x256xf32> to vector<2000x256xf32>
    %add3A_52 = arith.addf %add3A_50, %add3A_51 : vector<2000x256xf32>
    %max3A_53 = arith.constant 0.000000e+00 : f32
    %max3A_54 = vector.broadcast %max3A_53 : f32 to vector<2000x256xf32>
    %max3A_55 = arith.maximumf %add3A_52, %max3A_54 : vector<2000x256xf32>
    %get3A_56 = arith.constant 0 : index
    %get3A_57 = arith.constant 0 : index
    %get3A_58 = vector.load %arg9[%get3A_56, %get3A_57] : memref<256x128xbf16, #tpu.memory_space<vmem>>, vector<256x128xbf16>
    %get3A_59 = arith.constant 0 : index
    %get3A_60 = arith.constant 0 : index
    %get3A_61 = vector.load %arg10[%get3A_59, %get3A_60] : memref<256x128xbf16, #tpu.memory_space<vmem>>, vector<256x128xbf16>
    %get3A_62 = arith.constant 0 : index
    %get3A_63 = arith.constant 0 : index
    %get3A_64 = vector.load %arg11[%get3A_62, %get3A_63] : memref<1x128xf32, #tpu.memory_space<vmem>>, vector<1x128xf32>
    %convert_element_type3A_65 = arith.truncf %max3A_55 : vector<2000x256xf32> to vector<2000x256xbf16>
    %convert_element_type3A_66 = arith.extf %convert_element_type3A_65 : vector<2000x256xbf16> to vector<2000x256xf32>
    %sub3A_67 = arith.subf %max3A_55, %convert_element_type3A_66 : vector<2000x256xf32>
    %convert_element_type3A_68 = arith.truncf %sub3A_67 : vector<2000x256xf32> to vector<2000x256xbf16>
    %dot_general3A_69 = arith.constant dense<0.000000e+00> : vector<2000x128xf32>
    %dot_general3A_70 = tpu.matmul %convert_element_type3A_65, %get3A_58, %dot_general3A_69 {dimension_numbers = #tpu.dot_dimension_numbers<[1], [0], [0], [1], [0, 0, 1, 1], [], []>, transpose_lhs_hint = false} : vector<2000x256xbf16>, vector<256x128xbf16>, vector<2000x128xf32> -> vector<2000x128xf32>
    %dot_general3A_71 = arith.constant dense<0.000000e+00> : vector<2000x128xf32>
    %dot_general3A_72 = tpu.matmul %convert_element_type3A_68, %get3A_58, %dot_general3A_71 {dimension_numbers = #tpu.dot_dimension_numbers<[1], [0], [0], [1], [0, 0, 1, 1], [], []>, transpose_lhs_hint = false} : vector<2000x256xbf16>, vector<256x128xbf16>, vector<2000x128xf32> -> vector<2000x128xf32>
    %add3A_73 = arith.addf %dot_general3A_70, %dot_general3A_72 : vector<2000x128xf32>
    %dot_general3A_74 = arith.constant dense<0.000000e+00> : vector<2000x128xf32>
    %dot_general3A_75 = tpu.matmul %convert_element_type3A_65, %get3A_61, %dot_general3A_74 {dimension_numbers = #tpu.dot_dimension_numbers<[1], [0], [0], [1], [0, 0, 1, 1], [], []>, transpose_lhs_hint = false} : vector<2000x256xbf16>, vector<256x128xbf16>, vector<2000x128xf32> -> vector<2000x128xf32>
    %add3A_76 = arith.addf %add3A_73, %dot_general3A_75 : vector<2000x128xf32>
    %add3A_77 = vector.broadcast %get3A_64 : vector<1x128xf32> to vector<2000x128xf32>
    %add3A_78 = arith.addf %add3A_76, %add3A_77 : vector<2000x128xf32>
    %max3A_79 = arith.constant 0.000000e+00 : f32
    %max3A_80 = vector.broadcast %max3A_79 : f32 to vector<2000x128xf32>
    %max3A_81 = arith.maximumf %add3A_78, %max3A_80 : vector<2000x128xf32>
    %swap3A = arith.constant 0 : index
    %swap3A_82 = arith.constant 0 : index
    %swap3A_83 = vector.load %arg12[%swap3A, %swap3A_82] : memref<2000x128xf32, #tpu.memory_space<vmem>>, vector<2000x128xf32>
    tpu.vector_store %arg12[%swap3A, %swap3A_82], %max3A_81 {strides = array<i32>} : memref<2000x128xf32, #tpu.memory_space<vmem>>, vector<2000x128xf32>,
    return
  }
  func.func @transform_0(%arg0: i32) -> (i32, i32) {
    %c0_i32 = arith.constant 0 : i32
    %c0_i32_0 = arith.constant 0 : i32
    return %arg0, %c0_i32 : i32, i32
  }
  func.func @transform_1(%arg0: i32) -> (i32, i32) {
    %c0_i32 = arith.constant 0 : i32
    %c0_i32_0 = arith.constant 0 : i32
    return %arg0, %c0_i32 : i32, i32
  }
  func.func @transform_2(%arg0: i32) -> (i32, i32) {
    %c0_i32 = arith.constant 0 : i32
    %c0_i32_0 = arith.constant 0 : i32
    %c0_i32_1 = arith.constant 0 : i32
    return %c0_i32, %c0_i32_0 : i32, i32
  }
  func.func @transform_3(%arg0: i32) -> (i32, i32) {
    %c0_i32 = arith.constant 0 : i32
    %c0_i32_0 = arith.constant 0 : i32
    %c0_i32_1 = arith.constant 0 : i32
    return %c0_i32, %c0_i32_0 : i32, i32
  }
  func.func @transform_4(%arg0: i32) -> (i32, i32) {
    %c0_i32 = arith.constant 0 : i32
    %c0_i32_0 = arith.constant 0 : i32
    %c0_i32_1 = arith.constant 0 : i32
    return %c0_i32, %c0_i32_0 : i32, i32
  }
  func.func @transform_5(%arg0: i32) -> (i32, i32) {
    %c0_i32 = arith.constant 0 : i32
    %c0_i32_0 = arith.constant 0 : i32
    %c0_i32_1 = arith.constant 0 : i32
    return %c0_i32, %c0_i32_0 : i32, i32
  }
  func.func @transform_6(%arg0: i32) -> (i32, i32) {
    %c0_i32 = arith.constant 0 : i32
    %c0_i32_0 = arith.constant 0 : i32
    %c0_i32_1 = arith.constant 0 : i32
    return %c0_i32, %c0_i32_0 : i32, i32
  }
  func.func @transform_7(%arg0: i32) -> (i32, i32) {
    %c0_i32 = arith.constant 0 : i32
    %c0_i32_0 = arith.constant 0 : i32
    %c0_i32_1 = arith.constant 0 : i32
    return %c0_i32, %c0_i32_0 : i32, i32
  }
  func.func @transform_8(%arg0: i32) -> (i32, i32) {
    %c0_i32 = arith.constant 0 : i32
    %c0_i32_0 = arith.constant 0 : i32
    %c0_i32_1 = arith.constant 0 : i32
    return %c0_i32, %c0_i32_0 : i32, i32
  }
  func.func @transform_9(%arg0: i32) -> (i32, i32) {
    %c0_i32 = arith.constant 0 : i32
    %c0_i32_0 = arith.constant 0 : i32
    %c0_i32_1 = arith.constant 0 : i32
    return %c0_i32, %c0_i32_0 : i32, i32
  }
  func.func @transform_10(%arg0: i32) -> (i32, i32) {
    %c0_i32 = arith.constant 0 : i32
    %c0_i32_0 = arith.constant 0 : i32
    %c0_i32_1 = arith.constant 0 : i32
    return %c0_i32, %c0_i32_0 : i32, i32
  }
  func.func @transform_11(%arg0: i32) -> (i32, i32) {
    %c0_i32 = arith.constant 0 : i32
    %c0_i32_0 = arith.constant 0 : i32
    return %arg0, %c0_i32 : i32, i32
  }
}

module attributes {stable_mosaic.version = 14 : i64} {
  func.func @body(%arg0: i32, %arg1: memref<2x2000x16xf32, #tpu.memory_space<vmem>>, %arg2: memref<2000x8xf32, #tpu.memory_space<vmem>>, %arg3: memref<2000x1xf32, #tpu.memory_space<vmem>>) attributes {dimension_semantics = [#tpu.dimension_semantics<arbitrary>], iteration_bounds = array<i64: 5>, scalar_prefetch = 0 : i64, scratch_operands = 0 : i64, tpu.core_type = #tpu.core_type<tc>, window_params = [{transform_indices = @transform_0, window_bounds = array<i64: 2, 2000, 16>}, {transform_indices = @transform_1, window_bounds = array<i64: 2000, 8>}, {transform_indices = @transform_2, window_bounds = array<i64: 2000, 1>}]} {
    %get3A = arith.constant 0 : index
    %get3A_0 = arith.constant 0 : index
    %get3A_1 = arith.constant 0 : index
    %get3A_2 = vector.load %arg1[%get3A, %get3A_0, %get3A_1] : memref<2x2000x16xf32, #tpu.memory_space<vmem>>, vector<1x2000x16xf32>
    %get3A_3 = vector.shape_cast %get3A_2 : vector<1x2000x16xf32> to vector<2000x16xf32>
    %get3A_4 = arith.constant 1 : index
    %get3A_5 = arith.constant 0 : index
    %get3A_6 = arith.constant 0 : index
    %get3A_7 = vector.load %arg1[%get3A_4, %get3A_5, %get3A_6] : memref<2x2000x16xf32, #tpu.memory_space<vmem>>, vector<1x2000x16xf32>
    %get3A_8 = vector.shape_cast %get3A_7 : vector<1x2000x16xf32> to vector<2000x16xf32>
    %add3A = arith.addf %get3A_3, %get3A_8 : vector<2000x16xf32>
    %slice3A = vector.extract_strided_slice %add3A {offsets = [0, 2], sizes = [2000, 1], strides = [1, 1]} : vector<2000x16xf32> to vector<2000x1xf32>
    %slice3A_9 = vector.extract_strided_slice %add3A {offsets = [0, 0], sizes = [2000, 2], strides = [1, 1]} : vector<2000x16xf32> to vector<2000x2xf32>
    %max3A = arith.constant 1.000000e+00 : f32
    %max3A_10 = vector.broadcast %max3A : f32 to vector<2000x1xf32>
    %max3A_11 = arith.maximumf %slice3A, %max3A_10 : vector<2000x1xf32>
    %div3A = vector.broadcast %max3A_11 : vector<2000x1xf32> to vector<2000x2xf32>
    %div3A_12 = arith.divf %slice3A_9, %div3A : vector<2000x2xf32>
    %jit3A = arith.constant 0 : i32
    %convert_element_type3A = arith.sitofp %jit3A : i32 to f32
    %pad3A = vector.broadcast %convert_element_type3A : f32 to vector<2000x6xf32>
    %pad3A_13 = tpu.concatenate %div3A_12, %pad3A in 1 : vector<2000x2xf32>, vector<2000x6xf32> -> vector<2000x8xf32>
    %swap3A = arith.constant 0 : index
    %swap3A_14 = arith.constant 0 : index
    %swap3A_15 = vector.load %arg2[%swap3A, %swap3A_14] : memref<2000x8xf32, #tpu.memory_space<vmem>>, vector<2000x8xf32>
    tpu.vector_store %arg2[%swap3A, %swap3A_14], %pad3A_13 {strides = array<i32>} : memref<2000x8xf32, #tpu.memory_space<vmem>>, vector<2000x8xf32>,
    %swap3A_16 = arith.constant 0 : index
    %swap3A_17 = arith.constant 0 : index
    %swap3A_18 = vector.load %arg3[%swap3A_16, %swap3A_17] : memref<2000x1xf32, #tpu.memory_space<vmem>>, vector<2000x1xf32>
    tpu.vector_store %arg3[%swap3A_16, %swap3A_17], %slice3A {strides = array<i32>} : memref<2000x1xf32, #tpu.memory_space<vmem>>, vector<2000x1xf32>,
    return
  }
  func.func @transform_0(%arg0: i32) -> (i32, i32, i32) {
    %c0_i32 = arith.constant 0 : i32
    %c0_i32_0 = arith.constant 0 : i32
    %c0_i32_1 = arith.constant 0 : i32
    return %c0_i32, %arg0, %c0_i32_0 : i32, i32, i32
  }
  func.func @transform_1(%arg0: i32) -> (i32, i32) {
    %c0_i32 = arith.constant 0 : i32
    %c0_i32_0 = arith.constant 0 : i32
    return %arg0, %c0_i32 : i32, i32
  }
  func.func @transform_2(%arg0: i32) -> (i32, i32) {
    %c0_i32 = arith.constant 0 : i32
    %c0_i32_0 = arith.constant 0 : i32
    return %arg0, %c0_i32 : i32, i32
  }
}

module attributes {stable_mosaic.version = 14 : i64} {
  func.func @body(%arg0: i32, %arg1: memref<2000x64xf32, #tpu.memory_space<vmem>>, %arg2: memref<2000x64xf32, #tpu.memory_space<vmem>>, %arg3: memref<64x256xf32, #tpu.memory_space<vmem>>, %arg4: memref<64x256xf32, #tpu.memory_space<vmem>>, %arg5: memref<1x256xf32, #tpu.memory_space<vmem>>, %arg6: memref<256x512xf32, #tpu.memory_space<vmem>>, %arg7: memref<1x512xf32, #tpu.memory_space<vmem>>, %arg8: memref<512x256xf32, #tpu.memory_space<vmem>>, %arg9: memref<1x256xf32, #tpu.memory_space<vmem>>, %arg10: memref<2000x256xf32, #tpu.memory_space<vmem>>) attributes {dimension_semantics = [#tpu.dimension_semantics<arbitrary>], iteration_bounds = array<i64: 20>, scalar_prefetch = 0 : i64, scratch_operands = 0 : i64, tpu.core_type = #tpu.core_type<tc>, window_params = [{transform_indices = @transform_0, window_bounds = array<i64: 2000, 64>}, {transform_indices = @transform_1, window_bounds = array<i64: 2000, 64>}, {pipeline_mode = #tpu.pipeline_mode<synchronous>, transform_indices = @transform_2, window_bounds = array<i64: 64, 256>}, {pipeline_mode = #tpu.pipeline_mode<synchronous>, transform_indices = @transform_3, window_bounds = array<i64: 64, 256>}, {pipeline_mode = #tpu.pipeline_mode<synchronous>, transform_indices = @transform_4, window_bounds = array<i64: 1, 256>}, {pipeline_mode = #tpu.pipeline_mode<synchronous>, transform_indices = @transform_5, window_bounds = array<i64: 256, 512>}, {pipeline_mode = #tpu.pipeline_mode<synchronous>, transform_indices = @transform_6, window_bounds = array<i64: 1, 512>}, {pipeline_mode = #tpu.pipeline_mode<synchronous>, transform_indices = @transform_7, window_bounds = array<i64: 512, 256>}, {pipeline_mode = #tpu.pipeline_mode<synchronous>, transform_indices = @transform_8, window_bounds = array<i64: 1, 256>}, {transform_indices = @transform_9, window_bounds = array<i64: 2000, 256>}]} {
    %get3A = arith.constant 0 : index
    %get3A_0 = arith.constant 0 : index
    %get3A_1 = vector.load %arg1[%get3A, %get3A_0] : memref<2000x64xf32, #tpu.memory_space<vmem>>, vector<2000x64xf32>
    %get3A_2 = arith.constant 0 : index
    %get3A_3 = arith.constant 0 : index
    %get3A_4 = vector.load %arg3[%get3A_2, %get3A_3] : memref<64x256xf32, #tpu.memory_space<vmem>>, vector<64x256xf32>
    %dot_general3A = arith.constant dense<0.000000e+00> : vector<2000x256xf32>
    %dot_general3A_5 = tpu.matmul %get3A_1, %get3A_4, %dot_general3A {dimension_numbers = #tpu.dot_dimension_numbers<[1], [0], [0], [1], [0, 0, 1, 1], [], []>, transpose_lhs_hint = false} : vector<2000x64xf32>, vector<64x256xf32>, vector<2000x256xf32> -> vector<2000x256xf32>
    %get3A_6 = arith.constant 0 : index
    %get3A_7 = arith.constant 0 : index
    %get3A_8 = vector.load %arg2[%get3A_6, %get3A_7] : memref<2000x64xf32, #tpu.memory_space<vmem>>, vector<2000x64xf32>
    %get3A_9 = arith.constant 0 : index
    %get3A_10 = arith.constant 0 : index
    %get3A_11 = vector.load %arg4[%get3A_9, %get3A_10] : memref<64x256xf32, #tpu.memory_space<vmem>>, vector<64x256xf32>
    %dot_general3A_12 = arith.constant dense<0.000000e+00> : vector<2000x256xf32>
    %dot_general3A_13 = tpu.matmul %get3A_8, %get3A_11, %dot_general3A_12 {dimension_numbers = #tpu.dot_dimension_numbers<[1], [0], [0], [1], [0, 0, 1, 1], [], []>, transpose_lhs_hint = false} : vector<2000x64xf32>, vector<64x256xf32>, vector<2000x256xf32> -> vector<2000x256xf32>
    %add3A = arith.addf %dot_general3A_5, %dot_general3A_13 : vector<2000x256xf32>
    %get3A_14 = arith.constant 0 : index
    %get3A_15 = arith.constant 0 : index
    %get3A_16 = vector.load %arg5[%get3A_14, %get3A_15] : memref<1x256xf32, #tpu.memory_space<vmem>>, vector<1x256xf32>
    %add3A_17 = vector.broadcast %get3A_16 : vector<1x256xf32> to vector<2000x256xf32>
    %add3A_18 = arith.addf %add3A, %add3A_17 : vector<2000x256xf32>
    %max3A = arith.constant 0.000000e+00 : f32
    %max3A_19 = vector.broadcast %max3A : f32 to vector<2000x256xf32>
    %max3A_20 = arith.maximumf %add3A_18, %max3A_19 : vector<2000x256xf32>
    %get3A_21 = arith.constant 0 : index
    %get3A_22 = arith.constant 0 : index
    %get3A_23 = vector.load %arg6[%get3A_21, %get3A_22] : memref<256x512xf32, #tpu.memory_space<vmem>>, vector<256x512xf32>
    %dot_general3A_24 = arith.constant dense<0.000000e+00> : vector<2000x512xf32>
    %dot_general3A_25 = tpu.matmul %max3A_20, %get3A_23, %dot_general3A_24 {dimension_numbers = #tpu.dot_dimension_numbers<[1], [0], [0], [1], [0, 0, 1, 1], [], []>, transpose_lhs_hint = false} : vector<2000x256xf32>, vector<256x512xf32>, vector<2000x512xf32> -> vector<2000x512xf32>
    %get3A_26 = arith.constant 0 : index
    %get3A_27 = arith.constant 0 : index
    %get3A_28 = vector.load %arg7[%get3A_26, %get3A_27] : memref<1x512xf32, #tpu.memory_space<vmem>>, vector<1x512xf32>
    %add3A_29 = vector.broadcast %get3A_28 : vector<1x512xf32> to vector<2000x512xf32>
    %add3A_30 = arith.addf %dot_general3A_25, %add3A_29 : vector<2000x512xf32>
    %max3A_31 = arith.constant 0.000000e+00 : f32
    %max3A_32 = vector.broadcast %max3A_31 : f32 to vector<2000x512xf32>
    %max3A_33 = arith.maximumf %add3A_30, %max3A_32 : vector<2000x512xf32>
    %get3A_34 = arith.constant 0 : index
    %get3A_35 = arith.constant 0 : index
    %get3A_36 = vector.load %arg8[%get3A_34, %get3A_35] : memref<512x256xf32, #tpu.memory_space<vmem>>, vector<512x256xf32>
    %dot_general3A_37 = arith.constant dense<0.000000e+00> : vector<2000x256xf32>
    %dot_general3A_38 = tpu.matmul %max3A_33, %get3A_36, %dot_general3A_37 {dimension_numbers = #tpu.dot_dimension_numbers<[1], [0], [0], [1], [0, 0, 1, 1], [], []>, transpose_lhs_hint = false} : vector<2000x512xf32>, vector<512x256xf32>, vector<2000x256xf32> -> vector<2000x256xf32>
    %get3A_39 = arith.constant 0 : index
    %get3A_40 = arith.constant 0 : index
    %get3A_41 = vector.load %arg9[%get3A_39, %get3A_40] : memref<1x256xf32, #tpu.memory_space<vmem>>, vector<1x256xf32>
    %add3A_42 = vector.broadcast %get3A_41 : vector<1x256xf32> to vector<2000x256xf32>
    %add3A_43 = arith.addf %dot_general3A_38, %add3A_42 : vector<2000x256xf32>
    %max3A_44 = arith.constant 0.000000e+00 : f32
    %max3A_45 = vector.broadcast %max3A_44 : f32 to vector<2000x256xf32>
    %max3A_46 = arith.maximumf %add3A_43, %max3A_45 : vector<2000x256xf32>
    %swap3A = arith.constant 0 : index
    %swap3A_47 = arith.constant 0 : index
    %swap3A_48 = vector.load %arg10[%swap3A, %swap3A_47] : memref<2000x256xf32, #tpu.memory_space<vmem>>, vector<2000x256xf32>
    tpu.vector_store %arg10[%swap3A, %swap3A_47], %max3A_46 {strides = array<i32>} : memref<2000x256xf32, #tpu.memory_space<vmem>>, vector<2000x256xf32>,
    return
  }
  func.func @transform_0(%arg0: i32) -> (i32, i32) {
    %c0_i32 = arith.constant 0 : i32
    %c0_i32_0 = arith.constant 0 : i32
    return %arg0, %c0_i32 : i32, i32
  }
  func.func @transform_1(%arg0: i32) -> (i32, i32) {
    %c0_i32 = arith.constant 0 : i32
    %c0_i32_0 = arith.constant 0 : i32
    return %arg0, %c0_i32 : i32, i32
  }
  func.func @transform_2(%arg0: i32) -> (i32, i32) {
    %c0_i32 = arith.constant 0 : i32
    %c0_i32_0 = arith.constant 0 : i32
    %c0_i32_1 = arith.constant 0 : i32
    return %c0_i32, %c0_i32_0 : i32, i32
  }
  func.func @transform_3(%arg0: i32) -> (i32, i32) {
    %c0_i32 = arith.constant 0 : i32
    %c0_i32_0 = arith.constant 0 : i32
    %c0_i32_1 = arith.constant 0 : i32
    return %c0_i32, %c0_i32_0 : i32, i32
  }
  func.func @transform_4(%arg0: i32) -> (i32, i32) {
    %c0_i32 = arith.constant 0 : i32
    %c0_i32_0 = arith.constant 0 : i32
    %c0_i32_1 = arith.constant 0 : i32
    return %c0_i32, %c0_i32_0 : i32, i32
  }
  func.func @transform_5(%arg0: i32) -> (i32, i32) {
    %c0_i32 = arith.constant 0 : i32
    %c0_i32_0 = arith.constant 0 : i32
    %c0_i32_1 = arith.constant 0 : i32
    return %c0_i32, %c0_i32_0 : i32, i32
  }
  func.func @transform_6(%arg0: i32) -> (i32, i32) {
    %c0_i32 = arith.constant 0 : i32
    %c0_i32_0 = arith.constant 0 : i32
    %c0_i32_1 = arith.constant 0 : i32
    return %c0_i32, %c0_i32_0 : i32, i32
  }
  func.func @transform_7(%arg0: i32) -> (i32, i32) {
    %c0_i32 = arith.constant 0 : i32
    %c0_i32_0 = arith.constant 0 : i32
    %c0_i32_1 = arith.constant 0 : i32
    return %c0_i32, %c0_i32_0 : i32, i32
  }
  func.func @transform_8(%arg0: i32) -> (i32, i32) {
    %c0_i32 = arith.constant 0 : i32
    %c0_i32_0 = arith.constant 0 : i32
    %c0_i32_1 = arith.constant 0 : i32
    return %c0_i32, %c0_i32_0 : i32, i32
  }
  func.func @transform_9(%arg0: i32) -> (i32, i32) {
    %c0_i32 = arith.constant 0 : i32
    %c0_i32_0 = arith.constant 0 : i32
    return %arg0, %c0_i32 : i32, i32
  }
}

module attributes {stable_mosaic.version = 14 : i64} {
  func.func @body(%arg0: i32, %arg1: memref<2x2000x32xf32, #tpu.memory_space<vmem>>, %arg2: memref<2000x1xf32, #tpu.memory_space<vmem>>, %arg3: memref<32x128xf32, #tpu.memory_space<vmem>>, %arg4: memref<1x128xf32, #tpu.memory_space<vmem>>, %arg5: memref<2000x128xf32, #tpu.memory_space<vmem>>) attributes {dimension_semantics = [#tpu.dimension_semantics<arbitrary>], iteration_bounds = array<i64: 5>, scalar_prefetch = 0 : i64, scratch_operands = 0 : i64, tpu.core_type = #tpu.core_type<tc>, window_params = [{transform_indices = @transform_0, window_bounds = array<i64: 2, 2000, 32>}, {transform_indices = @transform_1, window_bounds = array<i64: 2000, 1>}, {pipeline_mode = #tpu.pipeline_mode<synchronous>, transform_indices = @transform_2, window_bounds = array<i64: 32, 128>}, {pipeline_mode = #tpu.pipeline_mode<synchronous>, transform_indices = @transform_3, window_bounds = array<i64: 1, 128>}, {transform_indices = @transform_4, window_bounds = array<i64: 2000, 128>}]} {
    %get3A = arith.constant 0 : index
    %get3A_0 = arith.constant 0 : index
    %get3A_1 = arith.constant 0 : index
    %get3A_2 = vector.load %arg1[%get3A, %get3A_0, %get3A_1] : memref<2x2000x32xf32, #tpu.memory_space<vmem>>, vector<1x2000x32xf32>
    %get3A_3 = vector.shape_cast %get3A_2 : vector<1x2000x32xf32> to vector<2000x32xf32>
    %get3A_4 = arith.constant 1 : index
    %get3A_5 = arith.constant 0 : index
    %get3A_6 = arith.constant 0 : index
    %get3A_7 = vector.load %arg1[%get3A_4, %get3A_5, %get3A_6] : memref<2x2000x32xf32, #tpu.memory_space<vmem>>, vector<1x2000x32xf32>
    %get3A_8 = vector.shape_cast %get3A_7 : vector<1x2000x32xf32> to vector<2000x32xf32>
    %add3A = arith.addf %get3A_3, %get3A_8 : vector<2000x32xf32>
    %get3A_9 = arith.constant 0 : index
    %get3A_10 = arith.constant 0 : index
    %get3A_11 = vector.load %arg2[%get3A_9, %get3A_10] : memref<2000x1xf32, #tpu.memory_space<vmem>>, vector<2000x1xf32>
    %max3A = arith.constant 1.000000e+00 : f32
    %max3A_12 = vector.broadcast %max3A : f32 to vector<2000x1xf32>
    %max3A_13 = arith.maximumf %get3A_11, %max3A_12 : vector<2000x1xf32>
    %div3A = vector.broadcast %max3A_13 : vector<2000x1xf32> to vector<2000x32xf32>
    %div3A_14 = arith.divf %add3A, %div3A : vector<2000x32xf32>
    %get3A_15 = arith.constant 0 : index
    %get3A_16 = arith.constant 0 : index
    %get3A_17 = vector.load %arg3[%get3A_15, %get3A_16] : memref<32x128xf32, #tpu.memory_space<vmem>>, vector<32x128xf32>
    %dot_general3A = arith.constant dense<0.000000e+00> : vector<2000x128xf32>
    %dot_general3A_18 = tpu.matmul %div3A_14, %get3A_17, %dot_general3A {dimension_numbers = #tpu.dot_dimension_numbers<[1], [0], [0], [1], [0, 0, 1, 1], [], []>, precision = #tpu.contract_precision<fp32>, transpose_lhs_hint = false} : vector<2000x32xf32>, vector<32x128xf32>, vector<2000x128xf32> -> vector<2000x128xf32>
    %get3A_19 = arith.constant 0 : index
    %get3A_20 = arith.constant 0 : index
    %get3A_21 = vector.load %arg4[%get3A_19, %get3A_20] : memref<1x128xf32, #tpu.memory_space<vmem>>, vector<1x128xf32>
    %add3A_22 = vector.broadcast %get3A_21 : vector<1x128xf32> to vector<2000x128xf32>
    %add3A_23 = arith.addf %dot_general3A_18, %add3A_22 : vector<2000x128xf32>
    %gt3A = arith.constant 0.000000e+00 : f32
    %gt3A_24 = vector.broadcast %gt3A : f32 to vector<2000x1xf32>
    %gt3A_25 = arith.cmpf ogt, %get3A_11, %gt3A_24 : vector<2000x1xf32>
    %jit3A = arith.constant 0.000000e+00 : f32
    %broadcast_in_dim3A = vector.shape_cast %gt3A_25 : vector<2000x1xi1> to vector<2000x1xi1>
    %broadcast_in_dim3A_26 = vector.broadcast %broadcast_in_dim3A : vector<2000x1xi1> to vector<2000x128xi1>
    %broadcast_in_dim3A_27 = vector.broadcast %jit3A : f32 to vector<2000x128xf32>
    %select_n3A = arith.select %broadcast_in_dim3A_26, %add3A_23, %broadcast_in_dim3A_27 : vector<2000x128xi1>, vector<2000x128xf32>
    %swap3A = arith.constant 0 : index
    %swap3A_28 = arith.constant 0 : index
    %swap3A_29 = vector.load %arg5[%swap3A, %swap3A_28] : memref<2000x128xf32, #tpu.memory_space<vmem>>, vector<2000x128xf32>
    tpu.vector_store %arg5[%swap3A, %swap3A_28], %select_n3A {strides = array<i32>} : memref<2000x128xf32, #tpu.memory_space<vmem>>, vector<2000x128xf32>,
    return
  }
  func.func @transform_0(%arg0: i32) -> (i32, i32, i32) {
    %c0_i32 = arith.constant 0 : i32
    %c0_i32_0 = arith.constant 0 : i32
    %c0_i32_1 = arith.constant 0 : i32
    return %c0_i32, %arg0, %c0_i32_0 : i32, i32, i32
  }
  func.func @transform_1(%arg0: i32) -> (i32, i32) {
    %c0_i32 = arith.constant 0 : i32
    %c0_i32_0 = arith.constant 0 : i32
    return %arg0, %c0_i32 : i32, i32
  }
  func.func @transform_2(%arg0: i32) -> (i32, i32) {
    %c0_i32 = arith.constant 0 : i32
    %c0_i32_0 = arith.constant 0 : i32
    %c0_i32_1 = arith.constant 0 : i32
    return %c0_i32, %c0_i32_0 : i32, i32
  }
  func.func @transform_3(%arg0: i32) -> (i32, i32) {
    %c0_i32 = arith.constant 0 : i32
    %c0_i32_0 = arith.constant 0 : i32
    %c0_i32_1 = arith.constant 0 : i32
    return %c0_i32, %c0_i32_0 : i32, i32
  }
  func.func @transform_4(%arg0: i32) -> (i32, i32) {
    %c0_i32 = arith.constant 0 : i32
    %c0_i32_0 = arith.constant 0 : i32
    return %arg0, %c0_i32 : i32, i32
  }
}

</mosaic_0001>

<sc_bundles>
// kernel: kernel.11.cloned.1.call-start
scs
__scs_entry_jumppad:
0x0: {  	(pc) =	sbr.rel $0x88, $3  }
0x1: {  	(tag) =	ssettag $0x0;
	lr =	simm.s32 $0x1  }
0x2: {  	[smem:$0x3F8F] =	sst lr;
	_ =	strace $0xD0000000  }
0x3: {  	_ = 	snop  }
0x4: {  	_ = 	snop  }
0x5: {  	_ = 	snop  }
0x6: {  	_ = 	snop  }
0x7: {  	_ = 	snop  }
__scs_overlays_trampoline_lowered:
0x8: {  	[smem:$0x3F9E] =	sst s0  }
0x9: {  	[smem:$0x3F9F] =	sst s1  }
0xa: {  	[smem:$0x3FA0] =	sst s2  }
0xb: {  	[smem:$0x3FA1] =	sst s3  }
0xc: {  	[smem:$0x3FA2] =	sst s4  }
0xd: {  	[smem:$0x3FA3] =	sst s5  }
0xe: {  	[smem:$0x3FA4] =	sst s6  }
0xf: {  	[smem:$0x3FA5] =	sst s7  }
0x10: {  	[smem:$0x3FA6] =	sst s8  }
0x11: {  	[smem:$0x3FA7] =	sst s9;
	s0 =	simm.s32 @!p0 $0x0  }
0x12: {  	s1 =	sld [smem:$0x3F8D];
	s0 =	simm.s32 @p0 $0x1  }
0x13: {  	[smem:$0x3FA8] =	sst s0;
	s0 =	simm.s32 @!p1 $0x0  }
0x14: {  	s2 =	sld [smem:$0x3F8C];
	s0 =	simm.s32 @p1 $0x1  }
0x15: {  	[smem:$0x3FA9] =	sst s0;
	s0 =	simm.s32 @!p2 $0x0  }
0x16: {  	s3 =	sld [smem:$0x3FDB];
	s0 =	simm.s32 @p2 $0x1  }
0x17: {  	s4 =	simm.s32 $0x1BF5;
	[smem:$0x3FAB] =	sst s0  }
0x18: {  	s0 =	sld [smem:$0x3F8E];
	_ =	swait.ge [sflag:s4], $0x0  }
0x19: {  	s7 =	sld [smem:$0x3F8F]  }
0x1a: {  	s8 =	sadd.s32 $0xFFFFE003, lr  }
0x1b: {  	s9 =	sadd.s32 $0xFFFFFEF7, lr;
	s5 =	simm.s32 $0xFFFFFFFF;
	p2 =	slt.u32 s8, $0xFFFFF086  }
0x1c: {  	p1 =	slt.u32 s9, $0xF7A;
	s5 =	simm.s32 @!p2 $0x0  }
0x1d: {  	s5 =	simm.s32 @p1 $0x1;
	p0 =	seq.s32 s7, s2  }
0x1e: {  	s7 =	smul.u32 @!p0 $0xF7A, s2;
	p2 =	seq.s32 @!p0 s5, $0x0  }
0x1f: {  	s9 =	smul.u32 $0xF7A, s1;
	s8 =	simm.s32 @!p0 $0x1BF5;
	p2 =	por !p2, p0  }
0x20: {  	[sflag:s8] =	ssyncset.s32 @!p0 $0xFFFFF086;
	s6 =	sadd.s32 @!p0 s3, s7;
	s7 =	simm.s32 @!p0 $0x108  }
0x21: {  	s3 =	sadd.s32 s3, s9;
	s6 =	sadd.s32 @!p0 $0x88, s6;
	s7 =	simm.s32 @p2 $0x1082  }
0x22: {  	[simem:s7], [sflag:s8] =	dma.local @!p0 [hbm:s6], $0xF7A  }
0x23: {  	s9 =	sor.u32 $0xD0000000, s2;
	s6 =	simm.s32 $0x108;
	_ =	swait.ge @!p0 [sflag:s8], $0x0  }
0x24: {  	s3 =	sadd.s32 $0x88, s3;
	s6 =	simm.s32 @!p1 $0x1082;
	[sflag:s4] =	ssyncset.s32 $0xFFFFF086  }
0x25: {  	[simem:s6], [sflag:s4] =	dma.local [hbm:s3], $0xF7A  }
0x26: {  	[smem:$0x3F8F] =	sst s1;
	(tag) =	ssettag s2;
	_ =	strace s9  }
0x27: {  	s1 =	sld [smem:$0x3F9F]  }
0x28: {  	s2 =	sld [smem:$0x3FA0]  }
0x29: {  	s4 =	sld [smem:$0x3FA2]  }
0x2a: {  	p0 =	seq.s32 s5, $0x0;
	s5 =	sld [smem:$0x3FA3]  }
0x2b: {  	s6 =	sld [smem:$0x3FA4]  }
0x2c: {  	s7 =	sld [smem:$0x3FA5]  }
0x2d: {  	s3 =	simm.s32 $0x108;
	s8 =	sld [smem:$0x3FA6]  }
0x2e: {  	s3 =	simm.s32 @!p0 $0x1082;
	s9 =	sld [smem:$0x3FA7]  }
0x2f: {  	lr =	sadd.s32 s0, s3;
	s0 =	sld [smem:$0x3F9E]  }
0x30: {  	s3 =	sld [smem:$0x3FA1]  }
0x31: {  	[smem:$0x3FAA] =	sst s10  }
0x32: {  	s10 =	sld [smem:$0x3FA8];
	_ =	sdelay $0x3  }
0x33: {  	p0 =	seq.s32 s10, $0x1;
	s10 =	sld [smem:$0x3FAA];
	_ =	sdelay $0x3  }
0x34: {  	[smem:$0x3FAA] =	sst s10  }
0x35: {  	s10 =	sld [smem:$0x3FA9];
	_ =	sdelay $0x3  }
0x36: {  	p1 =	seq.s32 s10, $0x1;
	s10 =	sld [smem:$0x3FAA];
	_ =	sdelay $0x3  }
0x37: {  	[smem:$0x3FAA] =	sst s10  }
0x38: {  	s10 =	sld [smem:$0x3FAB]  }
0x39: {  	_ = 	snop;
	(pc) =	sbr.ind lr, $3  }
0x3a: {  	_ = 	snop  }
0x3b: {  	_ = 	snop  }
0x3c: {  	p2 =	seq.s32 s10, $0x1;
	s10 =	sld [smem:$0x3FAA]  }
0x3d: {  	_ =	shalt  }
0x3e: {  	_ =	shalt  }
0x3f: {  	_ =	shalt  }
0x40: {  	_ =	shalt  }
0x41: {  	_ =	shalt  }
0x42: {  	_ =	shalt  }
0x43: {  	_ =	shalt  }
0x44: {  	_ =	shalt  }
0x45: {  	_ =	shalt  }
0x46: {  	_ =	shalt  }
0x47: {  	_ =	shalt  }
0x48: {  	_ =	shalt  }
0x49: {  	_ =	shalt  }
0x4a: {  	_ =	shalt  }
0x4b: {  	_ =	shalt  }
0x4c: {  	_ =	shalt  }
0x4d: {  	_ =	shalt  }
0x4e: {  	_ =	shalt  }
0x4f: {  	_ =	shalt  }
0x50: {  	_ =	shalt  }
0x51: {  	_ =	shalt  }
0x52: {  	_ =	shalt  }
0x53: {  	_ =	shalt  }
0x54: {  	_ =	shalt  }
0x55: {  	_ =	shalt  }
0x56: {  	_ =	shalt  }
0x57: {  	_ =	shalt  }
0x58: {  	_ =	shalt  }
0x59: {  	_ =	shalt  }
0x5a: {  	_ =	shalt  }
0x5b: {  	_ =	shalt  }
0x5c: {  	_ =	shalt  }
0x5d: {  	_ =	shalt  }
0x5e: {  	_ =	shalt  }
0x5f: {  	_ =	shalt  }
0x60: {  	_ =	shalt  }
0x61: {  	_ =	shalt  }
0x62: {  	_ =	shalt  }
0x63: {  	_ =	shalt  }
0x64: {  	_ =	shalt  }
0x65: {  	_ =	shalt  }
0x66: {  	_ =	shalt  }
0x67: {  	_ =	shalt  }
0x68: {  	_ =	shalt  }
0x69: {  	_ =	shalt  }
0x6a: {  	_ =	shalt  }
0x6b: {  	_ =	shalt  }
0x6c: {  	_ =	shalt  }
0x6d: {  	_ =	shalt  }
0x6e: {  	_ =	shalt  }
0x6f: {  	_ =	shalt  }
0x70: {  	_ =	shalt  }
0x71: {  	_ =	shalt  }
0x72: {  	_ =	shalt  }
0x73: {  	_ =	shalt  }
0x74: {  	_ =	shalt  }
0x75: {  	_ =	shalt  }
0x76: {  	_ =	shalt  }
0x77: {  	_ =	shalt  }
0x78: {  	_ =	shalt  }
0x79: {  	_ =	shalt  }
0x7a: {  	_ =	shalt  }
0x7b: {  	_ =	shalt  }
0x7c: {  	_ =	shalt  }
0x7d: {  	_ =	shalt  }
0x7e: {  	_ =	shalt  }
0x7f: {  	_ =	shalt  }
0x80: {  	_ =	shalt  }
0x81: {  	_ =	shalt  }
0x82: {  	_ =	shalt  }
0x83: {  	_ =	shalt  }
0x84: {  	_ =	shalt  }
0x85: {  	_ =	shalt  }
0x86: {  	_ =	shalt  }
0x87: {  	_ =	shalt  }
.Lfunc_end0:
.L_simem_size_0:
called_computation.1_lowered:
.L_overlay_start_0:
0x88: {  	s2 =	sld [smem:$0x3FD9]  }
0x89: {  	s3 =	sld [smem:$0x3FFE];
	_ =	sdelay $0x1  }
0x8a: {  	s1 =	srdreg.scid  }
0x8b: {  	s0 =	sand.u32 $0x1, s1  }
0x8c: {  	s17 =	sshll.u32 s0, $0xA;
	s2 =	sadd.s32 s3, s2  }
0x8d: {  	s2 =	sadd.s32 s2, s17  }
0x8e: {  	[smem:$0x3FB6] =	sst s2  }
0x8f: {  	_ = 	snop  }
0x90: {  	s2 =	sld [smem:$0x3FD0];
	(tm) =	ssettm $0x1  }
0x91: {  	s18 =	sld [smem:$0x3FFB];
	_ =	sdelay $0x3  }
0x92: {  	_ =	strace s18  }
0x93: {  	s3 =	sld [smem:$0x3FFC];
	_ =	sdelay $0x3  }
0x94: {  	_ =	strace s3  }
0x95: {  	s3 =	sld [smem:$0x3FFD];
	_ =	sdelay $0x3  }
0x96: {  	_ =	strace s3  }
0x97: {  	_ =	strace $0x8FFFFFFF  }
0x98: {  	s19 =	sld [smem:$0x3FDB];
	_ =	sdelay $0x1  }
0x99: {  	s4 =	simm.s32 $_scs_section_size  }
0x9a: {  	s5 =	simm.s32 $_size__tile_overlayer_lowered;
	s6 =	simm.s32 $_tile_overlayer_lowered  }
0x9b: {  	s22 =	simm.s32 $0x1BFF;
	s21 =	sshll.u32 s6, $0x1;
	s3 =	sadd.s32 s4, s19  }
0x9c: {  	s7 =	simm.s32 $0x0;
	s20 =	sshll.u32 s5, $0x1;
	s5 =	sadd.s32 s21, s3  }
0x9d: {  	[timem:s7], [sflag:s22] =	dma.local [hbm:s5], s20  }
0x9e: {  	_ =	swait.ge [sflag:s22], s20  }
0x9f: {  	s4 =	ssub.s32 $0x0, s20;
	[sflag:s22] =	ssyncset.done $0x0  }
0xa0: {  	[sflag:s22] =	ssyncadd.s32 s4;
	_ =	sdelay $0x1  }
0xa1: {  	s23 =	simm.s32 $0x1B8B  }
0xa2: {  	_ =	swait.ge [sflag:s23], $0x1  }
0xa3: {  	[sflag:s23] =	ssyncset.done $0x0  }
0xa4: {  	s25 =	simm.s32 $0x1B8E;
	s24 =	sld [smem:$0x3FFE];
	[sflag:s23] =	ssyncadd.s32 $0xFFFFFFFF  }
0xa5: {  	s26 =	simm.s32 $execute0_lowered;
	[smem:$0x3FD2] =	sst s25  }
0xa6: {  	s5 =	sshll.u32 s26, $0x1;
	_ =	strace $0x80000046;
	[dreg:$0x1] =	wrdreg $0xFFFFFFFF  }
0xa7: {  	s28 =	simm.s32 $_size_execute0_lowered;
	s3 =	sadd.s32 s3, s5;
	[dreg:$0x0] =	wrdreg $0x0  }
0xa8: {  	s5 =	sshll.u32 s28, $0x1;
	[dreg:$0x2] =	wrdreg s3  }
0xa9: {  	[dreg:$0x3] =	wrdreg s5  }
0xaa: {  	[dreg:$0x4] =	wrdreg $0xC0  }
0xab: {  	_ =	task [dreg:s7], $0x5FFFF  }
0xac: {  	[dreg:$0x1] =	wrdreg $0xFFFFFFFF  }
0xad: {  	[dreg:$0x0] =	wrdreg $0x60  }
0xae: {  	[dreg:$0x2] =	wrdreg s2  }
0xaf: {  	[dreg:$0x3] =	wrdreg s24  }
0xb0: {  	[dreg:$0x4] =	wrdreg $0x9  }
0xb1: {  	_ =	task.clear_ibuf [dreg:s7], $0x5FFFF;
	_ =	strace $0x90000046  }
0xb2: {  	s29 =	simm.s32 $0x9;
	_ =	strace $0x80000048  }
0xb3: {  	_ =	swait.ge [sflag:s29], $0x1  }
0xb4: {  	[sflag:s29] =	ssyncadd.s32 $0xFFFFFFFF  }
0xb5: {  	_ =	strace $0x90000048  }
0xb6: {  	_ =	sfence  }
0xb7: {  	s30 =	sld [smem:$0x0];
	_ =	sdelay $0x2  }
0xb8: {  	s31 =	sshll.u32 s1, $0xD;
	s1 =	sshrl.u32 s1, $0x2  }
0xb9: {  	s3 =	sand.u32 $0x4000, s31;
	s1 =	sadd.s32 s1, s30  }
0xba: {  	s0 =	sor.u32 s3, s0;
	s1 =	sshll.u32 s1, $0x11  }
0xbb: {  	s0 =	sor.u32 s1, s0  }
0xbc: {  	s0 =	sadd.s32 $0x8F2B, s0  }
0xbd: {  	[sflag:s0] =	ssyncadd.remote.s32 $0x1  }
0xbe: {  	_ =	sfence.sel $0xFFFF  }
0xbf: {  	[dreg:$0x0] =	wrdreg $0xFFFFFFFF;
	(pc) =	sbr.abs _section_cstart, $3  }
0xc0: {  	[dreg:$0x1] =	wrdreg $0xFFFFFFFF  }
0xc1: {  	_ =	task.clear_ibuf [dreg:s7], $0x2FFFF;
	_ =	strace $0x9FFFFFFF  }
0xc2: {  	(tm) =	ssettm $0x7FFFFFFF  }
0xc3: {  	_ =	shalt  }
tec
execute0_lowered:
.L_overlay_start_1:
0x0: {  	(tag) =	ssettag $0x1  }
0x1: {  	s1 =	srdreg.scid;
	s2 =	rddreg [dreg:$0x0]  }
0x2: {  	s0 =	stileid.u32;
	s6 =	rddreg [dreg:$0x1];
	s3 =	simm.s32 $0x0  }
0x3: {  	s14 =	simm.s32 $0x8A20;
	s15 =	simm.s32 $0x6220;
	s16 =	simm.s32 $0x9420  }
0x4: {  	s5 =	sand.u32 $0x1, s1;
	s1 =	rddreg [dreg:$0x2];
	s8 =	smul.u32 $0x13880, s0  }
0x5: {  	s17 =	sshll.u32 s0, $0x1;
	[smem:$0x7FF] =	sst s3;
	s9 =	smul.u32 $0x4E20, s0  }
0x6: {  	s11 =	sadd.s32 $0x22A00, s6;
	s12 =	sadd.s32 $0x15B200, s6;
	s10 =	smul.u32 $0x2710, s5  }
0x7: {  	s4 =	sor.u32 s5, s17;
	_ =	strace $0x80000047;
	s18 =	smul.u32 $0x9C40, s5  }
0x8: {  	s5 =	ssub.s32 $0x2, s5;
	s17 =	simm.s32 $0x6C20;
	s7 =	smul.u32 $0x4E2, s4  }
0x9: {  	s4 =	sadd.s32 $0x5000, s6;
	s13 =	sadd.s32 s8, s12;
	s8 =	sadd.s32 s8, s11  }
0xa: {  	s21 =	sshrl.u32 s5, $0x1;
	s9 =	sadd.s32 s10, s9;
	s19 =	sadd.s32 s18, s13  }
0xb: {  	s10 =	ssub.s32 s5, s21;
	s13 =	simm.s32 $0x5820;
	s21 =	simm.s32 $0x1  }
0xc: {  	s7 =	sadd.s32 s7, s6;
	s9 =	sshll.u32 s9, $0x2;
	[dreg:$0x3] =	wrdreg s19  }
0xd: {  	s6 =	sadd.s32 s18, s8;
	s18 =	simm.s32 $0x9E20;
	s19 =	simm.s32 $0x7620  }
0xe: {  	s20 =	sadd.s32 $0x500, s9;
	[dreg:$0x4] =	wrdreg s6;
	s24 =	sadd.s32 $0x3C0, s9  }
0xf: {  	s28 =	sadd.s32 $0x280, s9;
	s5 =	sadd.s32 $0x18C00, s7;
	s22 =	sadd.s32 s20, s11  }
0x10: {  	s9 =	sadd.s32 $0x140, s9;
	s23 =	sadd.s32 s20, s12;
	[dreg:$0x5] =	wrdreg s22  }
0x11: {  	s6 =	sadd.s32 $0xEE00, s7;
	s25 =	sadd.s32 s24, s11;
	[dreg:$0x6] =	wrdreg s23  }
0x12: {  	s7 =	smax.u32 s10, $0x1;
	s26 =	sadd.s32 s24, s12;
	[dreg:$0x7] =	wrdreg s25  }
0x13: {  	s10 =	simm.s32 $0x50;
	s29 =	sadd.s32 s28, s11;
	[dreg:$0x8] =	wrdreg s26  }
0x14: {  	s8 =	sadd.s32 s28, s12;
	s30 =	sadd.s32 s9, s11;
	[dreg:$0x9] =	wrdreg s29  }
0x15: {  	s31 =	sadd.s32 s9, s12;
	s9 =	simm.s32 $0x2710;
	[dreg:$0xa] =	wrdreg s8  }
0x16: {  	s11 =	simm.s32 $0x4E20;
	s12 =	simm.s32 $0x8020;
	[dreg:$0xb] =	wrdreg s30  }
0x17: {  	s20 =	simm.s32 $0xA820;
	s24 =	simm.s32 $0x0;
	[dreg:$0xc] =	wrdreg s31  }
0x18: {  	s8 =	simm.s32 $0x4;
	s22 =	simm.s32 $0x2;
	s23 =	simm.s32 $0x3  }
.LBB2_1:
0x19: {  	[tilespmem:s3], [sflag:$0x4] =	stream.linear.gather [hbm4b:s5+s3], $0x2710, $0x38;
	[tilespmem:$0xB220] =	vst v63  }
0x1a: {  	_ =	swait.ge [sflag:s8], $0x2710  }
0x1b: {  	[sflag:s8] =	ssyncset.done $0x0  }
0x1c: {  	[sflag:s8] =	ssyncadd.s32 $0xFFFFD8F0  }
0x1d: {  	[tilespmem:s9], [sflag:$0x4] =	stream.linear.gather [hbm4b:s6+s3], $0x2710, $0x38;
	[tilespmem:$0xB220] =	vst v63  }
0x1e: {  	_ =	swait.ge [sflag:s8], $0x2710  }
0x1f: {  	[sflag:s8] =	ssyncset.done $0x0  }
0x20: {  	s25 =	simm.s32 $0x0;
	[sflag:s8] =	ssyncadd.s32 $0xFFFFD8F0  }
0x21: {  	[tilespmem:s11], [sflag:$0x1] =	stream.indirect.gather [hbm4b:s2+s10], $0x20, s25, s10, $0xb8;
	[tilespmem:$0xB220] =	vst v63  }
0x22: {  	s28 =	simm.s32 $0x2710  }
0x23: {  	[tilespmem:s12], [sflag:$0x2] =	stream.indirect.gather [hbm4b:s4+s10], $0x20, s28, s10, $0xb8;
	[tilespmem:$0xB220] =	vst v63  }
0x24: {  	s30 =	simm.s32 $0x50  }
0x25: {  	[tilespmem:s13], [sflag:$0x1] =	stream.indirect.gather [hbm4b:s2+s10], $0x20, s30, s10, $0xb8;
	[tilespmem:$0xB220] =	vst v63  }
0x26: {  	s31 =	simm.s32 $0x2760  }
0x27: {  	[tilespmem:s14], [sflag:$0x2] =	stream.indirect.gather [hbm4b:s4+s10], $0x20, s31, s10, $0xb8;
	[tilespmem:$0xB220] =	vst v63  }
0x28: {  	s26 =	simm.s32 $0xA0  }
0x29: {  	[tilespmem:s15], [sflag:$0x1] =	stream.indirect.gather [hbm4b:s2+s10], $0x20, s26, s10, $0xb8;
	[tilespmem:$0xB220] =	vst v63  }
0x2a: {  	s28 =	simm.s32 $0x27B0  }
0x2b: {  	[tilespmem:s16], [sflag:$0x2] =	stream.indirect.gather [hbm4b:s4+s10], $0x20, s28, s10, $0xb8;
	[tilespmem:$0xB220] =	vst v63  }
0x2c: {  	s30 =	simm.s32 $0xF0  }
0x2d: {  	[tilespmem:s17], [sflag:$0x1] =	stream.indirect.gather [hbm4b:s2+s10], $0x20, s30, s10, $0xb8;
	[tilespmem:$0xB220] =	vst v63  }
0x2e: {  	s31 =	simm.s32 $0x2800  }
0x2f: {  	[tilespmem:s18], [sflag:$0x2] =	stream.indirect.gather [hbm4b:s4+s10], $0x20, s31, s10, $0xb8;
	[tilespmem:$0xB220] =	vst v63  }
0x30: {  	s26 =	simm.s32 $0x140  }
0x31: {  	[tilespmem:s19], [sflag:$0x1] =	stream.indirect.gather [hbm4b:s2+s10], $0x20, s26, s10, $0xb8;
	[tilespmem:$0xB220] =	vst v63  }
0x32: {  	s28 =	simm.s32 $0x2850  }
0x33: {  	[tilespmem:s20], [sflag:$0x2] =	stream.indirect.gather [hbm4b:s4+s10], $0x20, s28, s10, $0xb8;
	[tilespmem:$0xB220] =	vst v63  }
0x34: {  	_ =	swait.ge [sflag:s21], $0xA00  }
0x35: {  	s30 =	rddreg [dreg:$0x4];
	[sflag:s21] =	ssyncset.done $0x0  }
0x36: {  	[sflag:s21] =	ssyncadd.s32 $0xFFFFF600;
	s25 =	sadd.s32 $0x0, s30  }
0x37: {  	[hbm4b:s25+s3] =	stream.linear.scatter [tilespmem:s11], [sflag:$0x3], $0xA00, $0x38;
	[tilespmem:$0xB220] =	vst v63  }
0x38: {  	_ =	swait.ge [sflag:s22], $0xA00  }
0x39: {  	s31 =	rddreg [dreg:$0x3];
	[sflag:s22] =	ssyncset.done $0x0  }
0x3a: {  	[sflag:s22] =	ssyncadd.s32 $0xFFFFF600;
	s25 =	sadd.s32 $0x0, s31  }
0x3b: {  	[hbm4b:s25+s3] =	stream.linear.scatter [tilespmem:s12], [sflag:$0x3], $0xA00, $0x38;
	[tilespmem:$0xB220] =	vst v63  }
0x3c: {  	_ =	swait.ge [sflag:s21], $0xA00  }
0x3d: {  	s26 =	rddreg [dreg:$0xb];
	[sflag:s21] =	ssyncset.done $0x0  }
0x3e: {  	[sflag:s21] =	ssyncadd.s32 $0xFFFFF600;
	s25 =	sadd.s32 $0x0, s26  }
0x3f: {  	[hbm4b:s25+s3] =	stream.linear.scatter [tilespmem:s13], [sflag:$0x3], $0xA00, $0x38;
	[tilespmem:$0xB220] =	vst v63  }
0x40: {  	_ =	swait.ge [sflag:s22], $0xA00  }
0x41: {  	s28 =	rddreg [dreg:$0xc];
	[sflag:s22] =	ssyncset.done $0x0  }
0x42: {  	[sflag:s22] =	ssyncadd.s32 $0xFFFFF600;
	s25 =	sadd.s32 $0x0, s28  }
0x43: {  	[hbm4b:s25+s3] =	stream.linear.scatter [tilespmem:s14], [sflag:$0x3], $0xA00, $0x38;
	[tilespmem:$0xB220] =	vst v63  }
0x44: {  	_ =	swait.ge [sflag:s21], $0xA00  }
0x45: {  	s30 =	rddreg [dreg:$0x9];
	[sflag:s21] =	ssyncset.done $0x0  }
0x46: {  	[sflag:s21] =	ssyncadd.s32 $0xFFFFF600;
	s25 =	sadd.s32 $0x0, s30  }
0x47: {  	[hbm4b:s25+s3] =	stream.linear.scatter [tilespmem:s15], [sflag:$0x3], $0xA00, $0x38;
	[tilespmem:$0xB220] =	vst v63  }
0x48: {  	_ =	swait.ge [sflag:s22], $0xA00  }
0x49: {  	s31 =	rddreg [dreg:$0xa];
	[sflag:s22] =	ssyncset.done $0x0  }
0x4a: {  	[sflag:s22] =	ssyncadd.s32 $0xFFFFF600;
	s25 =	sadd.s32 $0x0, s31  }
0x4b: {  	[hbm4b:s25+s3] =	stream.linear.scatter [tilespmem:s16], [sflag:$0x3], $0xA00, $0x38;
	[tilespmem:$0xB220] =	vst v63  }
0x4c: {  	_ =	swait.ge [sflag:s21], $0xA00  }
0x4d: {  	s26 =	rddreg [dreg:$0x7];
	[sflag:s21] =	ssyncset.done $0x0  }
0x4e: {  	[sflag:s21] =	ssyncadd.s32 $0xFFFFF600;
	s25 =	sadd.s32 $0x0, s26  }
0x4f: {  	[hbm4b:s25+s3] =	stream.linear.scatter [tilespmem:s17], [sflag:$0x3], $0xA00, $0x38;
	[tilespmem:$0xB220] =	vst v63  }
0x50: {  	_ =	swait.ge [sflag:s22], $0xA00  }
0x51: {  	s28 =	rddreg [dreg:$0x8];
	[sflag:s22] =	ssyncset.done $0x0  }
0x52: {  	[sflag:s22] =	ssyncadd.s32 $0xFFFFF600;
	s25 =	sadd.s32 $0x0, s28  }
0x53: {  	[hbm4b:s25+s3] =	stream.linear.scatter [tilespmem:s18], [sflag:$0x3], $0xA00, $0x38;
	[tilespmem:$0xB220] =	vst v63  }
0x54: {  	_ =	swait.ge [sflag:s21], $0xA00  }
0x55: {  	s30 =	rddreg [dreg:$0x5];
	[sflag:s21] =	ssyncset.done $0x0  }
0x56: {  	[sflag:s21] =	ssyncadd.s32 $0xFFFFF600;
	s25 =	sadd.s32 $0x0, s30  }
0x57: {  	[hbm4b:s25+s3] =	stream.linear.scatter [tilespmem:s19], [sflag:$0x3], $0xA00, $0x38;
	[tilespmem:$0xB220] =	vst v63  }
0x58: {  	_ =	swait.ge [sflag:s22], $0xA00  }
0x59: {  	s31 =	rddreg [dreg:$0x6];
	[sflag:s22] =	ssyncset.done $0x0  }
0x5a: {  	[sflag:s22] =	ssyncadd.s32 $0xFFFFF600;
	s25 =	sadd.s32 $0x0, s31  }
0x5b: {  	[hbm4b:s25+s3] =	stream.linear.scatter [tilespmem:s20], [sflag:$0x3], $0xA00, $0x38;
	[tilespmem:$0xB220] =	vst v63  }
0x5c: {  	_ =	swait.ge [sflag:s23], $0xA00  }
0x5d: {  	[sflag:s23] =	ssyncset.done $0x0  }
0x5e: {  	[sflag:s23] =	ssyncadd.s32 $0xFFFFF600  }
0x5f: {  	_ =	swait.ge [sflag:s23], $0xA00  }
0x60: {  	[sflag:s23] =	ssyncset.done $0x0  }
0x61: {  	[sflag:s23] =	ssyncadd.s32 $0xFFFFF600  }
0x62: {  	_ =	swait.ge [sflag:s23], $0xA00  }
0x63: {  	[sflag:s23] =	ssyncset.done $0x0  }
0x64: {  	[sflag:s23] =	ssyncadd.s32 $0xFFFFF600  }
0x65: {  	_ =	swait.ge [sflag:s23], $0xA00  }
0x66: {  	[sflag:s23] =	ssyncset.done $0x0  }
0x67: {  	[sflag:s23] =	ssyncadd.s32 $0xFFFFF600  }
0x68: {  	_ =	swait.ge [sflag:s23], $0xA00  }
0x69: {  	[sflag:s23] =	ssyncset.done $0x0  }
0x6a: {  	[sflag:s23] =	ssyncadd.s32 $0xFFFFF600  }
0x6b: {  	_ =	swait.ge [sflag:s23], $0xA00  }
0x6c: {  	[sflag:s23] =	ssyncset.done $0x0  }
0x6d: {  	[sflag:s23] =	ssyncadd.s32 $0xFFFFF600  }
0x6e: {  	_ =	swait.ge [sflag:s23], $0xA00  }
0x6f: {  	[sflag:s23] =	ssyncset.done $0x0  }
0x70: {  	[sflag:s23] =	ssyncadd.s32 $0xFFFFF600  }
0x71: {  	_ =	swait.ge [sflag:s23], $0xA00  }
0x72: {  	[sflag:s23] =	ssyncset.done $0x0  }
0x73: {  	[sflag:s23] =	ssyncadd.s32 $0xFFFFF600  }
0x74: {  	_ =	swait.ge [sflag:s23], $0xA00  }
0x75: {  	[sflag:s23] =	ssyncset.done $0x0  }
0x76: {  	[sflag:s23] =	ssyncadd.s32 $0xFFFFF600  }
0x77: {  	_ =	swait.ge [sflag:s23], $0xA00  }
0x78: {  	s29 =	simm.s32 $0xC80;
	s25 =	simm.s32 $0x640;
	[sflag:s23] =	ssyncset.done $0x0  }
.LBB2_2:
0x79: {  	s30 =	sshra.s32 s25, $0x2;
	[sflag:s23] =	ssyncadd.s32 $0xFFFFF600;
	s28 =	smov.u32 s29  }
0x7a: {  	[tilespmem:s11], [sflag:$0x1] =	stream.indirect.gather [hbm4b:s2+s10], $0x20, s30, s10, $0xb8;
	[tilespmem:$0xB220] =	vst v63  }
0x7b: {  	s26 =	sadd.s32 $0x640, s29;
	p0 =	sne.s32 s29, $0x9600;
	s29 =	sadd.s32 $0x2710, s30  }
0x7c: {  	[tilespmem:s12], [sflag:$0x2] =	stream.indirect.gather [hbm4b:s4+s10], $0x20, s29, s10, $0xb8;
	[tilespmem:$0xB220] =	vst v63  }
0x7d: {  	s29 =	sadd.s32 $0x50, s30  }
0x7e: {  	[tilespmem:s13], [sflag:$0x1] =	stream.indirect.gather [hbm4b:s2+s10], $0x20, s29, s10, $0xb8;
	[tilespmem:$0xB220] =	vst v63  }
0x7f: {  	s29 =	sadd.s32 $0x2760, s30  }
0x80: {  	[tilespmem:s14], [sflag:$0x2] =	stream.indirect.gather [hbm4b:s4+s10], $0x20, s29, s10, $0xb8;
	[tilespmem:$0xB220] =	vst v63  }
0x81: {  	s29 =	sadd.s32 $0xA0, s30  }
0x82: {  	[tilespmem:s15], [sflag:$0x1] =	stream.indirect.gather [hbm4b:s2+s10], $0x20, s29, s10, $0xb8;
	[tilespmem:$0xB220] =	vst v63  }
0x83: {  	s29 =	sadd.s32 $0x27B0, s30  }
0x84: {  	[tilespmem:s16], [sflag:$0x2] =	stream.indirect.gather [hbm4b:s4+s10], $0x20, s29, s10, $0xb8;
	[tilespmem:$0xB220] =	vst v63  }
0x85: {  	s29 =	sadd.s32 $0xF0, s30  }
0x86: {  	[tilespmem:s17], [sflag:$0x1] =	stream.indirect.gather [hbm4b:s2+s10], $0x20, s29, s10, $0xb8;
	[tilespmem:$0xB220] =	vst v63  }
0x87: {  	s29 =	sadd.s32 $0x2800, s30  }
0x88: {  	[tilespmem:s18], [sflag:$0x2] =	stream.indirect.gather [hbm4b:s4+s10], $0x20, s29, s10, $0xb8;
	[tilespmem:$0xB220] =	vst v63  }
0x89: {  	s29 =	sadd.s32 $0x140, s30  }
0x8a: {  	[tilespmem:s19], [sflag:$0x1] =	stream.indirect.gather [hbm4b:s2+s10], $0x20, s29, s10, $0xb8;
	[tilespmem:$0xB220] =	vst v63  }
0x8b: {  	s29 =	sadd.s32 $0x2850, s30  }
0x8c: {  	[tilespmem:s20], [sflag:$0x2] =	stream.indirect.gather [hbm4b:s4+s10], $0x20, s29, s10, $0xb8;
	[tilespmem:$0xB220] =	vst v63  }
0x8d: {  	_ =	swait.ge [sflag:s21], $0xA00  }
0x8e: {  	s29 =	rddreg [dreg:$0x4];
	[sflag:s21] =	ssyncset.done $0x0  }
0x8f: {  	[sflag:s21] =	ssyncadd.s32 $0xFFFFF600;
	s29 =	sadd.s32 s25, s29  }
0x90: {  	[hbm4b:s29+s3] =	stream.linear.scatter [tilespmem:s11], [sflag:$0x3], $0xA00, $0x38;
	[tilespmem:$0xB220] =	vst v63  }
0x91: {  	_ =	swait.ge [sflag:s22], $0xA00  }
0x92: {  	s29 =	rddreg [dreg:$0x3];
	[sflag:s22] =	ssyncset.done $0x0  }
0x93: {  	[sflag:s22] =	ssyncadd.s32 $0xFFFFF600;
	s29 =	sadd.s32 s25, s29  }
0x94: {  	[hbm4b:s29+s3] =	stream.linear.scatter [tilespmem:s12], [sflag:$0x3], $0xA00, $0x38;
	[tilespmem:$0xB220] =	vst v63  }
0x95: {  	_ =	swait.ge [sflag:s21], $0xA00  }
0x96: {  	s29 =	rddreg [dreg:$0xb];
	[sflag:s21] =	ssyncset.done $0x0  }
0x97: {  	[sflag:s21] =	ssyncadd.s32 $0xFFFFF600;
	s29 =	sadd.s32 s25, s29  }
0x98: {  	[hbm4b:s29+s3] =	stream.linear.scatter [tilespmem:s13], [sflag:$0x3], $0xA00, $0x38;
	[tilespmem:$0xB220] =	vst v63  }
0x99: {  	_ =	swait.ge [sflag:s22], $0xA00  }
0x9a: {  	s29 =	rddreg [dreg:$0xc];
	[sflag:s22] =	ssyncset.done $0x0  }
0x9b: {  	[sflag:s22] =	ssyncadd.s32 $0xFFFFF600;
	s29 =	sadd.s32 s25, s29  }
0x9c: {  	[hbm4b:s29+s3] =	stream.linear.scatter [tilespmem:s14], [sflag:$0x3], $0xA00, $0x38;
	[tilespmem:$0xB220] =	vst v63  }
0x9d: {  	_ =	swait.ge [sflag:s21], $0xA00  }
0x9e: {  	s29 =	rddreg [dreg:$0x9];
	[sflag:s21] =	ssyncset.done $0x0  }
0x9f: {  	[sflag:s21] =	ssyncadd.s32 $0xFFFFF600;
	s29 =	sadd.s32 s25, s29  }
0xa0: {  	[hbm4b:s29+s3] =	stream.linear.scatter [tilespmem:s15], [sflag:$0x3], $0xA00, $0x38;
	[tilespmem:$0xB220] =	vst v63  }
0xa1: {  	_ =	swait.ge [sflag:s22], $0xA00  }
0xa2: {  	s29 =	rddreg [dreg:$0xa];
	[sflag:s22] =	ssyncset.done $0x0  }
0xa3: {  	[sflag:s22] =	ssyncadd.s32 $0xFFFFF600;
	s29 =	sadd.s32 s25, s29  }
0xa4: {  	[hbm4b:s29+s3] =	stream.linear.scatter [tilespmem:s16], [sflag:$0x3], $0xA00, $0x38;
	[tilespmem:$0xB220] =	vst v63  }
0xa5: {  	_ =	swait.ge [sflag:s21], $0xA00  }
0xa6: {  	s29 =	rddreg [dreg:$0x7];
	[sflag:s21] =	ssyncset.done $0x0  }
0xa7: {  	[sflag:s21] =	ssyncadd.s32 $0xFFFFF600;
	s29 =	sadd.s32 s25, s29  }
0xa8: {  	[hbm4b:s29+s3] =	stream.linear.scatter [tilespmem:s17], [sflag:$0x3], $0xA00, $0x38;
	[tilespmem:$0xB220] =	vst v63  }
0xa9: {  	_ =	swait.ge [sflag:s22], $0xA00  }
0xaa: {  	s29 =	rddreg [dreg:$0x8];
	[sflag:s22] =	ssyncset.done $0x0  }
0xab: {  	[sflag:s22] =	ssyncadd.s32 $0xFFFFF600;
	s29 =	sadd.s32 s25, s29  }
0xac: {  	[hbm4b:s29+s3] =	stream.linear.scatter [tilespmem:s18], [sflag:$0x3], $0xA00, $0x38;
	[tilespmem:$0xB220] =	vst v63  }
0xad: {  	_ =	swait.ge [sflag:s21], $0xA00  }
0xae: {  	s29 =	rddreg [dreg:$0x5];
	[sflag:s21] =	ssyncset.done $0x0  }
0xaf: {  	[sflag:s21] =	ssyncadd.s32 $0xFFFFF600;
	s29 =	sadd.s32 s25, s29  }
0xb0: {  	[hbm4b:s29+s3] =	stream.linear.scatter [tilespmem:s19], [sflag:$0x3], $0xA00, $0x38;
	[tilespmem:$0xB220] =	vst v63  }
0xb1: {  	_ =	swait.ge [sflag:s22], $0xA00  }
0xb2: {  	s29 =	rddreg [dreg:$0x6];
	[sflag:s22] =	ssyncset.done $0x0  }
0xb3: {  	[sflag:s22] =	ssyncadd.s32 $0xFFFFF600;
	s29 =	sadd.s32 s25, s29  }
0xb4: {  	[hbm4b:s29+s3] =	stream.linear.scatter [tilespmem:s20], [sflag:$0x3], $0xA00, $0x38;
	[tilespmem:$0xB220] =	vst v63  }
0xb5: {  	_ =	swait.ge [sflag:s23], $0xA00  }
0xb6: {  	[sflag:s23] =	ssyncset.done $0x0  }
0xb7: {  	[sflag:s23] =	ssyncadd.s32 $0xFFFFF600  }
0xb8: {  	_ =	swait.ge [sflag:s23], $0xA00  }
0xb9: {  	[sflag:s23] =	ssyncset.done $0x0  }
0xba: {  	[sflag:s23] =	ssyncadd.s32 $0xFFFFF600  }
0xbb: {  	_ =	swait.ge [sflag:s23], $0xA00  }
0xbc: {  	[sflag:s23] =	ssyncset.done $0x0  }
0xbd: {  	[sflag:s23] =	ssyncadd.s32 $0xFFFFF600  }
0xbe: {  	_ =	swait.ge [sflag:s23], $0xA00  }
0xbf: {  	[sflag:s23] =	ssyncset.done $0x0  }
0xc0: {  	[sflag:s23] =	ssyncadd.s32 $0xFFFFF600  }
0xc1: {  	_ =	swait.ge [sflag:s23], $0xA00  }
0xc2: {  	[sflag:s23] =	ssyncset.done $0x0  }
0xc3: {  	[sflag:s23] =	ssyncadd.s32 $0xFFFFF600  }
0xc4: {  	_ =	swait.ge [sflag:s23], $0xA00  }
0xc5: {  	[sflag:s23] =	ssyncset.done $0x0  }
0xc6: {  	[sflag:s23] =	ssyncadd.s32 $0xFFFFF600  }
0xc7: {  	_ =	swait.ge [sflag:s23], $0xA00  }
0xc8: {  	[sflag:s23] =	ssyncset.done $0x0  }
0xc9: {  	[sflag:s23] =	ssyncadd.s32 $0xFFFFF600  }
0xca: {  	_ =	swait.ge [sflag:s23], $0xA00  }
0xcb: {  	[sflag:s23] =	ssyncset.done $0x0  }
0xcc: {  	[sflag:s23] =	ssyncadd.s32 $0xFFFFF600  }
.Ltmp0:
0xcd: {  	_ =	swait.ge [sflag:s23], $0xA00;
	(pc) =	sbr.rel @p0 .LBB2_2-.Ltmp0, $4  }
0xce: {  	[sflag:s23] =	ssyncset.done $0x0  }
0xcf: {  	[sflag:s23] =	ssyncadd.s32 $0xFFFFF600  }
0xd0: {  	_ =	swait.ge [sflag:s23], $0xA00  }
0xd1: {  	s25 =	smov.u32 s28;
	s29 =	smov.u32 s26;
	[sflag:s23] =	ssyncset.done $0x0  }
0xd2: {  	s26 =	sshra.s32 s25, $0x2;
	[sflag:s23] =	ssyncadd.s32 $0xFFFFF600  }
0xd3: {  	[tilespmem:s11], [sflag:$0x1] =	stream.indirect.gather [hbm4b:s2+s10], $0x20, s26, s10, $0xb8;
	[tilespmem:$0xB220] =	vst v63  }
0xd4: {  	s28 =	sadd.s32 $0x2710, s26  }
0xd5: {  	[tilespmem:s12], [sflag:$0x2] =	stream.indirect.gather [hbm4b:s4+s10], $0x20, s28, s10, $0xb8;
	[tilespmem:$0xB220] =	vst v63  }
0xd6: {  	s31 =	sadd.s32 $0x50, s26  }
0xd7: {  	[tilespmem:s13], [sflag:$0x1] =	stream.indirect.gather [hbm4b:s2+s10], $0x20, s31, s10, $0xb8;
	[tilespmem:$0xB220] =	vst v63  }
0xd8: {  	s29 =	sadd.s32 $0x2760, s26  }
0xd9: {  	[tilespmem:s14], [sflag:$0x2] =	stream.indirect.gather [hbm4b:s4+s10], $0x20, s29, s10, $0xb8;
	[tilespmem:$0xB220] =	vst v63  }
0xda: {  	s30 =	sadd.s32 $0xA0, s26  }
0xdb: {  	[tilespmem:s15], [sflag:$0x1] =	stream.indirect.gather [hbm4b:s2+s10], $0x20, s30, s10, $0xb8;
	[tilespmem:$0xB220] =	vst v63  }
0xdc: {  	s31 =	sadd.s32 $0x27B0, s26  }
0xdd: {  	[tilespmem:s16], [sflag:$0x2] =	stream.indirect.gather [hbm4b:s4+s10], $0x20, s31, s10, $0xb8;
	[tilespmem:$0xB220] =	vst v63  }
0xde: {  	s29 =	sadd.s32 $0xF0, s26  }
0xdf: {  	[tilespmem:s17], [sflag:$0x1] =	stream.indirect.gather [hbm4b:s2+s10], $0x20, s29, s10, $0xb8;
	[tilespmem:$0xB220] =	vst v63  }
0xe0: {  	s30 =	sadd.s32 $0x2800, s26  }
0xe1: {  	[tilespmem:s18], [sflag:$0x2] =	stream.indirect.gather [hbm4b:s4+s10], $0x20, s30, s10, $0xb8;
	[tilespmem:$0xB220] =	vst v63  }
0xe2: {  	s31 =	sadd.s32 $0x140, s26  }
0xe3: {  	[tilespmem:s19], [sflag:$0x1] =	stream.indirect.gather [hbm4b:s2+s10], $0x20, s31, s10, $0xb8;
	[tilespmem:$0xB220] =	vst v63  }
0xe4: {  	s26 =	sadd.s32 $0x2850, s26  }
0xe5: {  	[tilespmem:s20], [sflag:$0x2] =	stream.indirect.gather [hbm4b:s4+s10], $0x20, s26, s10, $0xb8;
	[tilespmem:$0xB220] =	vst v63  }
0xe6: {  	_ =	swait.ge [sflag:s21], $0xA00  }
0xe7: {  	s29 =	rddreg [dreg:$0x4];
	[sflag:s21] =	ssyncset.done $0x0  }
0xe8: {  	[sflag:s21] =	ssyncadd.s32 $0xFFFFF600;
	s26 =	sadd.s32 s25, s29  }
0xe9: {  	[hbm4b:s26+s3] =	stream.linear.scatter [tilespmem:s11], [sflag:$0x3], $0xA00, $0x38;
	[tilespmem:$0xB220] =	vst v63  }
0xea: {  	_ =	swait.ge [sflag:s22], $0xA00  }
0xeb: {  	s30 =	rddreg [dreg:$0x3];
	[sflag:s22] =	ssyncset.done $0x0  }
0xec: {  	[sflag:s22] =	ssyncadd.s32 $0xFFFFF600;
	s26 =	sadd.s32 s25, s30  }
0xed: {  	[hbm4b:s26+s3] =	stream.linear.scatter [tilespmem:s12], [sflag:$0x3], $0xA00, $0x38;
	[tilespmem:$0xB220] =	vst v63  }
0xee: {  	_ =	swait.ge [sflag:s21], $0xA00  }
0xef: {  	s31 =	rddreg [dreg:$0xb];
	[sflag:s21] =	ssyncset.done $0x0  }
0xf0: {  	[sflag:s21] =	ssyncadd.s32 $0xFFFFF600;
	s26 =	sadd.s32 s25, s31  }
0xf1: {  	[hbm4b:s26+s3] =	stream.linear.scatter [tilespmem:s13], [sflag:$0x3], $0xA00, $0x38;
	[tilespmem:$0xB220] =	vst v63  }
0xf2: {  	_ =	swait.ge [sflag:s22], $0xA00  }
0xf3: {  	s28 =	rddreg [dreg:$0xc];
	[sflag:s22] =	ssyncset.done $0x0  }
0xf4: {  	[sflag:s22] =	ssyncadd.s32 $0xFFFFF600;
	s26 =	sadd.s32 s25, s28  }
0xf5: {  	[hbm4b:s26+s3] =	stream.linear.scatter [tilespmem:s14], [sflag:$0x3], $0xA00, $0x38;
	[tilespmem:$0xB220] =	vst v63  }
0xf6: {  	_ =	swait.ge [sflag:s21], $0xA00  }
0xf7: {  	s29 =	rddreg [dreg:$0x9];
	[sflag:s21] =	ssyncset.done $0x0  }
0xf8: {  	[sflag:s21] =	ssyncadd.s32 $0xFFFFF600;
	s26 =	sadd.s32 s25, s29  }
0xf9: {  	[hbm4b:s26+s3] =	stream.linear.scatter [tilespmem:s15], [sflag:$0x3], $0xA00, $0x38;
	[tilespmem:$0xB220] =	vst v63  }
0xfa: {  	_ =	swait.ge [sflag:s22], $0xA00  }
0xfb: {  	s30 =	rddreg [dreg:$0xa];
	[sflag:s22] =	ssyncset.done $0x0  }
0xfc: {  	[sflag:s22] =	ssyncadd.s32 $0xFFFFF600;
	s26 =	sadd.s32 s25, s30  }
0xfd: {  	[hbm4b:s26+s3] =	stream.linear.scatter [tilespmem:s16], [sflag:$0x3], $0xA00, $0x38;
	[tilespmem:$0xB220] =	vst v63  }
0xfe: {  	_ =	swait.ge [sflag:s21], $0xA00  }
0xff: {  	s31 =	rddreg [dreg:$0x7];
	[sflag:s21] =	ssyncset.done $0x0  }
0x100: {  	[sflag:s21] =	ssyncadd.s32 $0xFFFFF600;
	s26 =	sadd.s32 s25, s31  }
0x101: {  	[hbm4b:s26+s3] =	stream.linear.scatter [tilespmem:s17], [sflag:$0x3], $0xA00, $0x38;
	[tilespmem:$0xB220] =	vst v63  }
0x102: {  	_ =	swait.ge [sflag:s22], $0xA00  }
0x103: {  	s28 =	rddreg [dreg:$0x8];
	[sflag:s22] =	ssyncset.done $0x0  }
0x104: {  	[sflag:s22] =	ssyncadd.s32 $0xFFFFF600;
	s26 =	sadd.s32 s25, s28  }
0x105: {  	[hbm4b:s26+s3] =	stream.linear.scatter [tilespmem:s18], [sflag:$0x3], $0xA00, $0x38;
	[tilespmem:$0xB220] =	vst v63  }
0x106: {  	_ =	swait.ge [sflag:s21], $0xA00  }
0x107: {  	s29 =	rddreg [dreg:$0x5];
	[sflag:s21] =	ssyncset.done $0x0  }
0x108: {  	[sflag:s21] =	ssyncadd.s32 $0xFFFFF600;
	s26 =	sadd.s32 s25, s29  }
0x109: {  	[hbm4b:s26+s3] =	stream.linear.scatter [tilespmem:s19], [sflag:$0x3], $0xA00, $0x38;
	[tilespmem:$0xB220] =	vst v63  }
0x10a: {  	_ =	swait.ge [sflag:s22], $0xA00  }
0x10b: {  	s30 =	rddreg [dreg:$0x6];
	[sflag:s22] =	ssyncset.done $0x0  }
0x10c: {  	[sflag:s22] =	ssyncadd.s32 $0xFFFFF600;
	s31 =	sadd.s32 s25, s30  }
0x10d: {  	[hbm4b:s31+s3] =	stream.linear.scatter [tilespmem:s20], [sflag:$0x3], $0xA00, $0x38;
	[tilespmem:$0xB220] =	vst v63  }
0x10e: {  	_ =	swait.ge [sflag:s23], $0xA00  }
0x10f: {  	[sflag:s23] =	ssyncset.done $0x0  }
0x110: {  	[sflag:s23] =	ssyncadd.s32 $0xFFFFF600  }
0x111: {  	_ =	swait.ge [sflag:s23], $0xA00  }
0x112: {  	[sflag:s23] =	ssyncset.done $0x0  }
0x113: {  	[sflag:s23] =	ssyncadd.s32 $0xFFFFF600  }
0x114: {  	_ =	swait.ge [sflag:s23], $0xA00  }
0x115: {  	[sflag:s23] =	ssyncset.done $0x0  }
0x116: {  	[sflag:s23] =	ssyncadd.s32 $0xFFFFF600  }
0x117: {  	_ =	swait.ge [sflag:s23], $0xA00  }
0x118: {  	[sflag:s23] =	ssyncset.done $0x0  }
0x119: {  	[sflag:s23] =	ssyncadd.s32 $0xFFFFF600  }
0x11a: {  	_ =	swait.ge [sflag:s23], $0xA00  }
0x11b: {  	[sflag:s23] =	ssyncset.done $0x0  }
0x11c: {  	[sflag:s23] =	ssyncadd.s32 $0xFFFFF600  }
0x11d: {  	_ =	swait.ge [sflag:s23], $0xA00  }
0x11e: {  	[sflag:s23] =	ssyncset.done $0x0  }
0x11f: {  	[sflag:s23] =	ssyncadd.s32 $0xFFFFF600  }
0x120: {  	_ =	swait.ge [sflag:s23], $0xA00  }
0x121: {  	[sflag:s23] =	ssyncset.done $0x0  }
0x122: {  	[sflag:s23] =	ssyncadd.s32 $0xFFFFF600  }
0x123: {  	_ =	swait.ge [sflag:s23], $0xA00  }
0x124: {  	[sflag:s23] =	ssyncset.done $0x0  }
0x125: {  	s24 =	sadd.s32 $0x1, s24;
	[sflag:s23] =	ssyncadd.s32 $0xFFFFF600  }
0x126: {  	p0 =	sne.s32 s24, s7;
	_ =	swait.ge [sflag:s23], $0xA00  }
.Ltmp1:
0x127: {  	[sflag:s23] =	ssyncset.done $0x0;
	(pc) =	sbr.rel @p0 .LBB2_1-.Ltmp1, $4  }
0x128: {  	[sflag:s23] =	ssyncadd.s32 $0xFFFFF600  }
0x129: {  	_ =	swait.ge [sflag:s23], $0xA00  }
0x12a: {  	[sflag:s23] =	ssyncset.done $0x0  }
0x12b: {  	[sflag:s23] =	ssyncadd.s32 $0xFFFFF600  }
0x12c: {  	_ =	sfence.sel $0x180000  }
0x12d: {  	[bflag:$0x0] =	sbarrier.arrive $0xFFFF  }
0x12e: {  	p0 =	sne.s32 s0, $0x0;
	_ =	strace $0x90000047  }
0x12f: {  	s0 =	sadd.s32 @!p0 $0x100000, s1;
	[bflag:$0x2] =	sbarrier.arrive $0xFFFF  }
0x130: {  	[sflag:s0] =	ssyncadd.tile.s32 @!p0 $0x1;
	_ =	shalt  }
.Lfunc_end2:
_tile_overlayer_lowered:
.L_overlay_start_2:
0x131: {  	(tag) =	ssettag $0x2  }
0x132: {  	s0 =	rddreg [dreg:$0x0];
	s2 =	stileid.u32  }
0x133: {  	s1 =	rddreg [dreg:$0x1];
	p0 =	sne.s32 s2, $0x0  }
0x134: {  	s3 =	rddreg [dreg:$0x2];
	[bflag:$0x3] =	sbarrier.arrive $0xFFFF;
	s2 =	simm.s32 @!p0 $0x1C04  }
0x135: {  	[timem:s3], [sflag:s2] =	dma.local @!p0 [hbm:s0], s1  }
0x136: {  	s0 =	simm.s32 @!p0 $0x4  }
0x137: {  	_ =	swait.ge @!p0 [sflag:s0], s1  }
0x138: {  	s1 =	ssub.s32 @!p0 $0x0, s1;
	[sflag:s0] =	ssyncset.done @!p0 $0x0  }
0x139: {  	[sflag:s0] =	ssyncadd.s32 @!p0 s1  }
0x13a: {  	[bflag:$0x3] =	sbarrier.arrive $0xFFFF  }
0x13b: {  	_ =	shalt  }

// kernel: kernel.14.cloned.1.call-start
scs
__scs_entry_jumppad:
0x0: {  	(pc) =	sbr.rel $0x88, $3  }
0x1: {  	(tag) =	ssettag $0x0;
	lr =	simm.s32 $0x1  }
0x2: {  	[smem:$0x3F8F] =	sst lr;
	_ =	strace $0xD0000000  }
0x3: {  	_ = 	snop  }
0x4: {  	_ = 	snop  }
0x5: {  	_ = 	snop  }
0x6: {  	_ = 	snop  }
0x7: {  	_ = 	snop  }
__scs_overlays_trampoline_lowered:
0x8: {  	[smem:$0x3F9E] =	sst s0  }
0x9: {  	[smem:$0x3F9F] =	sst s1  }
0xa: {  	[smem:$0x3FA0] =	sst s2  }
0xb: {  	[smem:$0x3FA1] =	sst s3  }
0xc: {  	[smem:$0x3FA2] =	sst s4  }
0xd: {  	[smem:$0x3FA3] =	sst s5  }
0xe: {  	[smem:$0x3FA4] =	sst s6  }
0xf: {  	[smem:$0x3FA5] =	sst s7  }
0x10: {  	[smem:$0x3FA6] =	sst s8  }
0x11: {  	[smem:$0x3FA7] =	sst s9;
	s0 =	simm.s32 @!p0 $0x0  }
0x12: {  	s1 =	sld [smem:$0x3F8D];
	s0 =	simm.s32 @p0 $0x1  }
0x13: {  	[smem:$0x3FA8] =	sst s0;
	s0 =	simm.s32 @!p1 $0x0  }
0x14: {  	s2 =	sld [smem:$0x3F8C];
	s0 =	simm.s32 @p1 $0x1  }
0x15: {  	[smem:$0x3FA9] =	sst s0;
	s0 =	simm.s32 @!p2 $0x0  }
0x16: {  	s3 =	sld [smem:$0x3FDB];
	s0 =	simm.s32 @p2 $0x1  }
0x17: {  	s4 =	simm.s32 $0x1BF5;
	[smem:$0x3FAB] =	sst s0  }
0x18: {  	s0 =	sld [smem:$0x3F8E];
	_ =	swait.ge [sflag:s4], $0x0  }
0x19: {  	s7 =	sld [smem:$0x3F8F]  }
0x1a: {  	s8 =	sadd.s32 $0xFFFFE003, lr  }
0x1b: {  	s9 =	sadd.s32 $0xFFFFFEF7, lr;
	s5 =	simm.s32 $0xFFFFFFFF;
	p2 =	slt.u32 s8, $0xFFFFF086  }
0x1c: {  	p1 =	slt.u32 s9, $0xF7A;
	s5 =	simm.s32 @!p2 $0x0  }
0x1d: {  	s5 =	simm.s32 @p1 $0x1;
	p0 =	seq.s32 s7, s2  }
0x1e: {  	s7 =	smul.u32 @!p0 $0xF7A, s2;
	p2 =	seq.s32 @!p0 s5, $0x0  }
0x1f: {  	s9 =	smul.u32 $0xF7A, s1;
	s8 =	simm.s32 @!p0 $0x1BF5;
	p2 =	por !p2, p0  }
0x20: {  	[sflag:s8] =	ssyncset.s32 @!p0 $0xFFFFF086;
	s6 =	sadd.s32 @!p0 s3, s7;
	s7 =	simm.s32 @!p0 $0x108  }
0x21: {  	s3 =	sadd.s32 s3, s9;
	s6 =	sadd.s32 @!p0 $0x88, s6;
	s7 =	simm.s32 @p2 $0x1082  }
0x22: {  	[simem:s7], [sflag:s8] =	dma.local @!p0 [hbm:s6], $0xF7A  }
0x23: {  	s9 =	sor.u32 $0xD0000000, s2;
	s6 =	simm.s32 $0x108;
	_ =	swait.ge @!p0 [sflag:s8], $0x0  }
0x24: {  	s3 =	sadd.s32 $0x88, s3;
	s6 =	simm.s32 @!p1 $0x1082;
	[sflag:s4] =	ssyncset.s32 $0xFFFFF086  }
0x25: {  	[simem:s6], [sflag:s4] =	dma.local [hbm:s3], $0xF7A  }
0x26: {  	[smem:$0x3F8F] =	sst s1;
	(tag) =	ssettag s2;
	_ =	strace s9  }
0x27: {  	s1 =	sld [smem:$0x3F9F]  }
0x28: {  	s2 =	sld [smem:$0x3FA0]  }
0x29: {  	s4 =	sld [smem:$0x3FA2]  }
0x2a: {  	p0 =	seq.s32 s5, $0x0;
	s5 =	sld [smem:$0x3FA3]  }
0x2b: {  	s6 =	sld [smem:$0x3FA4]  }
0x2c: {  	s7 =	sld [smem:$0x3FA5]  }
0x2d: {  	s3 =	simm.s32 $0x108;
	s8 =	sld [smem:$0x3FA6]  }
0x2e: {  	s3 =	simm.s32 @!p0 $0x1082;
	s9 =	sld [smem:$0x3FA7]  }
0x2f: {  	lr =	sadd.s32 s0, s3;
	s0 =	sld [smem:$0x3F9E]  }
0x30: {  	s3 =	sld [smem:$0x3FA1]  }
0x31: {  	[smem:$0x3FAA] =	sst s10  }
0x32: {  	s10 =	sld [smem:$0x3FA8];
	_ =	sdelay $0x3  }
0x33: {  	p0 =	seq.s32 s10, $0x1;
	s10 =	sld [smem:$0x3FAA];
	_ =	sdelay $0x3  }
0x34: {  	[smem:$0x3FAA] =	sst s10  }
0x35: {  	s10 =	sld [smem:$0x3FA9];
	_ =	sdelay $0x3  }
0x36: {  	p1 =	seq.s32 s10, $0x1;
	s10 =	sld [smem:$0x3FAA];
	_ =	sdelay $0x3  }
0x37: {  	[smem:$0x3FAA] =	sst s10  }
0x38: {  	s10 =	sld [smem:$0x3FAB]  }
0x39: {  	_ = 	snop;
	(pc) =	sbr.ind lr, $3  }
0x3a: {  	_ = 	snop  }
0x3b: {  	_ = 	snop  }
0x3c: {  	p2 =	seq.s32 s10, $0x1;
	s10 =	sld [smem:$0x3FAA]  }
0x3d: {  	_ =	shalt  }
0x3e: {  	_ =	shalt  }
0x3f: {  	_ =	shalt  }
0x40: {  	_ =	shalt  }
0x41: {  	_ =	shalt  }
0x42: {  	_ =	shalt  }
0x43: {  	_ =	shalt  }
0x44: {  	_ =	shalt  }
0x45: {  	_ =	shalt  }
0x46: {  	_ =	shalt  }
0x47: {  	_ =	shalt  }
0x48: {  	_ =	shalt  }
0x49: {  	_ =	shalt  }
0x4a: {  	_ =	shalt  }
0x4b: {  	_ =	shalt  }
0x4c: {  	_ =	shalt  }
0x4d: {  	_ =	shalt  }
0x4e: {  	_ =	shalt  }
0x4f: {  	_ =	shalt  }
0x50: {  	_ =	shalt  }
0x51: {  	_ =	shalt  }
0x52: {  	_ =	shalt  }
0x53: {  	_ =	shalt  }
0x54: {  	_ =	shalt  }
0x55: {  	_ =	shalt  }
0x56: {  	_ =	shalt  }
0x57: {  	_ =	shalt  }
0x58: {  	_ =	shalt  }
0x59: {  	_ =	shalt  }
0x5a: {  	_ =	shalt  }
0x5b: {  	_ =	shalt  }
0x5c: {  	_ =	shalt  }
0x5d: {  	_ =	shalt  }
0x5e: {  	_ =	shalt  }
0x5f: {  	_ =	shalt  }
0x60: {  	_ =	shalt  }
0x61: {  	_ =	shalt  }
0x62: {  	_ =	shalt  }
0x63: {  	_ =	shalt  }
0x64: {  	_ =	shalt  }
0x65: {  	_ =	shalt  }
0x66: {  	_ =	shalt  }
0x67: {  	_ =	shalt  }
0x68: {  	_ =	shalt  }
0x69: {  	_ =	shalt  }
0x6a: {  	_ =	shalt  }
0x6b: {  	_ =	shalt  }
0x6c: {  	_ =	shalt  }
0x6d: {  	_ =	shalt  }
0x6e: {  	_ =	shalt  }
0x6f: {  	_ =	shalt  }
0x70: {  	_ =	shalt  }
0x71: {  	_ =	shalt  }
0x72: {  	_ =	shalt  }
0x73: {  	_ =	shalt  }
0x74: {  	_ =	shalt  }
0x75: {  	_ =	shalt  }
0x76: {  	_ =	shalt  }
0x77: {  	_ =	shalt  }
0x78: {  	_ =	shalt  }
0x79: {  	_ =	shalt  }
0x7a: {  	_ =	shalt  }
0x7b: {  	_ =	shalt  }
0x7c: {  	_ =	shalt  }
0x7d: {  	_ =	shalt  }
0x7e: {  	_ =	shalt  }
0x7f: {  	_ =	shalt  }
0x80: {  	_ =	shalt  }
0x81: {  	_ =	shalt  }
0x82: {  	_ =	shalt  }
0x83: {  	_ =	shalt  }
0x84: {  	_ =	shalt  }
0x85: {  	_ =	shalt  }
0x86: {  	_ =	shalt  }
0x87: {  	_ =	shalt  }
.Lfunc_end0:
.L_simem_size_0:
called_computation.2_lowered:
.L_overlay_start_0:
0x88: {  	s2 =	sld [smem:$0x3FD9]  }
0x89: {  	s3 =	sld [smem:$0x3FFE];
	_ =	sdelay $0x1  }
0x8a: {  	s1 =	srdreg.scid  }
0x8b: {  	s0 =	sand.u32 $0x1, s1  }
0x8c: {  	s17 =	sshll.u32 s0, $0xA;
	s2 =	sadd.s32 s3, s2  }
0x8d: {  	s2 =	sadd.s32 s2, s17  }
0x8e: {  	[smem:$0x3FB6] =	sst s2  }
0x8f: {  	_ = 	snop  }
0x90: {  	s2 =	sld [smem:$0x3FD0];
	(tm) =	ssettm $0x1  }
0x91: {  	s18 =	sld [smem:$0x3FFB];
	_ =	sdelay $0x3  }
0x92: {  	_ =	strace s18  }
0x93: {  	s3 =	sld [smem:$0x3FFC];
	_ =	sdelay $0x3  }
0x94: {  	_ =	strace s3  }
0x95: {  	s3 =	sld [smem:$0x3FFD];
	_ =	sdelay $0x3  }
0x96: {  	_ =	strace s3  }
0x97: {  	_ =	strace $0x8FFFFFFF  }
0x98: {  	s19 =	sld [smem:$0x3FDB];
	_ =	sdelay $0x1  }
0x99: {  	s4 =	simm.s32 $_scs_section_size  }
0x9a: {  	s5 =	simm.s32 $_size__tile_overlayer_lowered;
	s6 =	simm.s32 $_tile_overlayer_lowered  }
0x9b: {  	s22 =	simm.s32 $0x1BFF;
	s21 =	sshll.u32 s6, $0x1;
	s3 =	sadd.s32 s4, s19  }
0x9c: {  	s7 =	simm.s32 $0x0;
	s20 =	sshll.u32 s5, $0x1;
	s5 =	sadd.s32 s21, s3  }
0x9d: {  	[timem:s7], [sflag:s22] =	dma.local [hbm:s5], s20  }
0x9e: {  	_ =	swait.ge [sflag:s22], s20  }
0x9f: {  	s4 =	ssub.s32 $0x0, s20;
	[sflag:s22] =	ssyncset.done $0x0  }
0xa0: {  	[sflag:s22] =	ssyncadd.s32 s4;
	_ =	sdelay $0x1  }
0xa1: {  	s23 =	simm.s32 $0x1B8B  }
0xa2: {  	_ =	swait.ge [sflag:s23], $0x1  }
0xa3: {  	[sflag:s23] =	ssyncset.done $0x0  }
0xa4: {  	s25 =	simm.s32 $0x1B8E;
	s24 =	sld [smem:$0x3FFE];
	[sflag:s23] =	ssyncadd.s32 $0xFFFFFFFF  }
0xa5: {  	s26 =	simm.s32 $execute0_lowered;
	[smem:$0x3FD2] =	sst s25  }
0xa6: {  	s5 =	sshll.u32 s26, $0x1;
	_ =	strace $0x80000049;
	[dreg:$0x1] =	wrdreg $0xFFFFFFFF  }
0xa7: {  	s28 =	simm.s32 $_size_execute0_lowered;
	s3 =	sadd.s32 s3, s5;
	[dreg:$0x0] =	wrdreg $0x0  }
0xa8: {  	s5 =	sshll.u32 s28, $0x1;
	[dreg:$0x2] =	wrdreg s3  }
0xa9: {  	[dreg:$0x3] =	wrdreg s5  }
0xaa: {  	[dreg:$0x4] =	wrdreg $0xC0  }
0xab: {  	_ =	task [dreg:s7], $0x5FFFF  }
0xac: {  	[dreg:$0x1] =	wrdreg $0xFFFFFFFF  }
0xad: {  	[dreg:$0x0] =	wrdreg $0x60  }
0xae: {  	[dreg:$0x2] =	wrdreg s24  }
0xaf: {  	[dreg:$0x3] =	wrdreg s2  }
0xb0: {  	[dreg:$0x4] =	wrdreg $0x62200  }
0xb1: {  	[dreg:$0x5] =	wrdreg $0x9  }
0xb2: {  	_ =	task.clear_ibuf [dreg:s7], $0x6FFFF;
	_ =	strace $0x90000049  }
0xb3: {  	s29 =	simm.s32 $0x9;
	_ =	strace $0x8000004B  }
0xb4: {  	_ =	swait.ge [sflag:s29], $0x1  }
0xb5: {  	[sflag:s29] =	ssyncadd.s32 $0xFFFFFFFF  }
0xb6: {  	_ =	strace $0x9000004B  }
0xb7: {  	_ =	sfence  }
0xb8: {  	s30 =	sld [smem:$0x0];
	_ =	sdelay $0x2  }
0xb9: {  	s31 =	sshll.u32 s1, $0xD;
	s1 =	sshrl.u32 s1, $0x2  }
0xba: {  	s3 =	sand.u32 $0x4000, s31;
	s1 =	sadd.s32 s1, s30  }
0xbb: {  	s0 =	sor.u32 s3, s0;
	s1 =	sshll.u32 s1, $0x11  }
0xbc: {  	s0 =	sor.u32 s1, s0  }
0xbd: {  	s0 =	sadd.s32 $0x8F2B, s0  }
0xbe: {  	[sflag:s0] =	ssyncadd.remote.s32 $0x1  }
0xbf: {  	_ =	sfence.sel $0xFFFF  }
0xc0: {  	[dreg:$0x0] =	wrdreg $0xFFFFFFFF;
	(pc) =	sbr.abs _section_cstart, $3  }
0xc1: {  	[dreg:$0x1] =	wrdreg $0xFFFFFFFF  }
0xc2: {  	_ =	task.clear_ibuf [dreg:s7], $0x2FFFF;
	_ =	strace $0x9FFFFFFF  }
0xc3: {  	(tm) =	ssettm $0x7FFFFFFF  }
tec
execute0_lowered:
.L_overlay_start_1:
0x0: {  	(tag) =	ssettag $0x1  }
0x1: {  	s0 =	srdreg.scid;
	s1 =	rddreg [dreg:$0x0]  }
0x2: {  	s14 =	stileid.u32;
	s10 =	rddreg [dreg:$0x1];
	s3 =	simm.s32 $0x0  }
0x3: {  	s18 =	simm.s32 $0x3;
	s19 =	simm.s32 $0x2710;
	s20 =	simm.s32 $0x2C10  }
0x4: {  	s21 =	simm.s32 $0x3110;
	s22 =	simm.s32 $0x3610;
	s8 =	smul.u32 $0x2710, s14  }
0x5: {  	s0 =	sand.u32 $0x1, s0;
	s2 =	sshll.u32 s14, $0x1;
	s14 =	smul.u32 $0x4E20, s14  }
0x6: {  	s23 =	simm.s32 $0x1;
	s24 =	simm.s32 $0x50;
	s12 =	smul.u32 $0x27100, s0  }
0x7: {  	s4 =	sor.u32 s0, s2;
	s7 =	ssub.s32 $0x2, s0;
	s0 =	smul.u32 $0x2710, s0  }
0x8: {  	s25 =	simm.s32 $0x2;
	[smem:$0x7FF] =	sst s3;
	s5 =	smul.u32 $0x4E2, s4  }
0x9: {  	s11 =	sadd.s32 $0x22A00, s1;
	s2 =	rddreg [dreg:$0x2];
	s6 =	smul.u32 $0x4E20, s4  }
0xa: {  	_ =	strace $0x8000004A;
	s9 =	smul.u32 $0x27100, s4;
	s26 =	sshrl.u32 s7, $0x1  }
0xb: {  	s4 =	sadd.s32 s8, s2;
	s13 =	ssub.s32 s7, s26;
	s31 =	sadd.s32 s8, s12  }
0xc: {  	s0 =	sadd.s32 s0, s14;
	s1 =	sadd.s32 s5, s1;
	s28 =	sshrl.u32 s9, $0x3  }
0xd: {  	s6 =	sadd.s32 s11, s6;
	s12 =	sshrl.u32 s31, $0x3;
	s0 =	sshll.u32 s0, $0x1  }
0xe: {  	s1 =	sadd.s32 $0x18C00, s1;
	s29 =	sadd.s32 s11, s28;
	s10 =	sadd.s32 s10, s12  }
0xf: {  	s0 =	sadd.s32 s11, s0;
	s11 =	smax.u32 s13, $0x1;
	s12 =	sadd.s32 $0x4D80, s6  }
0x10: {  	[dreg:$0x4] =	wrdreg s1;
	s7 =	sadd.s32 $0xA0, s29;
	s8 =	sadd.s32 $0x140, s29  }
0x11: {  	s9 =	sadd.s32 $0x1E0, s29;
	s30 =	sadd.s32 $0x460, s0;
	s14 =	sadd.s32 $0x3C0, s0  }
0x12: {  	v0 =	vimm.f32 $0.0e+00;
	s15 =	sadd.s32 $0x320, s0;
	s16 =	sadd.s32 $0x280, s0;
	s1 =	simm.s32 $0x0  }
.LBB2_1:
0x13: {  	s0 =	simm.s32 $0x40;
	s13 =	simm.s32 $0x0  }
.LBB2_2:
0x14: {  	p0 =	sne.s32 s0, $0x9C00;
	[tilespmem:s13+$0x3B10] =	vst v0;
	s13 =	smov.u32 s0;
	s0 =	sadd.s32 $0x40, s0  }
.Ltmp0:
0x15: {  	(pc) =	sbr.rel @p0 .LBB2_2-.Ltmp0, $2  }
0x16: {  	_ =	sdelay $0x2  }
0x17: {  	s13 =	sshra.s32 s13, $0x2  }
0x18: {  	[tilespmem:s13+$0x3B10] =	vst v0;
	s0 =	simm.s32 $0x3B10  }
0x19: {  	[spmem:s4] =	stream.linear.scatter [tilespmem:s0], [sflag:$0x3], $0x2710, $0x38;
	[tilespmem:$0x8930] =	vst v63  }
0x1a: {  	_ =	swait.ge [sflag:s18], $0x2710  }
0x1b: {  	[sflag:s18] =	ssyncset.done $0x0  }
0x1c: {  	s31 =	simm.s32 $0x0;
	s5 =	rddreg [dreg:$0x4];
	[sflag:s18] =	ssyncadd.s32 $0xFFFFD8F0  }
0x1d: {  	[tilespmem:s31], [sflag:$0x3] =	stream.linear.gather [hbm4b:s5+s31], $0x2710, $0x38;
	[tilespmem:$0x8930] =	vst v63  }
0x1e: {  	_ =	swait.ge [sflag:s18], $0x2710  }
0x1f: {  	[sflag:s18] =	ssyncset.done $0x0  }
0x20: {  	[sflag:s18] =	ssyncadd.s32 $0xFFFFD8F0  }
0x21: {  	[bflag:$0x0] =	sbarrier.arrive $0xFFFF  }
0x22: {  	[tilespmem:s19], [sflag:$0x1] =	stream.linear.gather [hbm4b:s6+s31], $0x500, $0x38;
	[tilespmem:$0x8930] =	vst v63  }
0x23: {  	_ = 	snop  }
0x24: {  	[tilespmem:s20], [sflag:$0x1] =	stream.linear.gather [hbm4b:s7+s31], $0x500, $0x38;
	[tilespmem:$0x8930] =	vst v63  }
0x25: {  	_ = 	snop  }
0x26: {  	[tilespmem:s21], [sflag:$0x1] =	stream.linear.gather [hbm4b:s8+s31], $0x500, $0x38;
	[tilespmem:$0x8930] =	vst v63  }
0x27: {  	_ = 	snop  }
0x28: {  	[tilespmem:s22], [sflag:$0x1] =	stream.linear.gather [hbm4b:s9+s31], $0x500, $0x38;
	[tilespmem:$0x8930] =	vst v63  }
0x29: {  	_ =	swait.ge [sflag:s23], $0x500  }
0x2a: {  	[sflag:s23] =	ssyncset.done $0x0  }
0x2b: {  	s13 =	simm.s32 $0x0;
	[sflag:s23] =	ssyncadd.s32 $0xFFFFFB00  }
0x2c: {  	[spmem:s2] =	stream.indirect.scatter.add.f32 [tilespmem:s19], [sflag:$0x2], $0x10, s13, s24, $0xb8;
	[tilespmem:$0x8930] =	vst v63  }
0x2d: {  	_ =	swait.ge [sflag:s23], $0x500  }
0x2e: {  	[sflag:s23] =	ssyncset.done $0x0  }
0x2f: {  	s17 =	simm.s32 $0x50;
	[sflag:s23] =	ssyncadd.s32 $0xFFFFFB00  }
0x30: {  	[spmem:s2] =	stream.indirect.scatter.add.f32 [tilespmem:s20], [sflag:$0x2], $0x10, s17, s24, $0xb8;
	[tilespmem:$0x8930] =	vst v63  }
0x31: {  	_ =	swait.ge [sflag:s23], $0x500  }
0x32: {  	[sflag:s23] =	ssyncset.done $0x0  }
0x33: {  	s26 =	simm.s32 $0xA0;
	[sflag:s23] =	ssyncadd.s32 $0xFFFFFB00  }
0x34: {  	[spmem:s2] =	stream.indirect.scatter.add.f32 [tilespmem:s21], [sflag:$0x2], $0x10, s26, s24, $0xb8;
	[tilespmem:$0x8930] =	vst v63  }
0x35: {  	_ =	swait.ge [sflag:s23], $0x500  }
0x36: {  	[sflag:s23] =	ssyncset.done $0x0  }
0x37: {  	s31 =	simm.s32 $0xF0;
	[sflag:s23] =	ssyncadd.s32 $0xFFFFFB00  }
0x38: {  	[spmem:s2] =	stream.indirect.scatter.add.f32 [tilespmem:s22], [sflag:$0x2], $0x10, s31, s24, $0xb8;
	[tilespmem:$0x8930] =	vst v63  }
0x39: {  	_ =	swait.ge [sflag:s25], $0x500  }
0x3a: {  	[sflag:s25] =	ssyncset.done $0x0  }
0x3b: {  	[sflag:s25] =	ssyncadd.s32 $0xFFFFFB00  }
0x3c: {  	[tilespmem:s19], [sflag:$0x1] =	stream.linear.gather [hbm4b:s16+s3], $0x500, $0x38;
	[tilespmem:$0x8930] =	vst v63  }
0x3d: {  	_ =	swait.ge [sflag:s25], $0x500  }
0x3e: {  	[sflag:s25] =	ssyncset.done $0x0  }
0x3f: {  	[sflag:s25] =	ssyncadd.s32 $0xFFFFFB00  }
0x40: {  	[tilespmem:s20], [sflag:$0x1] =	stream.linear.gather [hbm4b:s15+s3], $0x500, $0x38;
	[tilespmem:$0x8930] =	vst v63  }
0x41: {  	_ =	swait.ge [sflag:s25], $0x500  }
0x42: {  	[sflag:s25] =	ssyncset.done $0x0  }
0x43: {  	[sflag:s25] =	ssyncadd.s32 $0xFFFFFB00  }
0x44: {  	[tilespmem:s21], [sflag:$0x1] =	stream.linear.gather [hbm4b:s14+s3], $0x500, $0x38;
	[tilespmem:$0x8930] =	vst v63  }
0x45: {  	s28 =	sadd.s32 $0x280, s30;
	s29 =	sadd.s32 $0x280, s14;
	_ =	swait.ge [sflag:s25], $0x500  }
0x46: {  	s0 =	simm.s32 $0x500;
	s13 =	smov.u32 s30;
	[sflag:s25] =	ssyncset.done $0x0  }
0x47: {  	s17 =	sadd.s32 $0x280, s15;
	s26 =	sadd.s32 $0x280, s16;
	[sflag:s25] =	ssyncadd.s32 $0xFFFFFB00  }
.LBB2_4:
0x48: {  	[tilespmem:s22], [sflag:$0x1] =	stream.linear.gather [hbm4b:s13+s3], $0x500, $0x38;
	[tilespmem:$0x8930] =	vst v63  }
0x49: {  	s31 =	smov.u32 s0;
	s13 =	smov.u32 s28  }
0x4a: {  	p0 =	sne.s32 s0, $0x9100;
	s0 =	sadd.s32 $0x500, s0;
	_ =	swait.ge [sflag:s23], $0x500  }
0x4b: {  	[sflag:s23] =	ssyncset.done $0x0  }
0x4c: {  	s31 =	sshra.s32 s31, $0x2;
	[sflag:s23] =	ssyncadd.s32 $0xFFFFFB00  }
0x4d: {  	[spmem:s2] =	stream.indirect.scatter.add.f32 [tilespmem:s19], [sflag:$0x2], $0x10, s31, s24, $0xb8;
	[tilespmem:$0x8930] =	vst v63  }
0x4e: {  	_ =	swait.ge [sflag:s23], $0x500  }
0x4f: {  	[sflag:s23] =	ssyncset.done $0x0  }
0x50: {  	s5 =	sadd.s32 $0x50, s31;
	[sflag:s23] =	ssyncadd.s32 $0xFFFFFB00  }
0x51: {  	[spmem:s2] =	stream.indirect.scatter.add.f32 [tilespmem:s20], [sflag:$0x2], $0x10, s5, s24, $0xb8;
	[tilespmem:$0x8930] =	vst v63  }
0x52: {  	_ =	swait.ge [sflag:s23], $0x500  }
0x53: {  	[sflag:s23] =	ssyncset.done $0x0  }
0x54: {  	s5 =	sadd.s32 $0xA0, s31;
	[sflag:s23] =	ssyncadd.s32 $0xFFFFFB00  }
0x55: {  	[spmem:s2] =	stream.indirect.scatter.add.f32 [tilespmem:s21], [sflag:$0x2], $0x10, s5, s24, $0xb8;
	[tilespmem:$0x8930] =	vst v63  }
0x56: {  	_ =	swait.ge [sflag:s23], $0x500  }
0x57: {  	[sflag:s23] =	ssyncset.done $0x0  }
0x58: {  	s5 =	sadd.s32 $0xF0, s31;
	[sflag:s23] =	ssyncadd.s32 $0xFFFFFB00  }
0x59: {  	[spmem:s2] =	stream.indirect.scatter.add.f32 [tilespmem:s22], [sflag:$0x2], $0x10, s5, s24, $0xb8;
	[tilespmem:$0x8930] =	vst v63  }
0x5a: {  	_ =	swait.ge [sflag:s25], $0x500  }
0x5b: {  	[sflag:s25] =	ssyncset.done $0x0  }
0x5c: {  	[sflag:s25] =	ssyncadd.s32 $0xFFFFFB00  }
0x5d: {  	[tilespmem:s19], [sflag:$0x1] =	stream.linear.gather [hbm4b:s26+s3], $0x500, $0x38;
	[tilespmem:$0x8930] =	vst v63  }
0x5e: {  	_ =	swait.ge [sflag:s25], $0x500  }
0x5f: {  	[sflag:s25] =	ssyncset.done $0x0  }
0x60: {  	[sflag:s25] =	ssyncadd.s32 $0xFFFFFB00  }
0x61: {  	[tilespmem:s20], [sflag:$0x1] =	stream.linear.gather [hbm4b:s17+s3], $0x500, $0x38;
	[tilespmem:$0x8930] =	vst v63  }
0x62: {  	_ =	swait.ge [sflag:s25], $0x500  }
0x63: {  	[sflag:s25] =	ssyncset.done $0x0  }
.Ltmp1:
0x64: {  	[sflag:s25] =	ssyncadd.s32 $0xFFFFFB00;
	(pc) =	sbr.rel @p0 .LBB2_4-.Ltmp1, $4  }
0x65: {  	[tilespmem:s21], [sflag:$0x1] =	stream.linear.gather [hbm4b:s29+s3], $0x500, $0x38;
	[tilespmem:$0x8930] =	vst v63  }
0x66: {  	_ =	swait.ge [sflag:s25], $0x500  }
0x67: {  	s26 =	sadd.s32 $0x280, s26;
	s17 =	sadd.s32 $0x280, s17;
	[sflag:s25] =	ssyncset.done $0x0  }
0x68: {  	s28 =	sadd.s32 $0x280, s28;
	s29 =	sadd.s32 $0x280, s29;
	[sflag:s25] =	ssyncadd.s32 $0xFFFFFB00  }
0x69: {  	[tilespmem:s22], [sflag:$0x1] =	stream.linear.gather [hbm4b:s13+s3], $0x500, $0x38;
	[tilespmem:$0x8930] =	vst v63  }
0x6a: {  	_ =	swait.ge [sflag:s23], $0x500  }
0x6b: {  	[sflag:s23] =	ssyncset.done $0x0  }
0x6c: {  	s0 =	simm.s32 $0x2580;
	[sflag:s23] =	ssyncadd.s32 $0xFFFFFB00  }
0x6d: {  	[spmem:s2] =	stream.indirect.scatter.add.f32 [tilespmem:s19], [sflag:$0x2], $0x10, s0, s24, $0xb8;
	[tilespmem:$0x8930] =	vst v63  }
0x6e: {  	_ =	swait.ge [sflag:s23], $0x500  }
0x6f: {  	[sflag:s23] =	ssyncset.done $0x0  }
0x70: {  	s17 =	simm.s32 $0x25D0;
	[sflag:s23] =	ssyncadd.s32 $0xFFFFFB00  }
0x71: {  	[spmem:s2] =	stream.indirect.scatter.add.f32 [tilespmem:s20], [sflag:$0x2], $0x10, s17, s24, $0xb8;
	[tilespmem:$0x8930] =	vst v63  }
0x72: {  	_ =	swait.ge [sflag:s23], $0x500  }
0x73: {  	[sflag:s23] =	ssyncset.done $0x0  }
0x74: {  	s26 =	simm.s32 $0x2620;
	[sflag:s23] =	ssyncadd.s32 $0xFFFFFB00  }
0x75: {  	[spmem:s2] =	stream.indirect.scatter.add.f32 [tilespmem:s21], [sflag:$0x2], $0x10, s26, s24, $0xb8;
	[tilespmem:$0x8930] =	vst v63  }
0x76: {  	_ =	swait.ge [sflag:s23], $0x500  }
0x77: {  	[sflag:s23] =	ssyncset.done $0x0  }
0x78: {  	s28 =	simm.s32 $0x2670;
	[sflag:s23] =	ssyncadd.s32 $0xFFFFFB00  }
0x79: {  	[spmem:s2] =	stream.indirect.scatter.add.f32 [tilespmem:s22], [sflag:$0x2], $0x10, s28, s24, $0xb8;
	[tilespmem:$0x8930] =	vst v63  }
0x7a: {  	_ =	swait.ge [sflag:s25], $0x500  }
0x7b: {  	[sflag:s25] =	ssyncset.done $0x0  }
0x7c: {  	[sflag:s25] =	ssyncadd.s32 $0xFFFFFB00  }
0x7d: {  	[tilespmem:s19], [sflag:$0x1] =	stream.linear.gather [hbm4b:s12+s3], $0x500, $0x38;
	[tilespmem:$0x8930] =	vst v63  }
0x7e: {  	_ =	swait.ge [sflag:s25], $0x500  }
0x7f: {  	[sflag:s25] =	ssyncset.done $0x0  }
0x80: {  	[sflag:s25] =	ssyncadd.s32 $0xFFFFFB00  }
0x81: {  	_ =	swait.ge [sflag:s25], $0x500  }
0x82: {  	[sflag:s25] =	ssyncset.done $0x0  }
0x83: {  	[sflag:s25] =	ssyncadd.s32 $0xFFFFFB00  }
0x84: {  	_ =	swait.ge [sflag:s25], $0x500  }
0x85: {  	[sflag:s25] =	ssyncset.done $0x0  }
0x86: {  	[sflag:s25] =	ssyncadd.s32 $0xFFFFFB00  }
0x87: {  	_ =	swait.ge [sflag:s23], $0x500  }
0x88: {  	[sflag:s23] =	ssyncset.done $0x0  }
0x89: {  	s29 =	simm.s32 $0x26C0;
	[sflag:s23] =	ssyncadd.s32 $0xFFFFFB00  }
0x8a: {  	[spmem:s2] =	stream.indirect.scatter.add.f32 [tilespmem:s19], [sflag:$0x3], $0x10, s29, s24, $0xb8;
	[tilespmem:$0x8930] =	vst v63  }
0x8b: {  	s31 =	stileid.u32;
	_ =	swait.ge [sflag:s18], $0x500  }
0x8c: {  	s5 =	sshrl.u32 s4, $0x3;
	s1 =	sadd.s32 $0x1, s1;
	[sflag:s18] =	ssyncset.done $0x0  }
0x8d: {  	p0 =	sne.s32 s1, s11;
	s0 =	sshll.u32 s31, $0x6;
	[sflag:s18] =	ssyncadd.s32 $0xFFFFFB00  }
.Ltmp2:
0x8e: {  	s0 =	sor.u32 $0x1C03, s0;
	[bflag:$0x0] =	sbarrier.arrive $0xFFFF;
	(pc) =	sbr.rel @p0 .LBB2_1-.Ltmp2, $4  }
0x8f: {  	[hbm:s10], [sflag:s0] =	dma.local [spmem:s5], $0x4E2  }
0x90: {  	_ =	swait.ge [sflag:s18], $0x4E2  }
0x91: {  	[sflag:s18] =	ssyncset.done $0x0  }
0x92: {  	[sflag:s18] =	ssyncadd.s32 $0xFFFFFB1E  }
0x93: {  	_ =	sfence.sel $0x180000  }
0x94: {  	[bflag:$0x0] =	sbarrier.arrive $0xFFFF  }
0x95: {  	_ =	strace $0x9000004A  }
0x96: {  	s0 =	stileid.u32;
	[bflag:$0x2] =	sbarrier.arrive $0xFFFF  }
0x97: {  	p0 =	sne.s32 s0, $0x0;
	s0 =	rddreg [dreg:$0x3]  }
0x98: {  	s0 =	sadd.s32 @!p0 $0x100000, s0  }
0x99: {  	[sflag:s0] =	ssyncadd.tile.s32 @!p0 $0x1;
	_ =	shalt  }
.Lfunc_end2:
_tile_overlayer_lowered:
.L_overlay_start_2:
0x9a: {  	(tag) =	ssettag $0x2  }
0x9b: {  	s0 =	rddreg [dreg:$0x0];
	s2 =	stileid.u32  }
0x9c: {  	s1 =	rddreg [dreg:$0x1];
	p0 =	sne.s32 s2, $0x0  }
0x9d: {  	s3 =	rddreg [dreg:$0x2];
	[bflag:$0x3] =	sbarrier.arrive $0xFFFF;
	s2 =	simm.s32 @!p0 $0x1C03  }
0x9e: {  	[timem:s3], [sflag:s2] =	dma.local @!p0 [hbm:s0], s1  }
0x9f: {  	s0 =	simm.s32 @!p0 $0x3  }
0xa0: {  	_ =	swait.ge @!p0 [sflag:s0], s1  }
0xa1: {  	s1 =	ssub.s32 @!p0 $0x0, s1;
	[sflag:s0] =	ssyncset.done @!p0 $0x0  }
0xa2: {  	[sflag:s0] =	ssyncadd.s32 @!p0 s1  }
0xa3: {  	[bflag:$0x3] =	sbarrier.arrive $0xFFFF  }
0xa4: {  	_ =	shalt  }

// kernel: kernel.17.cloned.1.call-start
scs
__scs_entry_jumppad:
0x0: {  	(pc) =	sbr.rel $0x88, $3  }
0x1: {  	(tag) =	ssettag $0x0;
	lr =	simm.s32 $0x1  }
0x2: {  	[smem:$0x3F8F] =	sst lr;
	_ =	strace $0xD0000000  }
0x3: {  	_ = 	snop  }
0x4: {  	_ = 	snop  }
0x5: {  	_ = 	snop  }
0x6: {  	_ = 	snop  }
0x7: {  	_ = 	snop  }
__scs_overlays_trampoline_lowered:
0x8: {  	[smem:$0x3F9E] =	sst s0  }
0x9: {  	[smem:$0x3F9F] =	sst s1  }
0xa: {  	[smem:$0x3FA0] =	sst s2  }
0xb: {  	[smem:$0x3FA1] =	sst s3  }
0xc: {  	[smem:$0x3FA2] =	sst s4  }
0xd: {  	[smem:$0x3FA3] =	sst s5  }
0xe: {  	[smem:$0x3FA4] =	sst s6  }
0xf: {  	[smem:$0x3FA5] =	sst s7  }
0x10: {  	[smem:$0x3FA6] =	sst s8  }
0x11: {  	[smem:$0x3FA7] =	sst s9;
	s0 =	simm.s32 @!p0 $0x0  }
0x12: {  	s1 =	sld [smem:$0x3F8D];
	s0 =	simm.s32 @p0 $0x1  }
0x13: {  	[smem:$0x3FA8] =	sst s0;
	s0 =	simm.s32 @!p1 $0x0  }
0x14: {  	s2 =	sld [smem:$0x3F8C];
	s0 =	simm.s32 @p1 $0x1  }
0x15: {  	[smem:$0x3FA9] =	sst s0;
	s0 =	simm.s32 @!p2 $0x0  }
0x16: {  	s3 =	sld [smem:$0x3FDB];
	s0 =	simm.s32 @p2 $0x1  }
0x17: {  	s4 =	simm.s32 $0x1BF5;
	[smem:$0x3FAB] =	sst s0  }
0x18: {  	s0 =	sld [smem:$0x3F8E];
	_ =	swait.ge [sflag:s4], $0x0  }
0x19: {  	s7 =	sld [smem:$0x3F8F]  }
0x1a: {  	s8 =	sadd.s32 $0xFFFFE003, lr  }
0x1b: {  	s9 =	sadd.s32 $0xFFFFFEF7, lr;
	s5 =	simm.s32 $0xFFFFFFFF;
	p2 =	slt.u32 s8, $0xFFFFF086  }
0x1c: {  	p1 =	slt.u32 s9, $0xF7A;
	s5 =	simm.s32 @!p2 $0x0  }
0x1d: {  	s5 =	simm.s32 @p1 $0x1;
	p0 =	seq.s32 s7, s2  }
0x1e: {  	s7 =	smul.u32 @!p0 $0xF7A, s2;
	p2 =	seq.s32 @!p0 s5, $0x0  }
0x1f: {  	s9 =	smul.u32 $0xF7A, s1;
	s8 =	simm.s32 @!p0 $0x1BF5;
	p2 =	por !p2, p0  }
0x20: {  	[sflag:s8] =	ssyncset.s32 @!p0 $0xFFFFF086;
	s6 =	sadd.s32 @!p0 s3, s7;
	s7 =	simm.s32 @!p0 $0x108  }
0x21: {  	s3 =	sadd.s32 s3, s9;
	s6 =	sadd.s32 @!p0 $0x88, s6;
	s7 =	simm.s32 @p2 $0x1082  }
0x22: {  	[simem:s7], [sflag:s8] =	dma.local @!p0 [hbm:s6], $0xF7A  }
0x23: {  	s9 =	sor.u32 $0xD0000000, s2;
	s6 =	simm.s32 $0x108;
	_ =	swait.ge @!p0 [sflag:s8], $0x0  }
0x24: {  	s3 =	sadd.s32 $0x88, s3;
	s6 =	simm.s32 @!p1 $0x1082;
	[sflag:s4] =	ssyncset.s32 $0xFFFFF086  }
0x25: {  	[simem:s6], [sflag:s4] =	dma.local [hbm:s3], $0xF7A  }
0x26: {  	[smem:$0x3F8F] =	sst s1;
	(tag) =	ssettag s2;
	_ =	strace s9  }
0x27: {  	s1 =	sld [smem:$0x3F9F]  }
0x28: {  	s2 =	sld [smem:$0x3FA0]  }
0x29: {  	s4 =	sld [smem:$0x3FA2]  }
0x2a: {  	p0 =	seq.s32 s5, $0x0;
	s5 =	sld [smem:$0x3FA3]  }
0x2b: {  	s6 =	sld [smem:$0x3FA4]  }
0x2c: {  	s7 =	sld [smem:$0x3FA5]  }
0x2d: {  	s3 =	simm.s32 $0x108;
	s8 =	sld [smem:$0x3FA6]  }
0x2e: {  	s3 =	simm.s32 @!p0 $0x1082;
	s9 =	sld [smem:$0x3FA7]  }
0x2f: {  	lr =	sadd.s32 s0, s3;
	s0 =	sld [smem:$0x3F9E]  }
0x30: {  	s3 =	sld [smem:$0x3FA1]  }
0x31: {  	[smem:$0x3FAA] =	sst s10  }
0x32: {  	s10 =	sld [smem:$0x3FA8];
	_ =	sdelay $0x3  }
0x33: {  	p0 =	seq.s32 s10, $0x1;
	s10 =	sld [smem:$0x3FAA];
	_ =	sdelay $0x3  }
0x34: {  	[smem:$0x3FAA] =	sst s10  }
0x35: {  	s10 =	sld [smem:$0x3FA9];
	_ =	sdelay $0x3  }
0x36: {  	p1 =	seq.s32 s10, $0x1;
	s10 =	sld [smem:$0x3FAA];
	_ =	sdelay $0x3  }
0x37: {  	[smem:$0x3FAA] =	sst s10  }
0x38: {  	s10 =	sld [smem:$0x3FAB]  }
0x39: {  	_ = 	snop;
	(pc) =	sbr.ind lr, $3  }
0x3a: {  	_ = 	snop  }
0x3b: {  	_ = 	snop  }
0x3c: {  	p2 =	seq.s32 s10, $0x1;
	s10 =	sld [smem:$0x3FAA]  }
0x3d: {  	_ =	shalt  }
0x3e: {  	_ =	shalt  }
0x3f: {  	_ =	shalt  }
0x40: {  	_ =	shalt  }
0x41: {  	_ =	shalt  }
0x42: {  	_ =	shalt  }
0x43: {  	_ =	shalt  }
0x44: {  	_ =	shalt  }
0x45: {  	_ =	shalt  }
0x46: {  	_ =	shalt  }
0x47: {  	_ =	shalt  }
0x48: {  	_ =	shalt  }
0x49: {  	_ =	shalt  }
0x4a: {  	_ =	shalt  }
0x4b: {  	_ =	shalt  }
0x4c: {  	_ =	shalt  }
0x4d: {  	_ =	shalt  }
0x4e: {  	_ =	shalt  }
0x4f: {  	_ =	shalt  }
0x50: {  	_ =	shalt  }
0x51: {  	_ =	shalt  }
0x52: {  	_ =	shalt  }
0x53: {  	_ =	shalt  }
0x54: {  	_ =	shalt  }
0x55: {  	_ =	shalt  }
0x56: {  	_ =	shalt  }
0x57: {  	_ =	shalt  }
0x58: {  	_ =	shalt  }
0x59: {  	_ =	shalt  }
0x5a: {  	_ =	shalt  }
0x5b: {  	_ =	shalt  }
0x5c: {  	_ =	shalt  }
0x5d: {  	_ =	shalt  }
0x5e: {  	_ =	shalt  }
0x5f: {  	_ =	shalt  }
0x60: {  	_ =	shalt  }
0x61: {  	_ =	shalt  }
0x62: {  	_ =	shalt  }
0x63: {  	_ =	shalt  }
0x64: {  	_ =	shalt  }
0x65: {  	_ =	shalt  }
0x66: {  	_ =	shalt  }
0x67: {  	_ =	shalt  }
0x68: {  	_ =	shalt  }
0x69: {  	_ =	shalt  }
0x6a: {  	_ =	shalt  }
0x6b: {  	_ =	shalt  }
0x6c: {  	_ =	shalt  }
0x6d: {  	_ =	shalt  }
0x6e: {  	_ =	shalt  }
0x6f: {  	_ =	shalt  }
0x70: {  	_ =	shalt  }
0x71: {  	_ =	shalt  }
0x72: {  	_ =	shalt  }
0x73: {  	_ =	shalt  }
0x74: {  	_ =	shalt  }
0x75: {  	_ =	shalt  }
0x76: {  	_ =	shalt  }
0x77: {  	_ =	shalt  }
0x78: {  	_ =	shalt  }
0x79: {  	_ =	shalt  }
0x7a: {  	_ =	shalt  }
0x7b: {  	_ =	shalt  }
0x7c: {  	_ =	shalt  }
0x7d: {  	_ =	shalt  }
0x7e: {  	_ =	shalt  }
0x7f: {  	_ =	shalt  }
0x80: {  	_ =	shalt  }
0x81: {  	_ =	shalt  }
0x82: {  	_ =	shalt  }
0x83: {  	_ =	shalt  }
0x84: {  	_ =	shalt  }
0x85: {  	_ =	shalt  }
0x86: {  	_ =	shalt  }
0x87: {  	_ =	shalt  }
.Lfunc_end0:
.L_simem_size_0:
called_computation.3_lowered:
.L_overlay_start_0:
0x88: {  	s2 =	sld [smem:$0x3FD9]  }
0x89: {  	s3 =	sld [smem:$0x3FFE];
	_ =	sdelay $0x1  }
0x8a: {  	s1 =	srdreg.scid  }
0x8b: {  	s0 =	sand.u32 $0x1, s1  }
0x8c: {  	s16 =	sshll.u32 s0, $0xA;
	s2 =	sadd.s32 s3, s2  }
0x8d: {  	s2 =	sadd.s32 s2, s16  }
0x8e: {  	[smem:$0x3FB6] =	sst s2  }
0x8f: {  	_ = 	snop  }
0x90: {  	(tm) =	ssettm $0x1  }
0x91: {  	s17 =	sld [smem:$0x3FFB];
	_ =	sdelay $0x3  }
0x92: {  	_ =	strace s17  }
0x93: {  	s2 =	sld [smem:$0x3FFC];
	_ =	sdelay $0x3  }
0x94: {  	_ =	strace s2  }
0x95: {  	s2 =	sld [smem:$0x3FFD];
	_ =	sdelay $0x3  }
0x96: {  	_ =	strace s2  }
0x97: {  	_ =	strace $0x8FFFFFFF  }
0x98: {  	s18 =	sld [smem:$0x3FDB];
	_ =	sdelay $0x1  }
0x99: {  	s19 =	simm.s32 $_scs_section_size  }
0x9a: {  	s4 =	simm.s32 $_size__tile_overlayer_lowered;
	s5 =	simm.s32 $_tile_overlayer_lowered  }
0x9b: {  	s22 =	simm.s32 $0x1BFF;
	s21 =	sshll.u32 s5, $0x1;
	s2 =	sadd.s32 s19, s18  }
0x9c: {  	s6 =	simm.s32 $0x0;
	s20 =	sshll.u32 s4, $0x1;
	s4 =	sadd.s32 s21, s2  }
0x9d: {  	[timem:s6], [sflag:s22] =	dma.local [hbm:s4], s20  }
0x9e: {  	_ =	swait.ge [sflag:s22], s20  }
0x9f: {  	s3 =	ssub.s32 $0x0, s20;
	[sflag:s22] =	ssyncset.done $0x0  }
0xa0: {  	[sflag:s22] =	ssyncadd.s32 s3;
	_ =	sdelay $0x1  }
0xa1: {  	s23 =	simm.s32 $0x1B8B  }
0xa2: {  	_ =	swait.ge [sflag:s23], $0x1  }
0xa3: {  	[sflag:s23] =	ssyncset.done $0x0  }
0xa4: {  	s25 =	simm.s32 $0x1B8E;
	s24 =	sld [smem:$0x3FFE];
	[sflag:s23] =	ssyncadd.s32 $0xFFFFFFFF  }
0xa5: {  	s26 =	simm.s32 $execute0_lowered;
	[smem:$0x3FD2] =	sst s25  }
0xa6: {  	s4 =	sshll.u32 s26, $0x1;
	_ =	strace $0x8000004C;
	[dreg:$0x1] =	wrdreg $0xFFFFFFFF  }
0xa7: {  	s28 =	simm.s32 $_size_execute0_lowered;
	s2 =	sadd.s32 s2, s4;
	[dreg:$0x0] =	wrdreg $0x0  }
0xa8: {  	s4 =	sshll.u32 s28, $0x1;
	[dreg:$0x2] =	wrdreg s2  }
0xa9: {  	[dreg:$0x3] =	wrdreg s4  }
0xaa: {  	[dreg:$0x4] =	wrdreg $0xC0  }
0xab: {  	_ =	task [dreg:s6], $0x5FFFF  }
0xac: {  	[dreg:$0x1] =	wrdreg $0xFFFFFFFF  }
0xad: {  	[dreg:$0x0] =	wrdreg $0x60  }
0xae: {  	[dreg:$0x2] =	wrdreg s24  }
0xaf: {  	[dreg:$0x3] =	wrdreg $0x9  }
0xb0: {  	_ =	task.clear_ibuf [dreg:s6], $0x4FFFF;
	_ =	strace $0x9000004C  }
0xb1: {  	s29 =	simm.s32 $0x9;
	_ =	strace $0x8000004E  }
0xb2: {  	_ =	swait.ge [sflag:s29], $0x1  }
0xb3: {  	[sflag:s29] =	ssyncadd.s32 $0xFFFFFFFF  }
0xb4: {  	_ =	strace $0x9000004E  }
0xb5: {  	_ =	sfence  }
0xb6: {  	s30 =	sld [smem:$0x0];
	_ =	sdelay $0x2  }
0xb7: {  	s31 =	sshll.u32 s1, $0xD;
	s1 =	sshrl.u32 s1, $0x2  }
0xb8: {  	s3 =	sand.u32 $0x4000, s31;
	s1 =	sadd.s32 s1, s30  }
0xb9: {  	s0 =	sor.u32 s3, s0;
	s1 =	sshll.u32 s1, $0x11  }
0xba: {  	s0 =	sor.u32 s1, s0  }
0xbb: {  	s0 =	sadd.s32 $0x8F2B, s0  }
0xbc: {  	[sflag:s0] =	ssyncadd.remote.s32 $0x1  }
0xbd: {  	_ =	sfence.sel $0xFFFF  }
0xbe: {  	[dreg:$0x0] =	wrdreg $0xFFFFFFFF;
	(pc) =	sbr.abs _section_cstart, $3  }
0xbf: {  	[dreg:$0x1] =	wrdreg $0xFFFFFFFF  }
0xc0: {  	_ =	task.clear_ibuf [dreg:s6], $0x2FFFF;
	_ =	strace $0x9FFFFFFF  }
0xc1: {  	(tm) =	ssettm $0x7FFFFFFF  }
tec
execute0_lowered:
.L_overlay_start_1:
0x0: {  	(tag) =	ssettag $0x1  }
0x1: {  	s1 =	srdreg.scid;
	s0 =	stileid.u32  }
0x2: {  	s4 =	rddreg [dreg:$0x0];
	s2 =	simm.s32 $0x0;
	s10 =	simm.s32 $0x4E20  }
0x3: {  	s11 =	simm.s32 $0x5AA0;
	s12 =	simm.s32 $0x50A0;
	s13 =	simm.s32 $0x5D20  }
0x4: {  	s14 =	simm.s32 $0x5320;
	s15 =	simm.s32 $0x5FA0;
	s16 =	simm.s32 $0x55A0  }
0x5: {  	s17 =	simm.s32 $0x6220;
	s18 =	simm.s32 $0x5820;
	s19 =	simm.s32 $0x64A0  }
0x6: {  	s20 =	simm.s32 $0x1;
	s21 =	simm.s32 $0x2;
	s22 =	simm.s32 $0x3  }
0x7: {  	s23 =	simm.s32 $0x0;
	s3 =	sand.u32 $0x1, s1;
	s1 =	rddreg [dreg:$0x1]  }
0x8: {  	s29 =	sshll.u32 s0, $0x1;
	[smem:$0x7FF] =	sst s2;
	s6 =	smul.u32 $0x4E20, s0  }
0x9: {  	s5 =	sor.u32 s3, s29;
	s7 =	ssub.s32 $0x2, s3;
	s8 =	smul.u32 $0x2710, s3  }
0xa: {  	_ =	strace $0x8000004D;
	s5 =	smul.u32 $0x4E2, s5;
	s9 =	sshrl.u32 s7, $0x1  }
0xb: {  	s3 =	sadd.s32 $0x5000, s4;
	s6 =	sadd.s32 s6, s4;
	s7 =	ssub.s32 s7, s9  }
0xc: {  	s8 =	sadd.s32 s8, s6;
	s9 =	simm.s32 $0x50;
	s5 =	sadd.s32 s5, s4  }
0xd: {  	s30 =	sadd.s32 $0x70C00, s8;
	s6 =	smax.u32 s7, $0x1;
	s31 =	sadd.s32 $0x22A00, s8  }
0xe: {  	s7 =	simm.s32 $0x4;
	s8 =	simm.s32 $0x2710;
	[dreg:$0x2] =	wrdreg s30  }
0xf: {  	s4 =	sadd.s32 $0x18C00, s5;
	s5 =	sadd.s32 $0xEE00, s5;
	[dreg:$0x3] =	wrdreg s31  }
.LBB2_1:
0x10: {  	[tilespmem:s2], [sflag:$0x4] =	stream.linear.gather [hbm4b:s4+s2], $0x2710, $0x38;
	[tilespmem:$0x6720] =	vst v63  }
0x11: {  	_ =	swait.ge [sflag:s7], $0x2710  }
0x12: {  	[sflag:s7] =	ssyncset.done $0x0  }
0x13: {  	[sflag:s7] =	ssyncadd.s32 $0xFFFFD8F0  }
0x14: {  	[tilespmem:s8], [sflag:$0x4] =	stream.linear.gather [hbm4b:s5+s2], $0x2710, $0x38;
	[tilespmem:$0x6720] =	vst v63  }
0x15: {  	_ =	swait.ge [sflag:s7], $0x2710  }
0x16: {  	[sflag:s7] =	ssyncset.done $0x0  }
0x17: {  	s24 =	simm.s32 $0x0;
	[sflag:s7] =	ssyncadd.s32 $0xFFFFD8F0  }
0x18: {  	[tilespmem:s10], [sflag:$0x1] =	stream.indirect.gather [hbm4b:s3+s9], $0x8, s24, s9, $0xb8;
	[tilespmem:$0x6720] =	vst v63  }
0x19: {  	s25 =	simm.s32 $0x2710  }
0x1a: {  	[tilespmem:s11], [sflag:$0x2] =	stream.indirect.gather [hbm4b:s3+s9], $0x8, s25, s9, $0xb8;
	[tilespmem:$0x6720] =	vst v63  }
0x1b: {  	s26 =	simm.s32 $0x50  }
0x1c: {  	[tilespmem:s12], [sflag:$0x1] =	stream.indirect.gather [hbm4b:s3+s9], $0x8, s26, s9, $0xb8;
	[tilespmem:$0x6720] =	vst v63  }
0x1d: {  	s28 =	simm.s32 $0x2760  }
0x1e: {  	[tilespmem:s13], [sflag:$0x2] =	stream.indirect.gather [hbm4b:s3+s9], $0x8, s28, s9, $0xb8;
	[tilespmem:$0x6720] =	vst v63  }
0x1f: {  	s29 =	simm.s32 $0xA0  }
0x20: {  	[tilespmem:s14], [sflag:$0x1] =	stream.indirect.gather [hbm4b:s3+s9], $0x8, s29, s9, $0xb8;
	[tilespmem:$0x6720] =	vst v63  }
0x21: {  	s30 =	simm.s32 $0x27B0  }
0x22: {  	[tilespmem:s15], [sflag:$0x2] =	stream.indirect.gather [hbm4b:s3+s9], $0x8, s30, s9, $0xb8;
	[tilespmem:$0x6720] =	vst v63  }
0x23: {  	s31 =	simm.s32 $0xF0  }
0x24: {  	[tilespmem:s16], [sflag:$0x1] =	stream.indirect.gather [hbm4b:s3+s9], $0x8, s31, s9, $0xb8;
	[tilespmem:$0x6720] =	vst v63  }
0x25: {  	s25 =	simm.s32 $0x2800  }
0x26: {  	[tilespmem:s17], [sflag:$0x2] =	stream.indirect.gather [hbm4b:s3+s9], $0x8, s25, s9, $0xb8;
	[tilespmem:$0x6720] =	vst v63  }
0x27: {  	s26 =	simm.s32 $0x140  }
0x28: {  	[tilespmem:s18], [sflag:$0x1] =	stream.indirect.gather [hbm4b:s3+s9], $0x8, s26, s9, $0xb8;
	[tilespmem:$0x6720] =	vst v63  }
0x29: {  	s28 =	simm.s32 $0x2850  }
0x2a: {  	[tilespmem:s19], [sflag:$0x2] =	stream.indirect.gather [hbm4b:s3+s9], $0x8, s28, s9, $0xb8;
	[tilespmem:$0x6720] =	vst v63  }
0x2b: {  	_ =	swait.ge [sflag:s20], $0x280  }
0x2c: {  	s29 =	rddreg [dreg:$0x3];
	[sflag:s20] =	ssyncset.done $0x0  }
0x2d: {  	[sflag:s20] =	ssyncadd.s32 $0xFFFFFD80;
	s24 =	sadd.s32 $0x0, s29  }
0x2e: {  	[hbm4b:s24+s2] =	stream.linear.scatter [tilespmem:s10], [sflag:$0x3], $0x280, $0x38;
	[tilespmem:$0x6720] =	vst v63  }
0x2f: {  	_ =	swait.ge [sflag:s21], $0x280  }
0x30: {  	s25 =	rddreg [dreg:$0x2];
	[sflag:s21] =	ssyncset.done $0x0  }
0x31: {  	[sflag:s21] =	ssyncadd.s32 $0xFFFFFD80;
	s25 =	sadd.s32 $0x0, s25  }
0x32: {  	[hbm4b:s25+s2] =	stream.linear.scatter [tilespmem:s11], [sflag:$0x3], $0x280, $0x38;
	[tilespmem:$0x6720] =	vst v63  }
0x33: {  	_ =	swait.ge [sflag:s20], $0x280  }
0x34: {  	[sflag:s20] =	ssyncset.done $0x0  }
0x35: {  	s26 =	sadd.s32 $0x50, s24;
	[sflag:s20] =	ssyncadd.s32 $0xFFFFFD80  }
0x36: {  	[hbm4b:s26+s2] =	stream.linear.scatter [tilespmem:s12], [sflag:$0x3], $0x280, $0x38;
	[tilespmem:$0x6720] =	vst v63  }
0x37: {  	_ =	swait.ge [sflag:s21], $0x280  }
0x38: {  	[sflag:s21] =	ssyncset.done $0x0  }
0x39: {  	s30 =	sadd.s32 $0x50, s25;
	[sflag:s21] =	ssyncadd.s32 $0xFFFFFD80  }
0x3a: {  	[hbm4b:s30+s2] =	stream.linear.scatter [tilespmem:s13], [sflag:$0x3], $0x280, $0x38;
	[tilespmem:$0x6720] =	vst v63  }
0x3b: {  	_ =	swait.ge [sflag:s20], $0x280  }
0x3c: {  	[sflag:s20] =	ssyncset.done $0x0  }
0x3d: {  	s31 =	sadd.s32 $0xA0, s24;
	[sflag:s20] =	ssyncadd.s32 $0xFFFFFD80  }
0x3e: {  	[hbm4b:s31+s2] =	stream.linear.scatter [tilespmem:s14], [sflag:$0x3], $0x280, $0x38;
	[tilespmem:$0x6720] =	vst v63  }
0x3f: {  	_ =	swait.ge [sflag:s21], $0x280  }
0x40: {  	[sflag:s21] =	ssyncset.done $0x0  }
0x41: {  	s28 =	sadd.s32 $0xA0, s25;
	[sflag:s21] =	ssyncadd.s32 $0xFFFFFD80  }
0x42: {  	[hbm4b:s28+s2] =	stream.linear.scatter [tilespmem:s15], [sflag:$0x3], $0x280, $0x38;
	[tilespmem:$0x6720] =	vst v63  }
0x43: {  	_ =	swait.ge [sflag:s20], $0x280  }
0x44: {  	[sflag:s20] =	ssyncset.done $0x0  }
0x45: {  	s29 =	sadd.s32 $0xF0, s24;
	[sflag:s20] =	ssyncadd.s32 $0xFFFFFD80  }
0x46: {  	[hbm4b:s29+s2] =	stream.linear.scatter [tilespmem:s16], [sflag:$0x3], $0x280, $0x38;
	[tilespmem:$0x6720] =	vst v63  }
0x47: {  	_ =	swait.ge [sflag:s21], $0x280  }
0x48: {  	[sflag:s21] =	ssyncset.done $0x0  }
0x49: {  	s30 =	sadd.s32 $0xF0, s25;
	[sflag:s21] =	ssyncadd.s32 $0xFFFFFD80  }
0x4a: {  	[hbm4b:s30+s2] =	stream.linear.scatter [tilespmem:s17], [sflag:$0x3], $0x280, $0x38;
	[tilespmem:$0x6720] =	vst v63  }
0x4b: {  	_ =	swait.ge [sflag:s20], $0x280  }
0x4c: {  	[sflag:s20] =	ssyncset.done $0x0  }
0x4d: {  	s24 =	sadd.s32 $0x140, s24;
	[sflag:s20] =	ssyncadd.s32 $0xFFFFFD80  }
0x4e: {  	[hbm4b:s24+s2] =	stream.linear.scatter [tilespmem:s18], [sflag:$0x3], $0x280, $0x38;
	[tilespmem:$0x6720] =	vst v63  }
0x4f: {  	_ =	swait.ge [sflag:s21], $0x280  }
0x50: {  	[sflag:s21] =	ssyncset.done $0x0  }
0x51: {  	s31 =	sadd.s32 $0x140, s25;
	[sflag:s21] =	ssyncadd.s32 $0xFFFFFD80  }
0x52: {  	[hbm4b:s31+s2] =	stream.linear.scatter [tilespmem:s19], [sflag:$0x3], $0x280, $0x38;
	[tilespmem:$0x6720] =	vst v63  }
0x53: {  	_ =	swait.ge [sflag:s22], $0x280  }
0x54: {  	[sflag:s22] =	ssyncset.done $0x0  }
0x55: {  	[sflag:s22] =	ssyncadd.s32 $0xFFFFFD80  }
0x56: {  	_ =	swait.ge [sflag:s22], $0x280  }
0x57: {  	[sflag:s22] =	ssyncset.done $0x0  }
0x58: {  	[sflag:s22] =	ssyncadd.s32 $0xFFFFFD80  }
0x59: {  	_ =	swait.ge [sflag:s22], $0x280  }
0x5a: {  	[sflag:s22] =	ssyncset.done $0x0  }
0x5b: {  	[sflag:s22] =	ssyncadd.s32 $0xFFFFFD80  }
0x5c: {  	_ =	swait.ge [sflag:s22], $0x280  }
0x5d: {  	[sflag:s22] =	ssyncset.done $0x0  }
0x5e: {  	[sflag:s22] =	ssyncadd.s32 $0xFFFFFD80  }
0x5f: {  	_ =	swait.ge [sflag:s22], $0x280  }
0x60: {  	[sflag:s22] =	ssyncset.done $0x0  }
0x61: {  	[sflag:s22] =	ssyncadd.s32 $0xFFFFFD80  }
0x62: {  	_ =	swait.ge [sflag:s22], $0x280  }
0x63: {  	[sflag:s22] =	ssyncset.done $0x0  }
0x64: {  	[sflag:s22] =	ssyncadd.s32 $0xFFFFFD80  }
0x65: {  	_ =	swait.ge [sflag:s22], $0x280  }
0x66: {  	[sflag:s22] =	ssyncset.done $0x0  }
0x67: {  	[sflag:s22] =	ssyncadd.s32 $0xFFFFFD80  }
0x68: {  	_ =	swait.ge [sflag:s22], $0x280  }
0x69: {  	[sflag:s22] =	ssyncset.done $0x0  }
0x6a: {  	[sflag:s22] =	ssyncadd.s32 $0xFFFFFD80  }
0x6b: {  	_ =	swait.ge [sflag:s22], $0x280  }
0x6c: {  	[sflag:s22] =	ssyncset.done $0x0  }
0x6d: {  	[sflag:s22] =	ssyncadd.s32 $0xFFFFFD80  }
0x6e: {  	s26 =	simm.s32 $0x640;
	_ =	swait.ge [sflag:s22], $0x280  }
0x6f: {  	s25 =	simm.s32 $0x320;
	s24 =	simm.s32 $0x190;
	[sflag:s22] =	ssyncset.done $0x0  }
.LBB2_2:
0x70: {  	s28 =	sshra.s32 s26, $0x2;
	[sflag:s22] =	ssyncadd.s32 $0xFFFFFD80  }
0x71: {  	[tilespmem:s10], [sflag:$0x1] =	stream.indirect.gather [hbm4b:s3+s9], $0x8, s28, s9, $0xb8;
	[tilespmem:$0x6720] =	vst v63  }
0x72: {  	s29 =	sadd.s32 $0x2710, s28  }
0x73: {  	[tilespmem:s11], [sflag:$0x2] =	stream.indirect.gather [hbm4b:s3+s9], $0x8, s29, s9, $0xb8;
	[tilespmem:$0x6720] =	vst v63  }
0x74: {  	s31 =	sadd.s32 $0x50, s28  }
0x75: {  	[tilespmem:s12], [sflag:$0x1] =	stream.indirect.gather [hbm4b:s3+s9], $0x8, s31, s9, $0xb8;
	[tilespmem:$0x6720] =	vst v63  }
0x76: {  	s31 =	sadd.s32 $0x2760, s28  }
0x77: {  	[tilespmem:s13], [sflag:$0x2] =	stream.indirect.gather [hbm4b:s3+s9], $0x8, s31, s9, $0xb8;
	[tilespmem:$0x6720] =	vst v63  }
0x78: {  	s31 =	sadd.s32 $0xA0, s28  }
0x79: {  	[tilespmem:s14], [sflag:$0x1] =	stream.indirect.gather [hbm4b:s3+s9], $0x8, s31, s9, $0xb8;
	[tilespmem:$0x6720] =	vst v63  }
0x7a: {  	s31 =	sadd.s32 $0x27B0, s28  }
0x7b: {  	[tilespmem:s15], [sflag:$0x2] =	stream.indirect.gather [hbm4b:s3+s9], $0x8, s31, s9, $0xb8;
	[tilespmem:$0x6720] =	vst v63  }
0x7c: {  	s31 =	sadd.s32 $0xF0, s28  }
0x7d: {  	[tilespmem:s16], [sflag:$0x1] =	stream.indirect.gather [hbm4b:s3+s9], $0x8, s31, s9, $0xb8;
	[tilespmem:$0x6720] =	vst v63  }
0x7e: {  	s31 =	sadd.s32 $0x2800, s28  }
0x7f: {  	[tilespmem:s17], [sflag:$0x2] =	stream.indirect.gather [hbm4b:s3+s9], $0x8, s31, s9, $0xb8;
	[tilespmem:$0x6720] =	vst v63  }
0x80: {  	s31 =	sadd.s32 $0x140, s28  }
0x81: {  	[tilespmem:s18], [sflag:$0x1] =	stream.indirect.gather [hbm4b:s3+s9], $0x8, s31, s9, $0xb8;
	[tilespmem:$0x6720] =	vst v63  }
0x82: {  	s28 =	sadd.s32 $0x2850, s28  }
0x83: {  	[tilespmem:s19], [sflag:$0x2] =	stream.indirect.gather [hbm4b:s3+s9], $0x8, s28, s9, $0xb8;
	[tilespmem:$0x6720] =	vst v63  }
0x84: {  	_ =	swait.ge [sflag:s20], $0x280  }
0x85: {  	s29 =	rddreg [dreg:$0x3];
	[sflag:s20] =	ssyncset.done $0x0  }
0x86: {  	[sflag:s20] =	ssyncadd.s32 $0xFFFFFD80;
	s28 =	sadd.s32 s24, s29  }
0x87: {  	[hbm4b:s28+s2] =	stream.linear.scatter [tilespmem:s10], [sflag:$0x3], $0x280, $0x38;
	[tilespmem:$0x6720] =	vst v63  }
0x88: {  	_ =	swait.ge [sflag:s21], $0x280  }
0x89: {  	s31 =	rddreg [dreg:$0x2];
	[sflag:s21] =	ssyncset.done $0x0  }
0x8a: {  	[sflag:s21] =	ssyncadd.s32 $0xFFFFFD80;
	s29 =	sadd.s32 s24, s31  }
0x8b: {  	[hbm4b:s29+s2] =	stream.linear.scatter [tilespmem:s11], [sflag:$0x3], $0x280, $0x38;
	[tilespmem:$0x6720] =	vst v63  }
0x8c: {  	_ =	swait.ge [sflag:s20], $0x280  }
0x8d: {  	[sflag:s20] =	ssyncset.done $0x0  }
0x8e: {  	s31 =	sadd.s32 $0x50, s28;
	[sflag:s20] =	ssyncadd.s32 $0xFFFFFD80  }
0x8f: {  	[hbm4b:s31+s2] =	stream.linear.scatter [tilespmem:s12], [sflag:$0x3], $0x280, $0x38;
	[tilespmem:$0x6720] =	vst v63  }
0x90: {  	_ =	swait.ge [sflag:s21], $0x280  }
0x91: {  	[sflag:s21] =	ssyncset.done $0x0  }
0x92: {  	s31 =	sadd.s32 $0x50, s29;
	[sflag:s21] =	ssyncadd.s32 $0xFFFFFD80  }
0x93: {  	[hbm4b:s31+s2] =	stream.linear.scatter [tilespmem:s13], [sflag:$0x3], $0x280, $0x38;
	[tilespmem:$0x6720] =	vst v63  }
0x94: {  	_ =	swait.ge [sflag:s20], $0x280  }
0x95: {  	[sflag:s20] =	ssyncset.done $0x0  }
0x96: {  	s31 =	sadd.s32 $0xA0, s28;
	[sflag:s20] =	ssyncadd.s32 $0xFFFFFD80  }
0x97: {  	[hbm4b:s31+s2] =	stream.linear.scatter [tilespmem:s14], [sflag:$0x3], $0x280, $0x38;
	[tilespmem:$0x6720] =	vst v63  }
0x98: {  	_ =	swait.ge [sflag:s21], $0x280  }
0x99: {  	[sflag:s21] =	ssyncset.done $0x0  }
0x9a: {  	s31 =	sadd.s32 $0xA0, s29;
	[sflag:s21] =	ssyncadd.s32 $0xFFFFFD80  }
0x9b: {  	[hbm4b:s31+s2] =	stream.linear.scatter [tilespmem:s15], [sflag:$0x3], $0x280, $0x38;
	[tilespmem:$0x6720] =	vst v63  }
0x9c: {  	_ =	swait.ge [sflag:s20], $0x280  }
0x9d: {  	[sflag:s20] =	ssyncset.done $0x0  }
0x9e: {  	s31 =	sadd.s32 $0xF0, s28;
	[sflag:s20] =	ssyncadd.s32 $0xFFFFFD80  }
0x9f: {  	[hbm4b:s31+s2] =	stream.linear.scatter [tilespmem:s16], [sflag:$0x3], $0x280, $0x38;
	[tilespmem:$0x6720] =	vst v63  }
0xa0: {  	_ =	swait.ge [sflag:s21], $0x280  }
0xa1: {  	[sflag:s21] =	ssyncset.done $0x0  }
0xa2: {  	s31 =	sadd.s32 $0xF0, s29;
	[sflag:s21] =	ssyncadd.s32 $0xFFFFFD80  }
0xa3: {  	[hbm4b:s31+s2] =	stream.linear.scatter [tilespmem:s17], [sflag:$0x3], $0x280, $0x38;
	[tilespmem:$0x6720] =	vst v63  }
0xa4: {  	_ =	swait.ge [sflag:s20], $0x280  }
0xa5: {  	[sflag:s20] =	ssyncset.done $0x0  }
0xa6: {  	s28 =	sadd.s32 $0x140, s28;
	[sflag:s20] =	ssyncadd.s32 $0xFFFFFD80  }
0xa7: {  	[hbm4b:s28+s2] =	stream.linear.scatter [tilespmem:s18], [sflag:$0x3], $0x280, $0x38;
	[tilespmem:$0x6720] =	vst v63  }
0xa8: {  	_ =	swait.ge [sflag:s21], $0x280  }
0xa9: {  	[sflag:s21] =	ssyncset.done $0x0  }
0xaa: {  	s31 =	sadd.s32 $0x140, s29;
	[sflag:s21] =	ssyncadd.s32 $0xFFFFFD80  }
0xab: {  	[hbm4b:s31+s2] =	stream.linear.scatter [tilespmem:s19], [sflag:$0x3], $0x280, $0x38;
	[tilespmem:$0x6720] =	vst v63  }
0xac: {  	_ =	swait.ge [sflag:s22], $0x280  }
0xad: {  	[sflag:s22] =	ssyncset.done $0x0  }
0xae: {  	[sflag:s22] =	ssyncadd.s32 $0xFFFFFD80  }
0xaf: {  	_ =	swait.ge [sflag:s22], $0x280  }
0xb0: {  	[sflag:s22] =	ssyncset.done $0x0  }
0xb1: {  	[sflag:s22] =	ssyncadd.s32 $0xFFFFFD80  }
0xb2: {  	_ =	swait.ge [sflag:s22], $0x280  }
0xb3: {  	[sflag:s22] =	ssyncset.done $0x0  }
0xb4: {  	[sflag:s22] =	ssyncadd.s32 $0xFFFFFD80  }
0xb5: {  	_ =	swait.ge [sflag:s22], $0x280  }
0xb6: {  	[sflag:s22] =	ssyncset.done $0x0  }
0xb7: {  	[sflag:s22] =	ssyncadd.s32 $0xFFFFFD80  }
0xb8: {  	_ =	swait.ge [sflag:s22], $0x280  }
0xb9: {  	[sflag:s22] =	ssyncset.done $0x0  }
0xba: {  	[sflag:s22] =	ssyncadd.s32 $0xFFFFFD80  }
0xbb: {  	_ =	swait.ge [sflag:s22], $0x280  }
0xbc: {  	[sflag:s22] =	ssyncset.done $0x0  }
0xbd: {  	[sflag:s22] =	ssyncadd.s32 $0xFFFFFD80  }
0xbe: {  	_ =	swait.ge [sflag:s22], $0x280  }
0xbf: {  	[sflag:s22] =	ssyncset.done $0x0  }
0xc0: {  	[sflag:s22] =	ssyncadd.s32 $0xFFFFFD80  }
0xc1: {  	_ =	swait.ge [sflag:s22], $0x280  }
0xc2: {  	[sflag:s22] =	ssyncset.done $0x0  }
0xc3: {  	p0 =	sne.s32 s25, $0x2580;
	[sflag:s22] =	ssyncadd.s32 $0xFFFFFD80  }
.Ltmp0:
0xc4: {  	_ =	swait.ge [sflag:s22], $0x280;
	(pc) =	sbr.rel @p0 .LBB2_2-.Ltmp0, $4  }
0xc5: {  	[sflag:s22] =	ssyncset.done $0x0  }
0xc6: {  	[sflag:s22] =	ssyncadd.s32 $0xFFFFFD80  }
0xc7: {  	s30 =	smov.u32 s25;
	s25 =	sadd.s32 $0x190, s25;
	_ =	swait.ge [sflag:s22], $0x280  }
0xc8: {  	s26 =	sadd.s32 $0x640, s26;
	s24 =	smov.u32 s30;
	[sflag:s22] =	ssyncset.done $0x0  }
0xc9: {  	s25 =	sshra.s32 s26, $0x2;
	[sflag:s22] =	ssyncadd.s32 $0xFFFFFD80  }
0xca: {  	[tilespmem:s10], [sflag:$0x1] =	stream.indirect.gather [hbm4b:s3+s9], $0x8, s25, s9, $0xb8;
	[tilespmem:$0x6720] =	vst v63  }
0xcb: {  	s26 =	sadd.s32 $0x2710, s25  }
0xcc: {  	[tilespmem:s11], [sflag:$0x2] =	stream.indirect.gather [hbm4b:s3+s9], $0x8, s26, s9, $0xb8;
	[tilespmem:$0x6720] =	vst v63  }
0xcd: {  	s29 =	sadd.s32 $0x50, s25  }
0xce: {  	[tilespmem:s12], [sflag:$0x1] =	stream.indirect.gather [hbm4b:s3+s9], $0x8, s29, s9, $0xb8;
	[tilespmem:$0x6720] =	vst v63  }
0xcf: {  	s30 =	sadd.s32 $0x2760, s25  }
0xd0: {  	[tilespmem:s13], [sflag:$0x2] =	stream.indirect.gather [hbm4b:s3+s9], $0x8, s30, s9, $0xb8;
	[tilespmem:$0x6720] =	vst v63  }
0xd1: {  	s31 =	sadd.s32 $0xA0, s25  }
0xd2: {  	[tilespmem:s14], [sflag:$0x1] =	stream.indirect.gather [hbm4b:s3+s9], $0x8, s31, s9, $0xb8;
	[tilespmem:$0x6720] =	vst v63  }
0xd3: {  	s28 =	sadd.s32 $0x27B0, s25  }
0xd4: {  	[tilespmem:s15], [sflag:$0x2] =	stream.indirect.gather [hbm4b:s3+s9], $0x8, s28, s9, $0xb8;
	[tilespmem:$0x6720] =	vst v63  }
0xd5: {  	s29 =	sadd.s32 $0xF0, s25  }
0xd6: {  	[tilespmem:s16], [sflag:$0x1] =	stream.indirect.gather [hbm4b:s3+s9], $0x8, s29, s9, $0xb8;
	[tilespmem:$0x6720] =	vst v63  }
0xd7: {  	s30 =	sadd.s32 $0x2800, s25  }
0xd8: {  	[tilespmem:s17], [sflag:$0x2] =	stream.indirect.gather [hbm4b:s3+s9], $0x8, s30, s9, $0xb8;
	[tilespmem:$0x6720] =	vst v63  }
0xd9: {  	s31 =	sadd.s32 $0x140, s25  }
0xda: {  	[tilespmem:s18], [sflag:$0x1] =	stream.indirect.gather [hbm4b:s3+s9], $0x8, s31, s9, $0xb8;
	[tilespmem:$0x6720] =	vst v63  }
0xdb: {  	s25 =	sadd.s32 $0x2850, s25  }
0xdc: {  	[tilespmem:s19], [sflag:$0x2] =	stream.indirect.gather [hbm4b:s3+s9], $0x8, s25, s9, $0xb8;
	[tilespmem:$0x6720] =	vst v63  }
0xdd: {  	_ =	swait.ge [sflag:s20], $0x280  }
0xde: {  	s28 =	rddreg [dreg:$0x3];
	[sflag:s20] =	ssyncset.done $0x0  }
0xdf: {  	[sflag:s20] =	ssyncadd.s32 $0xFFFFFD80;
	s25 =	sadd.s32 s24, s28  }
0xe0: {  	[hbm4b:s25+s2] =	stream.linear.scatter [tilespmem:s10], [sflag:$0x3], $0x280, $0x38;
	[tilespmem:$0x6720] =	vst v63  }
0xe1: {  	_ =	swait.ge [sflag:s21], $0x280  }
0xe2: {  	s29 =	rddreg [dreg:$0x2];
	[sflag:s21] =	ssyncset.done $0x0  }
0xe3: {  	[sflag:s21] =	ssyncadd.s32 $0xFFFFFD80;
	s24 =	sadd.s32 s24, s29  }
0xe4: {  	[hbm4b:s24+s2] =	stream.linear.scatter [tilespmem:s11], [sflag:$0x3], $0x280, $0x38;
	[tilespmem:$0x6720] =	vst v63  }
0xe5: {  	_ =	swait.ge [sflag:s20], $0x280  }
0xe6: {  	[sflag:s20] =	ssyncset.done $0x0  }
0xe7: {  	s30 =	sadd.s32 $0x50, s25;
	[sflag:s20] =	ssyncadd.s32 $0xFFFFFD80  }
0xe8: {  	[hbm4b:s30+s2] =	stream.linear.scatter [tilespmem:s12], [sflag:$0x3], $0x280, $0x38;
	[tilespmem:$0x6720] =	vst v63  }
0xe9: {  	_ =	swait.ge [sflag:s21], $0x280  }
0xea: {  	[sflag:s21] =	ssyncset.done $0x0  }
0xeb: {  	s31 =	sadd.s32 $0x50, s24;
	[sflag:s21] =	ssyncadd.s32 $0xFFFFFD80  }
0xec: {  	[hbm4b:s31+s2] =	stream.linear.scatter [tilespmem:s13], [sflag:$0x3], $0x280, $0x38;
	[tilespmem:$0x6720] =	vst v63  }
0xed: {  	_ =	swait.ge [sflag:s20], $0x280  }
0xee: {  	[sflag:s20] =	ssyncset.done $0x0  }
0xef: {  	s28 =	sadd.s32 $0xA0, s25;
	[sflag:s20] =	ssyncadd.s32 $0xFFFFFD80  }
0xf0: {  	[hbm4b:s28+s2] =	stream.linear.scatter [tilespmem:s14], [sflag:$0x3], $0x280, $0x38;
	[tilespmem:$0x6720] =	vst v63  }
0xf1: {  	_ =	swait.ge [sflag:s21], $0x280  }
0xf2: {  	[sflag:s21] =	ssyncset.done $0x0  }
0xf3: {  	s29 =	sadd.s32 $0xA0, s24;
	[sflag:s21] =	ssyncadd.s32 $0xFFFFFD80  }
0xf4: {  	[hbm4b:s29+s2] =	stream.linear.scatter [tilespmem:s15], [sflag:$0x3], $0x280, $0x38;
	[tilespmem:$0x6720] =	vst v63  }
0xf5: {  	_ =	swait.ge [sflag:s20], $0x280  }
0xf6: {  	[sflag:s20] =	ssyncset.done $0x0  }
0xf7: {  	s30 =	sadd.s32 $0xF0, s25;
	[sflag:s20] =	ssyncadd.s32 $0xFFFFFD80  }
0xf8: {  	[hbm4b:s30+s2] =	stream.linear.scatter [tilespmem:s16], [sflag:$0x3], $0x280, $0x38;
	[tilespmem:$0x6720] =	vst v63  }
0xf9: {  	_ =	swait.ge [sflag:s21], $0x280  }
0xfa: {  	[sflag:s21] =	ssyncset.done $0x0  }
0xfb: {  	s31 =	sadd.s32 $0xF0, s24;
	[sflag:s21] =	ssyncadd.s32 $0xFFFFFD80  }
0xfc: {  	[hbm4b:s31+s2] =	stream.linear.scatter [tilespmem:s17], [sflag:$0x3], $0x280, $0x38;
	[tilespmem:$0x6720] =	vst v63  }
0xfd: {  	_ =	swait.ge [sflag:s20], $0x280  }
0xfe: {  	[sflag:s20] =	ssyncset.done $0x0  }
0xff: {  	s25 =	sadd.s32 $0x140, s25;
	[sflag:s20] =	ssyncadd.s32 $0xFFFFFD80  }
0x100: {  	[hbm4b:s25+s2] =	stream.linear.scatter [tilespmem:s18], [sflag:$0x3], $0x280, $0x38;
	[tilespmem:$0x6720] =	vst v63  }
0x101: {  	_ =	swait.ge [sflag:s21], $0x280  }
0x102: {  	[sflag:s21] =	ssyncset.done $0x0  }
0x103: {  	s24 =	sadd.s32 $0x140, s24;
	[sflag:s21] =	ssyncadd.s32 $0xFFFFFD80  }
0x104: {  	[hbm4b:s24+s2] =	stream.linear.scatter [tilespmem:s19], [sflag:$0x3], $0x280, $0x38;
	[tilespmem:$0x6720] =	vst v63  }
0x105: {  	_ =	swait.ge [sflag:s22], $0x280  }
0x106: {  	[sflag:s22] =	ssyncset.done $0x0  }
0x107: {  	[sflag:s22] =	ssyncadd.s32 $0xFFFFFD80  }
0x108: {  	_ =	swait.ge [sflag:s22], $0x280  }
0x109: {  	[sflag:s22] =	ssyncset.done $0x0  }
0x10a: {  	[sflag:s22] =	ssyncadd.s32 $0xFFFFFD80  }
0x10b: {  	_ =	swait.ge [sflag:s22], $0x280  }
0x10c: {  	[sflag:s22] =	ssyncset.done $0x0  }
0x10d: {  	[sflag:s22] =	ssyncadd.s32 $0xFFFFFD80  }
0x10e: {  	_ =	swait.ge [sflag:s22], $0x280  }
0x10f: {  	[sflag:s22] =	ssyncset.done $0x0  }
0x110: {  	[sflag:s22] =	ssyncadd.s32 $0xFFFFFD80  }
0x111: {  	_ =	swait.ge [sflag:s22], $0x280  }
0x112: {  	[sflag:s22] =	ssyncset.done $0x0  }
0x113: {  	[sflag:s22] =	ssyncadd.s32 $0xFFFFFD80  }
0x114: {  	_ =	swait.ge [sflag:s22], $0x280  }
0x115: {  	[sflag:s22] =	ssyncset.done $0x0  }
0x116: {  	[sflag:s22] =	ssyncadd.s32 $0xFFFFFD80  }
0x117: {  	_ =	swait.ge [sflag:s22], $0x280  }
0x118: {  	[sflag:s22] =	ssyncset.done $0x0  }
0x119: {  	[sflag:s22] =	ssyncadd.s32 $0xFFFFFD80  }
0x11a: {  	_ =	swait.ge [sflag:s22], $0x280  }
0x11b: {  	[sflag:s22] =	ssyncset.done $0x0  }
0x11c: {  	s23 =	sadd.s32 $0x1, s23;
	[sflag:s22] =	ssyncadd.s32 $0xFFFFFD80  }
0x11d: {  	p0 =	sne.s32 s23, s6;
	_ =	swait.ge [sflag:s22], $0x280  }
.Ltmp1:
0x11e: {  	[sflag:s22] =	ssyncset.done $0x0;
	(pc) =	sbr.rel @p0 .LBB2_1-.Ltmp1, $4  }
0x11f: {  	[sflag:s22] =	ssyncadd.s32 $0xFFFFFD80  }
0x120: {  	_ =	swait.ge [sflag:s22], $0x280  }
0x121: {  	[sflag:s22] =	ssyncset.done $0x0  }
0x122: {  	[sflag:s22] =	ssyncadd.s32 $0xFFFFFD80  }
0x123: {  	_ =	sfence.sel $0x180000  }
0x124: {  	[bflag:$0x0] =	sbarrier.arrive $0xFFFF  }
0x125: {  	p0 =	sne.s32 s0, $0x0;
	_ =	strace $0x9000004D  }
0x126: {  	s0 =	sadd.s32 @!p0 $0x100000, s1;
	[bflag:$0x2] =	sbarrier.arrive $0xFFFF  }
0x127: {  	[sflag:s0] =	ssyncadd.tile.s32 @!p0 $0x1;
	_ =	shalt  }
.Lfunc_end2:
_tile_overlayer_lowered:
.L_overlay_start_2:
0x128: {  	(tag) =	ssettag $0x2  }
0x129: {  	s0 =	rddreg [dreg:$0x0];
	s2 =	stileid.u32  }
0x12a: {  	s1 =	rddreg [dreg:$0x1];
	p0 =	sne.s32 s2, $0x0  }
0x12b: {  	s3 =	rddreg [dreg:$0x2];
	[bflag:$0x3] =	sbarrier.arrive $0xFFFF;
	s2 =	simm.s32 @!p0 $0x1C04  }
0x12c: {  	[timem:s3], [sflag:s2] =	dma.local @!p0 [hbm:s0], s1  }
0x12d: {  	s0 =	simm.s32 @!p0 $0x4  }
0x12e: {  	_ =	swait.ge @!p0 [sflag:s0], s1  }
0x12f: {  	s1 =	ssub.s32 @!p0 $0x0, s1;
	[sflag:s0] =	ssyncset.done @!p0 $0x0  }
0x130: {  	[sflag:s0] =	ssyncadd.s32 @!p0 s1  }
0x131: {  	[bflag:$0x3] =	sbarrier.arrive $0xFFFF  }
0x132: {  	_ =	shalt  }

// kernel: kernel.20.cloned.1.call-start
scs
__scs_entry_jumppad:
0x0: {  	(pc) =	sbr.rel $0x88, $3  }
0x1: {  	(tag) =	ssettag $0x0;
	lr =	simm.s32 $0x1  }
0x2: {  	[smem:$0x3F8F] =	sst lr;
	_ =	strace $0xD0000000  }
0x3: {  	_ = 	snop  }
0x4: {  	_ = 	snop  }
0x5: {  	_ = 	snop  }
0x6: {  	_ = 	snop  }
0x7: {  	_ = 	snop  }
__scs_overlays_trampoline_lowered:
0x8: {  	[smem:$0x3F9E] =	sst s0  }
0x9: {  	[smem:$0x3F9F] =	sst s1  }
0xa: {  	[smem:$0x3FA0] =	sst s2  }
0xb: {  	[smem:$0x3FA1] =	sst s3  }
0xc: {  	[smem:$0x3FA2] =	sst s4  }
0xd: {  	[smem:$0x3FA3] =	sst s5  }
0xe: {  	[smem:$0x3FA4] =	sst s6  }
0xf: {  	[smem:$0x3FA5] =	sst s7  }
0x10: {  	[smem:$0x3FA6] =	sst s8  }
0x11: {  	[smem:$0x3FA7] =	sst s9;
	s0 =	simm.s32 @!p0 $0x0  }
0x12: {  	s1 =	sld [smem:$0x3F8D];
	s0 =	simm.s32 @p0 $0x1  }
0x13: {  	[smem:$0x3FA8] =	sst s0;
	s0 =	simm.s32 @!p1 $0x0  }
0x14: {  	s2 =	sld [smem:$0x3F8C];
	s0 =	simm.s32 @p1 $0x1  }
0x15: {  	[smem:$0x3FA9] =	sst s0;
	s0 =	simm.s32 @!p2 $0x0  }
0x16: {  	s3 =	sld [smem:$0x3FDB];
	s0 =	simm.s32 @p2 $0x1  }
0x17: {  	s4 =	simm.s32 $0x1BF5;
	[smem:$0x3FAB] =	sst s0  }
0x18: {  	s0 =	sld [smem:$0x3F8E];
	_ =	swait.ge [sflag:s4], $0x0  }
0x19: {  	s7 =	sld [smem:$0x3F8F]  }
0x1a: {  	s8 =	sadd.s32 $0xFFFFE003, lr  }
0x1b: {  	s9 =	sadd.s32 $0xFFFFFEF7, lr;
	s5 =	simm.s32 $0xFFFFFFFF;
	p2 =	slt.u32 s8, $0xFFFFF086  }
0x1c: {  	p1 =	slt.u32 s9, $0xF7A;
	s5 =	simm.s32 @!p2 $0x0  }
0x1d: {  	s5 =	simm.s32 @p1 $0x1;
	p0 =	seq.s32 s7, s2  }
0x1e: {  	s7 =	smul.u32 @!p0 $0xF7A, s2;
	p2 =	seq.s32 @!p0 s5, $0x0  }
0x1f: {  	s9 =	smul.u32 $0xF7A, s1;
	s8 =	simm.s32 @!p0 $0x1BF5;
	p2 =	por !p2, p0  }
0x20: {  	[sflag:s8] =	ssyncset.s32 @!p0 $0xFFFFF086;
	s6 =	sadd.s32 @!p0 s3, s7;
	s7 =	simm.s32 @!p0 $0x108  }
0x21: {  	s3 =	sadd.s32 s3, s9;
	s6 =	sadd.s32 @!p0 $0x88, s6;
	s7 =	simm.s32 @p2 $0x1082  }
0x22: {  	[simem:s7], [sflag:s8] =	dma.local @!p0 [hbm:s6], $0xF7A  }
0x23: {  	s9 =	sor.u32 $0xD0000000, s2;
	s6 =	simm.s32 $0x108;
	_ =	swait.ge @!p0 [sflag:s8], $0x0  }
0x24: {  	s3 =	sadd.s32 $0x88, s3;
	s6 =	simm.s32 @!p1 $0x1082;
	[sflag:s4] =	ssyncset.s32 $0xFFFFF086  }
0x25: {  	[simem:s6], [sflag:s4] =	dma.local [hbm:s3], $0xF7A  }
0x26: {  	[smem:$0x3F8F] =	sst s1;
	(tag) =	ssettag s2;
	_ =	strace s9  }
0x27: {  	s1 =	sld [smem:$0x3F9F]  }
0x28: {  	s2 =	sld [smem:$0x3FA0]  }
0x29: {  	s4 =	sld [smem:$0x3FA2]  }
0x2a: {  	p0 =	seq.s32 s5, $0x0;
	s5 =	sld [smem:$0x3FA3]  }
0x2b: {  	s6 =	sld [smem:$0x3FA4]  }
0x2c: {  	s7 =	sld [smem:$0x3FA5]  }
0x2d: {  	s3 =	simm.s32 $0x108;
	s8 =	sld [smem:$0x3FA6]  }
0x2e: {  	s3 =	simm.s32 @!p0 $0x1082;
	s9 =	sld [smem:$0x3FA7]  }
0x2f: {  	lr =	sadd.s32 s0, s3;
	s0 =	sld [smem:$0x3F9E]  }
0x30: {  	s3 =	sld [smem:$0x3FA1]  }
0x31: {  	[smem:$0x3FAA] =	sst s10  }
0x32: {  	s10 =	sld [smem:$0x3FA8];
	_ =	sdelay $0x3  }
0x33: {  	p0 =	seq.s32 s10, $0x1;
	s10 =	sld [smem:$0x3FAA];
	_ =	sdelay $0x3  }
0x34: {  	[smem:$0x3FAA] =	sst s10  }
0x35: {  	s10 =	sld [smem:$0x3FA9];
	_ =	sdelay $0x3  }
0x36: {  	p1 =	seq.s32 s10, $0x1;
	s10 =	sld [smem:$0x3FAA];
	_ =	sdelay $0x3  }
0x37: {  	[smem:$0x3FAA] =	sst s10  }
0x38: {  	s10 =	sld [smem:$0x3FAB]  }
0x39: {  	_ = 	snop;
	(pc) =	sbr.ind lr, $3  }
0x3a: {  	_ = 	snop  }
0x3b: {  	_ = 	snop  }
0x3c: {  	p2 =	seq.s32 s10, $0x1;
	s10 =	sld [smem:$0x3FAA]  }
0x3d: {  	_ =	shalt  }
0x3e: {  	_ =	shalt  }
0x3f: {  	_ =	shalt  }
0x40: {  	_ =	shalt  }
0x41: {  	_ =	shalt  }
0x42: {  	_ =	shalt  }
0x43: {  	_ =	shalt  }
0x44: {  	_ =	shalt  }
0x45: {  	_ =	shalt  }
0x46: {  	_ =	shalt  }
0x47: {  	_ =	shalt  }
0x48: {  	_ =	shalt  }
0x49: {  	_ =	shalt  }
0x4a: {  	_ =	shalt  }
0x4b: {  	_ =	shalt  }
0x4c: {  	_ =	shalt  }
0x4d: {  	_ =	shalt  }
0x4e: {  	_ =	shalt  }
0x4f: {  	_ =	shalt  }
0x50: {  	_ =	shalt  }
0x51: {  	_ =	shalt  }
0x52: {  	_ =	shalt  }
0x53: {  	_ =	shalt  }
0x54: {  	_ =	shalt  }
0x55: {  	_ =	shalt  }
0x56: {  	_ =	shalt  }
0x57: {  	_ =	shalt  }
0x58: {  	_ =	shalt  }
0x59: {  	_ =	shalt  }
0x5a: {  	_ =	shalt  }
0x5b: {  	_ =	shalt  }
0x5c: {  	_ =	shalt  }
0x5d: {  	_ =	shalt  }
0x5e: {  	_ =	shalt  }
0x5f: {  	_ =	shalt  }
0x60: {  	_ =	shalt  }
0x61: {  	_ =	shalt  }
0x62: {  	_ =	shalt  }
0x63: {  	_ =	shalt  }
0x64: {  	_ =	shalt  }
0x65: {  	_ =	shalt  }
0x66: {  	_ =	shalt  }
0x67: {  	_ =	shalt  }
0x68: {  	_ =	shalt  }
0x69: {  	_ =	shalt  }
0x6a: {  	_ =	shalt  }
0x6b: {  	_ =	shalt  }
0x6c: {  	_ =	shalt  }
0x6d: {  	_ =	shalt  }
0x6e: {  	_ =	shalt  }
0x6f: {  	_ =	shalt  }
0x70: {  	_ =	shalt  }
0x71: {  	_ =	shalt  }
0x72: {  	_ =	shalt  }
0x73: {  	_ =	shalt  }
0x74: {  	_ =	shalt  }
0x75: {  	_ =	shalt  }
0x76: {  	_ =	shalt  }
0x77: {  	_ =	shalt  }
0x78: {  	_ =	shalt  }
0x79: {  	_ =	shalt  }
0x7a: {  	_ =	shalt  }
0x7b: {  	_ =	shalt  }
0x7c: {  	_ =	shalt  }
0x7d: {  	_ =	shalt  }
0x7e: {  	_ =	shalt  }
0x7f: {  	_ =	shalt  }
0x80: {  	_ =	shalt  }
0x81: {  	_ =	shalt  }
0x82: {  	_ =	shalt  }
0x83: {  	_ =	shalt  }
0x84: {  	_ =	shalt  }
0x85: {  	_ =	shalt  }
0x86: {  	_ =	shalt  }
0x87: {  	_ =	shalt  }
.Lfunc_end0:
.L_simem_size_0:
called_computation.4_lowered:
.L_overlay_start_0:
0x88: {  	s2 =	sld [smem:$0x3FD9]  }
0x89: {  	s3 =	sld [smem:$0x3FFE];
	_ =	sdelay $0x1  }
0x8a: {  	s1 =	srdreg.scid  }
0x8b: {  	s0 =	sand.u32 $0x1, s1  }
0x8c: {  	s16 =	sshll.u32 s0, $0xA;
	s2 =	sadd.s32 s3, s2  }
0x8d: {  	s2 =	sadd.s32 s2, s16  }
0x8e: {  	[smem:$0x3FB6] =	sst s2  }
0x8f: {  	_ = 	snop  }
0x90: {  	(tm) =	ssettm $0x1  }
0x91: {  	s17 =	sld [smem:$0x3FFB];
	_ =	sdelay $0x3  }
0x92: {  	_ =	strace s17  }
0x93: {  	s2 =	sld [smem:$0x3FFC];
	_ =	sdelay $0x3  }
0x94: {  	_ =	strace s2  }
0x95: {  	s2 =	sld [smem:$0x3FFD];
	_ =	sdelay $0x3  }
0x96: {  	_ =	strace s2  }
0x97: {  	_ =	strace $0x8FFFFFFF  }
0x98: {  	s18 =	sld [smem:$0x3FDB];
	_ =	sdelay $0x1  }
0x99: {  	s19 =	simm.s32 $_scs_section_size  }
0x9a: {  	s4 =	simm.s32 $_size__tile_overlayer_lowered;
	s5 =	simm.s32 $_tile_overlayer_lowered  }
0x9b: {  	s22 =	simm.s32 $0x1BFF;
	s21 =	sshll.u32 s5, $0x1;
	s2 =	sadd.s32 s19, s18  }
0x9c: {  	s6 =	simm.s32 $0x0;
	s20 =	sshll.u32 s4, $0x1;
	s4 =	sadd.s32 s21, s2  }
0x9d: {  	[timem:s6], [sflag:s22] =	dma.local [hbm:s4], s20  }
0x9e: {  	_ =	swait.ge [sflag:s22], s20  }
0x9f: {  	s3 =	ssub.s32 $0x0, s20;
	[sflag:s22] =	ssyncset.done $0x0  }
0xa0: {  	[sflag:s22] =	ssyncadd.s32 s3;
	_ =	sdelay $0x1  }
0xa1: {  	s23 =	simm.s32 $0x1B8B  }
0xa2: {  	_ =	swait.ge [sflag:s23], $0x1  }
0xa3: {  	[sflag:s23] =	ssyncset.done $0x0  }
0xa4: {  	s25 =	simm.s32 $0x1B8E;
	s24 =	sld [smem:$0x3FFE];
	[sflag:s23] =	ssyncadd.s32 $0xFFFFFFFF  }
0xa5: {  	s26 =	simm.s32 $execute0_lowered;
	[smem:$0x3FD2] =	sst s25  }
0xa6: {  	s4 =	sshll.u32 s26, $0x1;
	_ =	strace $0x80000052;
	[dreg:$0x1] =	wrdreg $0xFFFFFFFF  }
0xa7: {  	s28 =	simm.s32 $_size_execute0_lowered;
	s2 =	sadd.s32 s2, s4;
	[dreg:$0x0] =	wrdreg $0x0  }
0xa8: {  	s4 =	sshll.u32 s28, $0x1;
	[dreg:$0x2] =	wrdreg s2  }
0xa9: {  	[dreg:$0x3] =	wrdreg s4  }
0xaa: {  	[dreg:$0x4] =	wrdreg $0xC0  }
0xab: {  	_ =	task [dreg:s6], $0x5FFFF  }
0xac: {  	[dreg:$0x1] =	wrdreg $0xFFFFFFFF  }
0xad: {  	[dreg:$0x0] =	wrdreg $0x60  }
0xae: {  	[dreg:$0x2] =	wrdreg s24  }
0xaf: {  	[dreg:$0x3] =	wrdreg $0x9D300  }
0xb0: {  	[dreg:$0x4] =	wrdreg $0x9  }
0xb1: {  	_ =	task.clear_ibuf [dreg:s6], $0x5FFFF;
	_ =	strace $0x90000052  }
0xb2: {  	s29 =	simm.s32 $0x9;
	_ =	strace $0x80000054  }
0xb3: {  	_ =	swait.ge [sflag:s29], $0x1  }
0xb4: {  	[sflag:s29] =	ssyncadd.s32 $0xFFFFFFFF  }
0xb5: {  	_ =	strace $0x90000054  }
0xb6: {  	_ =	sfence  }
0xb7: {  	s30 =	sld [smem:$0x0];
	_ =	sdelay $0x2  }
0xb8: {  	s31 =	sshll.u32 s1, $0xD;
	s1 =	sshrl.u32 s1, $0x2  }
0xb9: {  	s3 =	sand.u32 $0x4000, s31;
	s1 =	sadd.s32 s1, s30  }
0xba: {  	s0 =	sor.u32 s3, s0;
	s1 =	sshll.u32 s1, $0x11  }
0xbb: {  	s0 =	sor.u32 s1, s0  }
0xbc: {  	s0 =	sadd.s32 $0x8F2B, s0  }
0xbd: {  	[sflag:s0] =	ssyncadd.remote.s32 $0x1  }
0xbe: {  	_ =	sfence.sel $0xFFFF  }
0xbf: {  	[dreg:$0x0] =	wrdreg $0xFFFFFFFF;
	(pc) =	sbr.abs _section_cstart, $3  }
0xc0: {  	[dreg:$0x1] =	wrdreg $0xFFFFFFFF  }
0xc1: {  	_ =	task.clear_ibuf [dreg:s6], $0x2FFFF;
	_ =	strace $0x9FFFFFFF  }
0xc2: {  	(tm) =	ssettm $0x7FFFFFFF  }
0xc3: {  	_ =	shalt  }
tec
execute0_lowered:
.L_overlay_start_1:
0x0: {  	(tag) =	ssettag $0x1  }
0x1: {  	s0 =	srdreg.scid  }
0x2: {  	s6 =	stileid.u32;
	s4 =	rddreg [dreg:$0x0]  }
0x3: {  	s2 =	rddreg [dreg:$0x1];
	s3 =	simm.s32 $0x0;
	s18 =	simm.s32 $0x3  }
0x4: {  	s19 =	simm.s32 $0x2710;
	s20 =	simm.s32 $0x3110;
	s21 =	simm.s32 $0x3B10  }
0x5: {  	s22 =	simm.s32 $0x4510;
	s23 =	simm.s32 $0x1;
	s24 =	simm.s32 $0x50  }
0x6: {  	s25 =	simm.s32 $0x2;
	s0 =	sand.u32 $0x1, s0;
	s7 =	smul.u32 $0x4E20, s6  }
0x7: {  	s29 =	simm.s32 $0x2620;
	s1 =	sshll.u32 s6, $0x1;
	s28 =	smul.u32 $0x4E200, s0  }
0x8: {  	s1 =	sor.u32 s0, s1;
	s8 =	ssub.s32 $0x2, s0;
	s0 =	smul.u32 $0x2710, s0  }
0x9: {  	s30 =	simm.s32 $0x2670;
	s31 =	simm.s32 $0x26C0;
	s5 =	smul.u32 $0x4E2, s1  }
0xa: {  	[smem:$0x7FF] =	sst s3;
	s11 =	sadd.s32 $0x22A00, s4;
	s9 =	smul.u32 $0x9C40, s1  }
0xb: {  	_ =	strace $0x80000053;
	s10 =	sshrl.u32 s8, $0x1;
	s1 =	smul.u32 $0x4E200, s1  }
0xc: {  	s6 =	sadd.s32 s7, s28;
	s13 =	ssub.s32 s8, s10;
	s0 =	sadd.s32 s0, s7  }
0xd: {  	s5 =	sadd.s32 s5, s4;
	s6 =	sshrl.u32 s6, $0x3;
	s1 =	sshrl.u32 s1, $0x3  }
0xe: {  	s0 =	sshll.u32 s0, $0x2;
	s12 =	sadd.s32 s6, s4;
	s4 =	sadd.s32 s7, s2  }
0xf: {  	s5 =	sadd.s32 $0x18C00, s5;
	s6 =	sadd.s32 s11, s9;
	s1 =	sadd.s32 s11, s1  }
0x10: {  	s0 =	sadd.s32 s11, s0;
	s11 =	smax.u32 s13, $0x1;
	s7 =	sadd.s32 $0x140, s1  }
0x11: {  	s8 =	sadd.s32 $0x280, s1;
	s9 =	sadd.s32 $0x3C0, s1;
	s10 =	sadd.s32 $0x5000, s12  }
0x12: {  	s12 =	sadd.s32 $0x9B00, s6;
	s13 =	sadd.s32 $0x8C0, s0;
	s14 =	sadd.s32 $0x780, s0  }
0x13: {  	v0 =	vimm.f32 $0.0e+00;
	s15 =	sadd.s32 $0x640, s0;
	s16 =	sadd.s32 $0x500, s0;
	s1 =	simm.s32 $0x0  }
.LBB2_1:
0x14: {  	s0 =	simm.s32 $0x80;
	s17 =	simm.s32 $0x0  }
.LBB2_2:
0x15: {  	p0 =	sne.s32 s0, $0x13800;
	[tilespmem:s17+$0x4F10] =	vst v0;
	s26 =	smov.u32 s0;
	s0 =	sadd.s32 $0x80, s0  }
.Ltmp0:
0x16: {  	[tilespmem:s17+$0x4F20] =	vst v0;
	(pc) =	sbr.rel @p0 .LBB2_2-.Ltmp0, $2  }
0x17: {  	_ =	sdelay $0x2  }
0x18: {  	s17 =	sshra.s32 s26, $0x2  }
0x19: {  	[tilespmem:s17+$0x4F10] =	vst v0  }
0x1a: {  	[tilespmem:s17+$0x4F20] =	vst v0;
	s0 =	simm.s32 $0x4F10  }
0x1b: {  	[spmem:s4] =	stream.linear.scatter [tilespmem:s0], [sflag:$0x3], $0x4E20, $0x38;
	[tilespmem:$0xEB50] =	vst v63  }
0x1c: {  	_ =	swait.ge [sflag:s18], $0x4E20  }
0x1d: {  	[sflag:s18] =	ssyncset.done $0x0  }
0x1e: {  	s26 =	simm.s32 $0x0;
	[sflag:s18] =	ssyncadd.s32 $0xFFFFB1E0  }
0x1f: {  	[tilespmem:s26], [sflag:$0x3] =	stream.linear.gather [hbm4b:s5+s26], $0x2710, $0x38;
	[tilespmem:$0xEB50] =	vst v63  }
0x20: {  	_ =	swait.ge [sflag:s18], $0x2710  }
0x21: {  	[sflag:s18] =	ssyncset.done $0x0  }
0x22: {  	[sflag:s18] =	ssyncadd.s32 $0xFFFFD8F0  }
0x23: {  	[bflag:$0x0] =	sbarrier.arrive $0xFFFF  }
0x24: {  	[tilespmem:s19], [sflag:$0x1] =	stream.linear.gather [hbm4b:s6+s26], $0xA00, $0x38;
	[tilespmem:$0xEB50] =	vst v63  }
0x25: {  	_ = 	snop  }
0x26: {  	[tilespmem:s20], [sflag:$0x1] =	stream.linear.gather [hbm4b:s7+s26], $0xA00, $0x38;
	[tilespmem:$0xEB50] =	vst v63  }
0x27: {  	_ = 	snop  }
0x28: {  	[tilespmem:s21], [sflag:$0x1] =	stream.linear.gather [hbm4b:s8+s26], $0xA00, $0x38;
	[tilespmem:$0xEB50] =	vst v63  }
0x29: {  	_ = 	snop  }
0x2a: {  	[tilespmem:s22], [sflag:$0x1] =	stream.linear.gather [hbm4b:s9+s26], $0xA00, $0x38;
	[tilespmem:$0xEB50] =	vst v63  }
0x2b: {  	_ =	swait.ge [sflag:s23], $0xA00  }
0x2c: {  	[sflag:s23] =	ssyncset.done $0x0  }
0x2d: {  	s28 =	simm.s32 $0x0;
	[sflag:s23] =	ssyncadd.s32 $0xFFFFF600  }
0x2e: {  	[spmem:s2] =	stream.indirect.scatter.add.f32 [tilespmem:s19], [sflag:$0x2], $0x20, s28, s24, $0xb8;
	[tilespmem:$0xEB50] =	vst v63  }
0x2f: {  	_ =	swait.ge [sflag:s23], $0xA00  }
0x30: {  	[sflag:s23] =	ssyncset.done $0x0  }
0x31: {  	s17 =	simm.s32 $0x50;
	[sflag:s23] =	ssyncadd.s32 $0xFFFFF600  }
0x32: {  	[spmem:s2] =	stream.indirect.scatter.add.f32 [tilespmem:s20], [sflag:$0x2], $0x20, s17, s24, $0xb8;
	[tilespmem:$0xEB50] =	vst v63  }
0x33: {  	_ =	swait.ge [sflag:s23], $0xA00  }
0x34: {  	[sflag:s23] =	ssyncset.done $0x0  }
0x35: {  	s26 =	simm.s32 $0xA0;
	[sflag:s23] =	ssyncadd.s32 $0xFFFFF600  }
0x36: {  	[spmem:s2] =	stream.indirect.scatter.add.f32 [tilespmem:s21], [sflag:$0x2], $0x20, s26, s24, $0xb8;
	[tilespmem:$0xEB50] =	vst v63  }
0x37: {  	_ =	swait.ge [sflag:s23], $0xA00  }
0x38: {  	[sflag:s23] =	ssyncset.done $0x0  }
0x39: {  	s28 =	simm.s32 $0xF0;
	[sflag:s23] =	ssyncadd.s32 $0xFFFFF600  }
0x3a: {  	[spmem:s2] =	stream.indirect.scatter.add.f32 [tilespmem:s22], [sflag:$0x2], $0x20, s28, s24, $0xb8;
	[tilespmem:$0xEB50] =	vst v63  }
0x3b: {  	_ =	swait.ge [sflag:s25], $0xA00  }
0x3c: {  	[sflag:s25] =	ssyncset.done $0x0  }
0x3d: {  	s17 =	sadd.s32 $0x0, s16;
	[sflag:s25] =	ssyncadd.s32 $0xFFFFF600  }
0x3e: {  	[tilespmem:s19], [sflag:$0x1] =	stream.linear.gather [hbm4b:s17+s3], $0xA00, $0x38;
	[tilespmem:$0xEB50] =	vst v63  }
0x3f: {  	_ =	swait.ge [sflag:s25], $0xA00  }
0x40: {  	[sflag:s25] =	ssyncset.done $0x0  }
0x41: {  	s26 =	sadd.s32 $0x0, s15;
	[sflag:s25] =	ssyncadd.s32 $0xFFFFF600  }
0x42: {  	[tilespmem:s20], [sflag:$0x1] =	stream.linear.gather [hbm4b:s26+s3], $0xA00, $0x38;
	[tilespmem:$0xEB50] =	vst v63  }
0x43: {  	_ =	swait.ge [sflag:s25], $0xA00  }
0x44: {  	[sflag:s25] =	ssyncset.done $0x0  }
0x45: {  	s28 =	sadd.s32 $0x0, s14;
	[sflag:s25] =	ssyncadd.s32 $0xFFFFF600  }
0x46: {  	[tilespmem:s21], [sflag:$0x1] =	stream.linear.gather [hbm4b:s28+s3], $0xA00, $0x38;
	[tilespmem:$0xEB50] =	vst v63  }
0x47: {  	_ =	swait.ge [sflag:s25], $0xA00  }
0x48: {  	[sflag:s25] =	ssyncset.done $0x0  }
0x49: {  	s0 =	simm.s32 $0x500;
	s17 =	sadd.s32 $0x0, s13;
	[sflag:s25] =	ssyncadd.s32 $0xFFFFF600  }
.LBB2_4:
0x4a: {  	[tilespmem:s22], [sflag:$0x1] =	stream.linear.gather [hbm4b:s17+s3], $0xA00, $0x38;
	[tilespmem:$0xEB50] =	vst v63  }
0x4b: {  	s17 =	smov.u32 s0  }
0x4c: {  	p0 =	sne.s32 s0, $0x9100;
	s0 =	sadd.s32 $0x500, s0;
	_ =	swait.ge [sflag:s23], $0xA00  }
0x4d: {  	[sflag:s23] =	ssyncset.done $0x0  }
0x4e: {  	s26 =	sshra.s32 s17, $0x2;
	[sflag:s23] =	ssyncadd.s32 $0xFFFFF600  }
0x4f: {  	[spmem:s2] =	stream.indirect.scatter.add.f32 [tilespmem:s19], [sflag:$0x2], $0x20, s26, s24, $0xb8;
	[tilespmem:$0xEB50] =	vst v63  }
0x50: {  	_ =	swait.ge [sflag:s23], $0xA00  }
0x51: {  	[sflag:s23] =	ssyncset.done $0x0  }
0x52: {  	s28 =	sadd.s32 $0x50, s26;
	[sflag:s23] =	ssyncadd.s32 $0xFFFFF600  }
0x53: {  	[spmem:s2] =	stream.indirect.scatter.add.f32 [tilespmem:s20], [sflag:$0x2], $0x20, s28, s24, $0xb8;
	[tilespmem:$0xEB50] =	vst v63  }
0x54: {  	_ =	swait.ge [sflag:s23], $0xA00  }
0x55: {  	[sflag:s23] =	ssyncset.done $0x0  }
0x56: {  	s28 =	sadd.s32 $0xA0, s26;
	[sflag:s23] =	ssyncadd.s32 $0xFFFFF600  }
0x57: {  	[spmem:s2] =	stream.indirect.scatter.add.f32 [tilespmem:s21], [sflag:$0x2], $0x20, s28, s24, $0xb8;
	[tilespmem:$0xEB50] =	vst v63  }
0x58: {  	_ =	swait.ge [sflag:s23], $0xA00  }
0x59: {  	[sflag:s23] =	ssyncset.done $0x0  }
0x5a: {  	s26 =	sadd.s32 $0xF0, s26;
	[sflag:s23] =	ssyncadd.s32 $0xFFFFF600  }
0x5b: {  	[spmem:s2] =	stream.indirect.scatter.add.f32 [tilespmem:s22], [sflag:$0x2], $0x20, s26, s24, $0xb8;
	[tilespmem:$0xEB50] =	vst v63  }
0x5c: {  	_ =	swait.ge [sflag:s25], $0xA00  }
0x5d: {  	[sflag:s25] =	ssyncset.done $0x0  }
0x5e: {  	s26 =	sadd.s32 s17, s16;
	[sflag:s25] =	ssyncadd.s32 $0xFFFFF600  }
0x5f: {  	[tilespmem:s19], [sflag:$0x1] =	stream.linear.gather [hbm4b:s26+s3], $0xA00, $0x38;
	[tilespmem:$0xEB50] =	vst v63  }
0x60: {  	_ =	swait.ge [sflag:s25], $0xA00  }
0x61: {  	[sflag:s25] =	ssyncset.done $0x0  }
0x62: {  	s26 =	sadd.s32 s17, s15;
	[sflag:s25] =	ssyncadd.s32 $0xFFFFF600  }
0x63: {  	[tilespmem:s20], [sflag:$0x1] =	stream.linear.gather [hbm4b:s26+s3], $0xA00, $0x38;
	[tilespmem:$0xEB50] =	vst v63  }
0x64: {  	_ =	swait.ge [sflag:s25], $0xA00  }
0x65: {  	[sflag:s25] =	ssyncset.done $0x0  }
.Ltmp1:
0x66: {  	s26 =	sadd.s32 s17, s14;
	[sflag:s25] =	ssyncadd.s32 $0xFFFFF600;
	(pc) =	sbr.rel @p0 .LBB2_4-.Ltmp1, $4  }
0x67: {  	[tilespmem:s21], [sflag:$0x1] =	stream.linear.gather [hbm4b:s26+s3], $0xA00, $0x38;
	[tilespmem:$0xEB50] =	vst v63  }
0x68: {  	_ =	swait.ge [sflag:s25], $0xA00  }
0x69: {  	[sflag:s25] =	ssyncset.done $0x0  }
0x6a: {  	s17 =	sadd.s32 s17, s13;
	[sflag:s25] =	ssyncadd.s32 $0xFFFFF600  }
0x6b: {  	[tilespmem:s22], [sflag:$0x1] =	stream.linear.gather [hbm4b:s17+s3], $0xA00, $0x38;
	[tilespmem:$0xEB50] =	vst v63  }
0x6c: {  	_ =	swait.ge [sflag:s23], $0xA00  }
0x6d: {  	[sflag:s23] =	ssyncset.done $0x0  }
0x6e: {  	s0 =	simm.s32 $0x2580;
	[sflag:s23] =	ssyncadd.s32 $0xFFFFF600  }
0x6f: {  	[spmem:s2] =	stream.indirect.scatter.add.f32 [tilespmem:s19], [sflag:$0x2], $0x20, s0, s24, $0xb8;
	[tilespmem:$0xEB50] =	vst v63  }
0x70: {  	_ =	swait.ge [sflag:s23], $0xA00  }
0x71: {  	[sflag:s23] =	ssyncset.done $0x0  }
0x72: {  	s17 =	simm.s32 $0x25D0;
	[sflag:s23] =	ssyncadd.s32 $0xFFFFF600  }
0x73: {  	[spmem:s2] =	stream.indirect.scatter.add.f32 [tilespmem:s20], [sflag:$0x2], $0x20, s17, s24, $0xb8;
	[tilespmem:$0xEB50] =	vst v63  }
0x74: {  	_ =	swait.ge [sflag:s23], $0xA00  }
0x75: {  	[sflag:s23] =	ssyncset.done $0x0  }
0x76: {  	[sflag:s23] =	ssyncadd.s32 $0xFFFFF600  }
0x77: {  	[spmem:s2] =	stream.indirect.scatter.add.f32 [tilespmem:s21], [sflag:$0x2], $0x20, s29, s24, $0xb8;
	[tilespmem:$0xEB50] =	vst v63  }
0x78: {  	_ =	swait.ge [sflag:s23], $0xA00  }
0x79: {  	[sflag:s23] =	ssyncset.done $0x0  }
0x7a: {  	[sflag:s23] =	ssyncadd.s32 $0xFFFFF600  }
0x7b: {  	[spmem:s2] =	stream.indirect.scatter.add.f32 [tilespmem:s22], [sflag:$0x2], $0x20, s30, s24, $0xb8;
	[tilespmem:$0xEB50] =	vst v63  }
0x7c: {  	_ =	swait.ge [sflag:s25], $0xA00  }
0x7d: {  	[sflag:s25] =	ssyncset.done $0x0  }
0x7e: {  	[sflag:s25] =	ssyncadd.s32 $0xFFFFF600  }
0x7f: {  	[tilespmem:s19], [sflag:$0x1] =	stream.linear.gather [hbm4b:s12+s3], $0xA00, $0x38;
	[tilespmem:$0xEB50] =	vst v63  }
0x80: {  	_ =	swait.ge [sflag:s25], $0xA00  }
0x81: {  	[sflag:s25] =	ssyncset.done $0x0  }
0x82: {  	[sflag:s25] =	ssyncadd.s32 $0xFFFFF600  }
0x83: {  	_ =	swait.ge [sflag:s25], $0xA00  }
0x84: {  	[sflag:s25] =	ssyncset.done $0x0  }
0x85: {  	[sflag:s25] =	ssyncadd.s32 $0xFFFFF600  }
0x86: {  	_ =	swait.ge [sflag:s25], $0xA00  }
0x87: {  	[sflag:s25] =	ssyncset.done $0x0  }
0x88: {  	[sflag:s25] =	ssyncadd.s32 $0xFFFFF600  }
0x89: {  	_ =	swait.ge [sflag:s23], $0xA00  }
0x8a: {  	[sflag:s23] =	ssyncset.done $0x0  }
0x8b: {  	[sflag:s23] =	ssyncadd.s32 $0xFFFFF600  }
0x8c: {  	[spmem:s2] =	stream.indirect.scatter.add.f32 [tilespmem:s19], [sflag:$0x3], $0x20, s31, s24, $0xb8;
	[tilespmem:$0xEB50] =	vst v63  }
0x8d: {  	s26 =	stileid.u32;
	_ =	swait.ge [sflag:s18], $0xA00  }
0x8e: {  	s28 =	sshrl.u32 s4, $0x3;
	s1 =	sadd.s32 $0x1, s1;
	[sflag:s18] =	ssyncset.done $0x0  }
0x8f: {  	p0 =	sne.s32 s1, s11;
	s0 =	sshll.u32 s26, $0x6;
	[sflag:s18] =	ssyncadd.s32 $0xFFFFF600  }
.Ltmp2:
0x90: {  	s0 =	sor.u32 $0x1C03, s0;
	[bflag:$0x0] =	sbarrier.arrive $0xFFFF;
	(pc) =	sbr.rel @p0 .LBB2_1-.Ltmp2, $4  }
0x91: {  	[hbm:s10], [sflag:s0] =	dma.local [spmem:s28], $0x9C4  }
0x92: {  	_ =	swait.ge [sflag:s18], $0x9C4  }
0x93: {  	[sflag:s18] =	ssyncset.done $0x0  }
0x94: {  	[sflag:s18] =	ssyncadd.s32 $0xFFFFF63C  }
0x95: {  	_ =	sfence.sel $0x180000  }
0x96: {  	[bflag:$0x0] =	sbarrier.arrive $0xFFFF  }
0x97: {  	_ =	strace $0x90000053  }
0x98: {  	s0 =	stileid.u32;
	[bflag:$0x2] =	sbarrier.arrive $0xFFFF  }
0x99: {  	p0 =	sne.s32 s0, $0x0;
	s0 =	rddreg [dreg:$0x2]  }
0x9a: {  	s0 =	sadd.s32 @!p0 $0x100000, s0  }
0x9b: {  	[sflag:s0] =	ssyncadd.tile.s32 @!p0 $0x1;
	_ =	shalt  }
.Lfunc_end2:
_tile_overlayer_lowered:
.L_overlay_start_2:
0x9c: {  	(tag) =	ssettag $0x2  }
0x9d: {  	s0 =	rddreg [dreg:$0x0];
	s2 =	stileid.u32  }
0x9e: {  	s1 =	rddreg [dreg:$0x1];
	p0 =	sne.s32 s2, $0x0  }
0x9f: {  	s3 =	rddreg [dreg:$0x2];
	[bflag:$0x3] =	sbarrier.arrive $0xFFFF;
	s2 =	simm.s32 @!p0 $0x1C03  }
0xa0: {  	[timem:s3], [sflag:s2] =	dma.local @!p0 [hbm:s0], s1  }
0xa1: {  	s0 =	simm.s32 @!p0 $0x3  }
0xa2: {  	_ =	swait.ge @!p0 [sflag:s0], s1  }
0xa3: {  	s1 =	ssub.s32 @!p0 $0x0, s1;
	[sflag:s0] =	ssyncset.done @!p0 $0x0  }
0xa4: {  	[sflag:s0] =	ssyncadd.s32 @!p0 s1  }
0xa5: {  	[bflag:$0x3] =	sbarrier.arrive $0xFFFF  }
0xa6: {  	_ =	shalt  }

// kernel: sparse-core-data-format-call.cloned.1.call-start
scs
called_computation_lowered:
.L_overlay_start_0:
0x0: {  	s1 =	sld [smem:$0x3FD9]  }
0x1: {  	s2 =	sld [smem:$0x3FFE];
	_ =	sdelay $0x1  }
0x2: {  	s3 =	srdreg.scid  }
0x3: {  	s0 =	sand.u32 $0x1, s3  }
0x4: {  	s17 =	sshll.u32 s0, $0xA;
	s1 =	sadd.s32 s2, s1  }
0x5: {  	s1 =	sadd.s32 s1, s17  }
0x6: {  	[smem:$0x3FB6] =	sst s1  }
0x7: {  	_ = 	snop  }
0x8: {  	(tm) =	ssettm $0x1  }
0x9: {  	s18 =	sld [smem:$0x3FFB];
	_ =	sdelay $0x3  }
0xa: {  	_ =	strace s18  }
0xb: {  	s1 =	sld [smem:$0x3FFC];
	_ =	sdelay $0x3  }
0xc: {  	_ =	strace s1  }
0xd: {  	s1 =	sld [smem:$0x3FFD];
	_ =	sdelay $0x3  }
0xe: {  	_ =	strace s1  }
0xf: {  	_ =	strace $0x8FFFFFFF  }
0x10: {  	s19 =	sld [smem:$0x3FDB];
	_ =	sdelay $0x1  }
0x11: {  	s20 =	simm.s32 $_scs_section_size  }
0x12: {  	s4 =	simm.s32 $_size__tile_overlayer_lowered;
	s5 =	simm.s32 $_tile_overlayer_lowered  }
0x13: {  	s23 =	simm.s32 $0x1BFF;
	s22 =	sshll.u32 s5, $0x1;
	s1 =	sadd.s32 s20, s19  }
0x14: {  	s6 =	simm.s32 $0x0;
	s21 =	sshll.u32 s4, $0x1;
	s4 =	sadd.s32 s22, s1  }
0x15: {  	[timem:s6], [sflag:s23] =	dma.local [hbm:s4], s21  }
0x16: {  	_ =	swait.ge [sflag:s23], s21  }
0x17: {  	s2 =	ssub.s32 $0x0, s21;
	[sflag:s23] =	ssyncset.done $0x0  }
0x18: {  	[sflag:s23] =	ssyncadd.s32 s2;
	_ =	sdelay $0x1  }
0x19: {  	s24 =	simm.s32 $0x1B8B  }
0x1a: {  	_ =	swait.ge [sflag:s24], $0x1  }
0x1b: {  	[sflag:s24] =	ssyncset.done $0x0  }
0x1c: {  	s26 =	simm.s32 $0x1B8E;
	s25 =	sld [smem:$0x3FFE];
	[sflag:s24] =	ssyncadd.s32 $0xFFFFFFFF  }
0x1d: {  	s27 =	simm.s32 $execute0_lowered;
	[smem:$0x3FD2] =	sst s26  }
0x1e: {  	s4 =	sshll.u32 s27, $0x1;
	_ =	strace $0x8000004F;
	[dreg:$0x1] =	wrdreg $0xFFFFFFFF  }
0x1f: {  	s28 =	simm.s32 $_size_execute0_lowered;
	s1 =	sadd.s32 s1, s4;
	[dreg:$0x0] =	wrdreg $0x0  }
0x20: {  	s4 =	sshll.u32 s28, $0x1;
	[dreg:$0x2] =	wrdreg s1  }
0x21: {  	[dreg:$0x3] =	wrdreg s4  }
0x22: {  	[dreg:$0x4] =	wrdreg $0xC0  }
0x23: {  	_ =	task [dreg:s6], $0x5FFFF  }
0x24: {  	[dreg:$0x1] =	wrdreg $0xFFFFFFFF  }
0x25: {  	[dreg:$0x0] =	wrdreg $0x60  }
0x26: {  	[dreg:$0x2] =	wrdreg s25  }
0x27: {  	[dreg:$0x3] =	wrdreg $0x9  }
0x28: {  	_ =	task.clear_ibuf [dreg:s6], $0x4FFFF;
	_ =	strace $0x9000004F  }
0x29: {  	s29 =	simm.s32 $0x9;
	_ =	strace $0x80000051  }
0x2a: {  	_ =	swait.ge [sflag:s29], $0x1  }
0x2b: {  	[sflag:s29] =	ssyncadd.s32 $0xFFFFFFFF  }
0x2c: {  	_ =	strace $0x90000051  }
0x2d: {  	_ =	sfence  }
0x2e: {  	s30 =	sld [smem:$0x0];
	_ =	sdelay $0x2  }
0x2f: {  	s31 =	sshll.u32 s3, $0xD;
	s3 =	sshrl.u32 s3, $0x2  }
0x30: {  	s2 =	sand.u32 $0x4000, s31;
	s1 =	sadd.s32 s3, s30  }
0x31: {  	s0 =	sor.u32 s2, s0;
	s1 =	sshll.u32 s1, $0x11  }
0x32: {  	s0 =	sor.u32 s1, s0  }
0x33: {  	s0 =	sadd.s32 $0x8F2B, s0  }
0x34: {  	[sflag:s0] =	ssyncadd.remote.s32 $0x1  }
0x35: {  	_ =	sfence.sel $0xFFFF  }
0x36: {  	[dreg:$0x0] =	wrdreg $0xFFFFFFFF;
	(pc) =	sbr.abs _section_cstart, $3  }
0x37: {  	[dreg:$0x1] =	wrdreg $0xFFFFFFFF  }
0x38: {  	_ =	task.clear_ibuf [dreg:s6], $0x2FFFF;
	_ =	strace $0x9FFFFFFF  }
0x39: {  	(tm) =	ssettm $0x7FFFFFFF  }
tec
execute0_lowered:
.L_overlay_start_1:
0x0: {  	(tag) =	ssettag $0x1  }
0x1: {  	s0 =	srdreg.scid  }
0x2: {  	s1 =	sshll.u32 s0, $0x4  }
0x3: {  	s4 =	rddreg [dreg:$0x0];
	s0 =	stileid.u32;
	s1 =	sand.u32 $0x10, s1  }
0x4: {  	s7 =	simm.s32 $0x1;
	s8 =	simm.s32 $0x2;
	s2 =	sor.u32 s0, s1  }
0x5: {  	s9 =	simm.s32 $0x0;
	s12 =	simm.s32 $0x0;
	s2 =	sshll.u32 s2, $0x3  }
0x6: {  	s11 =	simm.s32 $0x0;
	s3 =	sadd.s32 $0x15B200, s4;
	s6 =	ssub.s32 $0x1388, s2  }
.Ltmp0:
0x7: {  	s4 =	sadd.s32 $0x22A00, s4;
	s5 =	sand.u32 $0xF8, s6;
	(pc) =	sbr.rel .LBB1_1-.Ltmp0, $4  }
0x8: {  	s1 =	rddreg [dreg:$0x1];
	_ =	strace $0x80000050;
	p0 =	sne.s32 s5, $0x0  }
0x9: {  	s6 =	sshrl.u32 s6, $0x8;
	s5 =	simm.s32 $0x1;
	s7 =	simm.s32 @!p0 $0x0  }
0xa: {  	s10 =	smov.u32 s2;
	[sflag:s5] =	ssyncpa.u1 $0x0;
	s6 =	sadd.s32 s7, s6  }
0xb: {  	[sflag:s8] =	ssyncpa.u1 $0x0;
	s8 =	simm.s32 $0x0;
	s7 =	sadd.s32 $0x1, s6  }
.LBB1_9:
0xc: {  	s14 =	sadd.s32 $0x100, s10  }
0xd: {  	p1 =	sgt.s32 s14, $0x1387  }
0xe: {  	s14 =	smov.u32 @p1 s2;
	p1 =	sne.s32 s11, s7  }
.Ltmp1:
0xf: {  	p0 =	slt.u32 s11, $0x2;
	(pc) =	sbr.rel @!p1 .LBB1_10-.Ltmp1, $4  }
0x10: {  	s13 =	simm.s32 @!p0 $0x2  }
0x11: {  	s15 =	sadd.s32 $0x1, s11;
	_ =	swait.ge @!p0 [sflag:s13], $0x4000  }
0x12: {  	s12 =	smov.u32 s10;
	s9 =	sadd.s32 $0x4000, s9;
	[sflag:s13] =	ssyncset.done @!p0 $0x0  }
0x13: {  	s11 =	smov.u32 s15;
	s10 =	smov.u32 s14;
	[sflag:s13] =	ssyncadd.s32 @!p0 $0xFFFFC000  }
.LBB1_1:
0x14: {  	p0 =	sge.u32 s11, s6  }
0x15: {  	s13 =	sxor.u32 @!p0 $0xFFFFFFFF, s11  }
0x16: {  	s31 =	sadd.s32 $0xFFFFFFFF, s11;
	s14 =	sshll.u32 @!p0 s10, $0x8;
	s13 =	sshll.u32 @!p0 s13, $0xE  }
0x17: {  	s15 =	simm.s32 @!p0 $0x0;
	s14 =	sadd.s32 @!p0 s3, s14;
	s13 =	sand.u32 @!p0 $0x4000, s13  }
0x18: {  	[tilespmem:s13], [sflag:$0x1] =	stream.linear.gather @!p0 [hbm4b:s14+s15], $0x4000, $0x38;
	[tilespmem:$0x10000] =	vst v63  }
0x19: {  	p0 =	sge.u32 s31, s6  }
.Ltmp2:
0x1a: {  	_ = 	snop;
	(pc) =	sbr.rel @p0 .LBB1_9-.Ltmp2, $1  }
0x1b: {  	_ =	sdelay $0x3  }
0x1c: {  	s13 =	sshll.u32 s9, $0x2;
	_ =	swait.ge [sflag:s5], $0x4000;
	s14 =	sshll.u32 s11, $0xE  }
0x1d: {  	s16 =	simm.s32 $0x0;
	s17 =	simm.s32 $0x0;
	s15 =	sand.u32 $0x10000, s13  }
0x1e: {  	[sflag:s5] =	ssyncset.done $0x0;
	s31 =	sand.u32 $0x4000, s14;
	s14 =	sshrl.u32 s15, $0x2  }
0x1f: {  	[sflag:s5] =	ssyncadd.s32 $0xFFFFC000;
	s13 =	sor.u32 $0x8000, s31;
	s15 =	sor.u32 $0x8000, s14  }
.LBB1_3:
0x20: {  	s18 =	sshra.s32 s16, $0x2  }
0x21: {  	v0 =	vmov s18;
	_ =	sdelay $0x3  }
0x22: {  	p1 =	por $0x1, $0x1;
	s18 =	simm.s32 $0x0  }
.LBB1_4:
0x23: {  	_ = 	snop  }
0x24: {  	s19 =	sshll.u32 s18, $0xA  }
0x25: {  	s19 =	sand.u32 $0x3FFFFC00, s19  }
0x26: {  	s19 =	sadd.s32 s19, s14  }
0x27: {  	v5 =	vld.idx.msk [tilespmem:v0+s19+$0x70 ss:$0x1], $0xffff  }
0x28: {  	v6 =	vld.idx.msk [tilespmem:v0+s19+$0x10 ss:$0x1], $0xffff  }
0x29: {  	v7 =	vld.idx.msk [tilespmem:v0+s19+$0x20 ss:$0x1], $0xffff  }
0x2a: {  	s31 =	sshll.u32 s18, $0x7;
	v1 =	vld.idx.msk [tilespmem:v0+s19+$0x30 ss:$0x1], $0xffff  }
0x2b: {  	s18 =	sand.u32 $0x3FFFFF80, s31;
	v2 =	vld.idx.msk [tilespmem:v0+s19+$0x40 ss:$0x1], $0xffff  }
0x2c: {  	s18 =	sadd.s32 s18, s15;
	v3 =	vld.idx.msk [tilespmem:v0+s19+$0x50 ss:$0x1], $0xffff  }
0x2d: {  	v4 =	vld.idx.msk [tilespmem:v0+s19+$0x60 ss:$0x1], $0xffff;
	[tilespmem:v0+s18+$0x70 ss:$0x1] =	vst.idx.msk $0xffff, v5  }
0x2e: {  	v5 =	vld.idx.msk [tilespmem:v0+s19+$0x0 ss:$0x1], $0xffff;
	[tilespmem:v0+s18+$0x10 ss:$0x1] =	vst.idx.msk $0xffff, v6;
	s19 =	sadd.s32 $0x80, s19  }
0x2f: {  	p0 =	por p1, p1;
	s20 =	simm.s32 $0x6;
	[tilespmem:v0+s18+$0x20 ss:$0x1] =	vst.idx.msk $0xffff, v7;
	v6 =	vld.idx.msk [tilespmem:v0+s19+$0x70 ss:$0x1], $0xffff  }
.LBB1_5:
0x30: {  	p1 =	sne.s32 s20, $0x1;
	v7 =	vld.idx.msk [tilespmem:v0+s19+$0x10 ss:$0x1], $0xffff;
	[tilespmem:v0+s18+$0x30 ss:$0x1] =	vst.idx.msk $0xffff, v1  }
0x31: {  	v8 =	vld.idx.msk [tilespmem:v0+s19+$0x20 ss:$0x1], $0xffff;
	[tilespmem:v0+s18+$0x40 ss:$0x1] =	vst.idx.msk $0xffff, v2  }
0x32: {  	v1 =	vld.idx.msk [tilespmem:v0+s19+$0x30 ss:$0x1], $0xffff;
	[tilespmem:v0+s18+$0x50 ss:$0x1] =	vst.idx.msk $0xffff, v3  }
.Ltmp3:
0x33: {  	v2 =	vld.idx.msk [tilespmem:v0+s19+$0x40 ss:$0x1], $0xffff;
	[tilespmem:v0+s18+$0x60 ss:$0x1] =	vst.idx.msk $0xffff, v4;
	(pc) =	sbr.rel @p1 .LBB1_5-.Ltmp3, $4  }
0x34: {  	v3 =	vld.idx.msk [tilespmem:v0+s19+$0x50 ss:$0x1], $0xffff;
	[tilespmem:v0+s18+$0x0 ss:$0x1] =	vst.idx.msk $0xffff, v5;
	s18 =	sadd.s32 $0x100, s18  }
0x35: {  	v4 =	vld.idx.msk [tilespmem:v0+s19+$0x60 ss:$0x1], $0xffff;
	[tilespmem:v0+s18+$0x70 ss:$0x1] =	vst.idx.msk $0xffff, v6  }
0x36: {  	v5 =	vld.idx.msk [tilespmem:v0+s19+$0x0 ss:$0x1], $0xffff;
	[tilespmem:v0+s18+$0x10 ss:$0x1] =	vst.idx.msk $0xffff, v7;
	s19 =	sadd.s32 $0x80, s19  }
0x37: {  	s20 =	sadd.s32 $0xFFFFFFFF, s20;
	v6 =	vld.idx.msk [tilespmem:v0+s19+$0x70 ss:$0x1], $0xffff;
	[tilespmem:v0+s18+$0x20 ss:$0x1] =	vst.idx.msk $0xffff, v8  }
0x38: {  	_ =	sdelay $0x3  }
0x39: {  	[tilespmem:v0+s18+$0x30 ss:$0x1] =	vst.idx.msk $0xffff, v1  }
0x3a: {  	v1 =	vld.idx.msk [tilespmem:v0+s19+$0x10 ss:$0x1], $0xffff;
	[tilespmem:v0+s18+$0x40 ss:$0x1] =	vst.idx.msk $0xffff, v2  }
0x3b: {  	v2 =	vld.idx.msk [tilespmem:v0+s19+$0x20 ss:$0x1], $0xffff;
	[tilespmem:v0+s18+$0x50 ss:$0x1] =	vst.idx.msk $0xffff, v3  }
0x3c: {  	v61 =	vld.idx.msk [tilespmem:v0+s19+$0x40 ss:$0x1], $0xffff;
	[tilespmem:v0+s18+$0x60 ss:$0x1] =	vst.idx.msk $0xffff, v4  }
0x3d: {  	s31 =	sadd.s32 $0x100, s18;
	v62 =	vld.idx.msk [tilespmem:v0+s19+$0x50 ss:$0x1], $0xffff;
	[tilespmem:v0+s18+$0x0 ss:$0x1] =	vst.idx.msk $0xffff, v5  }
0x3e: {  	v63 =	vld.idx.msk [tilespmem:v0+s19+$0x60 ss:$0x1], $0xffff;
	[tilespmem:v0+s31+$0x70 ss:$0x1] =	vst.idx.msk $0xffff, v6  }
0x3f: {  	v3 =	vld.idx.msk [tilespmem:v0+s19+$0x30 ss:$0x1], $0xffff;
	[tilespmem:v0+s31+$0x10 ss:$0x1] =	vst.idx.msk $0xffff, v1  }
0x40: {  	v1 =	vld.idx.msk [tilespmem:v0+s19+$0x0 ss:$0x1], $0xffff;
	[tilespmem:v0+s31+$0x20 ss:$0x1] =	vst.idx.msk $0xffff, v2  }
.Ltmp4:
0x41: {  	[tilespmem:v0+s31+$0x40 ss:$0x1] =	vst.idx.msk $0xffff, v61;
	(pc) =	sbr.rel @p0 .LBB1_4-.Ltmp4, $4  }
0x42: {  	[tilespmem:v0+s31+$0x50 ss:$0x1] =	vst.idx.msk $0xffff, v62  }
0x43: {  	[tilespmem:v0+s31+$0x60 ss:$0x1] =	vst.idx.msk $0xffff, v63  }
0x44: {  	[tilespmem:v0+s31+$0x30 ss:$0x1] =	vst.idx.msk $0xffff, v3  }
0x45: {  	p1 =	por $0x0, $0x0;
	s18 =	simm.s32 $0x1;
	[tilespmem:v0+s31+$0x0 ss:$0x1] =	vst.idx.msk $0xffff, v1  }
0x46: {  	s17 =	sadd.s32 $0x1, s17  }
0x47: {  	p0 =	sne.s32 s17, $0x8  }
.Ltmp5:
0x48: {  	_ = 	snop;
	(pc) =	sbr.rel @p0 .LBB1_3-.Ltmp5, $2  }
0x49: {  	_ =	sdelay $0x2  }
0x4a: {  	s16 =	sadd.s32 $0x2000, s16  }
.Ltmp6:
0x4b: {  	(pc) =	sbr.rel .LBB1_9-.Ltmp6, $4  }
0x4c: {  	_ = 	snop  }
0x4d: {  	s12 =	sshll.u32 s12, $0x8  }
0x4e: {  	s12 =	sadd.s32 s4, s12  }
0x4f: {  	[hbm4b:s12+s8] =	stream.linear.scatter [tilespmem:s13], [sflag:$0x2], $0x4000, $0x38;
	[tilespmem:$0x10000] =	vst v63  }
.LBB1_10:
0x50: {  	_ =	sfence.sel $0x180000  }
0x51: {  	s2 =	simm.s32 $0x1;
	[bflag:$0x0] =	sbarrier.arrive $0xFFFF  }
0x52: {  	s31 =	simm.s32 $0x2;
	[sflag:s2] =	ssyncpa.u1 $0x1  }
0x53: {  	[sflag:s31] =	ssyncpa.u1 $0x1  }
0x54: {  	p0 =	sne.s32 s0, $0x0;
	_ =	strace $0x90000050  }
0x55: {  	s0 =	sadd.s32 @!p0 $0x100000, s1;
	[bflag:$0x2] =	sbarrier.arrive $0xFFFF  }
0x56: {  	[sflag:s0] =	ssyncadd.tile.s32 @!p0 $0x1;
	_ =	shalt  }
.Lfunc_end1:
_tile_overlayer_lowered:
.L_overlay_start_2:
0x57: {  	(tag) =	ssettag $0x2  }
0x58: {  	s0 =	rddreg [dreg:$0x0];
	s2 =	stileid.u32  }
0x59: {  	s1 =	rddreg [dreg:$0x1];
	p0 =	sne.s32 s2, $0x0  }
0x5a: {  	s3 =	rddreg [dreg:$0x2];
	[bflag:$0x3] =	sbarrier.arrive $0xFFFF;
	s2 =	simm.s32 @!p0 $0x1C01  }
0x5b: {  	[timem:s3], [sflag:s2] =	dma.local @!p0 [hbm:s0], s1  }
0x5c: {  	s0 =	simm.s32 @!p0 $0x1  }
0x5d: {  	_ =	swait.ge @!p0 [sflag:s0], s1  }
0x5e: {  	s1 =	ssub.s32 @!p0 $0x0, s1;
	[sflag:s0] =	ssyncset.done @!p0 $0x0  }
0x5f: {  	[sflag:s0] =	ssyncadd.s32 @!p0 s1  }
0x60: {  	[bflag:$0x3] =	sbarrier.arrive $0xFFFF  }
0x61: {  	_ =	shalt  }

</sc_bundles>
